<compile_context>
chip_gen: v7x
topology: tpu7x:2x2x1
jax: 0.10.2.dev20260603
libtpu: 0.0.44.dev20260713+nightly
codegen_flags: <defaults>
</compile_context>

<pallas_src>
import functools

import jax
import jax.numpy as jnp
from jax import lax
from jax.experimental import pallas as pl
from jax.experimental.pallas import tpu as pltpu
from jax.experimental.pallas import tpu_sc as plsc

LANES = 16


def _pre_body(x_ref, w1_ref, b1_ref, pd_ref, ps_ref):
    d = x_ref.shape[1]
    wa = w1_ref[:d, :]
    wb = w1_ref[d:, :]
    x = x_ref[...]
    pd_ref[...] = (
        jnp.dot(x, wa - wb, preferred_element_type=jnp.float32,
                precision=lax.Precision.HIGHEST)
        + b1_ref[...][None, :]
    )
    ps_ref[...] = jnp.dot(x, wb, preferred_element_type=jnp.float32,
                          precision=lax.Precision.HIGHEST)


def _post_body(part_ref, w2_ref, b2_ref, out_ref):
    n = out_ref.shape[0]
    f = w2_ref.shape[0]
    s = part_ref[0, :n, :f] + part_ref[1, :n, :f]
    deg = part_ref[0, :n, f:f + 1] + part_ref[1, :n, f:f + 1]
    h = jnp.dot(s, w2_ref[...], preferred_element_type=jnp.float32,
                precision=lax.Precision.HIGHEST)
    out_ref[...] = jnp.tanh(h + deg * b2_ref[...][None, :])


def _make_edge_kernel(n_nodes, n_feat, n_edges):
    info = plsc.get_sparse_core_info()
    nc, ns = info.num_cores, info.num_subcores
    nw = nc * ns
    assert n_edges % nw == 0
    ew = n_edges // nw
    chunk = 80
    assert ew % chunk == 0
    nchunk = ew // chunk
    n_pad = ((n_nodes + ns * 8 - 1) // (ns * 8)) * (ns * 8)
    rows_per_tile = n_pad // ns

    mesh = plsc.VectorSubcoreMesh(core_axis_name="c", subcore_axis_name="s")
    n_acc = n_feat + LANES

    @functools.partial(
        pl.kernel,
        out_type=jax.ShapeDtypeStruct((nc, n_pad, n_acc), jnp.float32),
        mesh=mesh,
        compiler_params=pltpu.CompilerParams(use_tc_tiling_on_sc=False),
        scratch_types=[
            pltpu.VMEM_SHARED((n_pad, n_acc), jnp.float32),
            pltpu.VMEM((ew,), jnp.int32),
            pltpu.VMEM((ew,), jnp.int32),
            [pltpu.VMEM((chunk,), jnp.int32)] * 3,
            [pltpu.VMEM((chunk, n_feat), jnp.float32)] * 3,
            [pltpu.VMEM((chunk, n_feat), jnp.float32)] * 3,
            [pltpu.VMEM((chunk, n_acc), jnp.float32)] * 3,
            [pltpu.SemaphoreType.DMA] * 3,
            [pltpu.SemaphoreType.DMA] * 3,
        ],
    )
    def edge_kernel(
        ei_hbm,
        pd_hbm,
        ps_hbm,
        part_hbm,
        acc_sh,
        sidx_all,
        didx_all,
        didx_s,
        bufd,
        bufs,
        u,
        semg,
        sems,
    ):
        c = lax.axis_index("c")
        s = lax.axis_index("s")
        wid = s * nc + c

        rbase = s * rows_per_tile
        rows = pl.ds(rbase, rows_per_tile)

        @pl.loop(0, chunk)
        def _(r):
            for j in range(n_acc // LANES):
                u[0][r, pl.ds(j * LANES, LANES)] = jnp.zeros(
                    (LANES,), jnp.float32
                )

        nfull = rows_per_tile // chunk
        for i in range(nfull):
            pltpu.sync_copy(
                u[0], acc_sh.at[pl.ds(rbase + i * chunk, chunk)]
            )
        rem = rows_per_tile - nfull * chunk
        if rem:
            pltpu.sync_copy(
                u[0].at[pl.ds(0, rem)],
                acc_sh.at[pl.ds(rbase + nfull * chunk, rem)],
            )
        for b in range(3):
            @pl.loop(0, chunk)
            def _(r, _b=b):
                u[_b][r, pl.ds(n_feat, LANES)] = jnp.ones((LANES,), jnp.float32)
        plsc.subcore_barrier()

        ebase0 = wid * ew
        pltpu.sync_copy(ei_hbm.at[0, pl.ds(ebase0, ew)], sidx_all)
        pltpu.sync_copy(ei_hbm.at[1, pl.ds(ebase0, ew)], didx_all)

        def fire(k, b):
            off = pl.ds(k * chunk, chunk)
            pltpu.async_copy(pd_hbm.at[didx_all.at[off]], bufd[b], semg[b])
            pltpu.async_copy(ps_hbm.at[sidx_all.at[off]], bufs[b], semg[b])

        def wait_gather(k, b):
            off = pl.ds(k * chunk, chunk)
            pltpu.make_async_copy(
                pd_hbm.at[didx_all.at[off]], bufd[b], semg[b]
            ).wait()
            pltpu.make_async_copy(
                ps_hbm.at[sidx_all.at[off]], bufs[b], semg[b]
            ).wait()

        def wait_scatter(b):
            pltpu.make_async_copy(u[b], acc_sh.at[didx_s[b]], sems[b]).wait()

        def body(k, b, ws, fire_next):
            wait_gather(k, b)
            if ws:
                wait_scatter(b)
            for j in range(chunk // LANES):
                sl = pl.ds(j * LANES, LANES)
                didx_s[b][sl] = didx_all[pl.ds(k * chunk + j * LANES, LANES)]

            @plsc.parallel_loop(0, chunk, unroll=2)
            def _(r):
                for j in range(n_feat // LANES):
                    sl = pl.ds(j * LANES, LANES)
                    u[b][r, sl] = jnp.maximum(bufd[b][r, sl] + bufs[b][r, sl], 0.0)

            if fire_next:
                fire(k + 3, b)
            pltpu.async_copy(u[b], acc_sh.at[didx_s[b]], sems[b], add=True)

        fire(0, 0)
        fire(1, 1)
        fire(2, 2)
        body(0, 0, ws=False, fire_next=True)
        body(1, 1, ws=False, fire_next=True)
        body(2, 2, ws=False, fire_next=True)

        @pl.loop(3, nchunk - 5, step=3)
        def _(i):
            body(i, 0, ws=True, fire_next=True)
            body(i + 1, 1, ws=True, fire_next=True)
            body(i + 2, 2, ws=True, fire_next=True)

        body(nchunk - 5, 0, ws=True, fire_next=True)
        body(nchunk - 4, 1, ws=True, fire_next=True)
        body(nchunk - 3, 2, ws=True, fire_next=False)
        body(nchunk - 2, 0, ws=True, fire_next=False)
        body(nchunk - 1, 1, ws=True, fire_next=False)
        wait_scatter(2)
        wait_scatter(0)
        wait_scatter(1)

        plsc.subcore_barrier()
        pltpu.sync_copy(acc_sh.at[rows], part_hbm.at[c, rows])

    return edge_kernel, n_pad


@jax.jit
def kernel(x, edge_index, W1, b1, W2, b2):
    n, d = x.shape
    f = W1.shape[1]
    e = edge_index.shape[1]

    pd, ps = pl.pallas_call(
        _pre_body,
        out_shape=[
            jax.ShapeDtypeStruct((n, f), jnp.float32),
            jax.ShapeDtypeStruct((n, f), jnp.float32),
        ],
    )(x, W1, b1)

    edge_kernel, _ = _make_edge_kernel(n, f, e)
    part = edge_kernel(edge_index, pd, ps)

    out = pl.pallas_call(
        _post_body,
        out_shape=jax.ShapeDtypeStruct((n, d), jnp.float32),
    )(part, W2, b2)
    return out

# --- scband reference (transcript-rebuilt; emitter-appended) ---
"""Pipeline reference for scband-edge-18013092840065 (READ-ONLY COPY).

The authoritative reference and input builder live on the scoring server;
editing this copy changes nothing except your own understanding.
"""

import jax, jax.numpy as jnp
import numpy as np

N = 10000
E = 320000
D = 128
FCH = 64

def setup_inputs(seed: int = 0) -> dict:
    key = jax.random.key(seed)
    k1, k2, k3, k4 = jax.random.split(key, 4)
    x = jax.random.normal(k1, (N, D), dtype=jnp.float32)
    edge_index = jax.random.randint(k2, (2, E), 0, N, dtype=jnp.int32)
    W1 = jax.random.normal(k3, (2 * D, FCH), dtype=jnp.float32) * (1.0 / np.sqrt(2 * D))
    b1 = jnp.zeros((FCH,), dtype=jnp.float32)
    W2 = jax.random.normal(k4, (FCH, D), dtype=jnp.float32) * (1.0 / np.sqrt(FCH))
    b2 = jnp.zeros((D,), dtype=jnp.float32)
    return {"x": x, "edge_index": edge_index, "W1": W1, "b1": b1, "W2": W2, "b2": b2}

def reference(x, edge_index, W1, b1, W2, b2):
    # EdgeConv (aggr='add'): out_i = sum_{j in N(i)} MLP([x_i, x_j - x_i]); then tanh
    src = edge_index[0]
    dst = edge_index[1]
    x_i = jnp.take(x, dst, axis=0)
    x_j = jnp.take(x, src, axis=0)
    h = jnp.concatenate([x_i, x_j - x_i], axis=-1)
    h = jnp.maximum(h @ W1 + b1, 0.0)
    h = h @ W2 + b2
    out = jax.ops.segment_sum(h, dst, num_segments=N)
    return jnp.tanh(out)

if __name__ == "__main__":
    import jax
    _d = setup_inputs()
    print(jax.jit(kernel)(*tuple(_d.values())))

</pallas_src>

<mosaic_0001>
#map = affine_map<(d0, d1) -> (0, 0)>
#map1 = affine_map<(d0, d1) -> (0, 0, 0)>
module attributes {stable_mosaic.version = 14 : i64} {
  func.func @edge_kernel(%arg0: i32, %arg1: i32, %arg2: memref<2x320000xi32, #tpu.memory_space<hbm>>, %arg3: memref<10000x64xf32, #tpu.memory_space<hbm>>, %arg4: memref<10000x64xf32, #tpu.memory_space<hbm>>, %arg5: memref<2x10112x80xf32, #tpu.memory_space<hbm>>, %arg6: memref<10112x80xf32, #tpu.memory_space<vmem_shared>>, %arg7: memref<10000xi32, #tpu.memory_space<vmem>>, %arg8: memref<10000xi32, #tpu.memory_space<vmem>>, %arg9: memref<80xi32, #tpu.memory_space<vmem>>, %arg10: memref<80xi32, #tpu.memory_space<vmem>>, %arg11: memref<80xi32, #tpu.memory_space<vmem>>, %arg12: memref<80x64xf32, #tpu.memory_space<vmem>>, %arg13: memref<80x64xf32, #tpu.memory_space<vmem>>, %arg14: memref<80x64xf32, #tpu.memory_space<vmem>>, %arg15: memref<80x64xf32, #tpu.memory_space<vmem>>, %arg16: memref<80x64xf32, #tpu.memory_space<vmem>>, %arg17: memref<80x64xf32, #tpu.memory_space<vmem>>, %arg18: memref<80x80xf32, #tpu.memory_space<vmem>>, %arg19: memref<80x80xf32, #tpu.memory_space<vmem>>, %arg20: memref<80x80xf32, #tpu.memory_space<vmem>>, %arg21: memref<!tpu.dma_semaphore, #tpu.memory_space<semaphore_mem>>, %arg22: memref<!tpu.dma_semaphore, #tpu.memory_space<semaphore_mem>>, %arg23: memref<!tpu.dma_semaphore, #tpu.memory_space<semaphore_mem>>, %arg24: memref<!tpu.dma_semaphore, #tpu.memory_space<semaphore_mem>>, %arg25: memref<!tpu.dma_semaphore, #tpu.memory_space<semaphore_mem>>, %arg26: memref<!tpu.dma_semaphore, #tpu.memory_space<semaphore_mem>>) attributes {dimension_semantics = [#tpu.dimension_semantics<core_parallel>, #tpu.dimension_semantics<subcore_parallel>], iteration_bounds = array<i64: 2, 16>, scalar_prefetch = 0 : i64, scratch_operands = 21 : i64, tpu.core_type = #tpu.core_type<sc_vector_subcore>, window_params = [{transform_indices = #map}, {transform_indices = #map}, {transform_indices = #map}, {transform_indices = #map1}]} {
    %mul3A = arith.constant 2 : i32
    %mul3A_0 = arith.muli %arg1, %mul3A : i32
    %add3A = arith.addi %mul3A_0, %arg0 : i32
    %mul3A_1 = arith.constant 632 : i32
    %mul3A_2 = arith.muli %arg1, %mul3A_1 : i32
    %scan3A = arith.constant 0 : i32
    %scan3A_3 = arith.constant 80 : i32
    %scan3A_4 = arith.addi %scan3A, %scan3A_3 : i32
    %scan3A_5 = arith.constant 1 : i32
    scf.for %scan3A_554 = %scan3A to %scan3A_4 step %scan3A_5  : i32 {
      %mul3A_555 = arith.constant 1 : i32
      %mul3A_556 = arith.muli %scan3A_554, %mul3A_555 : i32
      %add3A_557 = arith.constant 0 : i32
      %add3A_558 = arith.addi %add3A_557, %mul3A_556 : i32
      %broadcast_in_dim3A = arith.constant 0.000000e+00 : f32
      %broadcast_in_dim3A_559 = vector.broadcast %broadcast_in_dim3A : f32 to vector<16xf32>
      %swap3A_560 = arith.index_cast %add3A_558 : i32 to index
      %swap3A_561 = arith.constant 0 : index
      %swap3A_562 = tpu.vector_load %arg18[%swap3A_560, %swap3A_561] {strides = array<i32>} : memref<80x80xf32, #tpu.memory_space<vmem>>, vector<1x16xf32>,
      %swap3A_563 = vector.shape_cast %swap3A_562 : vector<1x16xf32> to vector<16xf32>
      %swap3A_564 = vector.shape_cast %broadcast_in_dim3A_559 : vector<16xf32> to vector<1x16xf32>
      tpu.vector_store %arg18[%swap3A_560, %swap3A_561], %swap3A_564 {strides = array<i32>} : memref<80x80xf32, #tpu.memory_space<vmem>>, vector<1x16xf32>,
      %broadcast_in_dim3A_565 = arith.constant 0.000000e+00 : f32
      %broadcast_in_dim3A_566 = vector.broadcast %broadcast_in_dim3A_565 : f32 to vector<16xf32>
      %swap3A_567 = arith.index_cast %add3A_558 : i32 to index
      %swap3A_568 = arith.constant 16 : index
      %swap3A_569 = tpu.vector_load %arg18[%swap3A_567, %swap3A_568] {strides = array<i32>} : memref<80x80xf32, #tpu.memory_space<vmem>>, vector<1x16xf32>,
      %swap3A_570 = vector.shape_cast %swap3A_569 : vector<1x16xf32> to vector<16xf32>
      %swap3A_571 = vector.shape_cast %broadcast_in_dim3A_566 : vector<16xf32> to vector<1x16xf32>
      tpu.vector_store %arg18[%swap3A_567, %swap3A_568], %swap3A_571 {strides = array<i32>} : memref<80x80xf32, #tpu.memory_space<vmem>>, vector<1x16xf32>,
      %broadcast_in_dim3A_572 = arith.constant 0.000000e+00 : f32
      %broadcast_in_dim3A_573 = vector.broadcast %broadcast_in_dim3A_572 : f32 to vector<16xf32>
      %swap3A_574 = arith.index_cast %add3A_558 : i32 to index
      %swap3A_575 = arith.constant 32 : index
      %swap3A_576 = tpu.vector_load %arg18[%swap3A_574, %swap3A_575] {strides = array<i32>} : memref<80x80xf32, #tpu.memory_space<vmem>>, vector<1x16xf32>,
      %swap3A_577 = vector.shape_cast %swap3A_576 : vector<1x16xf32> to vector<16xf32>
      %swap3A_578 = vector.shape_cast %broadcast_in_dim3A_573 : vector<16xf32> to vector<1x16xf32>
      tpu.vector_store %arg18[%swap3A_574, %swap3A_575], %swap3A_578 {strides = array<i32>} : memref<80x80xf32, #tpu.memory_space<vmem>>, vector<1x16xf32>,
      %broadcast_in_dim3A_579 = arith.constant 0.000000e+00 : f32
      %broadcast_in_dim3A_580 = vector.broadcast %broadcast_in_dim3A_579 : f32 to vector<16xf32>
      %swap3A_581 = arith.index_cast %add3A_558 : i32 to index
      %swap3A_582 = arith.constant 48 : index
      %swap3A_583 = tpu.vector_load %arg18[%swap3A_581, %swap3A_582] {strides = array<i32>} : memref<80x80xf32, #tpu.memory_space<vmem>>, vector<1x16xf32>,
      %swap3A_584 = vector.shape_cast %swap3A_583 : vector<1x16xf32> to vector<16xf32>
      %swap3A_585 = vector.shape_cast %broadcast_in_dim3A_580 : vector<16xf32> to vector<1x16xf32>
      tpu.vector_store %arg18[%swap3A_581, %swap3A_582], %swap3A_585 {strides = array<i32>} : memref<80x80xf32, #tpu.memory_space<vmem>>, vector<1x16xf32>,
      %broadcast_in_dim3A_586 = arith.constant 0.000000e+00 : f32
      %broadcast_in_dim3A_587 = vector.broadcast %broadcast_in_dim3A_586 : f32 to vector<16xf32>
      %swap3A_588 = arith.index_cast %add3A_558 : i32 to index
      %swap3A_589 = arith.constant 64 : index
      %swap3A_590 = tpu.vector_load %arg18[%swap3A_588, %swap3A_589] {strides = array<i32>} : memref<80x80xf32, #tpu.memory_space<vmem>>, vector<1x16xf32>,
      %swap3A_591 = vector.shape_cast %swap3A_590 : vector<1x16xf32> to vector<16xf32>
      %swap3A_592 = vector.shape_cast %broadcast_in_dim3A_587 : vector<16xf32> to vector<1x16xf32>
      tpu.vector_store %arg18[%swap3A_588, %swap3A_589], %swap3A_592 {strides = array<i32>} : memref<80x80xf32, #tpu.memory_space<vmem>>, vector<1x16xf32>,
    }
    %scan3A_6 = arith.constant 80 : i32
    %add3A_7 = arith.constant 0 : i32
    %add3A_8 = arith.addi %mul3A_2, %add3A_7 : i32
    "tpu.region"() ({
      %run_scoped3A_554 = tpu.sem_alloc : memref<!tpu.dma_semaphore, #tpu.memory_space<semaphore_mem>>
      %dma_start3A_555 = arith.constant 0 : i32
      %dma_start3A_556 = tpu.memref_slice %arg6[%add3A_8, %dma_start3A_555] : memref<10112x80xf32, #tpu.memory_space<vmem_shared>> -> memref<80x80xf32, #tpu.memory_space<vmem_shared>>
      %dma_start3A_557 = arith.constant 0 : i32
      %dma_start3A_558 = tpu.memref_slice %arg6[%add3A_8, %dma_start3A_557] : memref<10112x80xf32, #tpu.memory_space<vmem_shared>> -> memref<80x80xf32, #tpu.memory_space<vmem_shared>>
      tpu.enqueue_dma source(%arg18 : memref<80x80xf32, #tpu.memory_space<vmem>>) target(%dma_start3A_558 : memref<80x80xf32, #tpu.memory_space<vmem_shared>>) target_semaphore(%run_scoped3A_554 : memref<!tpu.dma_semaphore, #tpu.memory_space<semaphore_mem>>)
      %dma_wait3A_559 = arith.constant 0 : i32
      %dma_wait3A_560 = tpu.memref_slice %arg6[%add3A_8, %dma_wait3A_559] : memref<10112x80xf32, #tpu.memory_space<vmem_shared>> -> memref<80x80xf32, #tpu.memory_space<vmem_shared>>
      %dma_wait3A_561 = arith.constant 0 : i32
      %dma_wait3A_562 = tpu.memref_slice %arg6[%add3A_8, %dma_wait3A_561] : memref<10112x80xf32, #tpu.memory_space<vmem_shared>> -> memref<80x80xf32, #tpu.memory_space<vmem_shared>>
      tpu.wait_dma2 semaphore(%run_scoped3A_554 : memref<!tpu.dma_semaphore, #tpu.memory_space<semaphore_mem>>) src(%arg18 : memref<80x80xf32, #tpu.memory_space<vmem>>) dst(%dma_wait3A_562 : memref<80x80xf32, #tpu.memory_space<vmem_shared>>)
      tpu.yield
    }) : () -> ()
    %add3A_9 = arith.constant 80 : i32
    %add3A_10 = arith.addi %mul3A_2, %add3A_9 : i32
    "tpu.region"() ({
      %run_scoped3A_554 = tpu.sem_alloc : memref<!tpu.dma_semaphore, #tpu.memory_space<semaphore_mem>>
      %dma_start3A_555 = arith.constant 0 : i32
      %dma_start3A_556 = tpu.memref_slice %arg6[%add3A_10, %dma_start3A_555] : memref<10112x80xf32, #tpu.memory_space<vmem_shared>> -> memref<80x80xf32, #tpu.memory_space<vmem_shared>>
      %dma_start3A_557 = arith.constant 0 : i32
      %dma_start3A_558 = tpu.memref_slice %arg6[%add3A_10, %dma_start3A_557] : memref<10112x80xf32, #tpu.memory_space<vmem_shared>> -> memref<80x80xf32, #tpu.memory_space<vmem_shared>>
      tpu.enqueue_dma source(%arg18 : memref<80x80xf32, #tpu.memory_space<vmem>>) target(%dma_start3A_558 : memref<80x80xf32, #tpu.memory_space<vmem_shared>>) target_semaphore(%run_scoped3A_554 : memref<!tpu.dma_semaphore, #tpu.memory_space<semaphore_mem>>)
      %dma_wait3A_559 = arith.constant 0 : i32
      %dma_wait3A_560 = tpu.memref_slice %arg6[%add3A_10, %dma_wait3A_559] : memref<10112x80xf32, #tpu.memory_space<vmem_shared>> -> memref<80x80xf32, #tpu.memory_space<vmem_shared>>
      %dma_wait3A_561 = arith.constant 0 : i32
      %dma_wait3A_562 = tpu.memref_slice %arg6[%add3A_10, %dma_wait3A_561] : memref<10112x80xf32, #tpu.memory_space<vmem_shared>> -> memref<80x80xf32, #tpu.memory_space<vmem_shared>>
      tpu.wait_dma2 semaphore(%run_scoped3A_554 : memref<!tpu.dma_semaphore, #tpu.memory_space<semaphore_mem>>) src(%arg18 : memref<80x80xf32, #tpu.memory_space<vmem>>) dst(%dma_wait3A_562 : memref<80x80xf32, #tpu.memory_space<vmem_shared>>)
      tpu.yield
    }) : () -> ()
    %add3A_11 = arith.constant 160 : i32
    %add3A_12 = arith.addi %mul3A_2, %add3A_11 : i32
    "tpu.region"() ({
      %run_scoped3A_554 = tpu.sem_alloc : memref<!tpu.dma_semaphore, #tpu.memory_space<semaphore_mem>>
      %dma_start3A_555 = arith.constant 0 : i32
      %dma_start3A_556 = tpu.memref_slice %arg6[%add3A_12, %dma_start3A_555] : memref<10112x80xf32, #tpu.memory_space<vmem_shared>> -> memref<80x80xf32, #tpu.memory_space<vmem_shared>>
      %dma_start3A_557 = arith.constant 0 : i32
      %dma_start3A_558 = tpu.memref_slice %arg6[%add3A_12, %dma_start3A_557] : memref<10112x80xf32, #tpu.memory_space<vmem_shared>> -> memref<80x80xf32, #tpu.memory_space<vmem_shared>>
      tpu.enqueue_dma source(%arg18 : memref<80x80xf32, #tpu.memory_space<vmem>>) target(%dma_start3A_558 : memref<80x80xf32, #tpu.memory_space<vmem_shared>>) target_semaphore(%run_scoped3A_554 : memref<!tpu.dma_semaphore, #tpu.memory_space<semaphore_mem>>)
      %dma_wait3A_559 = arith.constant 0 : i32
      %dma_wait3A_560 = tpu.memref_slice %arg6[%add3A_12, %dma_wait3A_559] : memref<10112x80xf32, #tpu.memory_space<vmem_shared>> -> memref<80x80xf32, #tpu.memory_space<vmem_shared>>
      %dma_wait3A_561 = arith.constant 0 : i32
      %dma_wait3A_562 = tpu.memref_slice %arg6[%add3A_12, %dma_wait3A_561] : memref<10112x80xf32, #tpu.memory_space<vmem_shared>> -> memref<80x80xf32, #tpu.memory_space<vmem_shared>>
      tpu.wait_dma2 semaphore(%run_scoped3A_554 : memref<!tpu.dma_semaphore, #tpu.memory_space<semaphore_mem>>) src(%arg18 : memref<80x80xf32, #tpu.memory_space<vmem>>) dst(%dma_wait3A_562 : memref<80x80xf32, #tpu.memory_space<vmem_shared>>)
      tpu.yield
    }) : () -> ()
    %add3A_13 = arith.constant 240 : i32
    %add3A_14 = arith.addi %mul3A_2, %add3A_13 : i32
    "tpu.region"() ({
      %run_scoped3A_554 = tpu.sem_alloc : memref<!tpu.dma_semaphore, #tpu.memory_space<semaphore_mem>>
      %dma_start3A_555 = arith.constant 0 : i32
      %dma_start3A_556 = tpu.memref_slice %arg6[%add3A_14, %dma_start3A_555] : memref<10112x80xf32, #tpu.memory_space<vmem_shared>> -> memref<80x80xf32, #tpu.memory_space<vmem_shared>>
      %dma_start3A_557 = arith.constant 0 : i32
      %dma_start3A_558 = tpu.memref_slice %arg6[%add3A_14, %dma_start3A_557] : memref<10112x80xf32, #tpu.memory_space<vmem_shared>> -> memref<80x80xf32, #tpu.memory_space<vmem_shared>>
      tpu.enqueue_dma source(%arg18 : memref<80x80xf32, #tpu.memory_space<vmem>>) target(%dma_start3A_558 : memref<80x80xf32, #tpu.memory_space<vmem_shared>>) target_semaphore(%run_scoped3A_554 : memref<!tpu.dma_semaphore, #tpu.memory_space<semaphore_mem>>)
      %dma_wait3A_559 = arith.constant 0 : i32
      %dma_wait3A_560 = tpu.memref_slice %arg6[%add3A_14, %dma_wait3A_559] : memref<10112x80xf32, #tpu.memory_space<vmem_shared>> -> memref<80x80xf32, #tpu.memory_space<vmem_shared>>
      %dma_wait3A_561 = arith.constant 0 : i32
      %dma_wait3A_562 = tpu.memref_slice %arg6[%add3A_14, %dma_wait3A_561] : memref<10112x80xf32, #tpu.memory_space<vmem_shared>> -> memref<80x80xf32, #tpu.memory_space<vmem_shared>>
      tpu.wait_dma2 semaphore(%run_scoped3A_554 : memref<!tpu.dma_semaphore, #tpu.memory_space<semaphore_mem>>) src(%arg18 : memref<80x80xf32, #tpu.memory_space<vmem>>) dst(%dma_wait3A_562 : memref<80x80xf32, #tpu.memory_space<vmem_shared>>)
      tpu.yield
    }) : () -> ()
    %add3A_15 = arith.constant 320 : i32
    %add3A_16 = arith.addi %mul3A_2, %add3A_15 : i32
    "tpu.region"() ({
      %run_scoped3A_554 = tpu.sem_alloc : memref<!tpu.dma_semaphore, #tpu.memory_space<semaphore_mem>>
      %dma_start3A_555 = arith.constant 0 : i32
      %dma_start3A_556 = tpu.memref_slice %arg6[%add3A_16, %dma_start3A_555] : memref<10112x80xf32, #tpu.memory_space<vmem_shared>> -> memref<80x80xf32, #tpu.memory_space<vmem_shared>>
      %dma_start3A_557 = arith.constant 0 : i32
      %dma_start3A_558 = tpu.memref_slice %arg6[%add3A_16, %dma_start3A_557] : memref<10112x80xf32, #tpu.memory_space<vmem_shared>> -> memref<80x80xf32, #tpu.memory_space<vmem_shared>>
      tpu.enqueue_dma source(%arg18 : memref<80x80xf32, #tpu.memory_space<vmem>>) target(%dma_start3A_558 : memref<80x80xf32, #tpu.memory_space<vmem_shared>>) target_semaphore(%run_scoped3A_554 : memref<!tpu.dma_semaphore, #tpu.memory_space<semaphore_mem>>)
      %dma_wait3A_559 = arith.constant 0 : i32
      %dma_wait3A_560 = tpu.memref_slice %arg6[%add3A_16, %dma_wait3A_559] : memref<10112x80xf32, #tpu.memory_space<vmem_shared>> -> memref<80x80xf32, #tpu.memory_space<vmem_shared>>
      %dma_wait3A_561 = arith.constant 0 : i32
      %dma_wait3A_562 = tpu.memref_slice %arg6[%add3A_16, %dma_wait3A_561] : memref<10112x80xf32, #tpu.memory_space<vmem_shared>> -> memref<80x80xf32, #tpu.memory_space<vmem_shared>>
      tpu.wait_dma2 semaphore(%run_scoped3A_554 : memref<!tpu.dma_semaphore, #tpu.memory_space<semaphore_mem>>) src(%arg18 : memref<80x80xf32, #tpu.memory_space<vmem>>) dst(%dma_wait3A_562 : memref<80x80xf32, #tpu.memory_space<vmem_shared>>)
      tpu.yield
    }) : () -> ()
    %add3A_17 = arith.constant 400 : i32
    %add3A_18 = arith.addi %mul3A_2, %add3A_17 : i32
    "tpu.region"() ({
      %run_scoped3A_554 = tpu.sem_alloc : memref<!tpu.dma_semaphore, #tpu.memory_space<semaphore_mem>>
      %dma_start3A_555 = arith.constant 0 : i32
      %dma_start3A_556 = tpu.memref_slice %arg6[%add3A_18, %dma_start3A_555] : memref<10112x80xf32, #tpu.memory_space<vmem_shared>> -> memref<80x80xf32, #tpu.memory_space<vmem_shared>>
      %dma_start3A_557 = arith.constant 0 : i32
      %dma_start3A_558 = tpu.memref_slice %arg6[%add3A_18, %dma_start3A_557] : memref<10112x80xf32, #tpu.memory_space<vmem_shared>> -> memref<80x80xf32, #tpu.memory_space<vmem_shared>>
      tpu.enqueue_dma source(%arg18 : memref<80x80xf32, #tpu.memory_space<vmem>>) target(%dma_start3A_558 : memref<80x80xf32, #tpu.memory_space<vmem_shared>>) target_semaphore(%run_scoped3A_554 : memref<!tpu.dma_semaphore, #tpu.memory_space<semaphore_mem>>)
      %dma_wait3A_559 = arith.constant 0 : i32
      %dma_wait3A_560 = tpu.memref_slice %arg6[%add3A_18, %dma_wait3A_559] : memref<10112x80xf32, #tpu.memory_space<vmem_shared>> -> memref<80x80xf32, #tpu.memory_space<vmem_shared>>
      %dma_wait3A_561 = arith.constant 0 : i32
      %dma_wait3A_562 = tpu.memref_slice %arg6[%add3A_18, %dma_wait3A_561] : memref<10112x80xf32, #tpu.memory_space<vmem_shared>> -> memref<80x80xf32, #tpu.memory_space<vmem_shared>>
      tpu.wait_dma2 semaphore(%run_scoped3A_554 : memref<!tpu.dma_semaphore, #tpu.memory_space<semaphore_mem>>) src(%arg18 : memref<80x80xf32, #tpu.memory_space<vmem>>) dst(%dma_wait3A_562 : memref<80x80xf32, #tpu.memory_space<vmem_shared>>)
      tpu.yield
    }) : () -> ()
    %add3A_19 = arith.constant 480 : i32
    %add3A_20 = arith.addi %mul3A_2, %add3A_19 : i32
    "tpu.region"() ({
      %run_scoped3A_554 = tpu.sem_alloc : memref<!tpu.dma_semaphore, #tpu.memory_space<semaphore_mem>>
      %dma_start3A_555 = arith.constant 0 : i32
      %dma_start3A_556 = tpu.memref_slice %arg6[%add3A_20, %dma_start3A_555] : memref<10112x80xf32, #tpu.memory_space<vmem_shared>> -> memref<80x80xf32, #tpu.memory_space<vmem_shared>>
      %dma_start3A_557 = arith.constant 0 : i32
      %dma_start3A_558 = tpu.memref_slice %arg6[%add3A_20, %dma_start3A_557] : memref<10112x80xf32, #tpu.memory_space<vmem_shared>> -> memref<80x80xf32, #tpu.memory_space<vmem_shared>>
      tpu.enqueue_dma source(%arg18 : memref<80x80xf32, #tpu.memory_space<vmem>>) target(%dma_start3A_558 : memref<80x80xf32, #tpu.memory_space<vmem_shared>>) target_semaphore(%run_scoped3A_554 : memref<!tpu.dma_semaphore, #tpu.memory_space<semaphore_mem>>)
      %dma_wait3A_559 = arith.constant 0 : i32
      %dma_wait3A_560 = tpu.memref_slice %arg6[%add3A_20, %dma_wait3A_559] : memref<10112x80xf32, #tpu.memory_space<vmem_shared>> -> memref<80x80xf32, #tpu.memory_space<vmem_shared>>
      %dma_wait3A_561 = arith.constant 0 : i32
      %dma_wait3A_562 = tpu.memref_slice %arg6[%add3A_20, %dma_wait3A_561] : memref<10112x80xf32, #tpu.memory_space<vmem_shared>> -> memref<80x80xf32, #tpu.memory_space<vmem_shared>>
      tpu.wait_dma2 semaphore(%run_scoped3A_554 : memref<!tpu.dma_semaphore, #tpu.memory_space<semaphore_mem>>) src(%arg18 : memref<80x80xf32, #tpu.memory_space<vmem>>) dst(%dma_wait3A_562 : memref<80x80xf32, #tpu.memory_space<vmem_shared>>)
      tpu.yield
    }) : () -> ()
    %add3A_21 = arith.constant 560 : i32
    %add3A_22 = arith.addi %mul3A_2, %add3A_21 : i32
    "tpu.region"() ({
      %run_scoped3A_554 = tpu.sem_alloc : memref<!tpu.dma_semaphore, #tpu.memory_space<semaphore_mem>>
      %dma_start3A_555 = arith.constant 0 : i32
      %dma_start3A_556 = arith.constant 0 : i32
      %dma_start3A_557 = tpu.memref_slice %arg18[%dma_start3A_555, %dma_start3A_556] : memref<80x80xf32, #tpu.memory_space<vmem>> -> memref<72x80xf32, #tpu.memory_space<vmem>>
      %dma_start3A_558 = arith.constant 0 : i32
      %dma_start3A_559 = tpu.memref_slice %arg6[%add3A_22, %dma_start3A_558] : memref<10112x80xf32, #tpu.memory_space<vmem_shared>> -> memref<72x80xf32, #tpu.memory_space<vmem_shared>>
      %dma_start3A_560 = arith.constant 0 : i32
      %dma_start3A_561 = tpu.memref_slice %arg6[%add3A_22, %dma_start3A_560] : memref<10112x80xf32, #tpu.memory_space<vmem_shared>> -> memref<72x80xf32, #tpu.memory_space<vmem_shared>>
      %dma_start3A_562 = arith.constant 0 : i32
      %dma_start3A_563 = arith.constant 0 : i32
      %dma_start3A_564 = tpu.memref_slice %arg18[%dma_start3A_562, %dma_start3A_563] : memref<80x80xf32, #tpu.memory_space<vmem>> -> memref<72x80xf32, #tpu.memory_space<vmem>>
      tpu.enqueue_dma source(%dma_start3A_564 : memref<72x80xf32, #tpu.memory_space<vmem>>) target(%dma_start3A_561 : memref<72x80xf32, #tpu.memory_space<vmem_shared>>) target_semaphore(%run_scoped3A_554 : memref<!tpu.dma_semaphore, #tpu.memory_space<semaphore_mem>>)
      %dma_wait3A_565 = arith.constant 0 : i32
      %dma_wait3A_566 = arith.constant 0 : i32
      %dma_wait3A_567 = tpu.memref_slice %arg18[%dma_wait3A_565, %dma_wait3A_566] : memref<80x80xf32, #tpu.memory_space<vmem>> -> memref<72x80xf32, #tpu.memory_space<vmem>>
      %dma_wait3A_568 = arith.constant 0 : i32
      %dma_wait3A_569 = tpu.memref_slice %arg6[%add3A_22, %dma_wait3A_568] : memref<10112x80xf32, #tpu.memory_space<vmem_shared>> -> memref<72x80xf32, #tpu.memory_space<vmem_shared>>
      %dma_wait3A_570 = arith.constant 0 : i32
      %dma_wait3A_571 = tpu.memref_slice %arg6[%add3A_22, %dma_wait3A_570] : memref<10112x80xf32, #tpu.memory_space<vmem_shared>> -> memref<72x80xf32, #tpu.memory_space<vmem_shared>>
      %dma_wait3A_572 = arith.constant 0 : i32
      %dma_wait3A_573 = arith.constant 0 : i32
      %dma_wait3A_574 = tpu.memref_slice %arg18[%dma_wait3A_572, %dma_wait3A_573] : memref<80x80xf32, #tpu.memory_space<vmem>> -> memref<72x80xf32, #tpu.memory_space<vmem>>
      tpu.wait_dma2 semaphore(%run_scoped3A_554 : memref<!tpu.dma_semaphore, #tpu.memory_space<semaphore_mem>>) src(%dma_wait3A_574 : memref<72x80xf32, #tpu.memory_space<vmem>>) dst(%dma_wait3A_571 : memref<72x80xf32, #tpu.memory_space<vmem_shared>>)
      tpu.yield
    }) : () -> ()
    %scan3A_23 = arith.constant 0 : i32
    %scan3A_24 = arith.constant 80 : i32
    %scan3A_25 = arith.addi %scan3A_23, %scan3A_24 : i32
    %scan3A_26 = arith.constant 1 : i32
    scf.for %scan3A_554 = %scan3A_23 to %scan3A_25 step %scan3A_26  : i32 {
      %mul3A_555 = arith.constant 1 : i32
      %mul3A_556 = arith.muli %scan3A_554, %mul3A_555 : i32
      %add3A_557 = arith.constant 0 : i32
      %add3A_558 = arith.addi %add3A_557, %mul3A_556 : i32
      %broadcast_in_dim3A = arith.constant 1.000000e+00 : f32
      %broadcast_in_dim3A_559 = vector.broadcast %broadcast_in_dim3A : f32 to vector<16xf32>
      %swap3A_560 = arith.index_cast %add3A_558 : i32 to index
      %swap3A_561 = arith.constant 64 : index
      %swap3A_562 = tpu.vector_load %arg18[%swap3A_560, %swap3A_561] {strides = array<i32>} : memref<80x80xf32, #tpu.memory_space<vmem>>, vector<1x16xf32>,
      %swap3A_563 = vector.shape_cast %swap3A_562 : vector<1x16xf32> to vector<16xf32>
      %swap3A_564 = vector.shape_cast %broadcast_in_dim3A_559 : vector<16xf32> to vector<1x16xf32>
      tpu.vector_store %arg18[%swap3A_560, %swap3A_561], %swap3A_564 {strides = array<i32>} : memref<80x80xf32, #tpu.memory_space<vmem>>, vector<1x16xf32>,
    }
    %scan3A_27 = arith.constant 80 : i32
    %scan3A_28 = arith.constant 0 : i32
    %scan3A_29 = arith.constant 80 : i32
    %scan3A_30 = arith.addi %scan3A_28, %scan3A_29 : i32
    %scan3A_31 = arith.constant 1 : i32
    scf.for %scan3A_554 = %scan3A_28 to %scan3A_30 step %scan3A_31  : i32 {
      %mul3A_555 = arith.constant 1 : i32
      %mul3A_556 = arith.muli %scan3A_554, %mul3A_555 : i32
      %add3A_557 = arith.constant 0 : i32
      %add3A_558 = arith.addi %add3A_557, %mul3A_556 : i32
      %broadcast_in_dim3A = arith.constant 1.000000e+00 : f32
      %broadcast_in_dim3A_559 = vector.broadcast %broadcast_in_dim3A : f32 to vector<16xf32>
      %swap3A_560 = arith.index_cast %add3A_558 : i32 to index
      %swap3A_561 = arith.constant 64 : index
      %swap3A_562 = tpu.vector_load %arg19[%swap3A_560, %swap3A_561] {strides = array<i32>} : memref<80x80xf32, #tpu.memory_space<vmem>>, vector<1x16xf32>,
      %swap3A_563 = vector.shape_cast %swap3A_562 : vector<1x16xf32> to vector<16xf32>
      %swap3A_564 = vector.shape_cast %broadcast_in_dim3A_559 : vector<16xf32> to vector<1x16xf32>
      tpu.vector_store %arg19[%swap3A_560, %swap3A_561], %swap3A_564 {strides = array<i32>} : memref<80x80xf32, #tpu.memory_space<vmem>>, vector<1x16xf32>,
    }
    %scan3A_32 = arith.constant 80 : i32
    %scan3A_33 = arith.constant 0 : i32
    %scan3A_34 = arith.constant 80 : i32
    %scan3A_35 = arith.addi %scan3A_33, %scan3A_34 : i32
    %scan3A_36 = arith.constant 1 : i32
    scf.for %scan3A_554 = %scan3A_33 to %scan3A_35 step %scan3A_36  : i32 {
      %mul3A_555 = arith.constant 1 : i32
      %mul3A_556 = arith.muli %scan3A_554, %mul3A_555 : i32
      %add3A_557 = arith.constant 0 : i32
      %add3A_558 = arith.addi %add3A_557, %mul3A_556 : i32
      %broadcast_in_dim3A = arith.constant 1.000000e+00 : f32
      %broadcast_in_dim3A_559 = vector.broadcast %broadcast_in_dim3A : f32 to vector<16xf32>
      %swap3A_560 = arith.index_cast %add3A_558 : i32 to index
      %swap3A_561 = arith.constant 64 : index
      %swap3A_562 = tpu.vector_load %arg20[%swap3A_560, %swap3A_561] {strides = array<i32>} : memref<80x80xf32, #tpu.memory_space<vmem>>, vector<1x16xf32>,
      %swap3A_563 = vector.shape_cast %swap3A_562 : vector<1x16xf32> to vector<16xf32>
      %swap3A_564 = vector.shape_cast %broadcast_in_dim3A_559 : vector<16xf32> to vector<1x16xf32>
      tpu.vector_store %arg20[%swap3A_560, %swap3A_561], %swap3A_564 {strides = array<i32>} : memref<80x80xf32, #tpu.memory_space<vmem>>, vector<1x16xf32>,
    }
    %scan3A_37 = arith.constant 80 : i32
    %barrier3A = arith.constant 0 : index
    tpu.barrier barrier_id(%barrier3A)
    %mul3A_38 = arith.constant 10000 : i32
    %mul3A_39 = arith.muli %add3A, %mul3A_38 : i32
    %run_scoped3A = arith.constant 0 : i32
    "tpu.region"() ({
      %run_scoped3A_554 = tpu.sem_alloc : memref<!tpu.dma_semaphore, #tpu.memory_space<semaphore_mem>>
      %dma_start3A_555 = tpu.memref_slice %arg2[%run_scoped3A, %mul3A_39] : memref<2x320000xi32, #tpu.memory_space<hbm>> -> memref<1x10000xi32, #tpu.memory_space<hbm>>
      %dma_start3A_556 = tpu.memref_squeeze %dma_start3A_555 : memref<1x10000xi32, #tpu.memory_space<hbm>> -> memref<10000xi32, #tpu.memory_space<hbm>>
      %dma_start3A_557 = tpu.memref_slice %arg2[%run_scoped3A, %mul3A_39] : memref<2x320000xi32, #tpu.memory_space<hbm>> -> memref<1x10000xi32, #tpu.memory_space<hbm>>
      %dma_start3A_558 = tpu.memref_squeeze %dma_start3A_557 : memref<1x10000xi32, #tpu.memory_space<hbm>> -> memref<10000xi32, #tpu.memory_space<hbm>>
      tpu.enqueue_dma source(%dma_start3A_558 : memref<10000xi32, #tpu.memory_space<hbm>>) target(%arg7 : memref<10000xi32, #tpu.memory_space<vmem>>) target_semaphore(%run_scoped3A_554 : memref<!tpu.dma_semaphore, #tpu.memory_space<semaphore_mem>>)
      %dma_wait3A_559 = tpu.memref_slice %arg2[%run_scoped3A, %mul3A_39] : memref<2x320000xi32, #tpu.memory_space<hbm>> -> memref<1x10000xi32, #tpu.memory_space<hbm>>
      %dma_wait3A_560 = tpu.memref_squeeze %dma_wait3A_559 : memref<1x10000xi32, #tpu.memory_space<hbm>> -> memref<10000xi32, #tpu.memory_space<hbm>>
      %dma_wait3A_561 = tpu.memref_slice %arg2[%run_scoped3A, %mul3A_39] : memref<2x320000xi32, #tpu.memory_space<hbm>> -> memref<1x10000xi32, #tpu.memory_space<hbm>>
      %dma_wait3A_562 = tpu.memref_squeeze %dma_wait3A_561 : memref<1x10000xi32, #tpu.memory_space<hbm>> -> memref<10000xi32, #tpu.memory_space<hbm>>
      tpu.wait_dma2 semaphore(%run_scoped3A_554 : memref<!tpu.dma_semaphore, #tpu.memory_space<semaphore_mem>>) src(%dma_wait3A_562 : memref<10000xi32, #tpu.memory_space<hbm>>) dst(%arg7 : memref<10000xi32, #tpu.memory_space<vmem>>)
      tpu.yield
    }) : () -> ()
    %run_scoped3A_40 = arith.constant 1 : i32
    "tpu.region"() ({
      %run_scoped3A_554 = tpu.sem_alloc : memref<!tpu.dma_semaphore, #tpu.memory_space<semaphore_mem>>
      %dma_start3A_555 = tpu.memref_slice %arg2[%run_scoped3A_40, %mul3A_39] : memref<2x320000xi32, #tpu.memory_space<hbm>> -> memref<1x10000xi32, #tpu.memory_space<hbm>>
      %dma_start3A_556 = tpu.memref_squeeze %dma_start3A_555 : memref<1x10000xi32, #tpu.memory_space<hbm>> -> memref<10000xi32, #tpu.memory_space<hbm>>
      %dma_start3A_557 = tpu.memref_slice %arg2[%run_scoped3A_40, %mul3A_39] : memref<2x320000xi32, #tpu.memory_space<hbm>> -> memref<1x10000xi32, #tpu.memory_space<hbm>>
      %dma_start3A_558 = tpu.memref_squeeze %dma_start3A_557 : memref<1x10000xi32, #tpu.memory_space<hbm>> -> memref<10000xi32, #tpu.memory_space<hbm>>
      tpu.enqueue_dma source(%dma_start3A_558 : memref<10000xi32, #tpu.memory_space<hbm>>) target(%arg8 : memref<10000xi32, #tpu.memory_space<vmem>>) target_semaphore(%run_scoped3A_554 : memref<!tpu.dma_semaphore, #tpu.memory_space<semaphore_mem>>)
      %dma_wait3A_559 = tpu.memref_slice %arg2[%run_scoped3A_40, %mul3A_39] : memref<2x320000xi32, #tpu.memory_space<hbm>> -> memref<1x10000xi32, #tpu.memory_space<hbm>>
      %dma_wait3A_560 = tpu.memref_squeeze %dma_wait3A_559 : memref<1x10000xi32, #tpu.memory_space<hbm>> -> memref<10000xi32, #tpu.memory_space<hbm>>
      %dma_wait3A_561 = tpu.memref_slice %arg2[%run_scoped3A_40, %mul3A_39] : memref<2x320000xi32, #tpu.memory_space<hbm>> -> memref<1x10000xi32, #tpu.memory_space<hbm>>
      %dma_wait3A_562 = tpu.memref_squeeze %dma_wait3A_561 : memref<1x10000xi32, #tpu.memory_space<hbm>> -> memref<10000xi32, #tpu.memory_space<hbm>>
      tpu.wait_dma2 semaphore(%run_scoped3A_554 : memref<!tpu.dma_semaphore, #tpu.memory_space<semaphore_mem>>) src(%dma_wait3A_562 : memref<10000xi32, #tpu.memory_space<hbm>>) dst(%arg8 : memref<10000xi32, #tpu.memory_space<vmem>>)
      tpu.yield
    }) : () -> ()
    %dma_start3A = arith.constant 0 : i32
    %dma_start3A_41 = tpu.memref_slice %arg8[%dma_start3A] : memref<10000xi32, #tpu.memory_space<vmem>> -> memref<80xi32, #tpu.memory_space<vmem>>
    %dma_start3A_42 = arith.constant 0 : i32
    %dma_start3A_43 = arith.constant 0 : i32
    %dma_start3A_44 = tpu.memref_slice %arg3[%dma_start3A_42, %dma_start3A_43] : memref<10000x64xf32, #tpu.memory_space<hbm>> -> memref<10000x64xf32, #tpu.memory_space<hbm>>
    tpu.enqueue_indirect_dma source(%dma_start3A_44 : memref<10000x64xf32, #tpu.memory_space<hbm>>) target(%arg12 : memref<80x64xf32, #tpu.memory_space<vmem>>) offsets(%dma_start3A_41 : memref<80xi32, #tpu.memory_space<vmem>>) semaphore(%arg21 : memref<!tpu.dma_semaphore, #tpu.memory_space<semaphore_mem>>)
    %dma_start3A_45 = arith.constant 0 : i32
    %dma_start3A_46 = tpu.memref_slice %arg7[%dma_start3A_45] : memref<10000xi32, #tpu.memory_space<vmem>> -> memref<80xi32, #tpu.memory_space<vmem>>
    %dma_start3A_47 = arith.constant 0 : i32
    %dma_start3A_48 = arith.constant 0 : i32
    %dma_start3A_49 = tpu.memref_slice %arg4[%dma_start3A_47, %dma_start3A_48] : memref<10000x64xf32, #tpu.memory_space<hbm>> -> memref<10000x64xf32, #tpu.memory_space<hbm>>
    tpu.enqueue_indirect_dma source(%dma_start3A_49 : memref<10000x64xf32, #tpu.memory_space<hbm>>) target(%arg15 : memref<80x64xf32, #tpu.memory_space<vmem>>) offsets(%dma_start3A_46 : memref<80xi32, #tpu.memory_space<vmem>>) semaphore(%arg21 : memref<!tpu.dma_semaphore, #tpu.memory_space<semaphore_mem>>)
    %dma_start3A_50 = arith.constant 80 : i32
    %dma_start3A_51 = tpu.memref_slice %arg8[%dma_start3A_50] : memref<10000xi32, #tpu.memory_space<vmem>> -> memref<80xi32, #tpu.memory_space<vmem>>
    %dma_start3A_52 = arith.constant 0 : i32
    %dma_start3A_53 = arith.constant 0 : i32
    %dma_start3A_54 = tpu.memref_slice %arg3[%dma_start3A_52, %dma_start3A_53] : memref<10000x64xf32, #tpu.memory_space<hbm>> -> memref<10000x64xf32, #tpu.memory_space<hbm>>
    tpu.enqueue_indirect_dma source(%dma_start3A_54 : memref<10000x64xf32, #tpu.memory_space<hbm>>) target(%arg13 : memref<80x64xf32, #tpu.memory_space<vmem>>) offsets(%dma_start3A_51 : memref<80xi32, #tpu.memory_space<vmem>>) semaphore(%arg22 : memref<!tpu.dma_semaphore, #tpu.memory_space<semaphore_mem>>)
    %dma_start3A_55 = arith.constant 80 : i32
    %dma_start3A_56 = tpu.memref_slice %arg7[%dma_start3A_55] : memref<10000xi32, #tpu.memory_space<vmem>> -> memref<80xi32, #tpu.memory_space<vmem>>
    %dma_start3A_57 = arith.constant 0 : i32
    %dma_start3A_58 = arith.constant 0 : i32
    %dma_start3A_59 = tpu.memref_slice %arg4[%dma_start3A_57, %dma_start3A_58] : memref<10000x64xf32, #tpu.memory_space<hbm>> -> memref<10000x64xf32, #tpu.memory_space<hbm>>
    tpu.enqueue_indirect_dma source(%dma_start3A_59 : memref<10000x64xf32, #tpu.memory_space<hbm>>) target(%arg16 : memref<80x64xf32, #tpu.memory_space<vmem>>) offsets(%dma_start3A_56 : memref<80xi32, #tpu.memory_space<vmem>>) semaphore(%arg22 : memref<!tpu.dma_semaphore, #tpu.memory_space<semaphore_mem>>)
    %dma_start3A_60 = arith.constant 160 : i32
    %dma_start3A_61 = tpu.memref_slice %arg8[%dma_start3A_60] : memref<10000xi32, #tpu.memory_space<vmem>> -> memref<80xi32, #tpu.memory_space<vmem>>
    %dma_start3A_62 = arith.constant 0 : i32
    %dma_start3A_63 = arith.constant 0 : i32
    %dma_start3A_64 = tpu.memref_slice %arg3[%dma_start3A_62, %dma_start3A_63] : memref<10000x64xf32, #tpu.memory_space<hbm>> -> memref<10000x64xf32, #tpu.memory_space<hbm>>
    tpu.enqueue_indirect_dma source(%dma_start3A_64 : memref<10000x64xf32, #tpu.memory_space<hbm>>) target(%arg14 : memref<80x64xf32, #tpu.memory_space<vmem>>) offsets(%dma_start3A_61 : memref<80xi32, #tpu.memory_space<vmem>>) semaphore(%arg23 : memref<!tpu.dma_semaphore, #tpu.memory_space<semaphore_mem>>)
    %dma_start3A_65 = arith.constant 160 : i32
    %dma_start3A_66 = tpu.memref_slice %arg7[%dma_start3A_65] : memref<10000xi32, #tpu.memory_space<vmem>> -> memref<80xi32, #tpu.memory_space<vmem>>
    %dma_start3A_67 = arith.constant 0 : i32
    %dma_start3A_68 = arith.constant 0 : i32
    %dma_start3A_69 = tpu.memref_slice %arg4[%dma_start3A_67, %dma_start3A_68] : memref<10000x64xf32, #tpu.memory_space<hbm>> -> memref<10000x64xf32, #tpu.memory_space<hbm>>
    tpu.enqueue_indirect_dma source(%dma_start3A_69 : memref<10000x64xf32, #tpu.memory_space<hbm>>) target(%arg17 : memref<80x64xf32, #tpu.memory_space<vmem>>) offsets(%dma_start3A_66 : memref<80xi32, #tpu.memory_space<vmem>>) semaphore(%arg23 : memref<!tpu.dma_semaphore, #tpu.memory_space<semaphore_mem>>)
    %dma_wait3A = arith.constant 0 : i32
    %dma_wait3A_70 = tpu.memref_slice %arg8[%dma_wait3A] : memref<10000xi32, #tpu.memory_space<vmem>> -> memref<80xi32, #tpu.memory_space<vmem>>
    %dma_wait3A_71 = arith.constant 0 : i32
    %dma_wait3A_72 = arith.constant 0 : i32
    %dma_wait3A_73 = tpu.memref_slice %arg3[%dma_wait3A_71, %dma_wait3A_72] : memref<10000x64xf32, #tpu.memory_space<hbm>> -> memref<10000x64xf32, #tpu.memory_space<hbm>>
    tpu.wait_indirect_dma semaphore(%arg21 : memref<!tpu.dma_semaphore, #tpu.memory_space<semaphore_mem>>) src(%dma_wait3A_73 : memref<10000x64xf32, #tpu.memory_space<hbm>>) dst(%arg12 : memref<80x64xf32, #tpu.memory_space<vmem>>)
    %dma_wait3A_74 = arith.constant 0 : i32
    %dma_wait3A_75 = tpu.memref_slice %arg7[%dma_wait3A_74] : memref<10000xi32, #tpu.memory_space<vmem>> -> memref<80xi32, #tpu.memory_space<vmem>>
    %dma_wait3A_76 = arith.constant 0 : i32
    %dma_wait3A_77 = arith.constant 0 : i32
    %dma_wait3A_78 = tpu.memref_slice %arg4[%dma_wait3A_76, %dma_wait3A_77] : memref<10000x64xf32, #tpu.memory_space<hbm>> -> memref<10000x64xf32, #tpu.memory_space<hbm>>
    tpu.wait_indirect_dma semaphore(%arg21 : memref<!tpu.dma_semaphore, #tpu.memory_space<semaphore_mem>>) src(%dma_wait3A_78 : memref<10000x64xf32, #tpu.memory_space<hbm>>) dst(%arg15 : memref<80x64xf32, #tpu.memory_space<vmem>>)
    %get3A = arith.constant 0 : index
    %get3A_79 = tpu.vector_load %arg8[%get3A] {strides = array<i32>} : memref<10000xi32, #tpu.memory_space<vmem>>, vector<16xi32>,
    %get3A_80 = vector.shape_cast %get3A_79 : vector<16xi32> to vector<16xi32>
    %swap3A = arith.constant 0 : index
    %swap3A_81 = tpu.vector_load %arg9[%swap3A] {strides = array<i32>} : memref<80xi32, #tpu.memory_space<vmem>>, vector<16xi32>,
    %swap3A_82 = vector.shape_cast %swap3A_81 : vector<16xi32> to vector<16xi32>
    %swap3A_83 = vector.shape_cast %get3A_80 : vector<16xi32> to vector<16xi32>
    tpu.vector_store %arg9[%swap3A], %swap3A_83 {strides = array<i32>} : memref<80xi32, #tpu.memory_space<vmem>>, vector<16xi32>,
    %get3A_84 = arith.constant 16 : index
    %get3A_85 = tpu.vector_load %arg8[%get3A_84] {strides = array<i32>} : memref<10000xi32, #tpu.memory_space<vmem>>, vector<16xi32>,
    %get3A_86 = vector.shape_cast %get3A_85 : vector<16xi32> to vector<16xi32>
    %swap3A_87 = arith.constant 16 : index
    %swap3A_88 = tpu.vector_load %arg9[%swap3A_87] {strides = array<i32>} : memref<80xi32, #tpu.memory_space<vmem>>, vector<16xi32>,
    %swap3A_89 = vector.shape_cast %swap3A_88 : vector<16xi32> to vector<16xi32>
    %swap3A_90 = vector.shape_cast %get3A_86 : vector<16xi32> to vector<16xi32>
    tpu.vector_store %arg9[%swap3A_87], %swap3A_90 {strides = array<i32>} : memref<80xi32, #tpu.memory_space<vmem>>, vector<16xi32>,
    %get3A_91 = arith.constant 32 : index
    %get3A_92 = tpu.vector_load %arg8[%get3A_91] {strides = array<i32>} : memref<10000xi32, #tpu.memory_space<vmem>>, vector<16xi32>,
    %get3A_93 = vector.shape_cast %get3A_92 : vector<16xi32> to vector<16xi32>
    %swap3A_94 = arith.constant 32 : index
    %swap3A_95 = tpu.vector_load %arg9[%swap3A_94] {strides = array<i32>} : memref<80xi32, #tpu.memory_space<vmem>>, vector<16xi32>,
    %swap3A_96 = vector.shape_cast %swap3A_95 : vector<16xi32> to vector<16xi32>
    %swap3A_97 = vector.shape_cast %get3A_93 : vector<16xi32> to vector<16xi32>
    tpu.vector_store %arg9[%swap3A_94], %swap3A_97 {strides = array<i32>} : memref<80xi32, #tpu.memory_space<vmem>>, vector<16xi32>,
    %get3A_98 = arith.constant 48 : index
    %get3A_99 = tpu.vector_load %arg8[%get3A_98] {strides = array<i32>} : memref<10000xi32, #tpu.memory_space<vmem>>, vector<16xi32>,
    %get3A_100 = vector.shape_cast %get3A_99 : vector<16xi32> to vector<16xi32>
    %swap3A_101 = arith.constant 48 : index
    %swap3A_102 = tpu.vector_load %arg9[%swap3A_101] {strides = array<i32>} : memref<80xi32, #tpu.memory_space<vmem>>, vector<16xi32>,
    %swap3A_103 = vector.shape_cast %swap3A_102 : vector<16xi32> to vector<16xi32>
    %swap3A_104 = vector.shape_cast %get3A_100 : vector<16xi32> to vector<16xi32>
    tpu.vector_store %arg9[%swap3A_101], %swap3A_104 {strides = array<i32>} : memref<80xi32, #tpu.memory_space<vmem>>, vector<16xi32>,
    %get3A_105 = arith.constant 64 : index
    %get3A_106 = tpu.vector_load %arg8[%get3A_105] {strides = array<i32>} : memref<10000xi32, #tpu.memory_space<vmem>>, vector<16xi32>,
    %get3A_107 = vector.shape_cast %get3A_106 : vector<16xi32> to vector<16xi32>
    %swap3A_108 = arith.constant 64 : index
    %swap3A_109 = tpu.vector_load %arg9[%swap3A_108] {strides = array<i32>} : memref<80xi32, #tpu.memory_space<vmem>>, vector<16xi32>,
    %swap3A_110 = vector.shape_cast %swap3A_109 : vector<16xi32> to vector<16xi32>
    %swap3A_111 = vector.shape_cast %get3A_107 : vector<16xi32> to vector<16xi32>
    tpu.vector_store %arg9[%swap3A_108], %swap3A_111 {strides = array<i32>} : memref<80xi32, #tpu.memory_space<vmem>>, vector<16xi32>,
    %parallel_loop3A = arith.constant 0 : i32
    %parallel_loop3A_112 = arith.constant 80 : i32
    %parallel_loop3A_113 = arith.constant 1 : i32
    scf.for %parallel_loop3A_554 = %parallel_loop3A to %parallel_loop3A_112 step %parallel_loop3A_113  : i32 {
      %parallel_loop3A_555 = arith.index_cast %parallel_loop3A_554 : i32 to index
      %parallel_loop3A_556 = arith.constant 0 : index
      %parallel_loop3A_557 = tpu.vector_load %arg12[%parallel_loop3A_555, %parallel_loop3A_556] {strides = array<i32>} : memref<80x64xf32, #tpu.memory_space<vmem>>, vector<1x16xf32>,
      %parallel_loop3A_558 = vector.shape_cast %parallel_loop3A_557 : vector<1x16xf32> to vector<16xf32>
      %parallel_loop3A_559 = arith.index_cast %parallel_loop3A_554 : i32 to index
      %parallel_loop3A_560 = arith.constant 0 : index
      %parallel_loop3A_561 = tpu.vector_load %arg15[%parallel_loop3A_559, %parallel_loop3A_560] {strides = array<i32>} : memref<80x64xf32, #tpu.memory_space<vmem>>, vector<1x16xf32>,
      %parallel_loop3A_562 = vector.shape_cast %parallel_loop3A_561 : vector<1x16xf32> to vector<16xf32>
      %parallel_loop3A_563 = arith.addf %parallel_loop3A_558, %parallel_loop3A_562 : vector<16xf32>
      %parallel_loop3A_564 = arith.constant 0.000000e+00 : f32
      %parallel_loop3A_565 = vector.broadcast %parallel_loop3A_564 : f32 to vector<16xf32>
      %parallel_loop3A_566 = arith.maximumf %parallel_loop3A_563, %parallel_loop3A_565 : vector<16xf32>
      %parallel_loop3A_567 = arith.index_cast %parallel_loop3A_554 : i32 to index
      %parallel_loop3A_568 = arith.constant 0 : index
      %parallel_loop3A_569 = tpu.vector_load %arg18[%parallel_loop3A_567, %parallel_loop3A_568] {strides = array<i32>} : memref<80x80xf32, #tpu.memory_space<vmem>>, vector<1x16xf32>,
      %parallel_loop3A_570 = vector.shape_cast %parallel_loop3A_569 : vector<1x16xf32> to vector<16xf32>
      %parallel_loop3A_571 = vector.shape_cast %parallel_loop3A_566 : vector<16xf32> to vector<1x16xf32>
      tpu.vector_store %arg18[%parallel_loop3A_567, %parallel_loop3A_568], %parallel_loop3A_571 {strides = array<i32>} : memref<80x80xf32, #tpu.memory_space<vmem>>, vector<1x16xf32>,
      %parallel_loop3A_572 = arith.index_cast %parallel_loop3A_554 : i32 to index
      %parallel_loop3A_573 = arith.constant 16 : index
      %parallel_loop3A_574 = tpu.vector_load %arg12[%parallel_loop3A_572, %parallel_loop3A_573] {strides = array<i32>} : memref<80x64xf32, #tpu.memory_space<vmem>>, vector<1x16xf32>,
      %parallel_loop3A_575 = vector.shape_cast %parallel_loop3A_574 : vector<1x16xf32> to vector<16xf32>
      %parallel_loop3A_576 = arith.index_cast %parallel_loop3A_554 : i32 to index
      %parallel_loop3A_577 = arith.constant 16 : index
      %parallel_loop3A_578 = tpu.vector_load %arg15[%parallel_loop3A_576, %parallel_loop3A_577] {strides = array<i32>} : memref<80x64xf32, #tpu.memory_space<vmem>>, vector<1x16xf32>,
      %parallel_loop3A_579 = vector.shape_cast %parallel_loop3A_578 : vector<1x16xf32> to vector<16xf32>
      %parallel_loop3A_580 = arith.addf %parallel_loop3A_575, %parallel_loop3A_579 : vector<16xf32>
      %parallel_loop3A_581 = arith.constant 0.000000e+00 : f32
      %parallel_loop3A_582 = vector.broadcast %parallel_loop3A_581 : f32 to vector<16xf32>
      %parallel_loop3A_583 = arith.maximumf %parallel_loop3A_580, %parallel_loop3A_582 : vector<16xf32>
      %parallel_loop3A_584 = arith.index_cast %parallel_loop3A_554 : i32 to index
      %parallel_loop3A_585 = arith.constant 16 : index
      %parallel_loop3A_586 = tpu.vector_load %arg18[%parallel_loop3A_584, %parallel_loop3A_585] {strides = array<i32>} : memref<80x80xf32, #tpu.memory_space<vmem>>, vector<1x16xf32>,
      %parallel_loop3A_587 = vector.shape_cast %parallel_loop3A_586 : vector<1x16xf32> to vector<16xf32>
      %parallel_loop3A_588 = vector.shape_cast %parallel_loop3A_583 : vector<16xf32> to vector<1x16xf32>
      tpu.vector_store %arg18[%parallel_loop3A_584, %parallel_loop3A_585], %parallel_loop3A_588 {strides = array<i32>} : memref<80x80xf32, #tpu.memory_space<vmem>>, vector<1x16xf32>,
      %parallel_loop3A_589 = arith.index_cast %parallel_loop3A_554 : i32 to index
      %parallel_loop3A_590 = arith.constant 32 : index
      %parallel_loop3A_591 = tpu.vector_load %arg12[%parallel_loop3A_589, %parallel_loop3A_590] {strides = array<i32>} : memref<80x64xf32, #tpu.memory_space<vmem>>, vector<1x16xf32>,
      %parallel_loop3A_592 = vector.shape_cast %parallel_loop3A_591 : vector<1x16xf32> to vector<16xf32>
      %parallel_loop3A_593 = arith.index_cast %parallel_loop3A_554 : i32 to index
      %parallel_loop3A_594 = arith.constant 32 : index
      %parallel_loop3A_595 = tpu.vector_load %arg15[%parallel_loop3A_593, %parallel_loop3A_594] {strides = array<i32>} : memref<80x64xf32, #tpu.memory_space<vmem>>, vector<1x16xf32>,
      %parallel_loop3A_596 = vector.shape_cast %parallel_loop3A_595 : vector<1x16xf32> to vector<16xf32>
      %parallel_loop3A_597 = arith.addf %parallel_loop3A_592, %parallel_loop3A_596 : vector<16xf32>
      %parallel_loop3A_598 = arith.constant 0.000000e+00 : f32
      %parallel_loop3A_599 = vector.broadcast %parallel_loop3A_598 : f32 to vector<16xf32>
      %parallel_loop3A_600 = arith.maximumf %parallel_loop3A_597, %parallel_loop3A_599 : vector<16xf32>
      %parallel_loop3A_601 = arith.index_cast %parallel_loop3A_554 : i32 to index
      %parallel_loop3A_602 = arith.constant 32 : index
      %parallel_loop3A_603 = tpu.vector_load %arg18[%parallel_loop3A_601, %parallel_loop3A_602] {strides = array<i32>} : memref<80x80xf32, #tpu.memory_space<vmem>>, vector<1x16xf32>,
      %parallel_loop3A_604 = vector.shape_cast %parallel_loop3A_603 : vector<1x16xf32> to vector<16xf32>
      %parallel_loop3A_605 = vector.shape_cast %parallel_loop3A_600 : vector<16xf32> to vector<1x16xf32>
      tpu.vector_store %arg18[%parallel_loop3A_601, %parallel_loop3A_602], %parallel_loop3A_605 {strides = array<i32>} : memref<80x80xf32, #tpu.memory_space<vmem>>, vector<1x16xf32>,
      %parallel_loop3A_606 = arith.index_cast %parallel_loop3A_554 : i32 to index
      %parallel_loop3A_607 = arith.constant 48 : index
      %parallel_loop3A_608 = tpu.vector_load %arg12[%parallel_loop3A_606, %parallel_loop3A_607] {strides = array<i32>} : memref<80x64xf32, #tpu.memory_space<vmem>>, vector<1x16xf32>,
      %parallel_loop3A_609 = vector.shape_cast %parallel_loop3A_608 : vector<1x16xf32> to vector<16xf32>
      %parallel_loop3A_610 = arith.index_cast %parallel_loop3A_554 : i32 to index
      %parallel_loop3A_611 = arith.constant 48 : index
      %parallel_loop3A_612 = tpu.vector_load %arg15[%parallel_loop3A_610, %parallel_loop3A_611] {strides = array<i32>} : memref<80x64xf32, #tpu.memory_space<vmem>>, vector<1x16xf32>,
      %parallel_loop3A_613 = vector.shape_cast %parallel_loop3A_612 : vector<1x16xf32> to vector<16xf32>
      %parallel_loop3A_614 = arith.addf %parallel_loop3A_609, %parallel_loop3A_613 : vector<16xf32>
      %parallel_loop3A_615 = arith.constant 0.000000e+00 : f32
      %parallel_loop3A_616 = vector.broadcast %parallel_loop3A_615 : f32 to vector<16xf32>
      %parallel_loop3A_617 = arith.maximumf %parallel_loop3A_614, %parallel_loop3A_616 : vector<16xf32>
      %parallel_loop3A_618 = arith.index_cast %parallel_loop3A_554 : i32 to index
      %parallel_loop3A_619 = arith.constant 48 : index
      %parallel_loop3A_620 = tpu.vector_load %arg18[%parallel_loop3A_618, %parallel_loop3A_619] {strides = array<i32>} : memref<80x80xf32, #tpu.memory_space<vmem>>, vector<1x16xf32>,
      %parallel_loop3A_621 = vector.shape_cast %parallel_loop3A_620 : vector<1x16xf32> to vector<16xf32>
      %parallel_loop3A_622 = vector.shape_cast %parallel_loop3A_617 : vector<16xf32> to vector<1x16xf32>
      tpu.vector_store %arg18[%parallel_loop3A_618, %parallel_loop3A_619], %parallel_loop3A_622 {strides = array<i32>} : memref<80x80xf32, #tpu.memory_space<vmem>>, vector<1x16xf32>,
    } {sc.loop_unroll_factor = 2 : i64, sc.parallel_access}
    %dma_start3A_114 = arith.constant 240 : i32
    %dma_start3A_115 = tpu.memref_slice %arg8[%dma_start3A_114] : memref<10000xi32, #tpu.memory_space<vmem>> -> memref<80xi32, #tpu.memory_space<vmem>>
    %dma_start3A_116 = arith.constant 0 : i32
    %dma_start3A_117 = arith.constant 0 : i32
    %dma_start3A_118 = tpu.memref_slice %arg3[%dma_start3A_116, %dma_start3A_117] : memref<10000x64xf32, #tpu.memory_space<hbm>> -> memref<10000x64xf32, #tpu.memory_space<hbm>>
    tpu.enqueue_indirect_dma source(%dma_start3A_118 : memref<10000x64xf32, #tpu.memory_space<hbm>>) target(%arg12 : memref<80x64xf32, #tpu.memory_space<vmem>>) offsets(%dma_start3A_115 : memref<80xi32, #tpu.memory_space<vmem>>) semaphore(%arg21 : memref<!tpu.dma_semaphore, #tpu.memory_space<semaphore_mem>>)
    %dma_start3A_119 = arith.constant 240 : i32
    %dma_start3A_120 = tpu.memref_slice %arg7[%dma_start3A_119] : memref<10000xi32, #tpu.memory_space<vmem>> -> memref<80xi32, #tpu.memory_space<vmem>>
    %dma_start3A_121 = arith.constant 0 : i32
    %dma_start3A_122 = arith.constant 0 : i32
    %dma_start3A_123 = tpu.memref_slice %arg4[%dma_start3A_121, %dma_start3A_122] : memref<10000x64xf32, #tpu.memory_space<hbm>> -> memref<10000x64xf32, #tpu.memory_space<hbm>>
    tpu.enqueue_indirect_dma source(%dma_start3A_123 : memref<10000x64xf32, #tpu.memory_space<hbm>>) target(%arg15 : memref<80x64xf32, #tpu.memory_space<vmem>>) offsets(%dma_start3A_120 : memref<80xi32, #tpu.memory_space<vmem>>) semaphore(%arg21 : memref<!tpu.dma_semaphore, #tpu.memory_space<semaphore_mem>>)
    %dma_start3A_124 = arith.constant 0 : i32
    %dma_start3A_125 = arith.constant 0 : i32
    %dma_start3A_126 = tpu.memref_slice %arg6[%dma_start3A_124, %dma_start3A_125] : memref<10112x80xf32, #tpu.memory_space<vmem_shared>> -> memref<10112x80xf32, #tpu.memory_space<vmem_shared>>
    tpu.enqueue_indirect_dma source(%arg18 : memref<80x80xf32, #tpu.memory_space<vmem>>) target(%dma_start3A_126 : memref<10112x80xf32, #tpu.memory_space<vmem_shared>>) offsets(%arg9 : memref<80xi32, #tpu.memory_space<vmem>>) semaphore(%arg24 : memref<!tpu.dma_semaphore, #tpu.memory_space<semaphore_mem>>) {add = true}
    %dma_wait3A_127 = arith.constant 80 : i32
    %dma_wait3A_128 = tpu.memref_slice %arg8[%dma_wait3A_127] : memref<10000xi32, #tpu.memory_space<vmem>> -> memref<80xi32, #tpu.memory_space<vmem>>
    %dma_wait3A_129 = arith.constant 0 : i32
    %dma_wait3A_130 = arith.constant 0 : i32
    %dma_wait3A_131 = tpu.memref_slice %arg3[%dma_wait3A_129, %dma_wait3A_130] : memref<10000x64xf32, #tpu.memory_space<hbm>> -> memref<10000x64xf32, #tpu.memory_space<hbm>>
    tpu.wait_indirect_dma semaphore(%arg22 : memref<!tpu.dma_semaphore, #tpu.memory_space<semaphore_mem>>) src(%dma_wait3A_131 : memref<10000x64xf32, #tpu.memory_space<hbm>>) dst(%arg13 : memref<80x64xf32, #tpu.memory_space<vmem>>)
    %dma_wait3A_132 = arith.constant 80 : i32
    %dma_wait3A_133 = tpu.memref_slice %arg7[%dma_wait3A_132] : memref<10000xi32, #tpu.memory_space<vmem>> -> memref<80xi32, #tpu.memory_space<vmem>>
    %dma_wait3A_134 = arith.constant 0 : i32
    %dma_wait3A_135 = arith.constant 0 : i32
    %dma_wait3A_136 = tpu.memref_slice %arg4[%dma_wait3A_134, %dma_wait3A_135] : memref<10000x64xf32, #tpu.memory_space<hbm>> -> memref<10000x64xf32, #tpu.memory_space<hbm>>
    tpu.wait_indirect_dma semaphore(%arg22 : memref<!tpu.dma_semaphore, #tpu.memory_space<semaphore_mem>>) src(%dma_wait3A_136 : memref<10000x64xf32, #tpu.memory_space<hbm>>) dst(%arg16 : memref<80x64xf32, #tpu.memory_space<vmem>>)
    %get3A_137 = arith.constant 80 : index
    %get3A_138 = tpu.vector_load %arg8[%get3A_137] {strides = array<i32>} : memref<10000xi32, #tpu.memory_space<vmem>>, vector<16xi32>,
    %get3A_139 = vector.shape_cast %get3A_138 : vector<16xi32> to vector<16xi32>
    %swap3A_140 = arith.constant 0 : index
    %swap3A_141 = tpu.vector_load %arg10[%swap3A_140] {strides = array<i32>} : memref<80xi32, #tpu.memory_space<vmem>>, vector<16xi32>,
    %swap3A_142 = vector.shape_cast %swap3A_141 : vector<16xi32> to vector<16xi32>
    %swap3A_143 = vector.shape_cast %get3A_139 : vector<16xi32> to vector<16xi32>
    tpu.vector_store %arg10[%swap3A_140], %swap3A_143 {strides = array<i32>} : memref<80xi32, #tpu.memory_space<vmem>>, vector<16xi32>,
    %get3A_144 = arith.constant 96 : index
    %get3A_145 = tpu.vector_load %arg8[%get3A_144] {strides = array<i32>} : memref<10000xi32, #tpu.memory_space<vmem>>, vector<16xi32>,
    %get3A_146 = vector.shape_cast %get3A_145 : vector<16xi32> to vector<16xi32>
    %swap3A_147 = arith.constant 16 : index
    %swap3A_148 = tpu.vector_load %arg10[%swap3A_147] {strides = array<i32>} : memref<80xi32, #tpu.memory_space<vmem>>, vector<16xi32>,
    %swap3A_149 = vector.shape_cast %swap3A_148 : vector<16xi32> to vector<16xi32>
    %swap3A_150 = vector.shape_cast %get3A_146 : vector<16xi32> to vector<16xi32>
    tpu.vector_store %arg10[%swap3A_147], %swap3A_150 {strides = array<i32>} : memref<80xi32, #tpu.memory_space<vmem>>, vector<16xi32>,
    %get3A_151 = arith.constant 112 : index
    %get3A_152 = tpu.vector_load %arg8[%get3A_151] {strides = array<i32>} : memref<10000xi32, #tpu.memory_space<vmem>>, vector<16xi32>,
    %get3A_153 = vector.shape_cast %get3A_152 : vector<16xi32> to vector<16xi32>
    %swap3A_154 = arith.constant 32 : index
    %swap3A_155 = tpu.vector_load %arg10[%swap3A_154] {strides = array<i32>} : memref<80xi32, #tpu.memory_space<vmem>>, vector<16xi32>,
    %swap3A_156 = vector.shape_cast %swap3A_155 : vector<16xi32> to vector<16xi32>
    %swap3A_157 = vector.shape_cast %get3A_153 : vector<16xi32> to vector<16xi32>
    tpu.vector_store %arg10[%swap3A_154], %swap3A_157 {strides = array<i32>} : memref<80xi32, #tpu.memory_space<vmem>>, vector<16xi32>,
    %get3A_158 = arith.constant 128 : index
    %get3A_159 = tpu.vector_load %arg8[%get3A_158] {strides = array<i32>} : memref<10000xi32, #tpu.memory_space<vmem>>, vector<16xi32>,
    %get3A_160 = vector.shape_cast %get3A_159 : vector<16xi32> to vector<16xi32>
    %swap3A_161 = arith.constant 48 : index
    %swap3A_162 = tpu.vector_load %arg10[%swap3A_161] {strides = array<i32>} : memref<80xi32, #tpu.memory_space<vmem>>, vector<16xi32>,
    %swap3A_163 = vector.shape_cast %swap3A_162 : vector<16xi32> to vector<16xi32>
    %swap3A_164 = vector.shape_cast %get3A_160 : vector<16xi32> to vector<16xi32>
    tpu.vector_store %arg10[%swap3A_161], %swap3A_164 {strides = array<i32>} : memref<80xi32, #tpu.memory_space<vmem>>, vector<16xi32>,
    %get3A_165 = arith.constant 144 : index
    %get3A_166 = tpu.vector_load %arg8[%get3A_165] {strides = array<i32>} : memref<10000xi32, #tpu.memory_space<vmem>>, vector<16xi32>,
    %get3A_167 = vector.shape_cast %get3A_166 : vector<16xi32> to vector<16xi32>
    %swap3A_168 = arith.constant 64 : index
    %swap3A_169 = tpu.vector_load %arg10[%swap3A_168] {strides = array<i32>} : memref<80xi32, #tpu.memory_space<vmem>>, vector<16xi32>,
    %swap3A_170 = vector.shape_cast %swap3A_169 : vector<16xi32> to vector<16xi32>
    %swap3A_171 = vector.shape_cast %get3A_167 : vector<16xi32> to vector<16xi32>
    tpu.vector_store %arg10[%swap3A_168], %swap3A_171 {strides = array<i32>} : memref<80xi32, #tpu.memory_space<vmem>>, vector<16xi32>,
    %parallel_loop3A_172 = arith.constant 0 : i32
    %parallel_loop3A_173 = arith.constant 80 : i32
    %parallel_loop3A_174 = arith.constant 1 : i32
    scf.for %parallel_loop3A_554 = %parallel_loop3A_172 to %parallel_loop3A_173 step %parallel_loop3A_174  : i32 {
      %parallel_loop3A_555 = arith.index_cast %parallel_loop3A_554 : i32 to index
      %parallel_loop3A_556 = arith.constant 0 : index
      %parallel_loop3A_557 = tpu.vector_load %arg13[%parallel_loop3A_555, %parallel_loop3A_556] {strides = array<i32>} : memref<80x64xf32, #tpu.memory_space<vmem>>, vector<1x16xf32>,
      %parallel_loop3A_558 = vector.shape_cast %parallel_loop3A_557 : vector<1x16xf32> to vector<16xf32>
      %parallel_loop3A_559 = arith.index_cast %parallel_loop3A_554 : i32 to index
      %parallel_loop3A_560 = arith.constant 0 : index
      %parallel_loop3A_561 = tpu.vector_load %arg16[%parallel_loop3A_559, %parallel_loop3A_560] {strides = array<i32>} : memref<80x64xf32, #tpu.memory_space<vmem>>, vector<1x16xf32>,
      %parallel_loop3A_562 = vector.shape_cast %parallel_loop3A_561 : vector<1x16xf32> to vector<16xf32>
      %parallel_loop3A_563 = arith.addf %parallel_loop3A_558, %parallel_loop3A_562 : vector<16xf32>
      %parallel_loop3A_564 = arith.constant 0.000000e+00 : f32
      %parallel_loop3A_565 = vector.broadcast %parallel_loop3A_564 : f32 to vector<16xf32>
      %parallel_loop3A_566 = arith.maximumf %parallel_loop3A_563, %parallel_loop3A_565 : vector<16xf32>
      %parallel_loop3A_567 = arith.index_cast %parallel_loop3A_554 : i32 to index
      %parallel_loop3A_568 = arith.constant 0 : index
      %parallel_loop3A_569 = tpu.vector_load %arg19[%parallel_loop3A_567, %parallel_loop3A_568] {strides = array<i32>} : memref<80x80xf32, #tpu.memory_space<vmem>>, vector<1x16xf32>,
      %parallel_loop3A_570 = vector.shape_cast %parallel_loop3A_569 : vector<1x16xf32> to vector<16xf32>
      %parallel_loop3A_571 = vector.shape_cast %parallel_loop3A_566 : vector<16xf32> to vector<1x16xf32>
      tpu.vector_store %arg19[%parallel_loop3A_567, %parallel_loop3A_568], %parallel_loop3A_571 {strides = array<i32>} : memref<80x80xf32, #tpu.memory_space<vmem>>, vector<1x16xf32>,
      %parallel_loop3A_572 = arith.index_cast %parallel_loop3A_554 : i32 to index
      %parallel_loop3A_573 = arith.constant 16 : index
      %parallel_loop3A_574 = tpu.vector_load %arg13[%parallel_loop3A_572, %parallel_loop3A_573] {strides = array<i32>} : memref<80x64xf32, #tpu.memory_space<vmem>>, vector<1x16xf32>,
      %parallel_loop3A_575 = vector.shape_cast %parallel_loop3A_574 : vector<1x16xf32> to vector<16xf32>
      %parallel_loop3A_576 = arith.index_cast %parallel_loop3A_554 : i32 to index
      %parallel_loop3A_577 = arith.constant 16 : index
      %parallel_loop3A_578 = tpu.vector_load %arg16[%parallel_loop3A_576, %parallel_loop3A_577] {strides = array<i32>} : memref<80x64xf32, #tpu.memory_space<vmem>>, vector<1x16xf32>,
      %parallel_loop3A_579 = vector.shape_cast %parallel_loop3A_578 : vector<1x16xf32> to vector<16xf32>
      %parallel_loop3A_580 = arith.addf %parallel_loop3A_575, %parallel_loop3A_579 : vector<16xf32>
      %parallel_loop3A_581 = arith.constant 0.000000e+00 : f32
      %parallel_loop3A_582 = vector.broadcast %parallel_loop3A_581 : f32 to vector<16xf32>
      %parallel_loop3A_583 = arith.maximumf %parallel_loop3A_580, %parallel_loop3A_582 : vector<16xf32>
      %parallel_loop3A_584 = arith.index_cast %parallel_loop3A_554 : i32 to index
      %parallel_loop3A_585 = arith.constant 16 : index
      %parallel_loop3A_586 = tpu.vector_load %arg19[%parallel_loop3A_584, %parallel_loop3A_585] {strides = array<i32>} : memref<80x80xf32, #tpu.memory_space<vmem>>, vector<1x16xf32>,
      %parallel_loop3A_587 = vector.shape_cast %parallel_loop3A_586 : vector<1x16xf32> to vector<16xf32>
      %parallel_loop3A_588 = vector.shape_cast %parallel_loop3A_583 : vector<16xf32> to vector<1x16xf32>
      tpu.vector_store %arg19[%parallel_loop3A_584, %parallel_loop3A_585], %parallel_loop3A_588 {strides = array<i32>} : memref<80x80xf32, #tpu.memory_space<vmem>>, vector<1x16xf32>,
      %parallel_loop3A_589 = arith.index_cast %parallel_loop3A_554 : i32 to index
      %parallel_loop3A_590 = arith.constant 32 : index
      %parallel_loop3A_591 = tpu.vector_load %arg13[%parallel_loop3A_589, %parallel_loop3A_590] {strides = array<i32>} : memref<80x64xf32, #tpu.memory_space<vmem>>, vector<1x16xf32>,
      %parallel_loop3A_592 = vector.shape_cast %parallel_loop3A_591 : vector<1x16xf32> to vector<16xf32>
      %parallel_loop3A_593 = arith.index_cast %parallel_loop3A_554 : i32 to index
      %parallel_loop3A_594 = arith.constant 32 : index
      %parallel_loop3A_595 = tpu.vector_load %arg16[%parallel_loop3A_593, %parallel_loop3A_594] {strides = array<i32>} : memref<80x64xf32, #tpu.memory_space<vmem>>, vector<1x16xf32>,
      %parallel_loop3A_596 = vector.shape_cast %parallel_loop3A_595 : vector<1x16xf32> to vector<16xf32>
      %parallel_loop3A_597 = arith.addf %parallel_loop3A_592, %parallel_loop3A_596 : vector<16xf32>
      %parallel_loop3A_598 = arith.constant 0.000000e+00 : f32
      %parallel_loop3A_599 = vector.broadcast %parallel_loop3A_598 : f32 to vector<16xf32>
      %parallel_loop3A_600 = arith.maximumf %parallel_loop3A_597, %parallel_loop3A_599 : vector<16xf32>
      %parallel_loop3A_601 = arith.index_cast %parallel_loop3A_554 : i32 to index
      %parallel_loop3A_602 = arith.constant 32 : index
      %parallel_loop3A_603 = tpu.vector_load %arg19[%parallel_loop3A_601, %parallel_loop3A_602] {strides = array<i32>} : memref<80x80xf32, #tpu.memory_space<vmem>>, vector<1x16xf32>,
      %parallel_loop3A_604 = vector.shape_cast %parallel_loop3A_603 : vector<1x16xf32> to vector<16xf32>
      %parallel_loop3A_605 = vector.shape_cast %parallel_loop3A_600 : vector<16xf32> to vector<1x16xf32>
      tpu.vector_store %arg19[%parallel_loop3A_601, %parallel_loop3A_602], %parallel_loop3A_605 {strides = array<i32>} : memref<80x80xf32, #tpu.memory_space<vmem>>, vector<1x16xf32>,
      %parallel_loop3A_606 = arith.index_cast %parallel_loop3A_554 : i32 to index
      %parallel_loop3A_607 = arith.constant 48 : index
      %parallel_loop3A_608 = tpu.vector_load %arg13[%parallel_loop3A_606, %parallel_loop3A_607] {strides = array<i32>} : memref<80x64xf32, #tpu.memory_space<vmem>>, vector<1x16xf32>,
      %parallel_loop3A_609 = vector.shape_cast %parallel_loop3A_608 : vector<1x16xf32> to vector<16xf32>
      %parallel_loop3A_610 = arith.index_cast %parallel_loop3A_554 : i32 to index
      %parallel_loop3A_611 = arith.constant 48 : index
      %parallel_loop3A_612 = tpu.vector_load %arg16[%parallel_loop3A_610, %parallel_loop3A_611] {strides = array<i32>} : memref<80x64xf32, #tpu.memory_space<vmem>>, vector<1x16xf32>,
      %parallel_loop3A_613 = vector.shape_cast %parallel_loop3A_612 : vector<1x16xf32> to vector<16xf32>
      %parallel_loop3A_614 = arith.addf %parallel_loop3A_609, %parallel_loop3A_613 : vector<16xf32>
      %parallel_loop3A_615 = arith.constant 0.000000e+00 : f32
      %parallel_loop3A_616 = vector.broadcast %parallel_loop3A_615 : f32 to vector<16xf32>
      %parallel_loop3A_617 = arith.maximumf %parallel_loop3A_614, %parallel_loop3A_616 : vector<16xf32>
      %parallel_loop3A_618 = arith.index_cast %parallel_loop3A_554 : i32 to index
      %parallel_loop3A_619 = arith.constant 48 : index
      %parallel_loop3A_620 = tpu.vector_load %arg19[%parallel_loop3A_618, %parallel_loop3A_619] {strides = array<i32>} : memref<80x80xf32, #tpu.memory_space<vmem>>, vector<1x16xf32>,
      %parallel_loop3A_621 = vector.shape_cast %parallel_loop3A_620 : vector<1x16xf32> to vector<16xf32>
      %parallel_loop3A_622 = vector.shape_cast %parallel_loop3A_617 : vector<16xf32> to vector<1x16xf32>
      tpu.vector_store %arg19[%parallel_loop3A_618, %parallel_loop3A_619], %parallel_loop3A_622 {strides = array<i32>} : memref<80x80xf32, #tpu.memory_space<vmem>>, vector<1x16xf32>,
    } {sc.loop_unroll_factor = 2 : i64, sc.parallel_access}
    %dma_start3A_175 = arith.constant 320 : i32
    %dma_start3A_176 = tpu.memref_slice %arg8[%dma_start3A_175] : memref<10000xi32, #tpu.memory_space<vmem>> -> memref<80xi32, #tpu.memory_space<vmem>>
    %dma_start3A_177 = arith.constant 0 : i32
    %dma_start3A_178 = arith.constant 0 : i32
    %dma_start3A_179 = tpu.memref_slice %arg3[%dma_start3A_177, %dma_start3A_178] : memref<10000x64xf32, #tpu.memory_space<hbm>> -> memref<10000x64xf32, #tpu.memory_space<hbm>>
    tpu.enqueue_indirect_dma source(%dma_start3A_179 : memref<10000x64xf32, #tpu.memory_space<hbm>>) target(%arg13 : memref<80x64xf32, #tpu.memory_space<vmem>>) offsets(%dma_start3A_176 : memref<80xi32, #tpu.memory_space<vmem>>) semaphore(%arg22 : memref<!tpu.dma_semaphore, #tpu.memory_space<semaphore_mem>>)
    %dma_start3A_180 = arith.constant 320 : i32
    %dma_start3A_181 = tpu.memref_slice %arg7[%dma_start3A_180] : memref<10000xi32, #tpu.memory_space<vmem>> -> memref<80xi32, #tpu.memory_space<vmem>>
    %dma_start3A_182 = arith.constant 0 : i32
    %dma_start3A_183 = arith.constant 0 : i32
    %dma_start3A_184 = tpu.memref_slice %arg4[%dma_start3A_182, %dma_start3A_183] : memref<10000x64xf32, #tpu.memory_space<hbm>> -> memref<10000x64xf32, #tpu.memory_space<hbm>>
    tpu.enqueue_indirect_dma source(%dma_start3A_184 : memref<10000x64xf32, #tpu.memory_space<hbm>>) target(%arg16 : memref<80x64xf32, #tpu.memory_space<vmem>>) offsets(%dma_start3A_181 : memref<80xi32, #tpu.memory_space<vmem>>) semaphore(%arg22 : memref<!tpu.dma_semaphore, #tpu.memory_space<semaphore_mem>>)
    %dma_start3A_185 = arith.constant 0 : i32
    %dma_start3A_186 = arith.constant 0 : i32
    %dma_start3A_187 = tpu.memref_slice %arg6[%dma_start3A_185, %dma_start3A_186] : memref<10112x80xf32, #tpu.memory_space<vmem_shared>> -> memref<10112x80xf32, #tpu.memory_space<vmem_shared>>
    tpu.enqueue_indirect_dma source(%arg19 : memref<80x80xf32, #tpu.memory_space<vmem>>) target(%dma_start3A_187 : memref<10112x80xf32, #tpu.memory_space<vmem_shared>>) offsets(%arg10 : memref<80xi32, #tpu.memory_space<vmem>>) semaphore(%arg25 : memref<!tpu.dma_semaphore, #tpu.memory_space<semaphore_mem>>) {add = true}
    %dma_wait3A_188 = arith.constant 160 : i32
    %dma_wait3A_189 = tpu.memref_slice %arg8[%dma_wait3A_188] : memref<10000xi32, #tpu.memory_space<vmem>> -> memref<80xi32, #tpu.memory_space<vmem>>
    %dma_wait3A_190 = arith.constant 0 : i32
    %dma_wait3A_191 = arith.constant 0 : i32
    %dma_wait3A_192 = tpu.memref_slice %arg3[%dma_wait3A_190, %dma_wait3A_191] : memref<10000x64xf32, #tpu.memory_space<hbm>> -> memref<10000x64xf32, #tpu.memory_space<hbm>>
    tpu.wait_indirect_dma semaphore(%arg23 : memref<!tpu.dma_semaphore, #tpu.memory_space<semaphore_mem>>) src(%dma_wait3A_192 : memref<10000x64xf32, #tpu.memory_space<hbm>>) dst(%arg14 : memref<80x64xf32, #tpu.memory_space<vmem>>)
    %dma_wait3A_193 = arith.constant 160 : i32
    %dma_wait3A_194 = tpu.memref_slice %arg7[%dma_wait3A_193] : memref<10000xi32, #tpu.memory_space<vmem>> -> memref<80xi32, #tpu.memory_space<vmem>>
    %dma_wait3A_195 = arith.constant 0 : i32
    %dma_wait3A_196 = arith.constant 0 : i32
    %dma_wait3A_197 = tpu.memref_slice %arg4[%dma_wait3A_195, %dma_wait3A_196] : memref<10000x64xf32, #tpu.memory_space<hbm>> -> memref<10000x64xf32, #tpu.memory_space<hbm>>
    tpu.wait_indirect_dma semaphore(%arg23 : memref<!tpu.dma_semaphore, #tpu.memory_space<semaphore_mem>>) src(%dma_wait3A_197 : memref<10000x64xf32, #tpu.memory_space<hbm>>) dst(%arg17 : memref<80x64xf32, #tpu.memory_space<vmem>>)
    %get3A_198 = arith.constant 160 : index
    %get3A_199 = tpu.vector_load %arg8[%get3A_198] {strides = array<i32>} : memref<10000xi32, #tpu.memory_space<vmem>>, vector<16xi32>,
    %get3A_200 = vector.shape_cast %get3A_199 : vector<16xi32> to vector<16xi32>
    %swap3A_201 = arith.constant 0 : index
    %swap3A_202 = tpu.vector_load %arg11[%swap3A_201] {strides = array<i32>} : memref<80xi32, #tpu.memory_space<vmem>>, vector<16xi32>,
    %swap3A_203 = vector.shape_cast %swap3A_202 : vector<16xi32> to vector<16xi32>
    %swap3A_204 = vector.shape_cast %get3A_200 : vector<16xi32> to vector<16xi32>
    tpu.vector_store %arg11[%swap3A_201], %swap3A_204 {strides = array<i32>} : memref<80xi32, #tpu.memory_space<vmem>>, vector<16xi32>,
    %get3A_205 = arith.constant 176 : index
    %get3A_206 = tpu.vector_load %arg8[%get3A_205] {strides = array<i32>} : memref<10000xi32, #tpu.memory_space<vmem>>, vector<16xi32>,
    %get3A_207 = vector.shape_cast %get3A_206 : vector<16xi32> to vector<16xi32>
    %swap3A_208 = arith.constant 16 : index
    %swap3A_209 = tpu.vector_load %arg11[%swap3A_208] {strides = array<i32>} : memref<80xi32, #tpu.memory_space<vmem>>, vector<16xi32>,
    %swap3A_210 = vector.shape_cast %swap3A_209 : vector<16xi32> to vector<16xi32>
    %swap3A_211 = vector.shape_cast %get3A_207 : vector<16xi32> to vector<16xi32>
    tpu.vector_store %arg11[%swap3A_208], %swap3A_211 {strides = array<i32>} : memref<80xi32, #tpu.memory_space<vmem>>, vector<16xi32>,
    %get3A_212 = arith.constant 192 : index
    %get3A_213 = tpu.vector_load %arg8[%get3A_212] {strides = array<i32>} : memref<10000xi32, #tpu.memory_space<vmem>>, vector<16xi32>,
    %get3A_214 = vector.shape_cast %get3A_213 : vector<16xi32> to vector<16xi32>
    %swap3A_215 = arith.constant 32 : index
    %swap3A_216 = tpu.vector_load %arg11[%swap3A_215] {strides = array<i32>} : memref<80xi32, #tpu.memory_space<vmem>>, vector<16xi32>,
    %swap3A_217 = vector.shape_cast %swap3A_216 : vector<16xi32> to vector<16xi32>
    %swap3A_218 = vector.shape_cast %get3A_214 : vector<16xi32> to vector<16xi32>
    tpu.vector_store %arg11[%swap3A_215], %swap3A_218 {strides = array<i32>} : memref<80xi32, #tpu.memory_space<vmem>>, vector<16xi32>,
    %get3A_219 = arith.constant 208 : index
    %get3A_220 = tpu.vector_load %arg8[%get3A_219] {strides = array<i32>} : memref<10000xi32, #tpu.memory_space<vmem>>, vector<16xi32>,
    %get3A_221 = vector.shape_cast %get3A_220 : vector<16xi32> to vector<16xi32>
    %swap3A_222 = arith.constant 48 : index
    %swap3A_223 = tpu.vector_load %arg11[%swap3A_222] {strides = array<i32>} : memref<80xi32, #tpu.memory_space<vmem>>, vector<16xi32>,
    %swap3A_224 = vector.shape_cast %swap3A_223 : vector<16xi32> to vector<16xi32>
    %swap3A_225 = vector.shape_cast %get3A_221 : vector<16xi32> to vector<16xi32>
    tpu.vector_store %arg11[%swap3A_222], %swap3A_225 {strides = array<i32>} : memref<80xi32, #tpu.memory_space<vmem>>, vector<16xi32>,
    %get3A_226 = arith.constant 224 : index
    %get3A_227 = tpu.vector_load %arg8[%get3A_226] {strides = array<i32>} : memref<10000xi32, #tpu.memory_space<vmem>>, vector<16xi32>,
    %get3A_228 = vector.shape_cast %get3A_227 : vector<16xi32> to vector<16xi32>
    %swap3A_229 = arith.constant 64 : index
    %swap3A_230 = tpu.vector_load %arg11[%swap3A_229] {strides = array<i32>} : memref<80xi32, #tpu.memory_space<vmem>>, vector<16xi32>,
    %swap3A_231 = vector.shape_cast %swap3A_230 : vector<16xi32> to vector<16xi32>
    %swap3A_232 = vector.shape_cast %get3A_228 : vector<16xi32> to vector<16xi32>
    tpu.vector_store %arg11[%swap3A_229], %swap3A_232 {strides = array<i32>} : memref<80xi32, #tpu.memory_space<vmem>>, vector<16xi32>,
    %parallel_loop3A_233 = arith.constant 0 : i32
    %parallel_loop3A_234 = arith.constant 80 : i32
    %parallel_loop3A_235 = arith.constant 1 : i32
    scf.for %parallel_loop3A_554 = %parallel_loop3A_233 to %parallel_loop3A_234 step %parallel_loop3A_235  : i32 {
      %parallel_loop3A_555 = arith.index_cast %parallel_loop3A_554 : i32 to index
      %parallel_loop3A_556 = arith.constant 0 : index
      %parallel_loop3A_557 = tpu.vector_load %arg14[%parallel_loop3A_555, %parallel_loop3A_556] {strides = array<i32>} : memref<80x64xf32, #tpu.memory_space<vmem>>, vector<1x16xf32>,
      %parallel_loop3A_558 = vector.shape_cast %parallel_loop3A_557 : vector<1x16xf32> to vector<16xf32>
      %parallel_loop3A_559 = arith.index_cast %parallel_loop3A_554 : i32 to index
      %parallel_loop3A_560 = arith.constant 0 : index
      %parallel_loop3A_561 = tpu.vector_load %arg17[%parallel_loop3A_559, %parallel_loop3A_560] {strides = array<i32>} : memref<80x64xf32, #tpu.memory_space<vmem>>, vector<1x16xf32>,
      %parallel_loop3A_562 = vector.shape_cast %parallel_loop3A_561 : vector<1x16xf32> to vector<16xf32>
      %parallel_loop3A_563 = arith.addf %parallel_loop3A_558, %parallel_loop3A_562 : vector<16xf32>
      %parallel_loop3A_564 = arith.constant 0.000000e+00 : f32
      %parallel_loop3A_565 = vector.broadcast %parallel_loop3A_564 : f32 to vector<16xf32>
      %parallel_loop3A_566 = arith.maximumf %parallel_loop3A_563, %parallel_loop3A_565 : vector<16xf32>
      %parallel_loop3A_567 = arith.index_cast %parallel_loop3A_554 : i32 to index
      %parallel_loop3A_568 = arith.constant 0 : index
      %parallel_loop3A_569 = tpu.vector_load %arg20[%parallel_loop3A_567, %parallel_loop3A_568] {strides = array<i32>} : memref<80x80xf32, #tpu.memory_space<vmem>>, vector<1x16xf32>,
      %parallel_loop3A_570 = vector.shape_cast %parallel_loop3A_569 : vector<1x16xf32> to vector<16xf32>
      %parallel_loop3A_571 = vector.shape_cast %parallel_loop3A_566 : vector<16xf32> to vector<1x16xf32>
      tpu.vector_store %arg20[%parallel_loop3A_567, %parallel_loop3A_568], %parallel_loop3A_571 {strides = array<i32>} : memref<80x80xf32, #tpu.memory_space<vmem>>, vector<1x16xf32>,
      %parallel_loop3A_572 = arith.index_cast %parallel_loop3A_554 : i32 to index
      %parallel_loop3A_573 = arith.constant 16 : index
      %parallel_loop3A_574 = tpu.vector_load %arg14[%parallel_loop3A_572, %parallel_loop3A_573] {strides = array<i32>} : memref<80x64xf32, #tpu.memory_space<vmem>>, vector<1x16xf32>,
      %parallel_loop3A_575 = vector.shape_cast %parallel_loop3A_574 : vector<1x16xf32> to vector<16xf32>
      %parallel_loop3A_576 = arith.index_cast %parallel_loop3A_554 : i32 to index
      %parallel_loop3A_577 = arith.constant 16 : index
      %parallel_loop3A_578 = tpu.vector_load %arg17[%parallel_loop3A_576, %parallel_loop3A_577] {strides = array<i32>} : memref<80x64xf32, #tpu.memory_space<vmem>>, vector<1x16xf32>,
      %parallel_loop3A_579 = vector.shape_cast %parallel_loop3A_578 : vector<1x16xf32> to vector<16xf32>
      %parallel_loop3A_580 = arith.addf %parallel_loop3A_575, %parallel_loop3A_579 : vector<16xf32>
      %parallel_loop3A_581 = arith.constant 0.000000e+00 : f32
      %parallel_loop3A_582 = vector.broadcast %parallel_loop3A_581 : f32 to vector<16xf32>
      %parallel_loop3A_583 = arith.maximumf %parallel_loop3A_580, %parallel_loop3A_582 : vector<16xf32>
      %parallel_loop3A_584 = arith.index_cast %parallel_loop3A_554 : i32 to index
      %parallel_loop3A_585 = arith.constant 16 : index
      %parallel_loop3A_586 = tpu.vector_load %arg20[%parallel_loop3A_584, %parallel_loop3A_585] {strides = array<i32>} : memref<80x80xf32, #tpu.memory_space<vmem>>, vector<1x16xf32>,
      %parallel_loop3A_587 = vector.shape_cast %parallel_loop3A_586 : vector<1x16xf32> to vector<16xf32>
      %parallel_loop3A_588 = vector.shape_cast %parallel_loop3A_583 : vector<16xf32> to vector<1x16xf32>
      tpu.vector_store %arg20[%parallel_loop3A_584, %parallel_loop3A_585], %parallel_loop3A_588 {strides = array<i32>} : memref<80x80xf32, #tpu.memory_space<vmem>>, vector<1x16xf32>,
      %parallel_loop3A_589 = arith.index_cast %parallel_loop3A_554 : i32 to index
      %parallel_loop3A_590 = arith.constant 32 : index
      %parallel_loop3A_591 = tpu.vector_load %arg14[%parallel_loop3A_589, %parallel_loop3A_590] {strides = array<i32>} : memref<80x64xf32, #tpu.memory_space<vmem>>, vector<1x16xf32>,
      %parallel_loop3A_592 = vector.shape_cast %parallel_loop3A_591 : vector<1x16xf32> to vector<16xf32>
      %parallel_loop3A_593 = arith.index_cast %parallel_loop3A_554 : i32 to index
      %parallel_loop3A_594 = arith.constant 32 : index
      %parallel_loop3A_595 = tpu.vector_load %arg17[%parallel_loop3A_593, %parallel_loop3A_594] {strides = array<i32>} : memref<80x64xf32, #tpu.memory_space<vmem>>, vector<1x16xf32>,
      %parallel_loop3A_596 = vector.shape_cast %parallel_loop3A_595 : vector<1x16xf32> to vector<16xf32>
      %parallel_loop3A_597 = arith.addf %parallel_loop3A_592, %parallel_loop3A_596 : vector<16xf32>
      %parallel_loop3A_598 = arith.constant 0.000000e+00 : f32
      %parallel_loop3A_599 = vector.broadcast %parallel_loop3A_598 : f32 to vector<16xf32>
      %parallel_loop3A_600 = arith.maximumf %parallel_loop3A_597, %parallel_loop3A_599 : vector<16xf32>
      %parallel_loop3A_601 = arith.index_cast %parallel_loop3A_554 : i32 to index
      %parallel_loop3A_602 = arith.constant 32 : index
      %parallel_loop3A_603 = tpu.vector_load %arg20[%parallel_loop3A_601, %parallel_loop3A_602] {strides = array<i32>} : memref<80x80xf32, #tpu.memory_space<vmem>>, vector<1x16xf32>,
      %parallel_loop3A_604 = vector.shape_cast %parallel_loop3A_603 : vector<1x16xf32> to vector<16xf32>
      %parallel_loop3A_605 = vector.shape_cast %parallel_loop3A_600 : vector<16xf32> to vector<1x16xf32>
      tpu.vector_store %arg20[%parallel_loop3A_601, %parallel_loop3A_602], %parallel_loop3A_605 {strides = array<i32>} : memref<80x80xf32, #tpu.memory_space<vmem>>, vector<1x16xf32>,
      %parallel_loop3A_606 = arith.index_cast %parallel_loop3A_554 : i32 to index
      %parallel_loop3A_607 = arith.constant 48 : index
      %parallel_loop3A_608 = tpu.vector_load %arg14[%parallel_loop3A_606, %parallel_loop3A_607] {strides = array<i32>} : memref<80x64xf32, #tpu.memory_space<vmem>>, vector<1x16xf32>,
      %parallel_loop3A_609 = vector.shape_cast %parallel_loop3A_608 : vector<1x16xf32> to vector<16xf32>
      %parallel_loop3A_610 = arith.index_cast %parallel_loop3A_554 : i32 to index
      %parallel_loop3A_611 = arith.constant 48 : index
      %parallel_loop3A_612 = tpu.vector_load %arg17[%parallel_loop3A_610, %parallel_loop3A_611] {strides = array<i32>} : memref<80x64xf32, #tpu.memory_space<vmem>>, vector<1x16xf32>,
      %parallel_loop3A_613 = vector.shape_cast %parallel_loop3A_612 : vector<1x16xf32> to vector<16xf32>
      %parallel_loop3A_614 = arith.addf %parallel_loop3A_609, %parallel_loop3A_613 : vector<16xf32>
      %parallel_loop3A_615 = arith.constant 0.000000e+00 : f32
      %parallel_loop3A_616 = vector.broadcast %parallel_loop3A_615 : f32 to vector<16xf32>
      %parallel_loop3A_617 = arith.maximumf %parallel_loop3A_614, %parallel_loop3A_616 : vector<16xf32>
      %parallel_loop3A_618 = arith.index_cast %parallel_loop3A_554 : i32 to index
      %parallel_loop3A_619 = arith.constant 48 : index
      %parallel_loop3A_620 = tpu.vector_load %arg20[%parallel_loop3A_618, %parallel_loop3A_619] {strides = array<i32>} : memref<80x80xf32, #tpu.memory_space<vmem>>, vector<1x16xf32>,
      %parallel_loop3A_621 = vector.shape_cast %parallel_loop3A_620 : vector<1x16xf32> to vector<16xf32>
      %parallel_loop3A_622 = vector.shape_cast %parallel_loop3A_617 : vector<16xf32> to vector<1x16xf32>
      tpu.vector_store %arg20[%parallel_loop3A_618, %parallel_loop3A_619], %parallel_loop3A_622 {strides = array<i32>} : memref<80x80xf32, #tpu.memory_space<vmem>>, vector<1x16xf32>,
    } {sc.loop_unroll_factor = 2 : i64, sc.parallel_access}
    %dma_start3A_236 = arith.constant 400 : i32
    %dma_start3A_237 = tpu.memref_slice %arg8[%dma_start3A_236] : memref<10000xi32, #tpu.memory_space<vmem>> -> memref<80xi32, #tpu.memory_space<vmem>>
    %dma_start3A_238 = arith.constant 0 : i32
    %dma_start3A_239 = arith.constant 0 : i32
    %dma_start3A_240 = tpu.memref_slice %arg3[%dma_start3A_238, %dma_start3A_239] : memref<10000x64xf32, #tpu.memory_space<hbm>> -> memref<10000x64xf32, #tpu.memory_space<hbm>>
    tpu.enqueue_indirect_dma source(%dma_start3A_240 : memref<10000x64xf32, #tpu.memory_space<hbm>>) target(%arg14 : memref<80x64xf32, #tpu.memory_space<vmem>>) offsets(%dma_start3A_237 : memref<80xi32, #tpu.memory_space<vmem>>) semaphore(%arg23 : memref<!tpu.dma_semaphore, #tpu.memory_space<semaphore_mem>>)
    %dma_start3A_241 = arith.constant 400 : i32
    %dma_start3A_242 = tpu.memref_slice %arg7[%dma_start3A_241] : memref<10000xi32, #tpu.memory_space<vmem>> -> memref<80xi32, #tpu.memory_space<vmem>>
    %dma_start3A_243 = arith.constant 0 : i32
    %dma_start3A_244 = arith.constant 0 : i32
    %dma_start3A_245 = tpu.memref_slice %arg4[%dma_start3A_243, %dma_start3A_244] : memref<10000x64xf32, #tpu.memory_space<hbm>> -> memref<10000x64xf32, #tpu.memory_space<hbm>>
    tpu.enqueue_indirect_dma source(%dma_start3A_245 : memref<10000x64xf32, #tpu.memory_space<hbm>>) target(%arg17 : memref<80x64xf32, #tpu.memory_space<vmem>>) offsets(%dma_start3A_242 : memref<80xi32, #tpu.memory_space<vmem>>) semaphore(%arg23 : memref<!tpu.dma_semaphore, #tpu.memory_space<semaphore_mem>>)
    %dma_start3A_246 = arith.constant 0 : i32
    %dma_start3A_247 = arith.constant 0 : i32
    %dma_start3A_248 = tpu.memref_slice %arg6[%dma_start3A_246, %dma_start3A_247] : memref<10112x80xf32, #tpu.memory_space<vmem_shared>> -> memref<10112x80xf32, #tpu.memory_space<vmem_shared>>
    tpu.enqueue_indirect_dma source(%arg20 : memref<80x80xf32, #tpu.memory_space<vmem>>) target(%dma_start3A_248 : memref<10112x80xf32, #tpu.memory_space<vmem_shared>>) offsets(%arg11 : memref<80xi32, #tpu.memory_space<vmem>>) semaphore(%arg26 : memref<!tpu.dma_semaphore, #tpu.memory_space<semaphore_mem>>) {add = true}
    %scan3A_249 = arith.constant 0 : i32
    %scan3A_250 = arith.constant 39 : i32
    %scan3A_251 = arith.addi %scan3A_249, %scan3A_250 : i32
    %scan3A_252 = arith.constant 1 : i32
    scf.for %scan3A_554 = %scan3A_249 to %scan3A_251 step %scan3A_252  : i32 {
      %mul3A_555 = arith.constant 3 : i32
      %mul3A_556 = arith.muli %scan3A_554, %mul3A_555 : i32
      %add3A_557 = arith.constant 3 : i32
      %add3A_558 = arith.addi %add3A_557, %mul3A_556 : i32
      %mul3A_559 = arith.constant 80 : i32
      %mul3A_560 = arith.muli %add3A_558, %mul3A_559 : i32
      %dma_wait3A_561 = tpu.memref_slice %arg8[%mul3A_560] : memref<10000xi32, #tpu.memory_space<vmem>> -> memref<80xi32, #tpu.memory_space<vmem>>
      %dma_wait3A_562 = arith.constant 0 : i32
      %dma_wait3A_563 = arith.constant 0 : i32
      %dma_wait3A_564 = tpu.memref_slice %arg3[%dma_wait3A_562, %dma_wait3A_563] : memref<10000x64xf32, #tpu.memory_space<hbm>> -> memref<10000x64xf32, #tpu.memory_space<hbm>>
      tpu.wait_indirect_dma semaphore(%arg21 : memref<!tpu.dma_semaphore, #tpu.memory_space<semaphore_mem>>) src(%dma_wait3A_564 : memref<10000x64xf32, #tpu.memory_space<hbm>>) dst(%arg12 : memref<80x64xf32, #tpu.memory_space<vmem>>)
      %dma_wait3A_565 = tpu.memref_slice %arg7[%mul3A_560] : memref<10000xi32, #tpu.memory_space<vmem>> -> memref<80xi32, #tpu.memory_space<vmem>>
      %dma_wait3A_566 = arith.constant 0 : i32
      %dma_wait3A_567 = arith.constant 0 : i32
      %dma_wait3A_568 = tpu.memref_slice %arg4[%dma_wait3A_566, %dma_wait3A_567] : memref<10000x64xf32, #tpu.memory_space<hbm>> -> memref<10000x64xf32, #tpu.memory_space<hbm>>
      tpu.wait_indirect_dma semaphore(%arg21 : memref<!tpu.dma_semaphore, #tpu.memory_space<semaphore_mem>>) src(%dma_wait3A_568 : memref<10000x64xf32, #tpu.memory_space<hbm>>) dst(%arg15 : memref<80x64xf32, #tpu.memory_space<vmem>>)
      %dma_wait3A_569 = arith.constant 0 : i32
      %dma_wait3A_570 = arith.constant 0 : i32
      %dma_wait3A_571 = tpu.memref_slice %arg6[%dma_wait3A_569, %dma_wait3A_570] : memref<10112x80xf32, #tpu.memory_space<vmem_shared>> -> memref<10112x80xf32, #tpu.memory_space<vmem_shared>>
      tpu.wait_indirect_dma semaphore(%arg24 : memref<!tpu.dma_semaphore, #tpu.memory_space<semaphore_mem>>) src(%arg18 : memref<80x80xf32, #tpu.memory_space<vmem>>) dst(%dma_wait3A_571 : memref<10112x80xf32, #tpu.memory_space<vmem_shared>>)
      %mul3A_572 = arith.constant 80 : i32
      %mul3A_573 = arith.muli %add3A_558, %mul3A_572 : i32
      %add3A_574 = arith.constant 0 : i32
      %add3A_575 = arith.addi %mul3A_573, %add3A_574 : i32
      %get3A_576 = arith.index_cast %add3A_575 : i32 to index
      %get3A_577 = tpu.vector_load %arg8[%get3A_576] {strides = array<i32>} : memref<10000xi32, #tpu.memory_space<vmem>>, vector<16xi32>,
      %get3A_578 = vector.shape_cast %get3A_577 : vector<16xi32> to vector<16xi32>
      %swap3A_579 = arith.constant 0 : index
      %swap3A_580 = tpu.vector_load %arg9[%swap3A_579] {strides = array<i32>} : memref<80xi32, #tpu.memory_space<vmem>>, vector<16xi32>,
      %swap3A_581 = vector.shape_cast %swap3A_580 : vector<16xi32> to vector<16xi32>
      %swap3A_582 = vector.shape_cast %get3A_578 : vector<16xi32> to vector<16xi32>
      tpu.vector_store %arg9[%swap3A_579], %swap3A_582 {strides = array<i32>} : memref<80xi32, #tpu.memory_space<vmem>>, vector<16xi32>,
      %mul3A_583 = arith.constant 80 : i32
      %mul3A_584 = arith.muli %add3A_558, %mul3A_583 : i32
      %add3A_585 = arith.constant 16 : i32
      %add3A_586 = arith.addi %mul3A_584, %add3A_585 : i32
      %get3A_587 = arith.index_cast %add3A_586 : i32 to index
      %get3A_588 = tpu.vector_load %arg8[%get3A_587] {strides = array<i32>} : memref<10000xi32, #tpu.memory_space<vmem>>, vector<16xi32>,
      %get3A_589 = vector.shape_cast %get3A_588 : vector<16xi32> to vector<16xi32>
      %swap3A_590 = arith.constant 16 : index
      %swap3A_591 = tpu.vector_load %arg9[%swap3A_590] {strides = array<i32>} : memref<80xi32, #tpu.memory_space<vmem>>, vector<16xi32>,
      %swap3A_592 = vector.shape_cast %swap3A_591 : vector<16xi32> to vector<16xi32>
      %swap3A_593 = vector.shape_cast %get3A_589 : vector<16xi32> to vector<16xi32>
      tpu.vector_store %arg9[%swap3A_590], %swap3A_593 {strides = array<i32>} : memref<80xi32, #tpu.memory_space<vmem>>, vector<16xi32>,
      %mul3A_594 = arith.constant 80 : i32
      %mul3A_595 = arith.muli %add3A_558, %mul3A_594 : i32
      %add3A_596 = arith.constant 32 : i32
      %add3A_597 = arith.addi %mul3A_595, %add3A_596 : i32
      %get3A_598 = arith.index_cast %add3A_597 : i32 to index
      %get3A_599 = tpu.vector_load %arg8[%get3A_598] {strides = array<i32>} : memref<10000xi32, #tpu.memory_space<vmem>>, vector<16xi32>,
      %get3A_600 = vector.shape_cast %get3A_599 : vector<16xi32> to vector<16xi32>
      %swap3A_601 = arith.constant 32 : index
      %swap3A_602 = tpu.vector_load %arg9[%swap3A_601] {strides = array<i32>} : memref<80xi32, #tpu.memory_space<vmem>>, vector<16xi32>,
      %swap3A_603 = vector.shape_cast %swap3A_602 : vector<16xi32> to vector<16xi32>
      %swap3A_604 = vector.shape_cast %get3A_600 : vector<16xi32> to vector<16xi32>
      tpu.vector_store %arg9[%swap3A_601], %swap3A_604 {strides = array<i32>} : memref<80xi32, #tpu.memory_space<vmem>>, vector<16xi32>,
      %mul3A_605 = arith.constant 80 : i32
      %mul3A_606 = arith.muli %add3A_558, %mul3A_605 : i32
      %add3A_607 = arith.constant 48 : i32
      %add3A_608 = arith.addi %mul3A_606, %add3A_607 : i32
      %get3A_609 = arith.index_cast %add3A_608 : i32 to index
      %get3A_610 = tpu.vector_load %arg8[%get3A_609] {strides = array<i32>} : memref<10000xi32, #tpu.memory_space<vmem>>, vector<16xi32>,
      %get3A_611 = vector.shape_cast %get3A_610 : vector<16xi32> to vector<16xi32>
      %swap3A_612 = arith.constant 48 : index
      %swap3A_613 = tpu.vector_load %arg9[%swap3A_612] {strides = array<i32>} : memref<80xi32, #tpu.memory_space<vmem>>, vector<16xi32>,
      %swap3A_614 = vector.shape_cast %swap3A_613 : vector<16xi32> to vector<16xi32>
      %swap3A_615 = vector.shape_cast %get3A_611 : vector<16xi32> to vector<16xi32>
      tpu.vector_store %arg9[%swap3A_612], %swap3A_615 {strides = array<i32>} : memref<80xi32, #tpu.memory_space<vmem>>, vector<16xi32>,
      %mul3A_616 = arith.constant 80 : i32
      %mul3A_617 = arith.muli %add3A_558, %mul3A_616 : i32
      %add3A_618 = arith.constant 64 : i32
      %add3A_619 = arith.addi %mul3A_617, %add3A_618 : i32
      %get3A_620 = arith.index_cast %add3A_619 : i32 to index
      %get3A_621 = tpu.vector_load %arg8[%get3A_620] {strides = array<i32>} : memref<10000xi32, #tpu.memory_space<vmem>>, vector<16xi32>,
      %get3A_622 = vector.shape_cast %get3A_621 : vector<16xi32> to vector<16xi32>
      %swap3A_623 = arith.constant 64 : index
      %swap3A_624 = tpu.vector_load %arg9[%swap3A_623] {strides = array<i32>} : memref<80xi32, #tpu.memory_space<vmem>>, vector<16xi32>,
      %swap3A_625 = vector.shape_cast %swap3A_624 : vector<16xi32> to vector<16xi32>
      %swap3A_626 = vector.shape_cast %get3A_622 : vector<16xi32> to vector<16xi32>
      tpu.vector_store %arg9[%swap3A_623], %swap3A_626 {strides = array<i32>} : memref<80xi32, #tpu.memory_space<vmem>>, vector<16xi32>,
      %parallel_loop3A_627 = arith.constant 0 : i32
      %parallel_loop3A_628 = arith.constant 80 : i32
      %parallel_loop3A_629 = arith.constant 1 : i32
      scf.for %parallel_loop3A_821 = %parallel_loop3A_627 to %parallel_loop3A_628 step %parallel_loop3A_629  : i32 {
        %parallel_loop3A_822 = arith.index_cast %parallel_loop3A_821 : i32 to index
        %parallel_loop3A_823 = arith.constant 0 : index
        %parallel_loop3A_824 = tpu.vector_load %arg12[%parallel_loop3A_822, %parallel_loop3A_823] {strides = array<i32>} : memref<80x64xf32, #tpu.memory_space<vmem>>, vector<1x16xf32>,
        %parallel_loop3A_825 = vector.shape_cast %parallel_loop3A_824 : vector<1x16xf32> to vector<16xf32>
        %parallel_loop3A_826 = arith.index_cast %parallel_loop3A_821 : i32 to index
        %parallel_loop3A_827 = arith.constant 0 : index
        %parallel_loop3A_828 = tpu.vector_load %arg15[%parallel_loop3A_826, %parallel_loop3A_827] {strides = array<i32>} : memref<80x64xf32, #tpu.memory_space<vmem>>, vector<1x16xf32>,
        %parallel_loop3A_829 = vector.shape_cast %parallel_loop3A_828 : vector<1x16xf32> to vector<16xf32>
        %parallel_loop3A_830 = arith.addf %parallel_loop3A_825, %parallel_loop3A_829 : vector<16xf32>
        %parallel_loop3A_831 = arith.constant 0.000000e+00 : f32
        %parallel_loop3A_832 = vector.broadcast %parallel_loop3A_831 : f32 to vector<16xf32>
        %parallel_loop3A_833 = arith.maximumf %parallel_loop3A_830, %parallel_loop3A_832 : vector<16xf32>
        %parallel_loop3A_834 = arith.index_cast %parallel_loop3A_821 : i32 to index
        %parallel_loop3A_835 = arith.constant 0 : index
        %parallel_loop3A_836 = tpu.vector_load %arg18[%parallel_loop3A_834, %parallel_loop3A_835] {strides = array<i32>} : memref<80x80xf32, #tpu.memory_space<vmem>>, vector<1x16xf32>,
        %parallel_loop3A_837 = vector.shape_cast %parallel_loop3A_836 : vector<1x16xf32> to vector<16xf32>
        %parallel_loop3A_838 = vector.shape_cast %parallel_loop3A_833 : vector<16xf32> to vector<1x16xf32>
        tpu.vector_store %arg18[%parallel_loop3A_834, %parallel_loop3A_835], %parallel_loop3A_838 {strides = array<i32>} : memref<80x80xf32, #tpu.memory_space<vmem>>, vector<1x16xf32>,
        %parallel_loop3A_839 = arith.index_cast %parallel_loop3A_821 : i32 to index
        %parallel_loop3A_840 = arith.constant 16 : index
        %parallel_loop3A_841 = tpu.vector_load %arg12[%parallel_loop3A_839, %parallel_loop3A_840] {strides = array<i32>} : memref<80x64xf32, #tpu.memory_space<vmem>>, vector<1x16xf32>,
        %parallel_loop3A_842 = vector.shape_cast %parallel_loop3A_841 : vector<1x16xf32> to vector<16xf32>
        %parallel_loop3A_843 = arith.index_cast %parallel_loop3A_821 : i32 to index
        %parallel_loop3A_844 = arith.constant 16 : index
        %parallel_loop3A_845 = tpu.vector_load %arg15[%parallel_loop3A_843, %parallel_loop3A_844] {strides = array<i32>} : memref<80x64xf32, #tpu.memory_space<vmem>>, vector<1x16xf32>,
        %parallel_loop3A_846 = vector.shape_cast %parallel_loop3A_845 : vector<1x16xf32> to vector<16xf32>
        %parallel_loop3A_847 = arith.addf %parallel_loop3A_842, %parallel_loop3A_846 : vector<16xf32>
        %parallel_loop3A_848 = arith.constant 0.000000e+00 : f32
        %parallel_loop3A_849 = vector.broadcast %parallel_loop3A_848 : f32 to vector<16xf32>
        %parallel_loop3A_850 = arith.maximumf %parallel_loop3A_847, %parallel_loop3A_849 : vector<16xf32>
        %parallel_loop3A_851 = arith.index_cast %parallel_loop3A_821 : i32 to index
        %parallel_loop3A_852 = arith.constant 16 : index
        %parallel_loop3A_853 = tpu.vector_load %arg18[%parallel_loop3A_851, %parallel_loop3A_852] {strides = array<i32>} : memref<80x80xf32, #tpu.memory_space<vmem>>, vector<1x16xf32>,
        %parallel_loop3A_854 = vector.shape_cast %parallel_loop3A_853 : vector<1x16xf32> to vector<16xf32>
        %parallel_loop3A_855 = vector.shape_cast %parallel_loop3A_850 : vector<16xf32> to vector<1x16xf32>
        tpu.vector_store %arg18[%parallel_loop3A_851, %parallel_loop3A_852], %parallel_loop3A_855 {strides = array<i32>} : memref<80x80xf32, #tpu.memory_space<vmem>>, vector<1x16xf32>,
        %parallel_loop3A_856 = arith.index_cast %parallel_loop3A_821 : i32 to index
        %parallel_loop3A_857 = arith.constant 32 : index
        %parallel_loop3A_858 = tpu.vector_load %arg12[%parallel_loop3A_856, %parallel_loop3A_857] {strides = array<i32>} : memref<80x64xf32, #tpu.memory_space<vmem>>, vector<1x16xf32>,
        %parallel_loop3A_859 = vector.shape_cast %parallel_loop3A_858 : vector<1x16xf32> to vector<16xf32>
        %parallel_loop3A_860 = arith.index_cast %parallel_loop3A_821 : i32 to index
        %parallel_loop3A_861 = arith.constant 32 : index
        %parallel_loop3A_862 = tpu.vector_load %arg15[%parallel_loop3A_860, %parallel_loop3A_861] {strides = array<i32>} : memref<80x64xf32, #tpu.memory_space<vmem>>, vector<1x16xf32>,
        %parallel_loop3A_863 = vector.shape_cast %parallel_loop3A_862 : vector<1x16xf32> to vector<16xf32>
        %parallel_loop3A_864 = arith.addf %parallel_loop3A_859, %parallel_loop3A_863 : vector<16xf32>
        %parallel_loop3A_865 = arith.constant 0.000000e+00 : f32
        %parallel_loop3A_866 = vector.broadcast %parallel_loop3A_865 : f32 to vector<16xf32>
        %parallel_loop3A_867 = arith.maximumf %parallel_loop3A_864, %parallel_loop3A_866 : vector<16xf32>
        %parallel_loop3A_868 = arith.index_cast %parallel_loop3A_821 : i32 to index
        %parallel_loop3A_869 = arith.constant 32 : index
        %parallel_loop3A_870 = tpu.vector_load %arg18[%parallel_loop3A_868, %parallel_loop3A_869] {strides = array<i32>} : memref<80x80xf32, #tpu.memory_space<vmem>>, vector<1x16xf32>,
        %parallel_loop3A_871 = vector.shape_cast %parallel_loop3A_870 : vector<1x16xf32> to vector<16xf32>
        %parallel_loop3A_872 = vector.shape_cast %parallel_loop3A_867 : vector<16xf32> to vector<1x16xf32>
        tpu.vector_store %arg18[%parallel_loop3A_868, %parallel_loop3A_869], %parallel_loop3A_872 {strides = array<i32>} : memref<80x80xf32, #tpu.memory_space<vmem>>, vector<1x16xf32>,
        %parallel_loop3A_873 = arith.index_cast %parallel_loop3A_821 : i32 to index
        %parallel_loop3A_874 = arith.constant 48 : index
        %parallel_loop3A_875 = tpu.vector_load %arg12[%parallel_loop3A_873, %parallel_loop3A_874] {strides = array<i32>} : memref<80x64xf32, #tpu.memory_space<vmem>>, vector<1x16xf32>,
        %parallel_loop3A_876 = vector.shape_cast %parallel_loop3A_875 : vector<1x16xf32> to vector<16xf32>
        %parallel_loop3A_877 = arith.index_cast %parallel_loop3A_821 : i32 to index
        %parallel_loop3A_878 = arith.constant 48 : index
        %parallel_loop3A_879 = tpu.vector_load %arg15[%parallel_loop3A_877, %parallel_loop3A_878] {strides = array<i32>} : memref<80x64xf32, #tpu.memory_space<vmem>>, vector<1x16xf32>,
        %parallel_loop3A_880 = vector.shape_cast %parallel_loop3A_879 : vector<1x16xf32> to vector<16xf32>
        %parallel_loop3A_881 = arith.addf %parallel_loop3A_876, %parallel_loop3A_880 : vector<16xf32>
        %parallel_loop3A_882 = arith.constant 0.000000e+00 : f32
        %parallel_loop3A_883 = vector.broadcast %parallel_loop3A_882 : f32 to vector<16xf32>
        %parallel_loop3A_884 = arith.maximumf %parallel_loop3A_881, %parallel_loop3A_883 : vector<16xf32>
        %parallel_loop3A_885 = arith.index_cast %parallel_loop3A_821 : i32 to index
        %parallel_loop3A_886 = arith.constant 48 : index
        %parallel_loop3A_887 = tpu.vector_load %arg18[%parallel_loop3A_885, %parallel_loop3A_886] {strides = array<i32>} : memref<80x80xf32, #tpu.memory_space<vmem>>, vector<1x16xf32>,
        %parallel_loop3A_888 = vector.shape_cast %parallel_loop3A_887 : vector<1x16xf32> to vector<16xf32>
        %parallel_loop3A_889 = vector.shape_cast %parallel_loop3A_884 : vector<16xf32> to vector<1x16xf32>
        tpu.vector_store %arg18[%parallel_loop3A_885, %parallel_loop3A_886], %parallel_loop3A_889 {strides = array<i32>} : memref<80x80xf32, #tpu.memory_space<vmem>>, vector<1x16xf32>,
      } {sc.loop_unroll_factor = 2 : i64, sc.parallel_access}
      %add3A_630 = arith.constant 3 : i32
      %add3A_631 = arith.addi %add3A_558, %add3A_630 : i32
      %mul3A_632 = arith.constant 80 : i32
      %mul3A_633 = arith.muli %add3A_631, %mul3A_632 : i32
      %dma_start3A_634 = tpu.memref_slice %arg8[%mul3A_633] : memref<10000xi32, #tpu.memory_space<vmem>> -> memref<80xi32, #tpu.memory_space<vmem>>
      %dma_start3A_635 = arith.constant 0 : i32
      %dma_start3A_636 = arith.constant 0 : i32
      %dma_start3A_637 = tpu.memref_slice %arg3[%dma_start3A_635, %dma_start3A_636] : memref<10000x64xf32, #tpu.memory_space<hbm>> -> memref<10000x64xf32, #tpu.memory_space<hbm>>
      tpu.enqueue_indirect_dma source(%dma_start3A_637 : memref<10000x64xf32, #tpu.memory_space<hbm>>) target(%arg12 : memref<80x64xf32, #tpu.memory_space<vmem>>) offsets(%dma_start3A_634 : memref<80xi32, #tpu.memory_space<vmem>>) semaphore(%arg21 : memref<!tpu.dma_semaphore, #tpu.memory_space<semaphore_mem>>)
      %dma_start3A_638 = tpu.memref_slice %arg7[%mul3A_633] : memref<10000xi32, #tpu.memory_space<vmem>> -> memref<80xi32, #tpu.memory_space<vmem>>
      %dma_start3A_639 = arith.constant 0 : i32
      %dma_start3A_640 = arith.constant 0 : i32
      %dma_start3A_641 = tpu.memref_slice %arg4[%dma_start3A_639, %dma_start3A_640] : memref<10000x64xf32, #tpu.memory_space<hbm>> -> memref<10000x64xf32, #tpu.memory_space<hbm>>
      tpu.enqueue_indirect_dma source(%dma_start3A_641 : memref<10000x64xf32, #tpu.memory_space<hbm>>) target(%arg15 : memref<80x64xf32, #tpu.memory_space<vmem>>) offsets(%dma_start3A_638 : memref<80xi32, #tpu.memory_space<vmem>>) semaphore(%arg21 : memref<!tpu.dma_semaphore, #tpu.memory_space<semaphore_mem>>)
      %dma_start3A_642 = arith.constant 0 : i32
      %dma_start3A_643 = arith.constant 0 : i32
      %dma_start3A_644 = tpu.memref_slice %arg6[%dma_start3A_642, %dma_start3A_643] : memref<10112x80xf32, #tpu.memory_space<vmem_shared>> -> memref<10112x80xf32, #tpu.memory_space<vmem_shared>>
      tpu.enqueue_indirect_dma source(%arg18 : memref<80x80xf32, #tpu.memory_space<vmem>>) target(%dma_start3A_644 : memref<10112x80xf32, #tpu.memory_space<vmem_shared>>) offsets(%arg9 : memref<80xi32, #tpu.memory_space<vmem>>) semaphore(%arg24 : memref<!tpu.dma_semaphore, #tpu.memory_space<semaphore_mem>>) {add = true}
      %add3A_645 = arith.constant 1 : i32
      %add3A_646 = arith.addi %add3A_558, %add3A_645 : i32
      %mul3A_647 = arith.constant 80 : i32
      %mul3A_648 = arith.muli %add3A_646, %mul3A_647 : i32
      %dma_wait3A_649 = tpu.memref_slice %arg8[%mul3A_648] : memref<10000xi32, #tpu.memory_space<vmem>> -> memref<80xi32, #tpu.memory_space<vmem>>
      %dma_wait3A_650 = arith.constant 0 : i32
      %dma_wait3A_651 = arith.constant 0 : i32
      %dma_wait3A_652 = tpu.memref_slice %arg3[%dma_wait3A_650, %dma_wait3A_651] : memref<10000x64xf32, #tpu.memory_space<hbm>> -> memref<10000x64xf32, #tpu.memory_space<hbm>>
      tpu.wait_indirect_dma semaphore(%arg22 : memref<!tpu.dma_semaphore, #tpu.memory_space<semaphore_mem>>) src(%dma_wait3A_652 : memref<10000x64xf32, #tpu.memory_space<hbm>>) dst(%arg13 : memref<80x64xf32, #tpu.memory_space<vmem>>)
      %dma_wait3A_653 = tpu.memref_slice %arg7[%mul3A_648] : memref<10000xi32, #tpu.memory_space<vmem>> -> memref<80xi32, #tpu.memory_space<vmem>>
      %dma_wait3A_654 = arith.constant 0 : i32
      %dma_wait3A_655 = arith.constant 0 : i32
      %dma_wait3A_656 = tpu.memref_slice %arg4[%dma_wait3A_654, %dma_wait3A_655] : memref<10000x64xf32, #tpu.memory_space<hbm>> -> memref<10000x64xf32, #tpu.memory_space<hbm>>
      tpu.wait_indirect_dma semaphore(%arg22 : memref<!tpu.dma_semaphore, #tpu.memory_space<semaphore_mem>>) src(%dma_wait3A_656 : memref<10000x64xf32, #tpu.memory_space<hbm>>) dst(%arg16 : memref<80x64xf32, #tpu.memory_space<vmem>>)
      %dma_wait3A_657 = arith.constant 0 : i32
      %dma_wait3A_658 = arith.constant 0 : i32
      %dma_wait3A_659 = tpu.memref_slice %arg6[%dma_wait3A_657, %dma_wait3A_658] : memref<10112x80xf32, #tpu.memory_space<vmem_shared>> -> memref<10112x80xf32, #tpu.memory_space<vmem_shared>>
      tpu.wait_indirect_dma semaphore(%arg25 : memref<!tpu.dma_semaphore, #tpu.memory_space<semaphore_mem>>) src(%arg19 : memref<80x80xf32, #tpu.memory_space<vmem>>) dst(%dma_wait3A_659 : memref<10112x80xf32, #tpu.memory_space<vmem_shared>>)
      %mul3A_660 = arith.constant 80 : i32
      %mul3A_661 = arith.muli %add3A_646, %mul3A_660 : i32
      %add3A_662 = arith.constant 0 : i32
      %add3A_663 = arith.addi %mul3A_661, %add3A_662 : i32
      %get3A_664 = arith.index_cast %add3A_663 : i32 to index
      %get3A_665 = tpu.vector_load %arg8[%get3A_664] {strides = array<i32>} : memref<10000xi32, #tpu.memory_space<vmem>>, vector<16xi32>,
      %get3A_666 = vector.shape_cast %get3A_665 : vector<16xi32> to vector<16xi32>
      %swap3A_667 = arith.constant 0 : index
      %swap3A_668 = tpu.vector_load %arg10[%swap3A_667] {strides = array<i32>} : memref<80xi32, #tpu.memory_space<vmem>>, vector<16xi32>,
      %swap3A_669 = vector.shape_cast %swap3A_668 : vector<16xi32> to vector<16xi32>
      %swap3A_670 = vector.shape_cast %get3A_666 : vector<16xi32> to vector<16xi32>
      tpu.vector_store %arg10[%swap3A_667], %swap3A_670 {strides = array<i32>} : memref<80xi32, #tpu.memory_space<vmem>>, vector<16xi32>,
      %mul3A_671 = arith.constant 80 : i32
      %mul3A_672 = arith.muli %add3A_646, %mul3A_671 : i32
      %add3A_673 = arith.constant 16 : i32
      %add3A_674 = arith.addi %mul3A_672, %add3A_673 : i32
      %get3A_675 = arith.index_cast %add3A_674 : i32 to index
      %get3A_676 = tpu.vector_load %arg8[%get3A_675] {strides = array<i32>} : memref<10000xi32, #tpu.memory_space<vmem>>, vector<16xi32>,
      %get3A_677 = vector.shape_cast %get3A_676 : vector<16xi32> to vector<16xi32>
      %swap3A_678 = arith.constant 16 : index
      %swap3A_679 = tpu.vector_load %arg10[%swap3A_678] {strides = array<i32>} : memref<80xi32, #tpu.memory_space<vmem>>, vector<16xi32>,
      %swap3A_680 = vector.shape_cast %swap3A_679 : vector<16xi32> to vector<16xi32>
      %swap3A_681 = vector.shape_cast %get3A_677 : vector<16xi32> to vector<16xi32>
      tpu.vector_store %arg10[%swap3A_678], %swap3A_681 {strides = array<i32>} : memref<80xi32, #tpu.memory_space<vmem>>, vector<16xi32>,
      %mul3A_682 = arith.constant 80 : i32
      %mul3A_683 = arith.muli %add3A_646, %mul3A_682 : i32
      %add3A_684 = arith.constant 32 : i32
      %add3A_685 = arith.addi %mul3A_683, %add3A_684 : i32
      %get3A_686 = arith.index_cast %add3A_685 : i32 to index
      %get3A_687 = tpu.vector_load %arg8[%get3A_686] {strides = array<i32>} : memref<10000xi32, #tpu.memory_space<vmem>>, vector<16xi32>,
      %get3A_688 = vector.shape_cast %get3A_687 : vector<16xi32> to vector<16xi32>
      %swap3A_689 = arith.constant 32 : index
      %swap3A_690 = tpu.vector_load %arg10[%swap3A_689] {strides = array<i32>} : memref<80xi32, #tpu.memory_space<vmem>>, vector<16xi32>,
      %swap3A_691 = vector.shape_cast %swap3A_690 : vector<16xi32> to vector<16xi32>
      %swap3A_692 = vector.shape_cast %get3A_688 : vector<16xi32> to vector<16xi32>
      tpu.vector_store %arg10[%swap3A_689], %swap3A_692 {strides = array<i32>} : memref<80xi32, #tpu.memory_space<vmem>>, vector<16xi32>,
      %mul3A_693 = arith.constant 80 : i32
      %mul3A_694 = arith.muli %add3A_646, %mul3A_693 : i32
      %add3A_695 = arith.constant 48 : i32
      %add3A_696 = arith.addi %mul3A_694, %add3A_695 : i32
      %get3A_697 = arith.index_cast %add3A_696 : i32 to index
      %get3A_698 = tpu.vector_load %arg8[%get3A_697] {strides = array<i32>} : memref<10000xi32, #tpu.memory_space<vmem>>, vector<16xi32>,
      %get3A_699 = vector.shape_cast %get3A_698 : vector<16xi32> to vector<16xi32>
      %swap3A_700 = arith.constant 48 : index
      %swap3A_701 = tpu.vector_load %arg10[%swap3A_700] {strides = array<i32>} : memref<80xi32, #tpu.memory_space<vmem>>, vector<16xi32>,
      %swap3A_702 = vector.shape_cast %swap3A_701 : vector<16xi32> to vector<16xi32>
      %swap3A_703 = vector.shape_cast %get3A_699 : vector<16xi32> to vector<16xi32>
      tpu.vector_store %arg10[%swap3A_700], %swap3A_703 {strides = array<i32>} : memref<80xi32, #tpu.memory_space<vmem>>, vector<16xi32>,
      %mul3A_704 = arith.constant 80 : i32
      %mul3A_705 = arith.muli %add3A_646, %mul3A_704 : i32
      %add3A_706 = arith.constant 64 : i32
      %add3A_707 = arith.addi %mul3A_705, %add3A_706 : i32
      %get3A_708 = arith.index_cast %add3A_707 : i32 to index
      %get3A_709 = tpu.vector_load %arg8[%get3A_708] {strides = array<i32>} : memref<10000xi32, #tpu.memory_space<vmem>>, vector<16xi32>,
      %get3A_710 = vector.shape_cast %get3A_709 : vector<16xi32> to vector<16xi32>
      %swap3A_711 = arith.constant 64 : index
      %swap3A_712 = tpu.vector_load %arg10[%swap3A_711] {strides = array<i32>} : memref<80xi32, #tpu.memory_space<vmem>>, vector<16xi32>,
      %swap3A_713 = vector.shape_cast %swap3A_712 : vector<16xi32> to vector<16xi32>
      %swap3A_714 = vector.shape_cast %get3A_710 : vector<16xi32> to vector<16xi32>
      tpu.vector_store %arg10[%swap3A_711], %swap3A_714 {strides = array<i32>} : memref<80xi32, #tpu.memory_space<vmem>>, vector<16xi32>,
      %parallel_loop3A_715 = arith.constant 0 : i32
      %parallel_loop3A_716 = arith.constant 80 : i32
      %parallel_loop3A_717 = arith.constant 1 : i32
      scf.for %parallel_loop3A_821 = %parallel_loop3A_715 to %parallel_loop3A_716 step %parallel_loop3A_717  : i32 {
        %parallel_loop3A_822 = arith.index_cast %parallel_loop3A_821 : i32 to index
        %parallel_loop3A_823 = arith.constant 0 : index
        %parallel_loop3A_824 = tpu.vector_load %arg13[%parallel_loop3A_822, %parallel_loop3A_823] {strides = array<i32>} : memref<80x64xf32, #tpu.memory_space<vmem>>, vector<1x16xf32>,
        %parallel_loop3A_825 = vector.shape_cast %parallel_loop3A_824 : vector<1x16xf32> to vector<16xf32>
        %parallel_loop3A_826 = arith.index_cast %parallel_loop3A_821 : i32 to index
        %parallel_loop3A_827 = arith.constant 0 : index
        %parallel_loop3A_828 = tpu.vector_load %arg16[%parallel_loop3A_826, %parallel_loop3A_827] {strides = array<i32>} : memref<80x64xf32, #tpu.memory_space<vmem>>, vector<1x16xf32>,
        %parallel_loop3A_829 = vector.shape_cast %parallel_loop3A_828 : vector<1x16xf32> to vector<16xf32>
        %parallel_loop3A_830 = arith.addf %parallel_loop3A_825, %parallel_loop3A_829 : vector<16xf32>
        %parallel_loop3A_831 = arith.constant 0.000000e+00 : f32
        %parallel_loop3A_832 = vector.broadcast %parallel_loop3A_831 : f32 to vector<16xf32>
        %parallel_loop3A_833 = arith.maximumf %parallel_loop3A_830, %parallel_loop3A_832 : vector<16xf32>
        %parallel_loop3A_834 = arith.index_cast %parallel_loop3A_821 : i32 to index
        %parallel_loop3A_835 = arith.constant 0 : index
        %parallel_loop3A_836 = tpu.vector_load %arg19[%parallel_loop3A_834, %parallel_loop3A_835] {strides = array<i32>} : memref<80x80xf32, #tpu.memory_space<vmem>>, vector<1x16xf32>,
        %parallel_loop3A_837 = vector.shape_cast %parallel_loop3A_836 : vector<1x16xf32> to vector<16xf32>
        %parallel_loop3A_838 = vector.shape_cast %parallel_loop3A_833 : vector<16xf32> to vector<1x16xf32>
        tpu.vector_store %arg19[%parallel_loop3A_834, %parallel_loop3A_835], %parallel_loop3A_838 {strides = array<i32>} : memref<80x80xf32, #tpu.memory_space<vmem>>, vector<1x16xf32>,
        %parallel_loop3A_839 = arith.index_cast %parallel_loop3A_821 : i32 to index
        %parallel_loop3A_840 = arith.constant 16 : index
        %parallel_loop3A_841 = tpu.vector_load %arg13[%parallel_loop3A_839, %parallel_loop3A_840] {strides = array<i32>} : memref<80x64xf32, #tpu.memory_space<vmem>>, vector<1x16xf32>,
        %parallel_loop3A_842 = vector.shape_cast %parallel_loop3A_841 : vector<1x16xf32> to vector<16xf32>
        %parallel_loop3A_843 = arith.index_cast %parallel_loop3A_821 : i32 to index
        %parallel_loop3A_844 = arith.constant 16 : index
        %parallel_loop3A_845 = tpu.vector_load %arg16[%parallel_loop3A_843, %parallel_loop3A_844] {strides = array<i32>} : memref<80x64xf32, #tpu.memory_space<vmem>>, vector<1x16xf32>,
        %parallel_loop3A_846 = vector.shape_cast %parallel_loop3A_845 : vector<1x16xf32> to vector<16xf32>
        %parallel_loop3A_847 = arith.addf %parallel_loop3A_842, %parallel_loop3A_846 : vector<16xf32>
        %parallel_loop3A_848 = arith.constant 0.000000e+00 : f32
        %parallel_loop3A_849 = vector.broadcast %parallel_loop3A_848 : f32 to vector<16xf32>
        %parallel_loop3A_850 = arith.maximumf %parallel_loop3A_847, %parallel_loop3A_849 : vector<16xf32>
        %parallel_loop3A_851 = arith.index_cast %parallel_loop3A_821 : i32 to index
        %parallel_loop3A_852 = arith.constant 16 : index
        %parallel_loop3A_853 = tpu.vector_load %arg19[%parallel_loop3A_851, %parallel_loop3A_852] {strides = array<i32>} : memref<80x80xf32, #tpu.memory_space<vmem>>, vector<1x16xf32>,
        %parallel_loop3A_854 = vector.shape_cast %parallel_loop3A_853 : vector<1x16xf32> to vector<16xf32>
        %parallel_loop3A_855 = vector.shape_cast %parallel_loop3A_850 : vector<16xf32> to vector<1x16xf32>
        tpu.vector_store %arg19[%parallel_loop3A_851, %parallel_loop3A_852], %parallel_loop3A_855 {strides = array<i32>} : memref<80x80xf32, #tpu.memory_space<vmem>>, vector<1x16xf32>,
        %parallel_loop3A_856 = arith.index_cast %parallel_loop3A_821 : i32 to index
        %parallel_loop3A_857 = arith.constant 32 : index
        %parallel_loop3A_858 = tpu.vector_load %arg13[%parallel_loop3A_856, %parallel_loop3A_857] {strides = array<i32>} : memref<80x64xf32, #tpu.memory_space<vmem>>, vector<1x16xf32>,
        %parallel_loop3A_859 = vector.shape_cast %parallel_loop3A_858 : vector<1x16xf32> to vector<16xf32>
        %parallel_loop3A_860 = arith.index_cast %parallel_loop3A_821 : i32 to index
        %parallel_loop3A_861 = arith.constant 32 : index
        %parallel_loop3A_862 = tpu.vector_load %arg16[%parallel_loop3A_860, %parallel_loop3A_861] {strides = array<i32>} : memref<80x64xf32, #tpu.memory_space<vmem>>, vector<1x16xf32>,
        %parallel_loop3A_863 = vector.shape_cast %parallel_loop3A_862 : vector<1x16xf32> to vector<16xf32>
        %parallel_loop3A_864 = arith.addf %parallel_loop3A_859, %parallel_loop3A_863 : vector<16xf32>
        %parallel_loop3A_865 = arith.constant 0.000000e+00 : f32
        %parallel_loop3A_866 = vector.broadcast %parallel_loop3A_865 : f32 to vector<16xf32>
        %parallel_loop3A_867 = arith.maximumf %parallel_loop3A_864, %parallel_loop3A_866 : vector<16xf32>
        %parallel_loop3A_868 = arith.index_cast %parallel_loop3A_821 : i32 to index
        %parallel_loop3A_869 = arith.constant 32 : index
        %parallel_loop3A_870 = tpu.vector_load %arg19[%parallel_loop3A_868, %parallel_loop3A_869] {strides = array<i32>} : memref<80x80xf32, #tpu.memory_space<vmem>>, vector<1x16xf32>,
        %parallel_loop3A_871 = vector.shape_cast %parallel_loop3A_870 : vector<1x16xf32> to vector<16xf32>
        %parallel_loop3A_872 = vector.shape_cast %parallel_loop3A_867 : vector<16xf32> to vector<1x16xf32>
        tpu.vector_store %arg19[%parallel_loop3A_868, %parallel_loop3A_869], %parallel_loop3A_872 {strides = array<i32>} : memref<80x80xf32, #tpu.memory_space<vmem>>, vector<1x16xf32>,
        %parallel_loop3A_873 = arith.index_cast %parallel_loop3A_821 : i32 to index
        %parallel_loop3A_874 = arith.constant 48 : index
        %parallel_loop3A_875 = tpu.vector_load %arg13[%parallel_loop3A_873, %parallel_loop3A_874] {strides = array<i32>} : memref<80x64xf32, #tpu.memory_space<vmem>>, vector<1x16xf32>,
        %parallel_loop3A_876 = vector.shape_cast %parallel_loop3A_875 : vector<1x16xf32> to vector<16xf32>
        %parallel_loop3A_877 = arith.index_cast %parallel_loop3A_821 : i32 to index
        %parallel_loop3A_878 = arith.constant 48 : index
        %parallel_loop3A_879 = tpu.vector_load %arg16[%parallel_loop3A_877, %parallel_loop3A_878] {strides = array<i32>} : memref<80x64xf32, #tpu.memory_space<vmem>>, vector<1x16xf32>,
        %parallel_loop3A_880 = vector.shape_cast %parallel_loop3A_879 : vector<1x16xf32> to vector<16xf32>
        %parallel_loop3A_881 = arith.addf %parallel_loop3A_876, %parallel_loop3A_880 : vector<16xf32>
        %parallel_loop3A_882 = arith.constant 0.000000e+00 : f32
        %parallel_loop3A_883 = vector.broadcast %parallel_loop3A_882 : f32 to vector<16xf32>
        %parallel_loop3A_884 = arith.maximumf %parallel_loop3A_881, %parallel_loop3A_883 : vector<16xf32>
        %parallel_loop3A_885 = arith.index_cast %parallel_loop3A_821 : i32 to index
        %parallel_loop3A_886 = arith.constant 48 : index
        %parallel_loop3A_887 = tpu.vector_load %arg19[%parallel_loop3A_885, %parallel_loop3A_886] {strides = array<i32>} : memref<80x80xf32, #tpu.memory_space<vmem>>, vector<1x16xf32>,
        %parallel_loop3A_888 = vector.shape_cast %parallel_loop3A_887 : vector<1x16xf32> to vector<16xf32>
        %parallel_loop3A_889 = vector.shape_cast %parallel_loop3A_884 : vector<16xf32> to vector<1x16xf32>
        tpu.vector_store %arg19[%parallel_loop3A_885, %parallel_loop3A_886], %parallel_loop3A_889 {strides = array<i32>} : memref<80x80xf32, #tpu.memory_space<vmem>>, vector<1x16xf32>,
      } {sc.loop_unroll_factor = 2 : i64, sc.parallel_access}
      %add3A_718 = arith.constant 3 : i32
      %add3A_719 = arith.addi %add3A_646, %add3A_718 : i32
      %mul3A_720 = arith.constant 80 : i32
      %mul3A_721 = arith.muli %add3A_719, %mul3A_720 : i32
      %dma_start3A_722 = tpu.memref_slice %arg8[%mul3A_721] : memref<10000xi32, #tpu.memory_space<vmem>> -> memref<80xi32, #tpu.memory_space<vmem>>
      %dma_start3A_723 = arith.constant 0 : i32
      %dma_start3A_724 = arith.constant 0 : i32
      %dma_start3A_725 = tpu.memref_slice %arg3[%dma_start3A_723, %dma_start3A_724] : memref<10000x64xf32, #tpu.memory_space<hbm>> -> memref<10000x64xf32, #tpu.memory_space<hbm>>
      tpu.enqueue_indirect_dma source(%dma_start3A_725 : memref<10000x64xf32, #tpu.memory_space<hbm>>) target(%arg13 : memref<80x64xf32, #tpu.memory_space<vmem>>) offsets(%dma_start3A_722 : memref<80xi32, #tpu.memory_space<vmem>>) semaphore(%arg22 : memref<!tpu.dma_semaphore, #tpu.memory_space<semaphore_mem>>)
      %dma_start3A_726 = tpu.memref_slice %arg7[%mul3A_721] : memref<10000xi32, #tpu.memory_space<vmem>> -> memref<80xi32, #tpu.memory_space<vmem>>
      %dma_start3A_727 = arith.constant 0 : i32
      %dma_start3A_728 = arith.constant 0 : i32
      %dma_start3A_729 = tpu.memref_slice %arg4[%dma_start3A_727, %dma_start3A_728] : memref<10000x64xf32, #tpu.memory_space<hbm>> -> memref<10000x64xf32, #tpu.memory_space<hbm>>
      tpu.enqueue_indirect_dma source(%dma_start3A_729 : memref<10000x64xf32, #tpu.memory_space<hbm>>) target(%arg16 : memref<80x64xf32, #tpu.memory_space<vmem>>) offsets(%dma_start3A_726 : memref<80xi32, #tpu.memory_space<vmem>>) semaphore(%arg22 : memref<!tpu.dma_semaphore, #tpu.memory_space<semaphore_mem>>)
      %dma_start3A_730 = arith.constant 0 : i32
      %dma_start3A_731 = arith.constant 0 : i32
      %dma_start3A_732 = tpu.memref_slice %arg6[%dma_start3A_730, %dma_start3A_731] : memref<10112x80xf32, #tpu.memory_space<vmem_shared>> -> memref<10112x80xf32, #tpu.memory_space<vmem_shared>>
      tpu.enqueue_indirect_dma source(%arg19 : memref<80x80xf32, #tpu.memory_space<vmem>>) target(%dma_start3A_732 : memref<10112x80xf32, #tpu.memory_space<vmem_shared>>) offsets(%arg10 : memref<80xi32, #tpu.memory_space<vmem>>) semaphore(%arg25 : memref<!tpu.dma_semaphore, #tpu.memory_space<semaphore_mem>>) {add = true}
      %add3A_733 = arith.constant 2 : i32
      %add3A_734 = arith.addi %add3A_558, %add3A_733 : i32
      %mul3A_735 = arith.constant 80 : i32
      %mul3A_736 = arith.muli %add3A_734, %mul3A_735 : i32
      %dma_wait3A_737 = tpu.memref_slice %arg8[%mul3A_736] : memref<10000xi32, #tpu.memory_space<vmem>> -> memref<80xi32, #tpu.memory_space<vmem>>
      %dma_wait3A_738 = arith.constant 0 : i32
      %dma_wait3A_739 = arith.constant 0 : i32
      %dma_wait3A_740 = tpu.memref_slice %arg3[%dma_wait3A_738, %dma_wait3A_739] : memref<10000x64xf32, #tpu.memory_space<hbm>> -> memref<10000x64xf32, #tpu.memory_space<hbm>>
      tpu.wait_indirect_dma semaphore(%arg23 : memref<!tpu.dma_semaphore, #tpu.memory_space<semaphore_mem>>) src(%dma_wait3A_740 : memref<10000x64xf32, #tpu.memory_space<hbm>>) dst(%arg14 : memref<80x64xf32, #tpu.memory_space<vmem>>)
      %dma_wait3A_741 = tpu.memref_slice %arg7[%mul3A_736] : memref<10000xi32, #tpu.memory_space<vmem>> -> memref<80xi32, #tpu.memory_space<vmem>>
      %dma_wait3A_742 = arith.constant 0 : i32
      %dma_wait3A_743 = arith.constant 0 : i32
      %dma_wait3A_744 = tpu.memref_slice %arg4[%dma_wait3A_742, %dma_wait3A_743] : memref<10000x64xf32, #tpu.memory_space<hbm>> -> memref<10000x64xf32, #tpu.memory_space<hbm>>
      tpu.wait_indirect_dma semaphore(%arg23 : memref<!tpu.dma_semaphore, #tpu.memory_space<semaphore_mem>>) src(%dma_wait3A_744 : memref<10000x64xf32, #tpu.memory_space<hbm>>) dst(%arg17 : memref<80x64xf32, #tpu.memory_space<vmem>>)
      %dma_wait3A_745 = arith.constant 0 : i32
      %dma_wait3A_746 = arith.constant 0 : i32
      %dma_wait3A_747 = tpu.memref_slice %arg6[%dma_wait3A_745, %dma_wait3A_746] : memref<10112x80xf32, #tpu.memory_space<vmem_shared>> -> memref<10112x80xf32, #tpu.memory_space<vmem_shared>>
      tpu.wait_indirect_dma semaphore(%arg26 : memref<!tpu.dma_semaphore, #tpu.memory_space<semaphore_mem>>) src(%arg20 : memref<80x80xf32, #tpu.memory_space<vmem>>) dst(%dma_wait3A_747 : memref<10112x80xf32, #tpu.memory_space<vmem_shared>>)
      %mul3A_748 = arith.constant 80 : i32
      %mul3A_749 = arith.muli %add3A_734, %mul3A_748 : i32
      %add3A_750 = arith.constant 0 : i32
      %add3A_751 = arith.addi %mul3A_749, %add3A_750 : i32
      %get3A_752 = arith.index_cast %add3A_751 : i32 to index
      %get3A_753 = tpu.vector_load %arg8[%get3A_752] {strides = array<i32>} : memref<10000xi32, #tpu.memory_space<vmem>>, vector<16xi32>,
      %get3A_754 = vector.shape_cast %get3A_753 : vector<16xi32> to vector<16xi32>
      %swap3A_755 = arith.constant 0 : index
      %swap3A_756 = tpu.vector_load %arg11[%swap3A_755] {strides = array<i32>} : memref<80xi32, #tpu.memory_space<vmem>>, vector<16xi32>,
      %swap3A_757 = vector.shape_cast %swap3A_756 : vector<16xi32> to vector<16xi32>
      %swap3A_758 = vector.shape_cast %get3A_754 : vector<16xi32> to vector<16xi32>
      tpu.vector_store %arg11[%swap3A_755], %swap3A_758 {strides = array<i32>} : memref<80xi32, #tpu.memory_space<vmem>>, vector<16xi32>,
      %mul3A_759 = arith.constant 80 : i32
      %mul3A_760 = arith.muli %add3A_734, %mul3A_759 : i32
      %add3A_761 = arith.constant 16 : i32
      %add3A_762 = arith.addi %mul3A_760, %add3A_761 : i32
      %get3A_763 = arith.index_cast %add3A_762 : i32 to index
      %get3A_764 = tpu.vector_load %arg8[%get3A_763] {strides = array<i32>} : memref<10000xi32, #tpu.memory_space<vmem>>, vector<16xi32>,
      %get3A_765 = vector.shape_cast %get3A_764 : vector<16xi32> to vector<16xi32>
      %swap3A_766 = arith.constant 16 : index
      %swap3A_767 = tpu.vector_load %arg11[%swap3A_766] {strides = array<i32>} : memref<80xi32, #tpu.memory_space<vmem>>, vector<16xi32>,
      %swap3A_768 = vector.shape_cast %swap3A_767 : vector<16xi32> to vector<16xi32>
      %swap3A_769 = vector.shape_cast %get3A_765 : vector<16xi32> to vector<16xi32>
      tpu.vector_store %arg11[%swap3A_766], %swap3A_769 {strides = array<i32>} : memref<80xi32, #tpu.memory_space<vmem>>, vector<16xi32>,
      %mul3A_770 = arith.constant 80 : i32
      %mul3A_771 = arith.muli %add3A_734, %mul3A_770 : i32
      %add3A_772 = arith.constant 32 : i32
      %add3A_773 = arith.addi %mul3A_771, %add3A_772 : i32
      %get3A_774 = arith.index_cast %add3A_773 : i32 to index
      %get3A_775 = tpu.vector_load %arg8[%get3A_774] {strides = array<i32>} : memref<10000xi32, #tpu.memory_space<vmem>>, vector<16xi32>,
      %get3A_776 = vector.shape_cast %get3A_775 : vector<16xi32> to vector<16xi32>
      %swap3A_777 = arith.constant 32 : index
      %swap3A_778 = tpu.vector_load %arg11[%swap3A_777] {strides = array<i32>} : memref<80xi32, #tpu.memory_space<vmem>>, vector<16xi32>,
      %swap3A_779 = vector.shape_cast %swap3A_778 : vector<16xi32> to vector<16xi32>
      %swap3A_780 = vector.shape_cast %get3A_776 : vector<16xi32> to vector<16xi32>
      tpu.vector_store %arg11[%swap3A_777], %swap3A_780 {strides = array<i32>} : memref<80xi32, #tpu.memory_space<vmem>>, vector<16xi32>,
      %mul3A_781 = arith.constant 80 : i32
      %mul3A_782 = arith.muli %add3A_734, %mul3A_781 : i32
      %add3A_783 = arith.constant 48 : i32
      %add3A_784 = arith.addi %mul3A_782, %add3A_783 : i32
      %get3A_785 = arith.index_cast %add3A_784 : i32 to index
      %get3A_786 = tpu.vector_load %arg8[%get3A_785] {strides = array<i32>} : memref<10000xi32, #tpu.memory_space<vmem>>, vector<16xi32>,
      %get3A_787 = vector.shape_cast %get3A_786 : vector<16xi32> to vector<16xi32>
      %swap3A_788 = arith.constant 48 : index
      %swap3A_789 = tpu.vector_load %arg11[%swap3A_788] {strides = array<i32>} : memref<80xi32, #tpu.memory_space<vmem>>, vector<16xi32>,
      %swap3A_790 = vector.shape_cast %swap3A_789 : vector<16xi32> to vector<16xi32>
      %swap3A_791 = vector.shape_cast %get3A_787 : vector<16xi32> to vector<16xi32>
      tpu.vector_store %arg11[%swap3A_788], %swap3A_791 {strides = array<i32>} : memref<80xi32, #tpu.memory_space<vmem>>, vector<16xi32>,
      %mul3A_792 = arith.constant 80 : i32
      %mul3A_793 = arith.muli %add3A_734, %mul3A_792 : i32
      %add3A_794 = arith.constant 64 : i32
      %add3A_795 = arith.addi %mul3A_793, %add3A_794 : i32
      %get3A_796 = arith.index_cast %add3A_795 : i32 to index
      %get3A_797 = tpu.vector_load %arg8[%get3A_796] {strides = array<i32>} : memref<10000xi32, #tpu.memory_space<vmem>>, vector<16xi32>,
      %get3A_798 = vector.shape_cast %get3A_797 : vector<16xi32> to vector<16xi32>
      %swap3A_799 = arith.constant 64 : index
      %swap3A_800 = tpu.vector_load %arg11[%swap3A_799] {strides = array<i32>} : memref<80xi32, #tpu.memory_space<vmem>>, vector<16xi32>,
      %swap3A_801 = vector.shape_cast %swap3A_800 : vector<16xi32> to vector<16xi32>
      %swap3A_802 = vector.shape_cast %get3A_798 : vector<16xi32> to vector<16xi32>
      tpu.vector_store %arg11[%swap3A_799], %swap3A_802 {strides = array<i32>} : memref<80xi32, #tpu.memory_space<vmem>>, vector<16xi32>,
      %parallel_loop3A_803 = arith.constant 0 : i32
      %parallel_loop3A_804 = arith.constant 80 : i32
      %parallel_loop3A_805 = arith.constant 1 : i32
      scf.for %parallel_loop3A_821 = %parallel_loop3A_803 to %parallel_loop3A_804 step %parallel_loop3A_805  : i32 {
        %parallel_loop3A_822 = arith.index_cast %parallel_loop3A_821 : i32 to index
        %parallel_loop3A_823 = arith.constant 0 : index
        %parallel_loop3A_824 = tpu.vector_load %arg14[%parallel_loop3A_822, %parallel_loop3A_823] {strides = array<i32>} : memref<80x64xf32, #tpu.memory_space<vmem>>, vector<1x16xf32>,
        %parallel_loop3A_825 = vector.shape_cast %parallel_loop3A_824 : vector<1x16xf32> to vector<16xf32>
        %parallel_loop3A_826 = arith.index_cast %parallel_loop3A_821 : i32 to index
        %parallel_loop3A_827 = arith.constant 0 : index
        %parallel_loop3A_828 = tpu.vector_load %arg17[%parallel_loop3A_826, %parallel_loop3A_827] {strides = array<i32>} : memref<80x64xf32, #tpu.memory_space<vmem>>, vector<1x16xf32>,
        %parallel_loop3A_829 = vector.shape_cast %parallel_loop3A_828 : vector<1x16xf32> to vector<16xf32>
        %parallel_loop3A_830 = arith.addf %parallel_loop3A_825, %parallel_loop3A_829 : vector<16xf32>
        %parallel_loop3A_831 = arith.constant 0.000000e+00 : f32
        %parallel_loop3A_832 = vector.broadcast %parallel_loop3A_831 : f32 to vector<16xf32>
        %parallel_loop3A_833 = arith.maximumf %parallel_loop3A_830, %parallel_loop3A_832 : vector<16xf32>
        %parallel_loop3A_834 = arith.index_cast %parallel_loop3A_821 : i32 to index
        %parallel_loop3A_835 = arith.constant 0 : index
        %parallel_loop3A_836 = tpu.vector_load %arg20[%parallel_loop3A_834, %parallel_loop3A_835] {strides = array<i32>} : memref<80x80xf32, #tpu.memory_space<vmem>>, vector<1x16xf32>,
        %parallel_loop3A_837 = vector.shape_cast %parallel_loop3A_836 : vector<1x16xf32> to vector<16xf32>
        %parallel_loop3A_838 = vector.shape_cast %parallel_loop3A_833 : vector<16xf32> to vector<1x16xf32>
        tpu.vector_store %arg20[%parallel_loop3A_834, %parallel_loop3A_835], %parallel_loop3A_838 {strides = array<i32>} : memref<80x80xf32, #tpu.memory_space<vmem>>, vector<1x16xf32>,
        %parallel_loop3A_839 = arith.index_cast %parallel_loop3A_821 : i32 to index
        %parallel_loop3A_840 = arith.constant 16 : index
        %parallel_loop3A_841 = tpu.vector_load %arg14[%parallel_loop3A_839, %parallel_loop3A_840] {strides = array<i32>} : memref<80x64xf32, #tpu.memory_space<vmem>>, vector<1x16xf32>,
        %parallel_loop3A_842 = vector.shape_cast %parallel_loop3A_841 : vector<1x16xf32> to vector<16xf32>
        %parallel_loop3A_843 = arith.index_cast %parallel_loop3A_821 : i32 to index
        %parallel_loop3A_844 = arith.constant 16 : index
        %parallel_loop3A_845 = tpu.vector_load %arg17[%parallel_loop3A_843, %parallel_loop3A_844] {strides = array<i32>} : memref<80x64xf32, #tpu.memory_space<vmem>>, vector<1x16xf32>,
        %parallel_loop3A_846 = vector.shape_cast %parallel_loop3A_845 : vector<1x16xf32> to vector<16xf32>
        %parallel_loop3A_847 = arith.addf %parallel_loop3A_842, %parallel_loop3A_846 : vector<16xf32>
        %parallel_loop3A_848 = arith.constant 0.000000e+00 : f32
        %parallel_loop3A_849 = vector.broadcast %parallel_loop3A_848 : f32 to vector<16xf32>
        %parallel_loop3A_850 = arith.maximumf %parallel_loop3A_847, %parallel_loop3A_849 : vector<16xf32>
        %parallel_loop3A_851 = arith.index_cast %parallel_loop3A_821 : i32 to index
        %parallel_loop3A_852 = arith.constant 16 : index
        %parallel_loop3A_853 = tpu.vector_load %arg20[%parallel_loop3A_851, %parallel_loop3A_852] {strides = array<i32>} : memref<80x80xf32, #tpu.memory_space<vmem>>, vector<1x16xf32>,
        %parallel_loop3A_854 = vector.shape_cast %parallel_loop3A_853 : vector<1x16xf32> to vector<16xf32>
        %parallel_loop3A_855 = vector.shape_cast %parallel_loop3A_850 : vector<16xf32> to vector<1x16xf32>
        tpu.vector_store %arg20[%parallel_loop3A_851, %parallel_loop3A_852], %parallel_loop3A_855 {strides = array<i32>} : memref<80x80xf32, #tpu.memory_space<vmem>>, vector<1x16xf32>,
        %parallel_loop3A_856 = arith.index_cast %parallel_loop3A_821 : i32 to index
        %parallel_loop3A_857 = arith.constant 32 : index
        %parallel_loop3A_858 = tpu.vector_load %arg14[%parallel_loop3A_856, %parallel_loop3A_857] {strides = array<i32>} : memref<80x64xf32, #tpu.memory_space<vmem>>, vector<1x16xf32>,
        %parallel_loop3A_859 = vector.shape_cast %parallel_loop3A_858 : vector<1x16xf32> to vector<16xf32>
        %parallel_loop3A_860 = arith.index_cast %parallel_loop3A_821 : i32 to index
        %parallel_loop3A_861 = arith.constant 32 : index
        %parallel_loop3A_862 = tpu.vector_load %arg17[%parallel_loop3A_860, %parallel_loop3A_861] {strides = array<i32>} : memref<80x64xf32, #tpu.memory_space<vmem>>, vector<1x16xf32>,
        %parallel_loop3A_863 = vector.shape_cast %parallel_loop3A_862 : vector<1x16xf32> to vector<16xf32>
        %parallel_loop3A_864 = arith.addf %parallel_loop3A_859, %parallel_loop3A_863 : vector<16xf32>
        %parallel_loop3A_865 = arith.constant 0.000000e+00 : f32
        %parallel_loop3A_866 = vector.broadcast %parallel_loop3A_865 : f32 to vector<16xf32>
        %parallel_loop3A_867 = arith.maximumf %parallel_loop3A_864, %parallel_loop3A_866 : vector<16xf32>
        %parallel_loop3A_868 = arith.index_cast %parallel_loop3A_821 : i32 to index
        %parallel_loop3A_869 = arith.constant 32 : index
        %parallel_loop3A_870 = tpu.vector_load %arg20[%parallel_loop3A_868, %parallel_loop3A_869] {strides = array<i32>} : memref<80x80xf32, #tpu.memory_space<vmem>>, vector<1x16xf32>,
        %parallel_loop3A_871 = vector.shape_cast %parallel_loop3A_870 : vector<1x16xf32> to vector<16xf32>
        %parallel_loop3A_872 = vector.shape_cast %parallel_loop3A_867 : vector<16xf32> to vector<1x16xf32>
        tpu.vector_store %arg20[%parallel_loop3A_868, %parallel_loop3A_869], %parallel_loop3A_872 {strides = array<i32>} : memref<80x80xf32, #tpu.memory_space<vmem>>, vector<1x16xf32>,
        %parallel_loop3A_873 = arith.index_cast %parallel_loop3A_821 : i32 to index
        %parallel_loop3A_874 = arith.constant 48 : index
        %parallel_loop3A_875 = tpu.vector_load %arg14[%parallel_loop3A_873, %parallel_loop3A_874] {strides = array<i32>} : memref<80x64xf32, #tpu.memory_space<vmem>>, vector<1x16xf32>,
        %parallel_loop3A_876 = vector.shape_cast %parallel_loop3A_875 : vector<1x16xf32> to vector<16xf32>
        %parallel_loop3A_877 = arith.index_cast %parallel_loop3A_821 : i32 to index
        %parallel_loop3A_878 = arith.constant 48 : index
        %parallel_loop3A_879 = tpu.vector_load %arg17[%parallel_loop3A_877, %parallel_loop3A_878] {strides = array<i32>} : memref<80x64xf32, #tpu.memory_space<vmem>>, vector<1x16xf32>,
        %parallel_loop3A_880 = vector.shape_cast %parallel_loop3A_879 : vector<1x16xf32> to vector<16xf32>
        %parallel_loop3A_881 = arith.addf %parallel_loop3A_876, %parallel_loop3A_880 : vector<16xf32>
        %parallel_loop3A_882 = arith.constant 0.000000e+00 : f32
        %parallel_loop3A_883 = vector.broadcast %parallel_loop3A_882 : f32 to vector<16xf32>
        %parallel_loop3A_884 = arith.maximumf %parallel_loop3A_881, %parallel_loop3A_883 : vector<16xf32>
        %parallel_loop3A_885 = arith.index_cast %parallel_loop3A_821 : i32 to index
        %parallel_loop3A_886 = arith.constant 48 : index
        %parallel_loop3A_887 = tpu.vector_load %arg20[%parallel_loop3A_885, %parallel_loop3A_886] {strides = array<i32>} : memref<80x80xf32, #tpu.memory_space<vmem>>, vector<1x16xf32>,
        %parallel_loop3A_888 = vector.shape_cast %parallel_loop3A_887 : vector<1x16xf32> to vector<16xf32>
        %parallel_loop3A_889 = vector.shape_cast %parallel_loop3A_884 : vector<16xf32> to vector<1x16xf32>
        tpu.vector_store %arg20[%parallel_loop3A_885, %parallel_loop3A_886], %parallel_loop3A_889 {strides = array<i32>} : memref<80x80xf32, #tpu.memory_space<vmem>>, vector<1x16xf32>,
      } {sc.loop_unroll_factor = 2 : i64, sc.parallel_access}
      %add3A_806 = arith.constant 3 : i32
      %add3A_807 = arith.addi %add3A_734, %add3A_806 : i32
      %mul3A_808 = arith.constant 80 : i32
      %mul3A_809 = arith.muli %add3A_807, %mul3A_808 : i32
      %dma_start3A_810 = tpu.memref_slice %arg8[%mul3A_809] : memref<10000xi32, #tpu.memory_space<vmem>> -> memref<80xi32, #tpu.memory_space<vmem>>
      %dma_start3A_811 = arith.constant 0 : i32
      %dma_start3A_812 = arith.constant 0 : i32
      %dma_start3A_813 = tpu.memref_slice %arg3[%dma_start3A_811, %dma_start3A_812] : memref<10000x64xf32, #tpu.memory_space<hbm>> -> memref<10000x64xf32, #tpu.memory_space<hbm>>
      tpu.enqueue_indirect_dma source(%dma_start3A_813 : memref<10000x64xf32, #tpu.memory_space<hbm>>) target(%arg14 : memref<80x64xf32, #tpu.memory_space<vmem>>) offsets(%dma_start3A_810 : memref<80xi32, #tpu.memory_space<vmem>>) semaphore(%arg23 : memref<!tpu.dma_semaphore, #tpu.memory_space<semaphore_mem>>)
      %dma_start3A_814 = tpu.memref_slice %arg7[%mul3A_809] : memref<10000xi32, #tpu.memory_space<vmem>> -> memref<80xi32, #tpu.memory_space<vmem>>
      %dma_start3A_815 = arith.constant 0 : i32
      %dma_start3A_816 = arith.constant 0 : i32
      %dma_start3A_817 = tpu.memref_slice %arg4[%dma_start3A_815, %dma_start3A_816] : memref<10000x64xf32, #tpu.memory_space<hbm>> -> memref<10000x64xf32, #tpu.memory_space<hbm>>
      tpu.enqueue_indirect_dma source(%dma_start3A_817 : memref<10000x64xf32, #tpu.memory_space<hbm>>) target(%arg17 : memref<80x64xf32, #tpu.memory_space<vmem>>) offsets(%dma_start3A_814 : memref<80xi32, #tpu.memory_space<vmem>>) semaphore(%arg23 : memref<!tpu.dma_semaphore, #tpu.memory_space<semaphore_mem>>)
      %dma_start3A_818 = arith.constant 0 : i32
      %dma_start3A_819 = arith.constant 0 : i32
      %dma_start3A_820 = tpu.memref_slice %arg6[%dma_start3A_818, %dma_start3A_819] : memref<10112x80xf32, #tpu.memory_space<vmem_shared>> -> memref<10112x80xf32, #tpu.memory_space<vmem_shared>>
      tpu.enqueue_indirect_dma source(%arg20 : memref<80x80xf32, #tpu.memory_space<vmem>>) target(%dma_start3A_820 : memref<10112x80xf32, #tpu.memory_space<vmem_shared>>) offsets(%arg11 : memref<80xi32, #tpu.memory_space<vmem>>) semaphore(%arg26 : memref<!tpu.dma_semaphore, #tpu.memory_space<semaphore_mem>>) {add = true}
    }
    %scan3A_253 = arith.constant 39 : i32
    %dma_wait3A_254 = arith.constant 9600 : i32
    %dma_wait3A_255 = tpu.memref_slice %arg8[%dma_wait3A_254] : memref<10000xi32, #tpu.memory_space<vmem>> -> memref<80xi32, #tpu.memory_space<vmem>>
    %dma_wait3A_256 = arith.constant 0 : i32
    %dma_wait3A_257 = arith.constant 0 : i32
    %dma_wait3A_258 = tpu.memref_slice %arg3[%dma_wait3A_256, %dma_wait3A_257] : memref<10000x64xf32, #tpu.memory_space<hbm>> -> memref<10000x64xf32, #tpu.memory_space<hbm>>
    tpu.wait_indirect_dma semaphore(%arg21 : memref<!tpu.dma_semaphore, #tpu.memory_space<semaphore_mem>>) src(%dma_wait3A_258 : memref<10000x64xf32, #tpu.memory_space<hbm>>) dst(%arg12 : memref<80x64xf32, #tpu.memory_space<vmem>>)
    %dma_wait3A_259 = arith.constant 9600 : i32
    %dma_wait3A_260 = tpu.memref_slice %arg7[%dma_wait3A_259] : memref<10000xi32, #tpu.memory_space<vmem>> -> memref<80xi32, #tpu.memory_space<vmem>>
    %dma_wait3A_261 = arith.constant 0 : i32
    %dma_wait3A_262 = arith.constant 0 : i32
    %dma_wait3A_263 = tpu.memref_slice %arg4[%dma_wait3A_261, %dma_wait3A_262] : memref<10000x64xf32, #tpu.memory_space<hbm>> -> memref<10000x64xf32, #tpu.memory_space<hbm>>
    tpu.wait_indirect_dma semaphore(%arg21 : memref<!tpu.dma_semaphore, #tpu.memory_space<semaphore_mem>>) src(%dma_wait3A_263 : memref<10000x64xf32, #tpu.memory_space<hbm>>) dst(%arg15 : memref<80x64xf32, #tpu.memory_space<vmem>>)
    %dma_wait3A_264 = arith.constant 0 : i32
    %dma_wait3A_265 = arith.constant 0 : i32
    %dma_wait3A_266 = tpu.memref_slice %arg6[%dma_wait3A_264, %dma_wait3A_265] : memref<10112x80xf32, #tpu.memory_space<vmem_shared>> -> memref<10112x80xf32, #tpu.memory_space<vmem_shared>>
    tpu.wait_indirect_dma semaphore(%arg24 : memref<!tpu.dma_semaphore, #tpu.memory_space<semaphore_mem>>) src(%arg18 : memref<80x80xf32, #tpu.memory_space<vmem>>) dst(%dma_wait3A_266 : memref<10112x80xf32, #tpu.memory_space<vmem_shared>>)
    %get3A_267 = arith.constant 9600 : index
    %get3A_268 = tpu.vector_load %arg8[%get3A_267] {strides = array<i32>} : memref<10000xi32, #tpu.memory_space<vmem>>, vector<16xi32>,
    %get3A_269 = vector.shape_cast %get3A_268 : vector<16xi32> to vector<16xi32>
    %swap3A_270 = arith.constant 0 : index
    %swap3A_271 = tpu.vector_load %arg9[%swap3A_270] {strides = array<i32>} : memref<80xi32, #tpu.memory_space<vmem>>, vector<16xi32>,
    %swap3A_272 = vector.shape_cast %swap3A_271 : vector<16xi32> to vector<16xi32>
    %swap3A_273 = vector.shape_cast %get3A_269 : vector<16xi32> to vector<16xi32>
    tpu.vector_store %arg9[%swap3A_270], %swap3A_273 {strides = array<i32>} : memref<80xi32, #tpu.memory_space<vmem>>, vector<16xi32>,
    %get3A_274 = arith.constant 9616 : index
    %get3A_275 = tpu.vector_load %arg8[%get3A_274] {strides = array<i32>} : memref<10000xi32, #tpu.memory_space<vmem>>, vector<16xi32>,
    %get3A_276 = vector.shape_cast %get3A_275 : vector<16xi32> to vector<16xi32>
    %swap3A_277 = arith.constant 16 : index
    %swap3A_278 = tpu.vector_load %arg9[%swap3A_277] {strides = array<i32>} : memref<80xi32, #tpu.memory_space<vmem>>, vector<16xi32>,
    %swap3A_279 = vector.shape_cast %swap3A_278 : vector<16xi32> to vector<16xi32>
    %swap3A_280 = vector.shape_cast %get3A_276 : vector<16xi32> to vector<16xi32>
    tpu.vector_store %arg9[%swap3A_277], %swap3A_280 {strides = array<i32>} : memref<80xi32, #tpu.memory_space<vmem>>, vector<16xi32>,
    %get3A_281 = arith.constant 9632 : index
    %get3A_282 = tpu.vector_load %arg8[%get3A_281] {strides = array<i32>} : memref<10000xi32, #tpu.memory_space<vmem>>, vector<16xi32>,
    %get3A_283 = vector.shape_cast %get3A_282 : vector<16xi32> to vector<16xi32>
    %swap3A_284 = arith.constant 32 : index
    %swap3A_285 = tpu.vector_load %arg9[%swap3A_284] {strides = array<i32>} : memref<80xi32, #tpu.memory_space<vmem>>, vector<16xi32>,
    %swap3A_286 = vector.shape_cast %swap3A_285 : vector<16xi32> to vector<16xi32>
    %swap3A_287 = vector.shape_cast %get3A_283 : vector<16xi32> to vector<16xi32>
    tpu.vector_store %arg9[%swap3A_284], %swap3A_287 {strides = array<i32>} : memref<80xi32, #tpu.memory_space<vmem>>, vector<16xi32>,
    %get3A_288 = arith.constant 9648 : index
    %get3A_289 = tpu.vector_load %arg8[%get3A_288] {strides = array<i32>} : memref<10000xi32, #tpu.memory_space<vmem>>, vector<16xi32>,
    %get3A_290 = vector.shape_cast %get3A_289 : vector<16xi32> to vector<16xi32>
    %swap3A_291 = arith.constant 48 : index
    %swap3A_292 = tpu.vector_load %arg9[%swap3A_291] {strides = array<i32>} : memref<80xi32, #tpu.memory_space<vmem>>, vector<16xi32>,
    %swap3A_293 = vector.shape_cast %swap3A_292 : vector<16xi32> to vector<16xi32>
    %swap3A_294 = vector.shape_cast %get3A_290 : vector<16xi32> to vector<16xi32>
    tpu.vector_store %arg9[%swap3A_291], %swap3A_294 {strides = array<i32>} : memref<80xi32, #tpu.memory_space<vmem>>, vector<16xi32>,
    %get3A_295 = arith.constant 9664 : index
    %get3A_296 = tpu.vector_load %arg8[%get3A_295] {strides = array<i32>} : memref<10000xi32, #tpu.memory_space<vmem>>, vector<16xi32>,
    %get3A_297 = vector.shape_cast %get3A_296 : vector<16xi32> to vector<16xi32>
    %swap3A_298 = arith.constant 64 : index
    %swap3A_299 = tpu.vector_load %arg9[%swap3A_298] {strides = array<i32>} : memref<80xi32, #tpu.memory_space<vmem>>, vector<16xi32>,
    %swap3A_300 = vector.shape_cast %swap3A_299 : vector<16xi32> to vector<16xi32>
    %swap3A_301 = vector.shape_cast %get3A_297 : vector<16xi32> to vector<16xi32>
    tpu.vector_store %arg9[%swap3A_298], %swap3A_301 {strides = array<i32>} : memref<80xi32, #tpu.memory_space<vmem>>, vector<16xi32>,
    %parallel_loop3A_302 = arith.constant 0 : i32
    %parallel_loop3A_303 = arith.constant 80 : i32
    %parallel_loop3A_304 = arith.constant 1 : i32
    scf.for %parallel_loop3A_554 = %parallel_loop3A_302 to %parallel_loop3A_303 step %parallel_loop3A_304  : i32 {
      %parallel_loop3A_555 = arith.index_cast %parallel_loop3A_554 : i32 to index
      %parallel_loop3A_556 = arith.constant 0 : index
      %parallel_loop3A_557 = tpu.vector_load %arg12[%parallel_loop3A_555, %parallel_loop3A_556] {strides = array<i32>} : memref<80x64xf32, #tpu.memory_space<vmem>>, vector<1x16xf32>,
      %parallel_loop3A_558 = vector.shape_cast %parallel_loop3A_557 : vector<1x16xf32> to vector<16xf32>
      %parallel_loop3A_559 = arith.index_cast %parallel_loop3A_554 : i32 to index
      %parallel_loop3A_560 = arith.constant 0 : index
      %parallel_loop3A_561 = tpu.vector_load %arg15[%parallel_loop3A_559, %parallel_loop3A_560] {strides = array<i32>} : memref<80x64xf32, #tpu.memory_space<vmem>>, vector<1x16xf32>,
      %parallel_loop3A_562 = vector.shape_cast %parallel_loop3A_561 : vector<1x16xf32> to vector<16xf32>
      %parallel_loop3A_563 = arith.addf %parallel_loop3A_558, %parallel_loop3A_562 : vector<16xf32>
      %parallel_loop3A_564 = arith.constant 0.000000e+00 : f32
      %parallel_loop3A_565 = vector.broadcast %parallel_loop3A_564 : f32 to vector<16xf32>
      %parallel_loop3A_566 = arith.maximumf %parallel_loop3A_563, %parallel_loop3A_565 : vector<16xf32>
      %parallel_loop3A_567 = arith.index_cast %parallel_loop3A_554 : i32 to index
      %parallel_loop3A_568 = arith.constant 0 : index
      %parallel_loop3A_569 = tpu.vector_load %arg18[%parallel_loop3A_567, %parallel_loop3A_568] {strides = array<i32>} : memref<80x80xf32, #tpu.memory_space<vmem>>, vector<1x16xf32>,
      %parallel_loop3A_570 = vector.shape_cast %parallel_loop3A_569 : vector<1x16xf32> to vector<16xf32>
      %parallel_loop3A_571 = vector.shape_cast %parallel_loop3A_566 : vector<16xf32> to vector<1x16xf32>
      tpu.vector_store %arg18[%parallel_loop3A_567, %parallel_loop3A_568], %parallel_loop3A_571 {strides = array<i32>} : memref<80x80xf32, #tpu.memory_space<vmem>>, vector<1x16xf32>,
      %parallel_loop3A_572 = arith.index_cast %parallel_loop3A_554 : i32 to index
      %parallel_loop3A_573 = arith.constant 16 : index
      %parallel_loop3A_574 = tpu.vector_load %arg12[%parallel_loop3A_572, %parallel_loop3A_573] {strides = array<i32>} : memref<80x64xf32, #tpu.memory_space<vmem>>, vector<1x16xf32>,
      %parallel_loop3A_575 = vector.shape_cast %parallel_loop3A_574 : vector<1x16xf32> to vector<16xf32>
      %parallel_loop3A_576 = arith.index_cast %parallel_loop3A_554 : i32 to index
      %parallel_loop3A_577 = arith.constant 16 : index
      %parallel_loop3A_578 = tpu.vector_load %arg15[%parallel_loop3A_576, %parallel_loop3A_577] {strides = array<i32>} : memref<80x64xf32, #tpu.memory_space<vmem>>, vector<1x16xf32>,
      %parallel_loop3A_579 = vector.shape_cast %parallel_loop3A_578 : vector<1x16xf32> to vector<16xf32>
      %parallel_loop3A_580 = arith.addf %parallel_loop3A_575, %parallel_loop3A_579 : vector<16xf32>
      %parallel_loop3A_581 = arith.constant 0.000000e+00 : f32
      %parallel_loop3A_582 = vector.broadcast %parallel_loop3A_581 : f32 to vector<16xf32>
      %parallel_loop3A_583 = arith.maximumf %parallel_loop3A_580, %parallel_loop3A_582 : vector<16xf32>
      %parallel_loop3A_584 = arith.index_cast %parallel_loop3A_554 : i32 to index
      %parallel_loop3A_585 = arith.constant 16 : index
      %parallel_loop3A_586 = tpu.vector_load %arg18[%parallel_loop3A_584, %parallel_loop3A_585] {strides = array<i32>} : memref<80x80xf32, #tpu.memory_space<vmem>>, vector<1x16xf32>,
      %parallel_loop3A_587 = vector.shape_cast %parallel_loop3A_586 : vector<1x16xf32> to vector<16xf32>
      %parallel_loop3A_588 = vector.shape_cast %parallel_loop3A_583 : vector<16xf32> to vector<1x16xf32>
      tpu.vector_store %arg18[%parallel_loop3A_584, %parallel_loop3A_585], %parallel_loop3A_588 {strides = array<i32>} : memref<80x80xf32, #tpu.memory_space<vmem>>, vector<1x16xf32>,
      %parallel_loop3A_589 = arith.index_cast %parallel_loop3A_554 : i32 to index
      %parallel_loop3A_590 = arith.constant 32 : index
      %parallel_loop3A_591 = tpu.vector_load %arg12[%parallel_loop3A_589, %parallel_loop3A_590] {strides = array<i32>} : memref<80x64xf32, #tpu.memory_space<vmem>>, vector<1x16xf32>,
      %parallel_loop3A_592 = vector.shape_cast %parallel_loop3A_591 : vector<1x16xf32> to vector<16xf32>
      %parallel_loop3A_593 = arith.index_cast %parallel_loop3A_554 : i32 to index
      %parallel_loop3A_594 = arith.constant 32 : index
      %parallel_loop3A_595 = tpu.vector_load %arg15[%parallel_loop3A_593, %parallel_loop3A_594] {strides = array<i32>} : memref<80x64xf32, #tpu.memory_space<vmem>>, vector<1x16xf32>,
      %parallel_loop3A_596 = vector.shape_cast %parallel_loop3A_595 : vector<1x16xf32> to vector<16xf32>
      %parallel_loop3A_597 = arith.addf %parallel_loop3A_592, %parallel_loop3A_596 : vector<16xf32>
      %parallel_loop3A_598 = arith.constant 0.000000e+00 : f32
      %parallel_loop3A_599 = vector.broadcast %parallel_loop3A_598 : f32 to vector<16xf32>
      %parallel_loop3A_600 = arith.maximumf %parallel_loop3A_597, %parallel_loop3A_599 : vector<16xf32>
      %parallel_loop3A_601 = arith.index_cast %parallel_loop3A_554 : i32 to index
      %parallel_loop3A_602 = arith.constant 32 : index
      %parallel_loop3A_603 = tpu.vector_load %arg18[%parallel_loop3A_601, %parallel_loop3A_602] {strides = array<i32>} : memref<80x80xf32, #tpu.memory_space<vmem>>, vector<1x16xf32>,
      %parallel_loop3A_604 = vector.shape_cast %parallel_loop3A_603 : vector<1x16xf32> to vector<16xf32>
      %parallel_loop3A_605 = vector.shape_cast %parallel_loop3A_600 : vector<16xf32> to vector<1x16xf32>
      tpu.vector_store %arg18[%parallel_loop3A_601, %parallel_loop3A_602], %parallel_loop3A_605 {strides = array<i32>} : memref<80x80xf32, #tpu.memory_space<vmem>>, vector<1x16xf32>,
      %parallel_loop3A_606 = arith.index_cast %parallel_loop3A_554 : i32 to index
      %parallel_loop3A_607 = arith.constant 48 : index
      %parallel_loop3A_608 = tpu.vector_load %arg12[%parallel_loop3A_606, %parallel_loop3A_607] {strides = array<i32>} : memref<80x64xf32, #tpu.memory_space<vmem>>, vector<1x16xf32>,
      %parallel_loop3A_609 = vector.shape_cast %parallel_loop3A_608 : vector<1x16xf32> to vector<16xf32>
      %parallel_loop3A_610 = arith.index_cast %parallel_loop3A_554 : i32 to index
      %parallel_loop3A_611 = arith.constant 48 : index
      %parallel_loop3A_612 = tpu.vector_load %arg15[%parallel_loop3A_610, %parallel_loop3A_611] {strides = array<i32>} : memref<80x64xf32, #tpu.memory_space<vmem>>, vector<1x16xf32>,
      %parallel_loop3A_613 = vector.shape_cast %parallel_loop3A_612 : vector<1x16xf32> to vector<16xf32>
      %parallel_loop3A_614 = arith.addf %parallel_loop3A_609, %parallel_loop3A_613 : vector<16xf32>
      %parallel_loop3A_615 = arith.constant 0.000000e+00 : f32
      %parallel_loop3A_616 = vector.broadcast %parallel_loop3A_615 : f32 to vector<16xf32>
      %parallel_loop3A_617 = arith.maximumf %parallel_loop3A_614, %parallel_loop3A_616 : vector<16xf32>
      %parallel_loop3A_618 = arith.index_cast %parallel_loop3A_554 : i32 to index
      %parallel_loop3A_619 = arith.constant 48 : index
      %parallel_loop3A_620 = tpu.vector_load %arg18[%parallel_loop3A_618, %parallel_loop3A_619] {strides = array<i32>} : memref<80x80xf32, #tpu.memory_space<vmem>>, vector<1x16xf32>,
      %parallel_loop3A_621 = vector.shape_cast %parallel_loop3A_620 : vector<1x16xf32> to vector<16xf32>
      %parallel_loop3A_622 = vector.shape_cast %parallel_loop3A_617 : vector<16xf32> to vector<1x16xf32>
      tpu.vector_store %arg18[%parallel_loop3A_618, %parallel_loop3A_619], %parallel_loop3A_622 {strides = array<i32>} : memref<80x80xf32, #tpu.memory_space<vmem>>, vector<1x16xf32>,
    } {sc.loop_unroll_factor = 2 : i64, sc.parallel_access}
    %dma_start3A_305 = arith.constant 9840 : i32
    %dma_start3A_306 = tpu.memref_slice %arg8[%dma_start3A_305] : memref<10000xi32, #tpu.memory_space<vmem>> -> memref<80xi32, #tpu.memory_space<vmem>>
    %dma_start3A_307 = arith.constant 0 : i32
    %dma_start3A_308 = arith.constant 0 : i32
    %dma_start3A_309 = tpu.memref_slice %arg3[%dma_start3A_307, %dma_start3A_308] : memref<10000x64xf32, #tpu.memory_space<hbm>> -> memref<10000x64xf32, #tpu.memory_space<hbm>>
    tpu.enqueue_indirect_dma source(%dma_start3A_309 : memref<10000x64xf32, #tpu.memory_space<hbm>>) target(%arg12 : memref<80x64xf32, #tpu.memory_space<vmem>>) offsets(%dma_start3A_306 : memref<80xi32, #tpu.memory_space<vmem>>) semaphore(%arg21 : memref<!tpu.dma_semaphore, #tpu.memory_space<semaphore_mem>>)
    %dma_start3A_310 = arith.constant 9840 : i32
    %dma_start3A_311 = tpu.memref_slice %arg7[%dma_start3A_310] : memref<10000xi32, #tpu.memory_space<vmem>> -> memref<80xi32, #tpu.memory_space<vmem>>
    %dma_start3A_312 = arith.constant 0 : i32
    %dma_start3A_313 = arith.constant 0 : i32
    %dma_start3A_314 = tpu.memref_slice %arg4[%dma_start3A_312, %dma_start3A_313] : memref<10000x64xf32, #tpu.memory_space<hbm>> -> memref<10000x64xf32, #tpu.memory_space<hbm>>
    tpu.enqueue_indirect_dma source(%dma_start3A_314 : memref<10000x64xf32, #tpu.memory_space<hbm>>) target(%arg15 : memref<80x64xf32, #tpu.memory_space<vmem>>) offsets(%dma_start3A_311 : memref<80xi32, #tpu.memory_space<vmem>>) semaphore(%arg21 : memref<!tpu.dma_semaphore, #tpu.memory_space<semaphore_mem>>)
    %dma_start3A_315 = arith.constant 0 : i32
    %dma_start3A_316 = arith.constant 0 : i32
    %dma_start3A_317 = tpu.memref_slice %arg6[%dma_start3A_315, %dma_start3A_316] : memref<10112x80xf32, #tpu.memory_space<vmem_shared>> -> memref<10112x80xf32, #tpu.memory_space<vmem_shared>>
    tpu.enqueue_indirect_dma source(%arg18 : memref<80x80xf32, #tpu.memory_space<vmem>>) target(%dma_start3A_317 : memref<10112x80xf32, #tpu.memory_space<vmem_shared>>) offsets(%arg9 : memref<80xi32, #tpu.memory_space<vmem>>) semaphore(%arg24 : memref<!tpu.dma_semaphore, #tpu.memory_space<semaphore_mem>>) {add = true}
    %dma_wait3A_318 = arith.constant 9680 : i32
    %dma_wait3A_319 = tpu.memref_slice %arg8[%dma_wait3A_318] : memref<10000xi32, #tpu.memory_space<vmem>> -> memref<80xi32, #tpu.memory_space<vmem>>
    %dma_wait3A_320 = arith.constant 0 : i32
    %dma_wait3A_321 = arith.constant 0 : i32
    %dma_wait3A_322 = tpu.memref_slice %arg3[%dma_wait3A_320, %dma_wait3A_321] : memref<10000x64xf32, #tpu.memory_space<hbm>> -> memref<10000x64xf32, #tpu.memory_space<hbm>>
    tpu.wait_indirect_dma semaphore(%arg22 : memref<!tpu.dma_semaphore, #tpu.memory_space<semaphore_mem>>) src(%dma_wait3A_322 : memref<10000x64xf32, #tpu.memory_space<hbm>>) dst(%arg13 : memref<80x64xf32, #tpu.memory_space<vmem>>)
    %dma_wait3A_323 = arith.constant 9680 : i32
    %dma_wait3A_324 = tpu.memref_slice %arg7[%dma_wait3A_323] : memref<10000xi32, #tpu.memory_space<vmem>> -> memref<80xi32, #tpu.memory_space<vmem>>
    %dma_wait3A_325 = arith.constant 0 : i32
    %dma_wait3A_326 = arith.constant 0 : i32
    %dma_wait3A_327 = tpu.memref_slice %arg4[%dma_wait3A_325, %dma_wait3A_326] : memref<10000x64xf32, #tpu.memory_space<hbm>> -> memref<10000x64xf32, #tpu.memory_space<hbm>>
    tpu.wait_indirect_dma semaphore(%arg22 : memref<!tpu.dma_semaphore, #tpu.memory_space<semaphore_mem>>) src(%dma_wait3A_327 : memref<10000x64xf32, #tpu.memory_space<hbm>>) dst(%arg16 : memref<80x64xf32, #tpu.memory_space<vmem>>)
    %dma_wait3A_328 = arith.constant 0 : i32
    %dma_wait3A_329 = arith.constant 0 : i32
    %dma_wait3A_330 = tpu.memref_slice %arg6[%dma_wait3A_328, %dma_wait3A_329] : memref<10112x80xf32, #tpu.memory_space<vmem_shared>> -> memref<10112x80xf32, #tpu.memory_space<vmem_shared>>
    tpu.wait_indirect_dma semaphore(%arg25 : memref<!tpu.dma_semaphore, #tpu.memory_space<semaphore_mem>>) src(%arg19 : memref<80x80xf32, #tpu.memory_space<vmem>>) dst(%dma_wait3A_330 : memref<10112x80xf32, #tpu.memory_space<vmem_shared>>)
    %get3A_331 = arith.constant 9680 : index
    %get3A_332 = tpu.vector_load %arg8[%get3A_331] {strides = array<i32>} : memref<10000xi32, #tpu.memory_space<vmem>>, vector<16xi32>,
    %get3A_333 = vector.shape_cast %get3A_332 : vector<16xi32> to vector<16xi32>
    %swap3A_334 = arith.constant 0 : index
    %swap3A_335 = tpu.vector_load %arg10[%swap3A_334] {strides = array<i32>} : memref<80xi32, #tpu.memory_space<vmem>>, vector<16xi32>,
    %swap3A_336 = vector.shape_cast %swap3A_335 : vector<16xi32> to vector<16xi32>
    %swap3A_337 = vector.shape_cast %get3A_333 : vector<16xi32> to vector<16xi32>
    tpu.vector_store %arg10[%swap3A_334], %swap3A_337 {strides = array<i32>} : memref<80xi32, #tpu.memory_space<vmem>>, vector<16xi32>,
    %get3A_338 = arith.constant 9696 : index
    %get3A_339 = tpu.vector_load %arg8[%get3A_338] {strides = array<i32>} : memref<10000xi32, #tpu.memory_space<vmem>>, vector<16xi32>,
    %get3A_340 = vector.shape_cast %get3A_339 : vector<16xi32> to vector<16xi32>
    %swap3A_341 = arith.constant 16 : index
    %swap3A_342 = tpu.vector_load %arg10[%swap3A_341] {strides = array<i32>} : memref<80xi32, #tpu.memory_space<vmem>>, vector<16xi32>,
    %swap3A_343 = vector.shape_cast %swap3A_342 : vector<16xi32> to vector<16xi32>
    %swap3A_344 = vector.shape_cast %get3A_340 : vector<16xi32> to vector<16xi32>
    tpu.vector_store %arg10[%swap3A_341], %swap3A_344 {strides = array<i32>} : memref<80xi32, #tpu.memory_space<vmem>>, vector<16xi32>,
    %get3A_345 = arith.constant 9712 : index
    %get3A_346 = tpu.vector_load %arg8[%get3A_345] {strides = array<i32>} : memref<10000xi32, #tpu.memory_space<vmem>>, vector<16xi32>,
    %get3A_347 = vector.shape_cast %get3A_346 : vector<16xi32> to vector<16xi32>
    %swap3A_348 = arith.constant 32 : index
    %swap3A_349 = tpu.vector_load %arg10[%swap3A_348] {strides = array<i32>} : memref<80xi32, #tpu.memory_space<vmem>>, vector<16xi32>,
    %swap3A_350 = vector.shape_cast %swap3A_349 : vector<16xi32> to vector<16xi32>
    %swap3A_351 = vector.shape_cast %get3A_347 : vector<16xi32> to vector<16xi32>
    tpu.vector_store %arg10[%swap3A_348], %swap3A_351 {strides = array<i32>} : memref<80xi32, #tpu.memory_space<vmem>>, vector<16xi32>,
    %get3A_352 = arith.constant 9728 : index
    %get3A_353 = tpu.vector_load %arg8[%get3A_352] {strides = array<i32>} : memref<10000xi32, #tpu.memory_space<vmem>>, vector<16xi32>,
    %get3A_354 = vector.shape_cast %get3A_353 : vector<16xi32> to vector<16xi32>
    %swap3A_355 = arith.constant 48 : index
    %swap3A_356 = tpu.vector_load %arg10[%swap3A_355] {strides = array<i32>} : memref<80xi32, #tpu.memory_space<vmem>>, vector<16xi32>,
    %swap3A_357 = vector.shape_cast %swap3A_356 : vector<16xi32> to vector<16xi32>
    %swap3A_358 = vector.shape_cast %get3A_354 : vector<16xi32> to vector<16xi32>
    tpu.vector_store %arg10[%swap3A_355], %swap3A_358 {strides = array<i32>} : memref<80xi32, #tpu.memory_space<vmem>>, vector<16xi32>,
    %get3A_359 = arith.constant 9744 : index
    %get3A_360 = tpu.vector_load %arg8[%get3A_359] {strides = array<i32>} : memref<10000xi32, #tpu.memory_space<vmem>>, vector<16xi32>,
    %get3A_361 = vector.shape_cast %get3A_360 : vector<16xi32> to vector<16xi32>
    %swap3A_362 = arith.constant 64 : index
    %swap3A_363 = tpu.vector_load %arg10[%swap3A_362] {strides = array<i32>} : memref<80xi32, #tpu.memory_space<vmem>>, vector<16xi32>,
    %swap3A_364 = vector.shape_cast %swap3A_363 : vector<16xi32> to vector<16xi32>
    %swap3A_365 = vector.shape_cast %get3A_361 : vector<16xi32> to vector<16xi32>
    tpu.vector_store %arg10[%swap3A_362], %swap3A_365 {strides = array<i32>} : memref<80xi32, #tpu.memory_space<vmem>>, vector<16xi32>,
    %parallel_loop3A_366 = arith.constant 0 : i32
    %parallel_loop3A_367 = arith.constant 80 : i32
    %parallel_loop3A_368 = arith.constant 1 : i32
    scf.for %parallel_loop3A_554 = %parallel_loop3A_366 to %parallel_loop3A_367 step %parallel_loop3A_368  : i32 {
      %parallel_loop3A_555 = arith.index_cast %parallel_loop3A_554 : i32 to index
      %parallel_loop3A_556 = arith.constant 0 : index
      %parallel_loop3A_557 = tpu.vector_load %arg13[%parallel_loop3A_555, %parallel_loop3A_556] {strides = array<i32>} : memref<80x64xf32, #tpu.memory_space<vmem>>, vector<1x16xf32>,
      %parallel_loop3A_558 = vector.shape_cast %parallel_loop3A_557 : vector<1x16xf32> to vector<16xf32>
      %parallel_loop3A_559 = arith.index_cast %parallel_loop3A_554 : i32 to index
      %parallel_loop3A_560 = arith.constant 0 : index
      %parallel_loop3A_561 = tpu.vector_load %arg16[%parallel_loop3A_559, %parallel_loop3A_560] {strides = array<i32>} : memref<80x64xf32, #tpu.memory_space<vmem>>, vector<1x16xf32>,
      %parallel_loop3A_562 = vector.shape_cast %parallel_loop3A_561 : vector<1x16xf32> to vector<16xf32>
      %parallel_loop3A_563 = arith.addf %parallel_loop3A_558, %parallel_loop3A_562 : vector<16xf32>
      %parallel_loop3A_564 = arith.constant 0.000000e+00 : f32
      %parallel_loop3A_565 = vector.broadcast %parallel_loop3A_564 : f32 to vector<16xf32>
      %parallel_loop3A_566 = arith.maximumf %parallel_loop3A_563, %parallel_loop3A_565 : vector<16xf32>
      %parallel_loop3A_567 = arith.index_cast %parallel_loop3A_554 : i32 to index
      %parallel_loop3A_568 = arith.constant 0 : index
      %parallel_loop3A_569 = tpu.vector_load %arg19[%parallel_loop3A_567, %parallel_loop3A_568] {strides = array<i32>} : memref<80x80xf32, #tpu.memory_space<vmem>>, vector<1x16xf32>,
      %parallel_loop3A_570 = vector.shape_cast %parallel_loop3A_569 : vector<1x16xf32> to vector<16xf32>
      %parallel_loop3A_571 = vector.shape_cast %parallel_loop3A_566 : vector<16xf32> to vector<1x16xf32>
      tpu.vector_store %arg19[%parallel_loop3A_567, %parallel_loop3A_568], %parallel_loop3A_571 {strides = array<i32>} : memref<80x80xf32, #tpu.memory_space<vmem>>, vector<1x16xf32>,
      %parallel_loop3A_572 = arith.index_cast %parallel_loop3A_554 : i32 to index
      %parallel_loop3A_573 = arith.constant 16 : index
      %parallel_loop3A_574 = tpu.vector_load %arg13[%parallel_loop3A_572, %parallel_loop3A_573] {strides = array<i32>} : memref<80x64xf32, #tpu.memory_space<vmem>>, vector<1x16xf32>,
      %parallel_loop3A_575 = vector.shape_cast %parallel_loop3A_574 : vector<1x16xf32> to vector<16xf32>
      %parallel_loop3A_576 = arith.index_cast %parallel_loop3A_554 : i32 to index
      %parallel_loop3A_577 = arith.constant 16 : index
      %parallel_loop3A_578 = tpu.vector_load %arg16[%parallel_loop3A_576, %parallel_loop3A_577] {strides = array<i32>} : memref<80x64xf32, #tpu.memory_space<vmem>>, vector<1x16xf32>,
      %parallel_loop3A_579 = vector.shape_cast %parallel_loop3A_578 : vector<1x16xf32> to vector<16xf32>
      %parallel_loop3A_580 = arith.addf %parallel_loop3A_575, %parallel_loop3A_579 : vector<16xf32>
      %parallel_loop3A_581 = arith.constant 0.000000e+00 : f32
      %parallel_loop3A_582 = vector.broadcast %parallel_loop3A_581 : f32 to vector<16xf32>
      %parallel_loop3A_583 = arith.maximumf %parallel_loop3A_580, %parallel_loop3A_582 : vector<16xf32>
      %parallel_loop3A_584 = arith.index_cast %parallel_loop3A_554 : i32 to index
      %parallel_loop3A_585 = arith.constant 16 : index
      %parallel_loop3A_586 = tpu.vector_load %arg19[%parallel_loop3A_584, %parallel_loop3A_585] {strides = array<i32>} : memref<80x80xf32, #tpu.memory_space<vmem>>, vector<1x16xf32>,
      %parallel_loop3A_587 = vector.shape_cast %parallel_loop3A_586 : vector<1x16xf32> to vector<16xf32>
      %parallel_loop3A_588 = vector.shape_cast %parallel_loop3A_583 : vector<16xf32> to vector<1x16xf32>
      tpu.vector_store %arg19[%parallel_loop3A_584, %parallel_loop3A_585], %parallel_loop3A_588 {strides = array<i32>} : memref<80x80xf32, #tpu.memory_space<vmem>>, vector<1x16xf32>,
      %parallel_loop3A_589 = arith.index_cast %parallel_loop3A_554 : i32 to index
      %parallel_loop3A_590 = arith.constant 32 : index
      %parallel_loop3A_591 = tpu.vector_load %arg13[%parallel_loop3A_589, %parallel_loop3A_590] {strides = array<i32>} : memref<80x64xf32, #tpu.memory_space<vmem>>, vector<1x16xf32>,
      %parallel_loop3A_592 = vector.shape_cast %parallel_loop3A_591 : vector<1x16xf32> to vector<16xf32>
      %parallel_loop3A_593 = arith.index_cast %parallel_loop3A_554 : i32 to index
      %parallel_loop3A_594 = arith.constant 32 : index
      %parallel_loop3A_595 = tpu.vector_load %arg16[%parallel_loop3A_593, %parallel_loop3A_594] {strides = array<i32>} : memref<80x64xf32, #tpu.memory_space<vmem>>, vector<1x16xf32>,
      %parallel_loop3A_596 = vector.shape_cast %parallel_loop3A_595 : vector<1x16xf32> to vector<16xf32>
      %parallel_loop3A_597 = arith.addf %parallel_loop3A_592, %parallel_loop3A_596 : vector<16xf32>
      %parallel_loop3A_598 = arith.constant 0.000000e+00 : f32
      %parallel_loop3A_599 = vector.broadcast %parallel_loop3A_598 : f32 to vector<16xf32>
      %parallel_loop3A_600 = arith.maximumf %parallel_loop3A_597, %parallel_loop3A_599 : vector<16xf32>
      %parallel_loop3A_601 = arith.index_cast %parallel_loop3A_554 : i32 to index
      %parallel_loop3A_602 = arith.constant 32 : index
      %parallel_loop3A_603 = tpu.vector_load %arg19[%parallel_loop3A_601, %parallel_loop3A_602] {strides = array<i32>} : memref<80x80xf32, #tpu.memory_space<vmem>>, vector<1x16xf32>,
      %parallel_loop3A_604 = vector.shape_cast %parallel_loop3A_603 : vector<1x16xf32> to vector<16xf32>
      %parallel_loop3A_605 = vector.shape_cast %parallel_loop3A_600 : vector<16xf32> to vector<1x16xf32>
      tpu.vector_store %arg19[%parallel_loop3A_601, %parallel_loop3A_602], %parallel_loop3A_605 {strides = array<i32>} : memref<80x80xf32, #tpu.memory_space<vmem>>, vector<1x16xf32>,
      %parallel_loop3A_606 = arith.index_cast %parallel_loop3A_554 : i32 to index
      %parallel_loop3A_607 = arith.constant 48 : index
      %parallel_loop3A_608 = tpu.vector_load %arg13[%parallel_loop3A_606, %parallel_loop3A_607] {strides = array<i32>} : memref<80x64xf32, #tpu.memory_space<vmem>>, vector<1x16xf32>,
      %parallel_loop3A_609 = vector.shape_cast %parallel_loop3A_608 : vector<1x16xf32> to vector<16xf32>
      %parallel_loop3A_610 = arith.index_cast %parallel_loop3A_554 : i32 to index
      %parallel_loop3A_611 = arith.constant 48 : index
      %parallel_loop3A_612 = tpu.vector_load %arg16[%parallel_loop3A_610, %parallel_loop3A_611] {strides = array<i32>} : memref<80x64xf32, #tpu.memory_space<vmem>>, vector<1x16xf32>,
      %parallel_loop3A_613 = vector.shape_cast %parallel_loop3A_612 : vector<1x16xf32> to vector<16xf32>
      %parallel_loop3A_614 = arith.addf %parallel_loop3A_609, %parallel_loop3A_613 : vector<16xf32>
      %parallel_loop3A_615 = arith.constant 0.000000e+00 : f32
      %parallel_loop3A_616 = vector.broadcast %parallel_loop3A_615 : f32 to vector<16xf32>
      %parallel_loop3A_617 = arith.maximumf %parallel_loop3A_614, %parallel_loop3A_616 : vector<16xf32>
      %parallel_loop3A_618 = arith.index_cast %parallel_loop3A_554 : i32 to index
      %parallel_loop3A_619 = arith.constant 48 : index
      %parallel_loop3A_620 = tpu.vector_load %arg19[%parallel_loop3A_618, %parallel_loop3A_619] {strides = array<i32>} : memref<80x80xf32, #tpu.memory_space<vmem>>, vector<1x16xf32>,
      %parallel_loop3A_621 = vector.shape_cast %parallel_loop3A_620 : vector<1x16xf32> to vector<16xf32>
      %parallel_loop3A_622 = vector.shape_cast %parallel_loop3A_617 : vector<16xf32> to vector<1x16xf32>
      tpu.vector_store %arg19[%parallel_loop3A_618, %parallel_loop3A_619], %parallel_loop3A_622 {strides = array<i32>} : memref<80x80xf32, #tpu.memory_space<vmem>>, vector<1x16xf32>,
    } {sc.loop_unroll_factor = 2 : i64, sc.parallel_access}
    %dma_start3A_369 = arith.constant 9920 : i32
    %dma_start3A_370 = tpu.memref_slice %arg8[%dma_start3A_369] : memref<10000xi32, #tpu.memory_space<vmem>> -> memref<80xi32, #tpu.memory_space<vmem>>
    %dma_start3A_371 = arith.constant 0 : i32
    %dma_start3A_372 = arith.constant 0 : i32
    %dma_start3A_373 = tpu.memref_slice %arg3[%dma_start3A_371, %dma_start3A_372] : memref<10000x64xf32, #tpu.memory_space<hbm>> -> memref<10000x64xf32, #tpu.memory_space<hbm>>
    tpu.enqueue_indirect_dma source(%dma_start3A_373 : memref<10000x64xf32, #tpu.memory_space<hbm>>) target(%arg13 : memref<80x64xf32, #tpu.memory_space<vmem>>) offsets(%dma_start3A_370 : memref<80xi32, #tpu.memory_space<vmem>>) semaphore(%arg22 : memref<!tpu.dma_semaphore, #tpu.memory_space<semaphore_mem>>)
    %dma_start3A_374 = arith.constant 9920 : i32
    %dma_start3A_375 = tpu.memref_slice %arg7[%dma_start3A_374] : memref<10000xi32, #tpu.memory_space<vmem>> -> memref<80xi32, #tpu.memory_space<vmem>>
    %dma_start3A_376 = arith.constant 0 : i32
    %dma_start3A_377 = arith.constant 0 : i32
    %dma_start3A_378 = tpu.memref_slice %arg4[%dma_start3A_376, %dma_start3A_377] : memref<10000x64xf32, #tpu.memory_space<hbm>> -> memref<10000x64xf32, #tpu.memory_space<hbm>>
    tpu.enqueue_indirect_dma source(%dma_start3A_378 : memref<10000x64xf32, #tpu.memory_space<hbm>>) target(%arg16 : memref<80x64xf32, #tpu.memory_space<vmem>>) offsets(%dma_start3A_375 : memref<80xi32, #tpu.memory_space<vmem>>) semaphore(%arg22 : memref<!tpu.dma_semaphore, #tpu.memory_space<semaphore_mem>>)
    %dma_start3A_379 = arith.constant 0 : i32
    %dma_start3A_380 = arith.constant 0 : i32
    %dma_start3A_381 = tpu.memref_slice %arg6[%dma_start3A_379, %dma_start3A_380] : memref<10112x80xf32, #tpu.memory_space<vmem_shared>> -> memref<10112x80xf32, #tpu.memory_space<vmem_shared>>
    tpu.enqueue_indirect_dma source(%arg19 : memref<80x80xf32, #tpu.memory_space<vmem>>) target(%dma_start3A_381 : memref<10112x80xf32, #tpu.memory_space<vmem_shared>>) offsets(%arg10 : memref<80xi32, #tpu.memory_space<vmem>>) semaphore(%arg25 : memref<!tpu.dma_semaphore, #tpu.memory_space<semaphore_mem>>) {add = true}
    %dma_wait3A_382 = arith.constant 9760 : i32
    %dma_wait3A_383 = tpu.memref_slice %arg8[%dma_wait3A_382] : memref<10000xi32, #tpu.memory_space<vmem>> -> memref<80xi32, #tpu.memory_space<vmem>>
    %dma_wait3A_384 = arith.constant 0 : i32
    %dma_wait3A_385 = arith.constant 0 : i32
    %dma_wait3A_386 = tpu.memref_slice %arg3[%dma_wait3A_384, %dma_wait3A_385] : memref<10000x64xf32, #tpu.memory_space<hbm>> -> memref<10000x64xf32, #tpu.memory_space<hbm>>
    tpu.wait_indirect_dma semaphore(%arg23 : memref<!tpu.dma_semaphore, #tpu.memory_space<semaphore_mem>>) src(%dma_wait3A_386 : memref<10000x64xf32, #tpu.memory_space<hbm>>) dst(%arg14 : memref<80x64xf32, #tpu.memory_space<vmem>>)
    %dma_wait3A_387 = arith.constant 9760 : i32
    %dma_wait3A_388 = tpu.memref_slice %arg7[%dma_wait3A_387] : memref<10000xi32, #tpu.memory_space<vmem>> -> memref<80xi32, #tpu.memory_space<vmem>>
    %dma_wait3A_389 = arith.constant 0 : i32
    %dma_wait3A_390 = arith.constant 0 : i32
    %dma_wait3A_391 = tpu.memref_slice %arg4[%dma_wait3A_389, %dma_wait3A_390] : memref<10000x64xf32, #tpu.memory_space<hbm>> -> memref<10000x64xf32, #tpu.memory_space<hbm>>
    tpu.wait_indirect_dma semaphore(%arg23 : memref<!tpu.dma_semaphore, #tpu.memory_space<semaphore_mem>>) src(%dma_wait3A_391 : memref<10000x64xf32, #tpu.memory_space<hbm>>) dst(%arg17 : memref<80x64xf32, #tpu.memory_space<vmem>>)
    %dma_wait3A_392 = arith.constant 0 : i32
    %dma_wait3A_393 = arith.constant 0 : i32
    %dma_wait3A_394 = tpu.memref_slice %arg6[%dma_wait3A_392, %dma_wait3A_393] : memref<10112x80xf32, #tpu.memory_space<vmem_shared>> -> memref<10112x80xf32, #tpu.memory_space<vmem_shared>>
    tpu.wait_indirect_dma semaphore(%arg26 : memref<!tpu.dma_semaphore, #tpu.memory_space<semaphore_mem>>) src(%arg20 : memref<80x80xf32, #tpu.memory_space<vmem>>) dst(%dma_wait3A_394 : memref<10112x80xf32, #tpu.memory_space<vmem_shared>>)
    %get3A_395 = arith.constant 9760 : index
    %get3A_396 = tpu.vector_load %arg8[%get3A_395] {strides = array<i32>} : memref<10000xi32, #tpu.memory_space<vmem>>, vector<16xi32>,
    %get3A_397 = vector.shape_cast %get3A_396 : vector<16xi32> to vector<16xi32>
    %swap3A_398 = arith.constant 0 : index
    %swap3A_399 = tpu.vector_load %arg11[%swap3A_398] {strides = array<i32>} : memref<80xi32, #tpu.memory_space<vmem>>, vector<16xi32>,
    %swap3A_400 = vector.shape_cast %swap3A_399 : vector<16xi32> to vector<16xi32>
    %swap3A_401 = vector.shape_cast %get3A_397 : vector<16xi32> to vector<16xi32>
    tpu.vector_store %arg11[%swap3A_398], %swap3A_401 {strides = array<i32>} : memref<80xi32, #tpu.memory_space<vmem>>, vector<16xi32>,
    %get3A_402 = arith.constant 9776 : index
    %get3A_403 = tpu.vector_load %arg8[%get3A_402] {strides = array<i32>} : memref<10000xi32, #tpu.memory_space<vmem>>, vector<16xi32>,
    %get3A_404 = vector.shape_cast %get3A_403 : vector<16xi32> to vector<16xi32>
    %swap3A_405 = arith.constant 16 : index
    %swap3A_406 = tpu.vector_load %arg11[%swap3A_405] {strides = array<i32>} : memref<80xi32, #tpu.memory_space<vmem>>, vector<16xi32>,
    %swap3A_407 = vector.shape_cast %swap3A_406 : vector<16xi32> to vector<16xi32>
    %swap3A_408 = vector.shape_cast %get3A_404 : vector<16xi32> to vector<16xi32>
    tpu.vector_store %arg11[%swap3A_405], %swap3A_408 {strides = array<i32>} : memref<80xi32, #tpu.memory_space<vmem>>, vector<16xi32>,
    %get3A_409 = arith.constant 9792 : index
    %get3A_410 = tpu.vector_load %arg8[%get3A_409] {strides = array<i32>} : memref<10000xi32, #tpu.memory_space<vmem>>, vector<16xi32>,
    %get3A_411 = vector.shape_cast %get3A_410 : vector<16xi32> to vector<16xi32>
    %swap3A_412 = arith.constant 32 : index
    %swap3A_413 = tpu.vector_load %arg11[%swap3A_412] {strides = array<i32>} : memref<80xi32, #tpu.memory_space<vmem>>, vector<16xi32>,
    %swap3A_414 = vector.shape_cast %swap3A_413 : vector<16xi32> to vector<16xi32>
    %swap3A_415 = vector.shape_cast %get3A_411 : vector<16xi32> to vector<16xi32>
    tpu.vector_store %arg11[%swap3A_412], %swap3A_415 {strides = array<i32>} : memref<80xi32, #tpu.memory_space<vmem>>, vector<16xi32>,
    %get3A_416 = arith.constant 9808 : index
    %get3A_417 = tpu.vector_load %arg8[%get3A_416] {strides = array<i32>} : memref<10000xi32, #tpu.memory_space<vmem>>, vector<16xi32>,
    %get3A_418 = vector.shape_cast %get3A_417 : vector<16xi32> to vector<16xi32>
    %swap3A_419 = arith.constant 48 : index
    %swap3A_420 = tpu.vector_load %arg11[%swap3A_419] {strides = array<i32>} : memref<80xi32, #tpu.memory_space<vmem>>, vector<16xi32>,
    %swap3A_421 = vector.shape_cast %swap3A_420 : vector<16xi32> to vector<16xi32>
    %swap3A_422 = vector.shape_cast %get3A_418 : vector<16xi32> to vector<16xi32>
    tpu.vector_store %arg11[%swap3A_419], %swap3A_422 {strides = array<i32>} : memref<80xi32, #tpu.memory_space<vmem>>, vector<16xi32>,
    %get3A_423 = arith.constant 9824 : index
    %get3A_424 = tpu.vector_load %arg8[%get3A_423] {strides = array<i32>} : memref<10000xi32, #tpu.memory_space<vmem>>, vector<16xi32>,
    %get3A_425 = vector.shape_cast %get3A_424 : vector<16xi32> to vector<16xi32>
    %swap3A_426 = arith.constant 64 : index
    %swap3A_427 = tpu.vector_load %arg11[%swap3A_426] {strides = array<i32>} : memref<80xi32, #tpu.memory_space<vmem>>, vector<16xi32>,
    %swap3A_428 = vector.shape_cast %swap3A_427 : vector<16xi32> to vector<16xi32>
    %swap3A_429 = vector.shape_cast %get3A_425 : vector<16xi32> to vector<16xi32>
    tpu.vector_store %arg11[%swap3A_426], %swap3A_429 {strides = array<i32>} : memref<80xi32, #tpu.memory_space<vmem>>, vector<16xi32>,
    %parallel_loop3A_430 = arith.constant 0 : i32
    %parallel_loop3A_431 = arith.constant 80 : i32
    %parallel_loop3A_432 = arith.constant 1 : i32
    scf.for %parallel_loop3A_554 = %parallel_loop3A_430 to %parallel_loop3A_431 step %parallel_loop3A_432  : i32 {
      %parallel_loop3A_555 = arith.index_cast %parallel_loop3A_554 : i32 to index
      %parallel_loop3A_556 = arith.constant 0 : index
      %parallel_loop3A_557 = tpu.vector_load %arg14[%parallel_loop3A_555, %parallel_loop3A_556] {strides = array<i32>} : memref<80x64xf32, #tpu.memory_space<vmem>>, vector<1x16xf32>,
      %parallel_loop3A_558 = vector.shape_cast %parallel_loop3A_557 : vector<1x16xf32> to vector<16xf32>
      %parallel_loop3A_559 = arith.index_cast %parallel_loop3A_554 : i32 to index
      %parallel_loop3A_560 = arith.constant 0 : index
      %parallel_loop3A_561 = tpu.vector_load %arg17[%parallel_loop3A_559, %parallel_loop3A_560] {strides = array<i32>} : memref<80x64xf32, #tpu.memory_space<vmem>>, vector<1x16xf32>,
      %parallel_loop3A_562 = vector.shape_cast %parallel_loop3A_561 : vector<1x16xf32> to vector<16xf32>
      %parallel_loop3A_563 = arith.addf %parallel_loop3A_558, %parallel_loop3A_562 : vector<16xf32>
      %parallel_loop3A_564 = arith.constant 0.000000e+00 : f32
      %parallel_loop3A_565 = vector.broadcast %parallel_loop3A_564 : f32 to vector<16xf32>
      %parallel_loop3A_566 = arith.maximumf %parallel_loop3A_563, %parallel_loop3A_565 : vector<16xf32>
      %parallel_loop3A_567 = arith.index_cast %parallel_loop3A_554 : i32 to index
      %parallel_loop3A_568 = arith.constant 0 : index
      %parallel_loop3A_569 = tpu.vector_load %arg20[%parallel_loop3A_567, %parallel_loop3A_568] {strides = array<i32>} : memref<80x80xf32, #tpu.memory_space<vmem>>, vector<1x16xf32>,
      %parallel_loop3A_570 = vector.shape_cast %parallel_loop3A_569 : vector<1x16xf32> to vector<16xf32>
      %parallel_loop3A_571 = vector.shape_cast %parallel_loop3A_566 : vector<16xf32> to vector<1x16xf32>
      tpu.vector_store %arg20[%parallel_loop3A_567, %parallel_loop3A_568], %parallel_loop3A_571 {strides = array<i32>} : memref<80x80xf32, #tpu.memory_space<vmem>>, vector<1x16xf32>,
      %parallel_loop3A_572 = arith.index_cast %parallel_loop3A_554 : i32 to index
      %parallel_loop3A_573 = arith.constant 16 : index
      %parallel_loop3A_574 = tpu.vector_load %arg14[%parallel_loop3A_572, %parallel_loop3A_573] {strides = array<i32>} : memref<80x64xf32, #tpu.memory_space<vmem>>, vector<1x16xf32>,
      %parallel_loop3A_575 = vector.shape_cast %parallel_loop3A_574 : vector<1x16xf32> to vector<16xf32>
      %parallel_loop3A_576 = arith.index_cast %parallel_loop3A_554 : i32 to index
      %parallel_loop3A_577 = arith.constant 16 : index
      %parallel_loop3A_578 = tpu.vector_load %arg17[%parallel_loop3A_576, %parallel_loop3A_577] {strides = array<i32>} : memref<80x64xf32, #tpu.memory_space<vmem>>, vector<1x16xf32>,
      %parallel_loop3A_579 = vector.shape_cast %parallel_loop3A_578 : vector<1x16xf32> to vector<16xf32>
      %parallel_loop3A_580 = arith.addf %parallel_loop3A_575, %parallel_loop3A_579 : vector<16xf32>
      %parallel_loop3A_581 = arith.constant 0.000000e+00 : f32
      %parallel_loop3A_582 = vector.broadcast %parallel_loop3A_581 : f32 to vector<16xf32>
      %parallel_loop3A_583 = arith.maximumf %parallel_loop3A_580, %parallel_loop3A_582 : vector<16xf32>
      %parallel_loop3A_584 = arith.index_cast %parallel_loop3A_554 : i32 to index
      %parallel_loop3A_585 = arith.constant 16 : index
      %parallel_loop3A_586 = tpu.vector_load %arg20[%parallel_loop3A_584, %parallel_loop3A_585] {strides = array<i32>} : memref<80x80xf32, #tpu.memory_space<vmem>>, vector<1x16xf32>,
      %parallel_loop3A_587 = vector.shape_cast %parallel_loop3A_586 : vector<1x16xf32> to vector<16xf32>
      %parallel_loop3A_588 = vector.shape_cast %parallel_loop3A_583 : vector<16xf32> to vector<1x16xf32>
      tpu.vector_store %arg20[%parallel_loop3A_584, %parallel_loop3A_585], %parallel_loop3A_588 {strides = array<i32>} : memref<80x80xf32, #tpu.memory_space<vmem>>, vector<1x16xf32>,
      %parallel_loop3A_589 = arith.index_cast %parallel_loop3A_554 : i32 to index
      %parallel_loop3A_590 = arith.constant 32 : index
      %parallel_loop3A_591 = tpu.vector_load %arg14[%parallel_loop3A_589, %parallel_loop3A_590] {strides = array<i32>} : memref<80x64xf32, #tpu.memory_space<vmem>>, vector<1x16xf32>,
      %parallel_loop3A_592 = vector.shape_cast %parallel_loop3A_591 : vector<1x16xf32> to vector<16xf32>
      %parallel_loop3A_593 = arith.index_cast %parallel_loop3A_554 : i32 to index
      %parallel_loop3A_594 = arith.constant 32 : index
      %parallel_loop3A_595 = tpu.vector_load %arg17[%parallel_loop3A_593, %parallel_loop3A_594] {strides = array<i32>} : memref<80x64xf32, #tpu.memory_space<vmem>>, vector<1x16xf32>,
      %parallel_loop3A_596 = vector.shape_cast %parallel_loop3A_595 : vector<1x16xf32> to vector<16xf32>
      %parallel_loop3A_597 = arith.addf %parallel_loop3A_592, %parallel_loop3A_596 : vector<16xf32>
      %parallel_loop3A_598 = arith.constant 0.000000e+00 : f32
      %parallel_loop3A_599 = vector.broadcast %parallel_loop3A_598 : f32 to vector<16xf32>
      %parallel_loop3A_600 = arith.maximumf %parallel_loop3A_597, %parallel_loop3A_599 : vector<16xf32>
      %parallel_loop3A_601 = arith.index_cast %parallel_loop3A_554 : i32 to index
      %parallel_loop3A_602 = arith.constant 32 : index
      %parallel_loop3A_603 = tpu.vector_load %arg20[%parallel_loop3A_601, %parallel_loop3A_602] {strides = array<i32>} : memref<80x80xf32, #tpu.memory_space<vmem>>, vector<1x16xf32>,
      %parallel_loop3A_604 = vector.shape_cast %parallel_loop3A_603 : vector<1x16xf32> to vector<16xf32>
      %parallel_loop3A_605 = vector.shape_cast %parallel_loop3A_600 : vector<16xf32> to vector<1x16xf32>
      tpu.vector_store %arg20[%parallel_loop3A_601, %parallel_loop3A_602], %parallel_loop3A_605 {strides = array<i32>} : memref<80x80xf32, #tpu.memory_space<vmem>>, vector<1x16xf32>,
      %parallel_loop3A_606 = arith.index_cast %parallel_loop3A_554 : i32 to index
      %parallel_loop3A_607 = arith.constant 48 : index
      %parallel_loop3A_608 = tpu.vector_load %arg14[%parallel_loop3A_606, %parallel_loop3A_607] {strides = array<i32>} : memref<80x64xf32, #tpu.memory_space<vmem>>, vector<1x16xf32>,
      %parallel_loop3A_609 = vector.shape_cast %parallel_loop3A_608 : vector<1x16xf32> to vector<16xf32>
      %parallel_loop3A_610 = arith.index_cast %parallel_loop3A_554 : i32 to index
      %parallel_loop3A_611 = arith.constant 48 : index
      %parallel_loop3A_612 = tpu.vector_load %arg17[%parallel_loop3A_610, %parallel_loop3A_611] {strides = array<i32>} : memref<80x64xf32, #tpu.memory_space<vmem>>, vector<1x16xf32>,
      %parallel_loop3A_613 = vector.shape_cast %parallel_loop3A_612 : vector<1x16xf32> to vector<16xf32>
      %parallel_loop3A_614 = arith.addf %parallel_loop3A_609, %parallel_loop3A_613 : vector<16xf32>
      %parallel_loop3A_615 = arith.constant 0.000000e+00 : f32
      %parallel_loop3A_616 = vector.broadcast %parallel_loop3A_615 : f32 to vector<16xf32>
      %parallel_loop3A_617 = arith.maximumf %parallel_loop3A_614, %parallel_loop3A_616 : vector<16xf32>
      %parallel_loop3A_618 = arith.index_cast %parallel_loop3A_554 : i32 to index
      %parallel_loop3A_619 = arith.constant 48 : index
      %parallel_loop3A_620 = tpu.vector_load %arg20[%parallel_loop3A_618, %parallel_loop3A_619] {strides = array<i32>} : memref<80x80xf32, #tpu.memory_space<vmem>>, vector<1x16xf32>,
      %parallel_loop3A_621 = vector.shape_cast %parallel_loop3A_620 : vector<1x16xf32> to vector<16xf32>
      %parallel_loop3A_622 = vector.shape_cast %parallel_loop3A_617 : vector<16xf32> to vector<1x16xf32>
      tpu.vector_store %arg20[%parallel_loop3A_618, %parallel_loop3A_619], %parallel_loop3A_622 {strides = array<i32>} : memref<80x80xf32, #tpu.memory_space<vmem>>, vector<1x16xf32>,
    } {sc.loop_unroll_factor = 2 : i64, sc.parallel_access}
    %dma_start3A_433 = arith.constant 0 : i32
    %dma_start3A_434 = arith.constant 0 : i32
    %dma_start3A_435 = tpu.memref_slice %arg6[%dma_start3A_433, %dma_start3A_434] : memref<10112x80xf32, #tpu.memory_space<vmem_shared>> -> memref<10112x80xf32, #tpu.memory_space<vmem_shared>>
    tpu.enqueue_indirect_dma source(%arg20 : memref<80x80xf32, #tpu.memory_space<vmem>>) target(%dma_start3A_435 : memref<10112x80xf32, #tpu.memory_space<vmem_shared>>) offsets(%arg11 : memref<80xi32, #tpu.memory_space<vmem>>) semaphore(%arg26 : memref<!tpu.dma_semaphore, #tpu.memory_space<semaphore_mem>>) {add = true}
    %dma_wait3A_436 = arith.constant 9840 : i32
    %dma_wait3A_437 = tpu.memref_slice %arg8[%dma_wait3A_436] : memref<10000xi32, #tpu.memory_space<vmem>> -> memref<80xi32, #tpu.memory_space<vmem>>
    %dma_wait3A_438 = arith.constant 0 : i32
    %dma_wait3A_439 = arith.constant 0 : i32
    %dma_wait3A_440 = tpu.memref_slice %arg3[%dma_wait3A_438, %dma_wait3A_439] : memref<10000x64xf32, #tpu.memory_space<hbm>> -> memref<10000x64xf32, #tpu.memory_space<hbm>>
    tpu.wait_indirect_dma semaphore(%arg21 : memref<!tpu.dma_semaphore, #tpu.memory_space<semaphore_mem>>) src(%dma_wait3A_440 : memref<10000x64xf32, #tpu.memory_space<hbm>>) dst(%arg12 : memref<80x64xf32, #tpu.memory_space<vmem>>)
    %dma_wait3A_441 = arith.constant 9840 : i32
    %dma_wait3A_442 = tpu.memref_slice %arg7[%dma_wait3A_441] : memref<10000xi32, #tpu.memory_space<vmem>> -> memref<80xi32, #tpu.memory_space<vmem>>
    %dma_wait3A_443 = arith.constant 0 : i32
    %dma_wait3A_444 = arith.constant 0 : i32
    %dma_wait3A_445 = tpu.memref_slice %arg4[%dma_wait3A_443, %dma_wait3A_444] : memref<10000x64xf32, #tpu.memory_space<hbm>> -> memref<10000x64xf32, #tpu.memory_space<hbm>>
    tpu.wait_indirect_dma semaphore(%arg21 : memref<!tpu.dma_semaphore, #tpu.memory_space<semaphore_mem>>) src(%dma_wait3A_445 : memref<10000x64xf32, #tpu.memory_space<hbm>>) dst(%arg15 : memref<80x64xf32, #tpu.memory_space<vmem>>)
    %dma_wait3A_446 = arith.constant 0 : i32
    %dma_wait3A_447 = arith.constant 0 : i32
    %dma_wait3A_448 = tpu.memref_slice %arg6[%dma_wait3A_446, %dma_wait3A_447] : memref<10112x80xf32, #tpu.memory_space<vmem_shared>> -> memref<10112x80xf32, #tpu.memory_space<vmem_shared>>
    tpu.wait_indirect_dma semaphore(%arg24 : memref<!tpu.dma_semaphore, #tpu.memory_space<semaphore_mem>>) src(%arg18 : memref<80x80xf32, #tpu.memory_space<vmem>>) dst(%dma_wait3A_448 : memref<10112x80xf32, #tpu.memory_space<vmem_shared>>)
    %get3A_449 = arith.constant 9840 : index
    %get3A_450 = tpu.vector_load %arg8[%get3A_449] {strides = array<i32>} : memref<10000xi32, #tpu.memory_space<vmem>>, vector<16xi32>,
    %get3A_451 = vector.shape_cast %get3A_450 : vector<16xi32> to vector<16xi32>
    %swap3A_452 = arith.constant 0 : index
    %swap3A_453 = tpu.vector_load %arg9[%swap3A_452] {strides = array<i32>} : memref<80xi32, #tpu.memory_space<vmem>>, vector<16xi32>,
    %swap3A_454 = vector.shape_cast %swap3A_453 : vector<16xi32> to vector<16xi32>
    %swap3A_455 = vector.shape_cast %get3A_451 : vector<16xi32> to vector<16xi32>
    tpu.vector_store %arg9[%swap3A_452], %swap3A_455 {strides = array<i32>} : memref<80xi32, #tpu.memory_space<vmem>>, vector<16xi32>,
    %get3A_456 = arith.constant 9856 : index
    %get3A_457 = tpu.vector_load %arg8[%get3A_456] {strides = array<i32>} : memref<10000xi32, #tpu.memory_space<vmem>>, vector<16xi32>,
    %get3A_458 = vector.shape_cast %get3A_457 : vector<16xi32> to vector<16xi32>
    %swap3A_459 = arith.constant 16 : index
    %swap3A_460 = tpu.vector_load %arg9[%swap3A_459] {strides = array<i32>} : memref<80xi32, #tpu.memory_space<vmem>>, vector<16xi32>,
    %swap3A_461 = vector.shape_cast %swap3A_460 : vector<16xi32> to vector<16xi32>
    %swap3A_462 = vector.shape_cast %get3A_458 : vector<16xi32> to vector<16xi32>
    tpu.vector_store %arg9[%swap3A_459], %swap3A_462 {strides = array<i32>} : memref<80xi32, #tpu.memory_space<vmem>>, vector<16xi32>,
    %get3A_463 = arith.constant 9872 : index
    %get3A_464 = tpu.vector_load %arg8[%get3A_463] {strides = array<i32>} : memref<10000xi32, #tpu.memory_space<vmem>>, vector<16xi32>,
    %get3A_465 = vector.shape_cast %get3A_464 : vector<16xi32> to vector<16xi32>
    %swap3A_466 = arith.constant 32 : index
    %swap3A_467 = tpu.vector_load %arg9[%swap3A_466] {strides = array<i32>} : memref<80xi32, #tpu.memory_space<vmem>>, vector<16xi32>,
    %swap3A_468 = vector.shape_cast %swap3A_467 : vector<16xi32> to vector<16xi32>
    %swap3A_469 = vector.shape_cast %get3A_465 : vector<16xi32> to vector<16xi32>
    tpu.vector_store %arg9[%swap3A_466], %swap3A_469 {strides = array<i32>} : memref<80xi32, #tpu.memory_space<vmem>>, vector<16xi32>,
    %get3A_470 = arith.constant 9888 : index
    %get3A_471 = tpu.vector_load %arg8[%get3A_470] {strides = array<i32>} : memref<10000xi32, #tpu.memory_space<vmem>>, vector<16xi32>,
    %get3A_472 = vector.shape_cast %get3A_471 : vector<16xi32> to vector<16xi32>
    %swap3A_473 = arith.constant 48 : index
    %swap3A_474 = tpu.vector_load %arg9[%swap3A_473] {strides = array<i32>} : memref<80xi32, #tpu.memory_space<vmem>>, vector<16xi32>,
    %swap3A_475 = vector.shape_cast %swap3A_474 : vector<16xi32> to vector<16xi32>
    %swap3A_476 = vector.shape_cast %get3A_472 : vector<16xi32> to vector<16xi32>
    tpu.vector_store %arg9[%swap3A_473], %swap3A_476 {strides = array<i32>} : memref<80xi32, #tpu.memory_space<vmem>>, vector<16xi32>,
    %get3A_477 = arith.constant 9904 : index
    %get3A_478 = tpu.vector_load %arg8[%get3A_477] {strides = array<i32>} : memref<10000xi32, #tpu.memory_space<vmem>>, vector<16xi32>,
    %get3A_479 = vector.shape_cast %get3A_478 : vector<16xi32> to vector<16xi32>
    %swap3A_480 = arith.constant 64 : index
    %swap3A_481 = tpu.vector_load %arg9[%swap3A_480] {strides = array<i32>} : memref<80xi32, #tpu.memory_space<vmem>>, vector<16xi32>,
    %swap3A_482 = vector.shape_cast %swap3A_481 : vector<16xi32> to vector<16xi32>
    %swap3A_483 = vector.shape_cast %get3A_479 : vector<16xi32> to vector<16xi32>
    tpu.vector_store %arg9[%swap3A_480], %swap3A_483 {strides = array<i32>} : memref<80xi32, #tpu.memory_space<vmem>>, vector<16xi32>,
    %parallel_loop3A_484 = arith.constant 0 : i32
    %parallel_loop3A_485 = arith.constant 80 : i32
    %parallel_loop3A_486 = arith.constant 1 : i32
    scf.for %parallel_loop3A_554 = %parallel_loop3A_484 to %parallel_loop3A_485 step %parallel_loop3A_486  : i32 {
      %parallel_loop3A_555 = arith.index_cast %parallel_loop3A_554 : i32 to index
      %parallel_loop3A_556 = arith.constant 0 : index
      %parallel_loop3A_557 = tpu.vector_load %arg12[%parallel_loop3A_555, %parallel_loop3A_556] {strides = array<i32>} : memref<80x64xf32, #tpu.memory_space<vmem>>, vector<1x16xf32>,
      %parallel_loop3A_558 = vector.shape_cast %parallel_loop3A_557 : vector<1x16xf32> to vector<16xf32>
      %parallel_loop3A_559 = arith.index_cast %parallel_loop3A_554 : i32 to index
      %parallel_loop3A_560 = arith.constant 0 : index
      %parallel_loop3A_561 = tpu.vector_load %arg15[%parallel_loop3A_559, %parallel_loop3A_560] {strides = array<i32>} : memref<80x64xf32, #tpu.memory_space<vmem>>, vector<1x16xf32>,
      %parallel_loop3A_562 = vector.shape_cast %parallel_loop3A_561 : vector<1x16xf32> to vector<16xf32>
      %parallel_loop3A_563 = arith.addf %parallel_loop3A_558, %parallel_loop3A_562 : vector<16xf32>
      %parallel_loop3A_564 = arith.constant 0.000000e+00 : f32
      %parallel_loop3A_565 = vector.broadcast %parallel_loop3A_564 : f32 to vector<16xf32>
      %parallel_loop3A_566 = arith.maximumf %parallel_loop3A_563, %parallel_loop3A_565 : vector<16xf32>
      %parallel_loop3A_567 = arith.index_cast %parallel_loop3A_554 : i32 to index
      %parallel_loop3A_568 = arith.constant 0 : index
      %parallel_loop3A_569 = tpu.vector_load %arg18[%parallel_loop3A_567, %parallel_loop3A_568] {strides = array<i32>} : memref<80x80xf32, #tpu.memory_space<vmem>>, vector<1x16xf32>,
      %parallel_loop3A_570 = vector.shape_cast %parallel_loop3A_569 : vector<1x16xf32> to vector<16xf32>
      %parallel_loop3A_571 = vector.shape_cast %parallel_loop3A_566 : vector<16xf32> to vector<1x16xf32>
      tpu.vector_store %arg18[%parallel_loop3A_567, %parallel_loop3A_568], %parallel_loop3A_571 {strides = array<i32>} : memref<80x80xf32, #tpu.memory_space<vmem>>, vector<1x16xf32>,
      %parallel_loop3A_572 = arith.index_cast %parallel_loop3A_554 : i32 to index
      %parallel_loop3A_573 = arith.constant 16 : index
      %parallel_loop3A_574 = tpu.vector_load %arg12[%parallel_loop3A_572, %parallel_loop3A_573] {strides = array<i32>} : memref<80x64xf32, #tpu.memory_space<vmem>>, vector<1x16xf32>,
      %parallel_loop3A_575 = vector.shape_cast %parallel_loop3A_574 : vector<1x16xf32> to vector<16xf32>
      %parallel_loop3A_576 = arith.index_cast %parallel_loop3A_554 : i32 to index
      %parallel_loop3A_577 = arith.constant 16 : index
      %parallel_loop3A_578 = tpu.vector_load %arg15[%parallel_loop3A_576, %parallel_loop3A_577] {strides = array<i32>} : memref<80x64xf32, #tpu.memory_space<vmem>>, vector<1x16xf32>,
      %parallel_loop3A_579 = vector.shape_cast %parallel_loop3A_578 : vector<1x16xf32> to vector<16xf32>
      %parallel_loop3A_580 = arith.addf %parallel_loop3A_575, %parallel_loop3A_579 : vector<16xf32>
      %parallel_loop3A_581 = arith.constant 0.000000e+00 : f32
      %parallel_loop3A_582 = vector.broadcast %parallel_loop3A_581 : f32 to vector<16xf32>
      %parallel_loop3A_583 = arith.maximumf %parallel_loop3A_580, %parallel_loop3A_582 : vector<16xf32>
      %parallel_loop3A_584 = arith.index_cast %parallel_loop3A_554 : i32 to index
      %parallel_loop3A_585 = arith.constant 16 : index
      %parallel_loop3A_586 = tpu.vector_load %arg18[%parallel_loop3A_584, %parallel_loop3A_585] {strides = array<i32>} : memref<80x80xf32, #tpu.memory_space<vmem>>, vector<1x16xf32>,
      %parallel_loop3A_587 = vector.shape_cast %parallel_loop3A_586 : vector<1x16xf32> to vector<16xf32>
      %parallel_loop3A_588 = vector.shape_cast %parallel_loop3A_583 : vector<16xf32> to vector<1x16xf32>
      tpu.vector_store %arg18[%parallel_loop3A_584, %parallel_loop3A_585], %parallel_loop3A_588 {strides = array<i32>} : memref<80x80xf32, #tpu.memory_space<vmem>>, vector<1x16xf32>,
      %parallel_loop3A_589 = arith.index_cast %parallel_loop3A_554 : i32 to index
      %parallel_loop3A_590 = arith.constant 32 : index
      %parallel_loop3A_591 = tpu.vector_load %arg12[%parallel_loop3A_589, %parallel_loop3A_590] {strides = array<i32>} : memref<80x64xf32, #tpu.memory_space<vmem>>, vector<1x16xf32>,
      %parallel_loop3A_592 = vector.shape_cast %parallel_loop3A_591 : vector<1x16xf32> to vector<16xf32>
      %parallel_loop3A_593 = arith.index_cast %parallel_loop3A_554 : i32 to index
      %parallel_loop3A_594 = arith.constant 32 : index
      %parallel_loop3A_595 = tpu.vector_load %arg15[%parallel_loop3A_593, %parallel_loop3A_594] {strides = array<i32>} : memref<80x64xf32, #tpu.memory_space<vmem>>, vector<1x16xf32>,
      %parallel_loop3A_596 = vector.shape_cast %parallel_loop3A_595 : vector<1x16xf32> to vector<16xf32>
      %parallel_loop3A_597 = arith.addf %parallel_loop3A_592, %parallel_loop3A_596 : vector<16xf32>
      %parallel_loop3A_598 = arith.constant 0.000000e+00 : f32
      %parallel_loop3A_599 = vector.broadcast %parallel_loop3A_598 : f32 to vector<16xf32>
      %parallel_loop3A_600 = arith.maximumf %parallel_loop3A_597, %parallel_loop3A_599 : vector<16xf32>
      %parallel_loop3A_601 = arith.index_cast %parallel_loop3A_554 : i32 to index
      %parallel_loop3A_602 = arith.constant 32 : index
      %parallel_loop3A_603 = tpu.vector_load %arg18[%parallel_loop3A_601, %parallel_loop3A_602] {strides = array<i32>} : memref<80x80xf32, #tpu.memory_space<vmem>>, vector<1x16xf32>,
      %parallel_loop3A_604 = vector.shape_cast %parallel_loop3A_603 : vector<1x16xf32> to vector<16xf32>
      %parallel_loop3A_605 = vector.shape_cast %parallel_loop3A_600 : vector<16xf32> to vector<1x16xf32>
      tpu.vector_store %arg18[%parallel_loop3A_601, %parallel_loop3A_602], %parallel_loop3A_605 {strides = array<i32>} : memref<80x80xf32, #tpu.memory_space<vmem>>, vector<1x16xf32>,
      %parallel_loop3A_606 = arith.index_cast %parallel_loop3A_554 : i32 to index
      %parallel_loop3A_607 = arith.constant 48 : index
      %parallel_loop3A_608 = tpu.vector_load %arg12[%parallel_loop3A_606, %parallel_loop3A_607] {strides = array<i32>} : memref<80x64xf32, #tpu.memory_space<vmem>>, vector<1x16xf32>,
      %parallel_loop3A_609 = vector.shape_cast %parallel_loop3A_608 : vector<1x16xf32> to vector<16xf32>
      %parallel_loop3A_610 = arith.index_cast %parallel_loop3A_554 : i32 to index
      %parallel_loop3A_611 = arith.constant 48 : index
      %parallel_loop3A_612 = tpu.vector_load %arg15[%parallel_loop3A_610, %parallel_loop3A_611] {strides = array<i32>} : memref<80x64xf32, #tpu.memory_space<vmem>>, vector<1x16xf32>,
      %parallel_loop3A_613 = vector.shape_cast %parallel_loop3A_612 : vector<1x16xf32> to vector<16xf32>
      %parallel_loop3A_614 = arith.addf %parallel_loop3A_609, %parallel_loop3A_613 : vector<16xf32>
      %parallel_loop3A_615 = arith.constant 0.000000e+00 : f32
      %parallel_loop3A_616 = vector.broadcast %parallel_loop3A_615 : f32 to vector<16xf32>
      %parallel_loop3A_617 = arith.maximumf %parallel_loop3A_614, %parallel_loop3A_616 : vector<16xf32>
      %parallel_loop3A_618 = arith.index_cast %parallel_loop3A_554 : i32 to index
      %parallel_loop3A_619 = arith.constant 48 : index
      %parallel_loop3A_620 = tpu.vector_load %arg18[%parallel_loop3A_618, %parallel_loop3A_619] {strides = array<i32>} : memref<80x80xf32, #tpu.memory_space<vmem>>, vector<1x16xf32>,
      %parallel_loop3A_621 = vector.shape_cast %parallel_loop3A_620 : vector<1x16xf32> to vector<16xf32>
      %parallel_loop3A_622 = vector.shape_cast %parallel_loop3A_617 : vector<16xf32> to vector<1x16xf32>
      tpu.vector_store %arg18[%parallel_loop3A_618, %parallel_loop3A_619], %parallel_loop3A_622 {strides = array<i32>} : memref<80x80xf32, #tpu.memory_space<vmem>>, vector<1x16xf32>,
    } {sc.loop_unroll_factor = 2 : i64, sc.parallel_access}
    %dma_start3A_487 = arith.constant 0 : i32
    %dma_start3A_488 = arith.constant 0 : i32
    %dma_start3A_489 = tpu.memref_slice %arg6[%dma_start3A_487, %dma_start3A_488] : memref<10112x80xf32, #tpu.memory_space<vmem_shared>> -> memref<10112x80xf32, #tpu.memory_space<vmem_shared>>
    tpu.enqueue_indirect_dma source(%arg18 : memref<80x80xf32, #tpu.memory_space<vmem>>) target(%dma_start3A_489 : memref<10112x80xf32, #tpu.memory_space<vmem_shared>>) offsets(%arg9 : memref<80xi32, #tpu.memory_space<vmem>>) semaphore(%arg24 : memref<!tpu.dma_semaphore, #tpu.memory_space<semaphore_mem>>) {add = true}
    %dma_wait3A_490 = arith.constant 9920 : i32
    %dma_wait3A_491 = tpu.memref_slice %arg8[%dma_wait3A_490] : memref<10000xi32, #tpu.memory_space<vmem>> -> memref<80xi32, #tpu.memory_space<vmem>>
    %dma_wait3A_492 = arith.constant 0 : i32
    %dma_wait3A_493 = arith.constant 0 : i32
    %dma_wait3A_494 = tpu.memref_slice %arg3[%dma_wait3A_492, %dma_wait3A_493] : memref<10000x64xf32, #tpu.memory_space<hbm>> -> memref<10000x64xf32, #tpu.memory_space<hbm>>
    tpu.wait_indirect_dma semaphore(%arg22 : memref<!tpu.dma_semaphore, #tpu.memory_space<semaphore_mem>>) src(%dma_wait3A_494 : memref<10000x64xf32, #tpu.memory_space<hbm>>) dst(%arg13 : memref<80x64xf32, #tpu.memory_space<vmem>>)
    %dma_wait3A_495 = arith.constant 9920 : i32
    %dma_wait3A_496 = tpu.memref_slice %arg7[%dma_wait3A_495] : memref<10000xi32, #tpu.memory_space<vmem>> -> memref<80xi32, #tpu.memory_space<vmem>>
    %dma_wait3A_497 = arith.constant 0 : i32
    %dma_wait3A_498 = arith.constant 0 : i32
    %dma_wait3A_499 = tpu.memref_slice %arg4[%dma_wait3A_497, %dma_wait3A_498] : memref<10000x64xf32, #tpu.memory_space<hbm>> -> memref<10000x64xf32, #tpu.memory_space<hbm>>
    tpu.wait_indirect_dma semaphore(%arg22 : memref<!tpu.dma_semaphore, #tpu.memory_space<semaphore_mem>>) src(%dma_wait3A_499 : memref<10000x64xf32, #tpu.memory_space<hbm>>) dst(%arg16 : memref<80x64xf32, #tpu.memory_space<vmem>>)
    %dma_wait3A_500 = arith.constant 0 : i32
    %dma_wait3A_501 = arith.constant 0 : i32
    %dma_wait3A_502 = tpu.memref_slice %arg6[%dma_wait3A_500, %dma_wait3A_501] : memref<10112x80xf32, #tpu.memory_space<vmem_shared>> -> memref<10112x80xf32, #tpu.memory_space<vmem_shared>>
    tpu.wait_indirect_dma semaphore(%arg25 : memref<!tpu.dma_semaphore, #tpu.memory_space<semaphore_mem>>) src(%arg19 : memref<80x80xf32, #tpu.memory_space<vmem>>) dst(%dma_wait3A_502 : memref<10112x80xf32, #tpu.memory_space<vmem_shared>>)
    %get3A_503 = arith.constant 9920 : index
    %get3A_504 = tpu.vector_load %arg8[%get3A_503] {strides = array<i32>} : memref<10000xi32, #tpu.memory_space<vmem>>, vector<16xi32>,
    %get3A_505 = vector.shape_cast %get3A_504 : vector<16xi32> to vector<16xi32>
    %swap3A_506 = arith.constant 0 : index
    %swap3A_507 = tpu.vector_load %arg10[%swap3A_506] {strides = array<i32>} : memref<80xi32, #tpu.memory_space<vmem>>, vector<16xi32>,
    %swap3A_508 = vector.shape_cast %swap3A_507 : vector<16xi32> to vector<16xi32>
    %swap3A_509 = vector.shape_cast %get3A_505 : vector<16xi32> to vector<16xi32>
    tpu.vector_store %arg10[%swap3A_506], %swap3A_509 {strides = array<i32>} : memref<80xi32, #tpu.memory_space<vmem>>, vector<16xi32>,
    %get3A_510 = arith.constant 9936 : index
    %get3A_511 = tpu.vector_load %arg8[%get3A_510] {strides = array<i32>} : memref<10000xi32, #tpu.memory_space<vmem>>, vector<16xi32>,
    %get3A_512 = vector.shape_cast %get3A_511 : vector<16xi32> to vector<16xi32>
    %swap3A_513 = arith.constant 16 : index
    %swap3A_514 = tpu.vector_load %arg10[%swap3A_513] {strides = array<i32>} : memref<80xi32, #tpu.memory_space<vmem>>, vector<16xi32>,
    %swap3A_515 = vector.shape_cast %swap3A_514 : vector<16xi32> to vector<16xi32>
    %swap3A_516 = vector.shape_cast %get3A_512 : vector<16xi32> to vector<16xi32>
    tpu.vector_store %arg10[%swap3A_513], %swap3A_516 {strides = array<i32>} : memref<80xi32, #tpu.memory_space<vmem>>, vector<16xi32>,
    %get3A_517 = arith.constant 9952 : index
    %get3A_518 = tpu.vector_load %arg8[%get3A_517] {strides = array<i32>} : memref<10000xi32, #tpu.memory_space<vmem>>, vector<16xi32>,
    %get3A_519 = vector.shape_cast %get3A_518 : vector<16xi32> to vector<16xi32>
    %swap3A_520 = arith.constant 32 : index
    %swap3A_521 = tpu.vector_load %arg10[%swap3A_520] {strides = array<i32>} : memref<80xi32, #tpu.memory_space<vmem>>, vector<16xi32>,
    %swap3A_522 = vector.shape_cast %swap3A_521 : vector<16xi32> to vector<16xi32>
    %swap3A_523 = vector.shape_cast %get3A_519 : vector<16xi32> to vector<16xi32>
    tpu.vector_store %arg10[%swap3A_520], %swap3A_523 {strides = array<i32>} : memref<80xi32, #tpu.memory_space<vmem>>, vector<16xi32>,
    %get3A_524 = arith.constant 9968 : index
    %get3A_525 = tpu.vector_load %arg8[%get3A_524] {strides = array<i32>} : memref<10000xi32, #tpu.memory_space<vmem>>, vector<16xi32>,
    %get3A_526 = vector.shape_cast %get3A_525 : vector<16xi32> to vector<16xi32>
    %swap3A_527 = arith.constant 48 : index
    %swap3A_528 = tpu.vector_load %arg10[%swap3A_527] {strides = array<i32>} : memref<80xi32, #tpu.memory_space<vmem>>, vector<16xi32>,
    %swap3A_529 = vector.shape_cast %swap3A_528 : vector<16xi32> to vector<16xi32>
    %swap3A_530 = vector.shape_cast %get3A_526 : vector<16xi32> to vector<16xi32>
    tpu.vector_store %arg10[%swap3A_527], %swap3A_530 {strides = array<i32>} : memref<80xi32, #tpu.memory_space<vmem>>, vector<16xi32>,
    %get3A_531 = arith.constant 9984 : index
    %get3A_532 = tpu.vector_load %arg8[%get3A_531] {strides = array<i32>} : memref<10000xi32, #tpu.memory_space<vmem>>, vector<16xi32>,
    %get3A_533 = vector.shape_cast %get3A_532 : vector<16xi32> to vector<16xi32>
    %swap3A_534 = arith.constant 64 : index
    %swap3A_535 = tpu.vector_load %arg10[%swap3A_534] {strides = array<i32>} : memref<80xi32, #tpu.memory_space<vmem>>, vector<16xi32>,
    %swap3A_536 = vector.shape_cast %swap3A_535 : vector<16xi32> to vector<16xi32>
    %swap3A_537 = vector.shape_cast %get3A_533 : vector<16xi32> to vector<16xi32>
    tpu.vector_store %arg10[%swap3A_534], %swap3A_537 {strides = array<i32>} : memref<80xi32, #tpu.memory_space<vmem>>, vector<16xi32>,
    %parallel_loop3A_538 = arith.constant 0 : i32
    %parallel_loop3A_539 = arith.constant 80 : i32
    %parallel_loop3A_540 = arith.constant 1 : i32
    scf.for %parallel_loop3A_554 = %parallel_loop3A_538 to %parallel_loop3A_539 step %parallel_loop3A_540  : i32 {
      %parallel_loop3A_555 = arith.index_cast %parallel_loop3A_554 : i32 to index
      %parallel_loop3A_556 = arith.constant 0 : index
      %parallel_loop3A_557 = tpu.vector_load %arg13[%parallel_loop3A_555, %parallel_loop3A_556] {strides = array<i32>} : memref<80x64xf32, #tpu.memory_space<vmem>>, vector<1x16xf32>,
      %parallel_loop3A_558 = vector.shape_cast %parallel_loop3A_557 : vector<1x16xf32> to vector<16xf32>
      %parallel_loop3A_559 = arith.index_cast %parallel_loop3A_554 : i32 to index
      %parallel_loop3A_560 = arith.constant 0 : index
      %parallel_loop3A_561 = tpu.vector_load %arg16[%parallel_loop3A_559, %parallel_loop3A_560] {strides = array<i32>} : memref<80x64xf32, #tpu.memory_space<vmem>>, vector<1x16xf32>,
      %parallel_loop3A_562 = vector.shape_cast %parallel_loop3A_561 : vector<1x16xf32> to vector<16xf32>
      %parallel_loop3A_563 = arith.addf %parallel_loop3A_558, %parallel_loop3A_562 : vector<16xf32>
      %parallel_loop3A_564 = arith.constant 0.000000e+00 : f32
      %parallel_loop3A_565 = vector.broadcast %parallel_loop3A_564 : f32 to vector<16xf32>
      %parallel_loop3A_566 = arith.maximumf %parallel_loop3A_563, %parallel_loop3A_565 : vector<16xf32>
      %parallel_loop3A_567 = arith.index_cast %parallel_loop3A_554 : i32 to index
      %parallel_loop3A_568 = arith.constant 0 : index
      %parallel_loop3A_569 = tpu.vector_load %arg19[%parallel_loop3A_567, %parallel_loop3A_568] {strides = array<i32>} : memref<80x80xf32, #tpu.memory_space<vmem>>, vector<1x16xf32>,
      %parallel_loop3A_570 = vector.shape_cast %parallel_loop3A_569 : vector<1x16xf32> to vector<16xf32>
      %parallel_loop3A_571 = vector.shape_cast %parallel_loop3A_566 : vector<16xf32> to vector<1x16xf32>
      tpu.vector_store %arg19[%parallel_loop3A_567, %parallel_loop3A_568], %parallel_loop3A_571 {strides = array<i32>} : memref<80x80xf32, #tpu.memory_space<vmem>>, vector<1x16xf32>,
      %parallel_loop3A_572 = arith.index_cast %parallel_loop3A_554 : i32 to index
      %parallel_loop3A_573 = arith.constant 16 : index
      %parallel_loop3A_574 = tpu.vector_load %arg13[%parallel_loop3A_572, %parallel_loop3A_573] {strides = array<i32>} : memref<80x64xf32, #tpu.memory_space<vmem>>, vector<1x16xf32>,
      %parallel_loop3A_575 = vector.shape_cast %parallel_loop3A_574 : vector<1x16xf32> to vector<16xf32>
      %parallel_loop3A_576 = arith.index_cast %parallel_loop3A_554 : i32 to index
      %parallel_loop3A_577 = arith.constant 16 : index
      %parallel_loop3A_578 = tpu.vector_load %arg16[%parallel_loop3A_576, %parallel_loop3A_577] {strides = array<i32>} : memref<80x64xf32, #tpu.memory_space<vmem>>, vector<1x16xf32>,
      %parallel_loop3A_579 = vector.shape_cast %parallel_loop3A_578 : vector<1x16xf32> to vector<16xf32>
      %parallel_loop3A_580 = arith.addf %parallel_loop3A_575, %parallel_loop3A_579 : vector<16xf32>
      %parallel_loop3A_581 = arith.constant 0.000000e+00 : f32
      %parallel_loop3A_582 = vector.broadcast %parallel_loop3A_581 : f32 to vector<16xf32>
      %parallel_loop3A_583 = arith.maximumf %parallel_loop3A_580, %parallel_loop3A_582 : vector<16xf32>
      %parallel_loop3A_584 = arith.index_cast %parallel_loop3A_554 : i32 to index
      %parallel_loop3A_585 = arith.constant 16 : index
      %parallel_loop3A_586 = tpu.vector_load %arg19[%parallel_loop3A_584, %parallel_loop3A_585] {strides = array<i32>} : memref<80x80xf32, #tpu.memory_space<vmem>>, vector<1x16xf32>,
      %parallel_loop3A_587 = vector.shape_cast %parallel_loop3A_586 : vector<1x16xf32> to vector<16xf32>
      %parallel_loop3A_588 = vector.shape_cast %parallel_loop3A_583 : vector<16xf32> to vector<1x16xf32>
      tpu.vector_store %arg19[%parallel_loop3A_584, %parallel_loop3A_585], %parallel_loop3A_588 {strides = array<i32>} : memref<80x80xf32, #tpu.memory_space<vmem>>, vector<1x16xf32>,
      %parallel_loop3A_589 = arith.index_cast %parallel_loop3A_554 : i32 to index
      %parallel_loop3A_590 = arith.constant 32 : index
      %parallel_loop3A_591 = tpu.vector_load %arg13[%parallel_loop3A_589, %parallel_loop3A_590] {strides = array<i32>} : memref<80x64xf32, #tpu.memory_space<vmem>>, vector<1x16xf32>,
      %parallel_loop3A_592 = vector.shape_cast %parallel_loop3A_591 : vector<1x16xf32> to vector<16xf32>
      %parallel_loop3A_593 = arith.index_cast %parallel_loop3A_554 : i32 to index
      %parallel_loop3A_594 = arith.constant 32 : index
      %parallel_loop3A_595 = tpu.vector_load %arg16[%parallel_loop3A_593, %parallel_loop3A_594] {strides = array<i32>} : memref<80x64xf32, #tpu.memory_space<vmem>>, vector<1x16xf32>,
      %parallel_loop3A_596 = vector.shape_cast %parallel_loop3A_595 : vector<1x16xf32> to vector<16xf32>
      %parallel_loop3A_597 = arith.addf %parallel_loop3A_592, %parallel_loop3A_596 : vector<16xf32>
      %parallel_loop3A_598 = arith.constant 0.000000e+00 : f32
      %parallel_loop3A_599 = vector.broadcast %parallel_loop3A_598 : f32 to vector<16xf32>
      %parallel_loop3A_600 = arith.maximumf %parallel_loop3A_597, %parallel_loop3A_599 : vector<16xf32>
      %parallel_loop3A_601 = arith.index_cast %parallel_loop3A_554 : i32 to index
      %parallel_loop3A_602 = arith.constant 32 : index
      %parallel_loop3A_603 = tpu.vector_load %arg19[%parallel_loop3A_601, %parallel_loop3A_602] {strides = array<i32>} : memref<80x80xf32, #tpu.memory_space<vmem>>, vector<1x16xf32>,
      %parallel_loop3A_604 = vector.shape_cast %parallel_loop3A_603 : vector<1x16xf32> to vector<16xf32>
      %parallel_loop3A_605 = vector.shape_cast %parallel_loop3A_600 : vector<16xf32> to vector<1x16xf32>
      tpu.vector_store %arg19[%parallel_loop3A_601, %parallel_loop3A_602], %parallel_loop3A_605 {strides = array<i32>} : memref<80x80xf32, #tpu.memory_space<vmem>>, vector<1x16xf32>,
      %parallel_loop3A_606 = arith.index_cast %parallel_loop3A_554 : i32 to index
      %parallel_loop3A_607 = arith.constant 48 : index
      %parallel_loop3A_608 = tpu.vector_load %arg13[%parallel_loop3A_606, %parallel_loop3A_607] {strides = array<i32>} : memref<80x64xf32, #tpu.memory_space<vmem>>, vector<1x16xf32>,
      %parallel_loop3A_609 = vector.shape_cast %parallel_loop3A_608 : vector<1x16xf32> to vector<16xf32>
      %parallel_loop3A_610 = arith.index_cast %parallel_loop3A_554 : i32 to index
      %parallel_loop3A_611 = arith.constant 48 : index
      %parallel_loop3A_612 = tpu.vector_load %arg16[%parallel_loop3A_610, %parallel_loop3A_611] {strides = array<i32>} : memref<80x64xf32, #tpu.memory_space<vmem>>, vector<1x16xf32>,
      %parallel_loop3A_613 = vector.shape_cast %parallel_loop3A_612 : vector<1x16xf32> to vector<16xf32>
      %parallel_loop3A_614 = arith.addf %parallel_loop3A_609, %parallel_loop3A_613 : vector<16xf32>
      %parallel_loop3A_615 = arith.constant 0.000000e+00 : f32
      %parallel_loop3A_616 = vector.broadcast %parallel_loop3A_615 : f32 to vector<16xf32>
      %parallel_loop3A_617 = arith.maximumf %parallel_loop3A_614, %parallel_loop3A_616 : vector<16xf32>
      %parallel_loop3A_618 = arith.index_cast %parallel_loop3A_554 : i32 to index
      %parallel_loop3A_619 = arith.constant 48 : index
      %parallel_loop3A_620 = tpu.vector_load %arg19[%parallel_loop3A_618, %parallel_loop3A_619] {strides = array<i32>} : memref<80x80xf32, #tpu.memory_space<vmem>>, vector<1x16xf32>,
      %parallel_loop3A_621 = vector.shape_cast %parallel_loop3A_620 : vector<1x16xf32> to vector<16xf32>
      %parallel_loop3A_622 = vector.shape_cast %parallel_loop3A_617 : vector<16xf32> to vector<1x16xf32>
      tpu.vector_store %arg19[%parallel_loop3A_618, %parallel_loop3A_619], %parallel_loop3A_622 {strides = array<i32>} : memref<80x80xf32, #tpu.memory_space<vmem>>, vector<1x16xf32>,
    } {sc.loop_unroll_factor = 2 : i64, sc.parallel_access}
    %dma_start3A_541 = arith.constant 0 : i32
    %dma_start3A_542 = arith.constant 0 : i32
    %dma_start3A_543 = tpu.memref_slice %arg6[%dma_start3A_541, %dma_start3A_542] : memref<10112x80xf32, #tpu.memory_space<vmem_shared>> -> memref<10112x80xf32, #tpu.memory_space<vmem_shared>>
    tpu.enqueue_indirect_dma source(%arg19 : memref<80x80xf32, #tpu.memory_space<vmem>>) target(%dma_start3A_543 : memref<10112x80xf32, #tpu.memory_space<vmem_shared>>) offsets(%arg10 : memref<80xi32, #tpu.memory_space<vmem>>) semaphore(%arg25 : memref<!tpu.dma_semaphore, #tpu.memory_space<semaphore_mem>>) {add = true}
    %dma_wait3A_544 = arith.constant 0 : i32
    %dma_wait3A_545 = arith.constant 0 : i32
    %dma_wait3A_546 = tpu.memref_slice %arg6[%dma_wait3A_544, %dma_wait3A_545] : memref<10112x80xf32, #tpu.memory_space<vmem_shared>> -> memref<10112x80xf32, #tpu.memory_space<vmem_shared>>
    tpu.wait_indirect_dma semaphore(%arg26 : memref<!tpu.dma_semaphore, #tpu.memory_space<semaphore_mem>>) src(%arg20 : memref<80x80xf32, #tpu.memory_space<vmem>>) dst(%dma_wait3A_546 : memref<10112x80xf32, #tpu.memory_space<vmem_shared>>)
    %dma_wait3A_547 = arith.constant 0 : i32
    %dma_wait3A_548 = arith.constant 0 : i32
    %dma_wait3A_549 = tpu.memref_slice %arg6[%dma_wait3A_547, %dma_wait3A_548] : memref<10112x80xf32, #tpu.memory_space<vmem_shared>> -> memref<10112x80xf32, #tpu.memory_space<vmem_shared>>
    tpu.wait_indirect_dma semaphore(%arg24 : memref<!tpu.dma_semaphore, #tpu.memory_space<semaphore_mem>>) src(%arg18 : memref<80x80xf32, #tpu.memory_space<vmem>>) dst(%dma_wait3A_549 : memref<10112x80xf32, #tpu.memory_space<vmem_shared>>)
    %dma_wait3A_550 = arith.constant 0 : i32
    %dma_wait3A_551 = arith.constant 0 : i32
    %dma_wait3A_552 = tpu.memref_slice %arg6[%dma_wait3A_550, %dma_wait3A_551] : memref<10112x80xf32, #tpu.memory_space<vmem_shared>> -> memref<10112x80xf32, #tpu.memory_space<vmem_shared>>
    tpu.wait_indirect_dma semaphore(%arg25 : memref<!tpu.dma_semaphore, #tpu.memory_space<semaphore_mem>>) src(%arg19 : memref<80x80xf32, #tpu.memory_space<vmem>>) dst(%dma_wait3A_552 : memref<10112x80xf32, #tpu.memory_space<vmem_shared>>)
    %barrier3A_553 = arith.constant 0 : index
    tpu.barrier barrier_id(%barrier3A_553)
    "tpu.region"() ({
      %run_scoped3A_554 = tpu.sem_alloc : memref<!tpu.dma_semaphore, #tpu.memory_space<semaphore_mem>>
      %dma_start3A_555 = arith.constant 0 : i32
      %dma_start3A_556 = tpu.memref_slice %arg5[%arg0, %mul3A_2, %dma_start3A_555] : memref<2x10112x80xf32, #tpu.memory_space<hbm>> -> memref<1x632x80xf32, #tpu.memory_space<hbm>>
      %dma_start3A_557 = tpu.memref_squeeze %dma_start3A_556 : memref<1x632x80xf32, #tpu.memory_space<hbm>> -> memref<632x80xf32, #tpu.memory_space<hbm>>
      %dma_start3A_558 = arith.constant 0 : i32
      %dma_start3A_559 = tpu.memref_slice %arg6[%mul3A_2, %dma_start3A_558] : memref<10112x80xf32, #tpu.memory_space<vmem_shared>> -> memref<632x80xf32, #tpu.memory_space<vmem_shared>>
      tpu.enqueue_dma source(%dma_start3A_559 : memref<632x80xf32, #tpu.memory_space<vmem_shared>>) target(%dma_start3A_557 : memref<632x80xf32, #tpu.memory_space<hbm>>) target_semaphore(%run_scoped3A_554 : memref<!tpu.dma_semaphore, #tpu.memory_space<semaphore_mem>>)
      %dma_wait3A_560 = arith.constant 0 : i32
      %dma_wait3A_561 = tpu.memref_slice %arg5[%arg0, %mul3A_2, %dma_wait3A_560] : memref<2x10112x80xf32, #tpu.memory_space<hbm>> -> memref<1x632x80xf32, #tpu.memory_space<hbm>>
      %dma_wait3A_562 = tpu.memref_squeeze %dma_wait3A_561 : memref<1x632x80xf32, #tpu.memory_space<hbm>> -> memref<632x80xf32, #tpu.memory_space<hbm>>
      %dma_wait3A_563 = arith.constant 0 : i32
      %dma_wait3A_564 = tpu.memref_slice %arg6[%mul3A_2, %dma_wait3A_563] : memref<10112x80xf32, #tpu.memory_space<vmem_shared>> -> memref<632x80xf32, #tpu.memory_space<vmem_shared>>
      tpu.wait_dma2 semaphore(%run_scoped3A_554 : memref<!tpu.dma_semaphore, #tpu.memory_space<semaphore_mem>>) src(%dma_wait3A_564 : memref<632x80xf32, #tpu.memory_space<vmem_shared>>) dst(%dma_wait3A_562 : memref<632x80xf32, #tpu.memory_space<hbm>>)
      tpu.yield
    }) : () -> ()
    return
  }
}

module attributes {stable_mosaic.version = 14 : i64} {
  func.func @_pre_body(%arg0: memref<10000x128xf32, #tpu.memory_space<vmem>>, %arg1: memref<256x64xf32, #tpu.memory_space<vmem>>, %arg2: memref<64xf32, #tpu.memory_space<vmem>>, %arg3: memref<10000x64xf32, #tpu.memory_space<vmem>>, %arg4: memref<10000x64xf32, #tpu.memory_space<vmem>>) attributes {dimension_semantics = [], scalar_prefetch = 0 : i64, scratch_operands = 0 : i64, tpu.core_type = #tpu.core_type<tc>} {
    %get3A = arith.constant 0 : index
    %get3A_0 = arith.constant 0 : index
    %get3A_1 = vector.load %arg1[%get3A, %get3A_0] : memref<256x64xf32, #tpu.memory_space<vmem>>, vector<128x64xf32>
    %get3A_2 = arith.constant 128 : index
    %get3A_3 = arith.constant 0 : index
    %get3A_4 = vector.load %arg1[%get3A_2, %get3A_3] : memref<256x64xf32, #tpu.memory_space<vmem>>, vector<128x64xf32>
    %get3A_5 = arith.constant 0 : index
    %get3A_6 = arith.constant 0 : index
    %get3A_7 = vector.load %arg0[%get3A_5, %get3A_6] : memref<10000x128xf32, #tpu.memory_space<vmem>>, vector<10000x128xf32>
    %sub3A = arith.subf %get3A_1, %get3A_4 : vector<128x64xf32>
    %dot_general3A = arith.constant dense<0.000000e+00> : vector<10000x64xf32>
    %dot_general3A_8 = tpu.matmul %get3A_7, %sub3A, %dot_general3A {dimension_numbers = #tpu.dot_dimension_numbers<[1], [0], [0], [1], [0, 0, 1, 1], [], []>, precision = #tpu.contract_precision<fp32>, transpose_lhs_hint = false} : vector<10000x128xf32>, vector<128x64xf32>, vector<10000x64xf32> -> vector<10000x64xf32>
    %get3A_9 = arith.constant 0 : index
    %get3A_10 = vector.load %arg2[%get3A_9] : memref<64xf32, #tpu.memory_space<vmem>>, vector<64xf32>
    %broadcast_in_dim3A = vector.shape_cast %get3A_10 : vector<64xf32> to vector<1x64xf32>
    %add3A = vector.broadcast %broadcast_in_dim3A : vector<1x64xf32> to vector<10000x64xf32>
    %add3A_11 = arith.addf %dot_general3A_8, %add3A : vector<10000x64xf32>
    %swap3A = arith.constant 0 : index
    %swap3A_12 = arith.constant 0 : index
    %swap3A_13 = vector.load %arg3[%swap3A, %swap3A_12] : memref<10000x64xf32, #tpu.memory_space<vmem>>, vector<10000x64xf32>
    tpu.vector_store %arg3[%swap3A, %swap3A_12], %add3A_11 {strides = array<i32>} : memref<10000x64xf32, #tpu.memory_space<vmem>>, vector<10000x64xf32>,
    %dot_general3A_14 = arith.constant dense<0.000000e+00> : vector<10000x64xf32>
    %dot_general3A_15 = tpu.matmul %get3A_7, %get3A_4, %dot_general3A_14 {dimension_numbers = #tpu.dot_dimension_numbers<[1], [0], [0], [1], [0, 0, 1, 1], [], []>, precision = #tpu.contract_precision<fp32>, transpose_lhs_hint = false} : vector<10000x128xf32>, vector<128x64xf32>, vector<10000x64xf32> -> vector<10000x64xf32>
    %swap3A_16 = arith.constant 0 : index
    %swap3A_17 = arith.constant 0 : index
    %swap3A_18 = vector.load %arg4[%swap3A_16, %swap3A_17] : memref<10000x64xf32, #tpu.memory_space<vmem>>, vector<10000x64xf32>
    tpu.vector_store %arg4[%swap3A_16, %swap3A_17], %dot_general3A_15 {strides = array<i32>} : memref<10000x64xf32, #tpu.memory_space<vmem>>, vector<10000x64xf32>,
    return
  }
}

module attributes {stable_mosaic.version = 14 : i64} {
  func.func @_post_body(%arg0: memref<2x10112x80xf32, #tpu.memory_space<vmem>>, %arg1: memref<64x128xf32, #tpu.memory_space<vmem>>, %arg2: memref<128xf32, #tpu.memory_space<vmem>>, %arg3: memref<10000x128xf32, #tpu.memory_space<vmem>>) attributes {dimension_semantics = [], scalar_prefetch = 0 : i64, scratch_operands = 0 : i64, tpu.core_type = #tpu.core_type<tc>} {
    %get3A = arith.constant 0 : index
    %get3A_0 = arith.constant 0 : index
    %get3A_1 = arith.constant 0 : index
    %get3A_2 = vector.load %arg0[%get3A, %get3A_0, %get3A_1] : memref<2x10112x80xf32, #tpu.memory_space<vmem>>, vector<1x10000x64xf32>
    %get3A_3 = vector.shape_cast %get3A_2 : vector<1x10000x64xf32> to vector<10000x64xf32>
    %get3A_4 = arith.constant 1 : index
    %get3A_5 = arith.constant 0 : index
    %get3A_6 = arith.constant 0 : index
    %get3A_7 = vector.load %arg0[%get3A_4, %get3A_5, %get3A_6] : memref<2x10112x80xf32, #tpu.memory_space<vmem>>, vector<1x10000x64xf32>
    %get3A_8 = vector.shape_cast %get3A_7 : vector<1x10000x64xf32> to vector<10000x64xf32>
    %add3A = arith.addf %get3A_3, %get3A_8 : vector<10000x64xf32>
    %get3A_9 = arith.constant 0 : index
    %get3A_10 = arith.constant 0 : index
    %get3A_11 = arith.constant 64 : index
    %get3A_12 = vector.load %arg0[%get3A_9, %get3A_10, %get3A_11] : memref<2x10112x80xf32, #tpu.memory_space<vmem>>, vector<1x10000x1xf32>
    %get3A_13 = vector.shape_cast %get3A_12 : vector<1x10000x1xf32> to vector<10000x1xf32>
    %get3A_14 = arith.constant 1 : index
    %get3A_15 = arith.constant 0 : index
    %get3A_16 = arith.constant 64 : index
    %get3A_17 = vector.load %arg0[%get3A_14, %get3A_15, %get3A_16] : memref<2x10112x80xf32, #tpu.memory_space<vmem>>, vector<1x10000x1xf32>
    %get3A_18 = vector.shape_cast %get3A_17 : vector<1x10000x1xf32> to vector<10000x1xf32>
    %add3A_19 = arith.addf %get3A_13, %get3A_18 : vector<10000x1xf32>
    %get3A_20 = arith.constant 0 : index
    %get3A_21 = arith.constant 0 : index
    %get3A_22 = vector.load %arg1[%get3A_20, %get3A_21] : memref<64x128xf32, #tpu.memory_space<vmem>>, vector<64x128xf32>
    %dot_general3A = arith.constant dense<0.000000e+00> : vector<10000x128xf32>
    %dot_general3A_23 = tpu.matmul %add3A, %get3A_22, %dot_general3A {dimension_numbers = #tpu.dot_dimension_numbers<[1], [0], [0], [1], [0, 0, 1, 1], [], []>, precision = #tpu.contract_precision<fp32>, transpose_lhs_hint = false} : vector<10000x64xf32>, vector<64x128xf32>, vector<10000x128xf32> -> vector<10000x128xf32>
    %get3A_24 = arith.constant 0 : index
    %get3A_25 = vector.load %arg2[%get3A_24] : memref<128xf32, #tpu.memory_space<vmem>>, vector<128xf32>
    %broadcast_in_dim3A = vector.shape_cast %get3A_25 : vector<128xf32> to vector<1x128xf32>
    %mul3A = vector.broadcast %add3A_19 : vector<10000x1xf32> to vector<10000x128xf32>
    %mul3A_26 = vector.broadcast %broadcast_in_dim3A : vector<1x128xf32> to vector<10000x128xf32>
    %mul3A_27 = arith.mulf %mul3A, %mul3A_26 : vector<10000x128xf32>
    %add3A_28 = arith.addf %dot_general3A_23, %mul3A_27 : vector<10000x128xf32>
    %tanh3A = math.tanh %add3A_28 : vector<10000x128xf32>
    %swap3A = arith.constant 0 : index
    %swap3A_29 = arith.constant 0 : index
    %swap3A_30 = vector.load %arg3[%swap3A, %swap3A_29] : memref<10000x128xf32, #tpu.memory_space<vmem>>, vector<10000x128xf32>
    tpu.vector_store %arg3[%swap3A, %swap3A_29], %tanh3A {strides = array<i32>} : memref<10000x128xf32, #tpu.memory_space<vmem>>, vector<10000x128xf32>,
    return
  }
}

</mosaic_0001>

<sc_bundles>
// kernel: kernel.5.cloned.1.call-start
scs
__scs_entry_jumppad:
0x0: {  	(pc) =	sbr.rel $0x88, $3  }
0x1: {  	(tag) =	ssettag $0x0;
	lr =	simm.s32 $0x1  }
0x2: {  	[smem:$0x3F9B] =	sst lr;
	_ =	strace $0xD0000000  }
0x3: {  	_ = 	snop  }
0x4: {  	_ = 	snop  }
0x5: {  	_ = 	snop  }
0x6: {  	_ = 	snop  }
0x7: {  	_ = 	snop  }
__scs_overlays_trampoline_lowered:
0x8: {  	[smem:$0x3FAA] =	sst s0  }
0x9: {  	[smem:$0x3FAB] =	sst s1  }
0xa: {  	[smem:$0x3FAC] =	sst s2  }
0xb: {  	[smem:$0x3FAD] =	sst s3  }
0xc: {  	[smem:$0x3FAE] =	sst s4  }
0xd: {  	[smem:$0x3FAF] =	sst s5  }
0xe: {  	[smem:$0x3FB0] =	sst s6  }
0xf: {  	[smem:$0x3FB1] =	sst s7  }
0x10: {  	[smem:$0x3FB2] =	sst s8  }
0x11: {  	[smem:$0x3FB3] =	sst s9;
	s0 =	simm.s32 @!p0 $0x0  }
0x12: {  	s1 =	sld [smem:$0x3F99];
	s0 =	simm.s32 @p0 $0x1  }
0x13: {  	[smem:$0x3FB4] =	sst s0;
	s0 =	simm.s32 @!p1 $0x0  }
0x14: {  	s2 =	sld [smem:$0x3F98];
	s0 =	simm.s32 @p1 $0x1  }
0x15: {  	[smem:$0x3FB5] =	sst s0;
	s0 =	simm.s32 @!p2 $0x0  }
0x16: {  	s3 =	sld [smem:$0x3FDB];
	s0 =	simm.s32 @p2 $0x1  }
0x17: {  	s4 =	simm.s32 $0x1BF5;
	[smem:$0x3FB7] =	sst s0  }
0x18: {  	s0 =	sld [smem:$0x3F9A];
	_ =	swait.ge [sflag:s4], $0x0  }
0x19: {  	s7 =	sld [smem:$0x3F9B]  }
0x1a: {  	s8 =	sadd.s32 $0xFFFFE003, lr  }
0x1b: {  	s9 =	sadd.s32 $0xFFFFFEF7, lr;
	s5 =	simm.s32 $0xFFFFFFFF;
	p2 =	slt.u32 s8, $0xFFFFF086  }
0x1c: {  	p1 =	slt.u32 s9, $0xF7A;
	s5 =	simm.s32 @!p2 $0x0  }
0x1d: {  	s5 =	simm.s32 @p1 $0x1;
	p0 =	seq.s32 s7, s2  }
0x1e: {  	s7 =	smul.u32 @!p0 $0xF7A, s2;
	p2 =	seq.s32 @!p0 s5, $0x0  }
0x1f: {  	s9 =	smul.u32 $0xF7A, s1;
	s8 =	simm.s32 @!p0 $0x1BF5;
	p2 =	por !p2, p0  }
0x20: {  	[sflag:s8] =	ssyncset.s32 @!p0 $0xFFFFF086;
	s6 =	sadd.s32 @!p0 s3, s7;
	s7 =	simm.s32 @!p0 $0x108  }
0x21: {  	s3 =	sadd.s32 s3, s9;
	s6 =	sadd.s32 @!p0 $0x88, s6;
	s7 =	simm.s32 @p2 $0x1082  }
0x22: {  	[simem:s7], [sflag:s8] =	dma.local @!p0 [hbm:s6], $0xF7A  }
0x23: {  	s9 =	sor.u32 $0xD0000000, s2;
	s6 =	simm.s32 $0x108;
	_ =	swait.ge @!p0 [sflag:s8], $0x0  }
0x24: {  	s3 =	sadd.s32 $0x88, s3;
	s6 =	simm.s32 @!p1 $0x1082;
	[sflag:s4] =	ssyncset.s32 $0xFFFFF086  }
0x25: {  	[simem:s6], [sflag:s4] =	dma.local [hbm:s3], $0xF7A  }
0x26: {  	[smem:$0x3F9B] =	sst s1;
	(tag) =	ssettag s2;
	_ =	strace s9  }
0x27: {  	s1 =	sld [smem:$0x3FAB]  }
0x28: {  	s2 =	sld [smem:$0x3FAC]  }
0x29: {  	s4 =	sld [smem:$0x3FAE]  }
0x2a: {  	p0 =	seq.s32 s5, $0x0;
	s5 =	sld [smem:$0x3FAF]  }
0x2b: {  	s6 =	sld [smem:$0x3FB0]  }
0x2c: {  	s7 =	sld [smem:$0x3FB1]  }
0x2d: {  	s3 =	simm.s32 $0x108;
	s8 =	sld [smem:$0x3FB2]  }
0x2e: {  	s3 =	simm.s32 @!p0 $0x1082;
	s9 =	sld [smem:$0x3FB3]  }
0x2f: {  	lr =	sadd.s32 s0, s3;
	s0 =	sld [smem:$0x3FAA]  }
0x30: {  	s3 =	sld [smem:$0x3FAD]  }
0x31: {  	[smem:$0x3FB6] =	sst s10  }
0x32: {  	s10 =	sld [smem:$0x3FB4];
	_ =	sdelay $0x3  }
0x33: {  	p0 =	seq.s32 s10, $0x1;
	s10 =	sld [smem:$0x3FB6];
	_ =	sdelay $0x3  }
0x34: {  	[smem:$0x3FB6] =	sst s10  }
0x35: {  	s10 =	sld [smem:$0x3FB5];
	_ =	sdelay $0x3  }
0x36: {  	p1 =	seq.s32 s10, $0x1;
	s10 =	sld [smem:$0x3FB6];
	_ =	sdelay $0x3  }
0x37: {  	[smem:$0x3FB6] =	sst s10  }
0x38: {  	s10 =	sld [smem:$0x3FB7]  }
0x39: {  	_ = 	snop;
	(pc) =	sbr.ind lr, $3  }
0x3a: {  	_ = 	snop  }
0x3b: {  	_ = 	snop  }
0x3c: {  	p2 =	seq.s32 s10, $0x1;
	s10 =	sld [smem:$0x3FB6]  }
0x3d: {  	_ =	shalt  }
0x3e: {  	_ =	shalt  }
0x3f: {  	_ =	shalt  }
0x40: {  	_ =	shalt  }
0x41: {  	_ =	shalt  }
0x42: {  	_ =	shalt  }
0x43: {  	_ =	shalt  }
0x44: {  	_ =	shalt  }
0x45: {  	_ =	shalt  }
0x46: {  	_ =	shalt  }
0x47: {  	_ =	shalt  }
0x48: {  	_ =	shalt  }
0x49: {  	_ =	shalt  }
0x4a: {  	_ =	shalt  }
0x4b: {  	_ =	shalt  }
0x4c: {  	_ =	shalt  }
0x4d: {  	_ =	shalt  }
0x4e: {  	_ =	shalt  }
0x4f: {  	_ =	shalt  }
0x50: {  	_ =	shalt  }
0x51: {  	_ =	shalt  }
0x52: {  	_ =	shalt  }
0x53: {  	_ =	shalt  }
0x54: {  	_ =	shalt  }
0x55: {  	_ =	shalt  }
0x56: {  	_ =	shalt  }
0x57: {  	_ =	shalt  }
0x58: {  	_ =	shalt  }
0x59: {  	_ =	shalt  }
0x5a: {  	_ =	shalt  }
0x5b: {  	_ =	shalt  }
0x5c: {  	_ =	shalt  }
0x5d: {  	_ =	shalt  }
0x5e: {  	_ =	shalt  }
0x5f: {  	_ =	shalt  }
0x60: {  	_ =	shalt  }
0x61: {  	_ =	shalt  }
0x62: {  	_ =	shalt  }
0x63: {  	_ =	shalt  }
0x64: {  	_ =	shalt  }
0x65: {  	_ =	shalt  }
0x66: {  	_ =	shalt  }
0x67: {  	_ =	shalt  }
0x68: {  	_ =	shalt  }
0x69: {  	_ =	shalt  }
0x6a: {  	_ =	shalt  }
0x6b: {  	_ =	shalt  }
0x6c: {  	_ =	shalt  }
0x6d: {  	_ =	shalt  }
0x6e: {  	_ =	shalt  }
0x6f: {  	_ =	shalt  }
0x70: {  	_ =	shalt  }
0x71: {  	_ =	shalt  }
0x72: {  	_ =	shalt  }
0x73: {  	_ =	shalt  }
0x74: {  	_ =	shalt  }
0x75: {  	_ =	shalt  }
0x76: {  	_ =	shalt  }
0x77: {  	_ =	shalt  }
0x78: {  	_ =	shalt  }
0x79: {  	_ =	shalt  }
0x7a: {  	_ =	shalt  }
0x7b: {  	_ =	shalt  }
0x7c: {  	_ =	shalt  }
0x7d: {  	_ =	shalt  }
0x7e: {  	_ =	shalt  }
0x7f: {  	_ =	shalt  }
0x80: {  	_ =	shalt  }
0x81: {  	_ =	shalt  }
0x82: {  	_ =	shalt  }
0x83: {  	_ =	shalt  }
0x84: {  	_ =	shalt  }
0x85: {  	_ =	shalt  }
0x86: {  	_ =	shalt  }
0x87: {  	_ =	shalt  }
.Lfunc_end0:
.L_simem_size_0:
called_computation_lowered:
.L_overlay_start_0:
0x88: {  	s2 =	sld [smem:$0x3FD9]  }
0x89: {  	s3 =	sld [smem:$0x3FFE];
	_ =	sdelay $0x1  }
0x8a: {  	s1 =	srdreg.scid  }
0x8b: {  	s0 =	sand.u32 $0x1, s1  }
0x8c: {  	s17 =	sshll.u32 s0, $0xA;
	s2 =	sadd.s32 s3, s2  }
0x8d: {  	s2 =	sadd.s32 s2, s17  }
0x8e: {  	[smem:$0x3FC2] =	sst s2  }
0x8f: {  	_ = 	snop  }
0x90: {  	s2 =	sld [smem:$0x3FD0];
	(tm) =	ssettm $0x1  }
0x91: {  	s18 =	sld [smem:$0x3FFB];
	_ =	sdelay $0x3  }
0x92: {  	_ =	strace s18  }
0x93: {  	s3 =	sld [smem:$0x3FFC];
	_ =	sdelay $0x3  }
0x94: {  	_ =	strace s3  }
0x95: {  	s3 =	sld [smem:$0x3FFD];
	_ =	sdelay $0x3  }
0x96: {  	_ =	strace s3  }
0x97: {  	_ =	strace $0x8FFFFFFF  }
0x98: {  	s19 =	sld [smem:$0x3FDB];
	_ =	sdelay $0x1  }
0x99: {  	s4 =	simm.s32 $_scs_section_size  }
0x9a: {  	s5 =	simm.s32 $_size__tile_overlayer_lowered;
	s6 =	simm.s32 $_tile_overlayer_lowered  }
0x9b: {  	s22 =	simm.s32 $0x1BFF;
	s21 =	sshll.u32 s6, $0x1;
	s3 =	sadd.s32 s4, s19  }
0x9c: {  	s7 =	simm.s32 $0x0;
	s20 =	sshll.u32 s5, $0x1;
	s5 =	sadd.s32 s21, s3  }
0x9d: {  	[timem:s7], [sflag:s22] =	dma.local [hbm:s5], s20  }
0x9e: {  	_ =	swait.ge [sflag:s22], s20  }
0x9f: {  	s4 =	ssub.s32 $0x0, s20;
	[sflag:s22] =	ssyncset.done $0x0  }
0xa0: {  	[sflag:s22] =	ssyncadd.s32 s4;
	_ =	sdelay $0x1  }
0xa1: {  	s23 =	simm.s32 $0x1B8B  }
0xa2: {  	_ =	swait.ge [sflag:s23], $0x1  }
0xa3: {  	[sflag:s23] =	ssyncset.done $0x0  }
0xa4: {  	s25 =	simm.s32 $0x1B8E;
	s24 =	sld [smem:$0x3FFE];
	[sflag:s23] =	ssyncadd.s32 $0xFFFFFFFF  }
0xa5: {  	s26 =	simm.s32 $execute0_lowered;
	[smem:$0x3FD2] =	sst s25  }
0xa6: {  	s5 =	sshll.u32 s26, $0x1;
	_ =	strace $0x80000046;
	[dreg:$0x1] =	wrdreg $0xFFFFFFFF  }
0xa7: {  	s28 =	simm.s32 $_size_execute0_lowered;
	s3 =	sadd.s32 s3, s5;
	[dreg:$0x0] =	wrdreg $0x0  }
0xa8: {  	s5 =	sshll.u32 s28, $0x1;
	[dreg:$0x2] =	wrdreg s3  }
0xa9: {  	[dreg:$0x3] =	wrdreg s5  }
0xaa: {  	[dreg:$0x4] =	wrdreg $0xC0  }
0xab: {  	_ =	task [dreg:s7], $0x5FFFF  }
0xac: {  	[dreg:$0x1] =	wrdreg $0xFFFFFFFF  }
0xad: {  	[dreg:$0x0] =	wrdreg $0x60  }
0xae: {  	[dreg:$0x2] =	wrdreg s2  }
0xaf: {  	[dreg:$0x3] =	wrdreg s24  }
0xb0: {  	[dreg:$0x4] =	wrdreg $0x0  }
0xb1: {  	[dreg:$0x5] =	wrdreg $0x9  }
0xb2: {  	_ =	task.clear_ibuf [dreg:s7], $0x6FFFF;
	_ =	strace $0x90000046  }
0xb3: {  	s29 =	simm.s32 $0x9;
	_ =	strace $0x80000048  }
0xb4: {  	_ =	swait.ge [sflag:s29], $0x1  }
0xb5: {  	[sflag:s29] =	ssyncadd.s32 $0xFFFFFFFF  }
0xb6: {  	_ =	strace $0x90000048  }
0xb7: {  	_ =	sfence  }
0xb8: {  	s30 =	sld [smem:$0x0];
	_ =	sdelay $0x2  }
0xb9: {  	s31 =	sshll.u32 s1, $0xD;
	s1 =	sshrl.u32 s1, $0x2  }
0xba: {  	s3 =	sand.u32 $0x4000, s31;
	s1 =	sadd.s32 s1, s30  }
0xbb: {  	s0 =	sor.u32 s3, s0;
	s1 =	sshll.u32 s1, $0x11  }
0xbc: {  	s0 =	sor.u32 s1, s0  }
0xbd: {  	s0 =	sadd.s32 $0x8F2B, s0  }
0xbe: {  	[sflag:s0] =	ssyncadd.remote.s32 $0x1  }
0xbf: {  	_ =	sfence.sel $0xFFFF  }
0xc0: {  	[dreg:$0x0] =	wrdreg $0xFFFFFFFF;
	(pc) =	sbr.abs _section_cstart, $3  }
0xc1: {  	[dreg:$0x1] =	wrdreg $0xFFFFFFFF  }
0xc2: {  	_ =	task.clear_ibuf [dreg:s7], $0x2FFFF;
	_ =	strace $0x9FFFFFFF  }
0xc3: {  	(tm) =	ssettm $0x7FFFFFFF  }
tec
execute0_lowered:
.L_overlay_start_1:
0x0: {  	(tag) =	ssettag $0x1  }
0x1: {  	s0 =	rddreg [dreg:$0x0]  }
0x2: {  	s1 =	rddreg [dreg:$0x1];
	s3 =	srdreg.scid  }
0x3: {  	s9 =	stileid.u32;
	s2 =	rddreg [dreg:$0x2]  }
0x4: {  	s5 =	simm.s32 $0x0;
	s13 =	simm.s32 $0x7;
	s6 =	smul.u32 $0xC580, s9  }
0x5: {  	s3 =	sand.u32 $0x1, s3;
	[smem:$0x7FF] =	sst s5;
	s8 =	smul.u32 $0x31600, s9  }
0x6: {  	s5 =	sadd.s32 $0x14800, s1;
	s15 =	sshll.u32 s9, $0x1;
	s4 =	smul.u32 $0xC5800, s3  }
0x7: {  	_ =	strace $0x80000047;
	s16 =	ssub.s32 $0x2, s3;
	s3 =	sor.u32 s3, s15  }
0x8: {  	s17 =	sshrl.u32 s8, $0x2;
	s18 =	sshrl.u32 s16, $0x1;
	s3 =	smul.u32 $0x2710, s3  }
0x9: {  	s12 =	sadd.s32 s6, s2;
	s14 =	sadd.s32 s6, s4;
	s4 =	sadd.s32 $0xE00, s1  }
0xa: {  	s8 =	ssub.s32 s16, s18;
	[dreg:$0x4] =	wrdreg s12;
	s7 =	sshrl.u32 s14, $0x3  }
0xb: {  	s3 =	sshrl.u32 s3, $0x3;
	s31 =	smax.u32 s8, $0x1;
	s1 =	sadd.s32 s7, s1  }
0xc: {  	s7 =	sadd.s32 s17, s2;
	s0 =	sadd.s32 s0, s3;
	[dreg:$0xf] =	wrdreg s31  }
0xd: {  	s29 =	simm.s32 $0x16490;
	s19 =	sadd.s32 $0x1900, s7;
	[dreg:$0xa] =	wrdreg s0  }
0xe: {  	s28 =	simm.s32 $0x1;
	s20 =	sadd.s32 $0x3200, s7;
	[dreg:$0x5] =	wrdreg s19  }
0xf: {  	s30 =	simm.s32 $0x113A0;
	s21 =	sadd.s32 $0x4B00, s7;
	[dreg:$0x6] =	wrdreg s20  }
0x10: {  	s10 =	simm.s32 $0x6;
	s22 =	sadd.s32 $0x6400, s7;
	[dreg:$0x7] =	wrdreg s21  }
0x11: {  	s9 =	simm.s32 $0x5;
	s23 =	sadd.s32 $0x7D00, s7;
	[dreg:$0x8] =	wrdreg s22  }
0x12: {  	s18 =	simm.s32 $0x18C90;
	s24 =	sadd.s32 $0x9600, s7;
	[dreg:$0x9] =	wrdreg s23  }
0x13: {  	s6 =	simm.s32 $0x0;
	s25 =	sadd.s32 $0xAF00, s7;
	[dreg:$0xb] =	wrdreg s24  }
0x14: {  	s8 =	simm.s32 $0x4;
	s0 =	sadd.s32 $0x9C40, s0;
	[dreg:$0xc] =	wrdreg s25  }
0x15: {  	s26 =	sadd.s32 $0x28200, s1;
	s1 =	simm.s32 $0x2;
	[dreg:$0xd] =	wrdreg s0  }
0x16: {  	s7 =	simm.s32 $0x1BE90;
	[dreg:$0xe] =	wrdreg s26;
	s22 =	simm.s32 $0x50  }
0x17: {  	s23 =	simm.s32 $0x11490;
	s24 =	simm.s32 $0x15090;
	s26 =	simm.s32 $0x12890  }
0x18: {  	v0 =	vimm.f32 $0.0e+00;
	v1 =	vimm.f32 $1.000000000e+00;
	s0 =	simm.s32 $0x113F0;
	s20 =	simm.s32 $0x1A590;
	s21 =	simm.s32 $0x3  }
.LBB2_1:
0x19: {  	[dreg:$0x10] =	wrdreg s6;
	s6 =	simm.s32 $0x140;
	s3 =	simm.s32 $0x0  }
.LBB2_2:
0x1a: {  	p0 =	sne.s32 s6, $0x62C0;
	[tilespmem:s3+$0x18CD0] =	vst v0;
	s11 =	smov.u32 s6;
	s6 =	sadd.s32 $0x140, s6  }
.Ltmp0:
0x1b: {  	[tilespmem:s3+$0x18CC0] =	vst v0;
	(pc) =	sbr.rel @p0 .LBB2_2-.Ltmp0, $4  }
0x1c: {  	[tilespmem:s3+$0x18CB0] =	vst v0  }
0x1d: {  	[tilespmem:s3+$0x18C90] =	vst v0  }
0x1e: {  	[tilespmem:s3+$0x18CA0] =	vst v0  }
0x1f: {  	s3 =	sshra.s32 s11, $0x2  }
0x20: {  	[tilespmem:s3+$0x18CD0] =	vst v0  }
0x21: {  	[tilespmem:s3+$0x18CC0] =	vst v0  }
0x22: {  	[tilespmem:s3+$0x18CB0] =	vst v0  }
0x23: {  	[tilespmem:s3+$0x18C90] =	vst v0  }
0x24: {  	[tilespmem:s3+$0x18CA0] =	vst v0  }
0x25: {  	[spmem:s12] =	stream.linear.scatter [tilespmem:s18], [sflag:$0x7], $0x1900, $0x38;
	[tilespmem:$0x1D790] =	vst v63  }
0x26: {  	_ =	swait.ge [sflag:s13], $0x1900  }
0x27: {  	[sflag:s13] =	ssyncset.done $0x0  }
0x28: {  	s14 =	rddreg [dreg:$0x5];
	[sflag:s13] =	ssyncadd.s32 $0xFFFFE700  }
0x29: {  	[spmem:s14] =	stream.linear.scatter [tilespmem:s18], [sflag:$0x7], $0x1900, $0x38;
	[tilespmem:$0x1D790] =	vst v63  }
0x2a: {  	_ =	swait.ge [sflag:s13], $0x1900  }
0x2b: {  	[sflag:s13] =	ssyncset.done $0x0  }
0x2c: {  	s15 =	rddreg [dreg:$0x6];
	[sflag:s13] =	ssyncadd.s32 $0xFFFFE700  }
0x2d: {  	[spmem:s15] =	stream.linear.scatter [tilespmem:s18], [sflag:$0x7], $0x1900, $0x38;
	[tilespmem:$0x1D790] =	vst v63  }
0x2e: {  	_ =	swait.ge [sflag:s13], $0x1900  }
0x2f: {  	[sflag:s13] =	ssyncset.done $0x0  }
0x30: {  	s16 =	rddreg [dreg:$0x7];
	[sflag:s13] =	ssyncadd.s32 $0xFFFFE700  }
0x31: {  	[spmem:s16] =	stream.linear.scatter [tilespmem:s18], [sflag:$0x7], $0x1900, $0x38;
	[tilespmem:$0x1D790] =	vst v63  }
0x32: {  	_ =	swait.ge [sflag:s13], $0x1900  }
0x33: {  	[sflag:s13] =	ssyncset.done $0x0  }
0x34: {  	s17 =	rddreg [dreg:$0x8];
	[sflag:s13] =	ssyncadd.s32 $0xFFFFE700  }
0x35: {  	[spmem:s17] =	stream.linear.scatter [tilespmem:s18], [sflag:$0x7], $0x1900, $0x38;
	[tilespmem:$0x1D790] =	vst v63  }
0x36: {  	_ =	swait.ge [sflag:s13], $0x1900  }
0x37: {  	[sflag:s13] =	ssyncset.done $0x0  }
0x38: {  	s19 =	rddreg [dreg:$0x9];
	[sflag:s13] =	ssyncadd.s32 $0xFFFFE700  }
0x39: {  	[spmem:s19] =	stream.linear.scatter [tilespmem:s18], [sflag:$0x7], $0x1900, $0x38;
	[tilespmem:$0x1D790] =	vst v63  }
0x3a: {  	_ =	swait.ge [sflag:s13], $0x1900  }
0x3b: {  	[sflag:s13] =	ssyncset.done $0x0  }
0x3c: {  	s25 =	rddreg [dreg:$0xb];
	[sflag:s13] =	ssyncadd.s32 $0xFFFFE700  }
0x3d: {  	[spmem:s25] =	stream.linear.scatter [tilespmem:s18], [sflag:$0x7], $0x1900, $0x38;
	[tilespmem:$0x1D790] =	vst v63  }
0x3e: {  	_ =	swait.ge [sflag:s13], $0x1900  }
0x3f: {  	[sflag:s13] =	ssyncset.done $0x0  }
0x40: {  	s31 =	rddreg [dreg:$0xc];
	[sflag:s13] =	ssyncadd.s32 $0xFFFFE700  }
0x41: {  	[spmem:s31] =	stream.linear.scatter [tilespmem:s18], [sflag:$0x7], $0x1680, $0x38;
	[tilespmem:$0x1D790] =	vst v63  }
0x42: {  	_ =	swait.ge [sflag:s13], $0x1680  }
0x43: {  	s3 =	simm.s32 $0x100;
	[sflag:s13] =	ssyncset.done $0x0  }
0x44: {  	s6 =	simm.s32 $0x240;
	s11 =	simm.s32 $0x40;
	[sflag:s13] =	ssyncadd.s32 $0xFFFFE980  }
.LBB2_4:
0x45: {  	p0 =	sne.s32 s6, $0x63C0;
	[tilespmem:s11+$0x18C90] =	vst v1;
	s11 =	smov.u32 s6;
	s6 =	sadd.s32 $0x140, s6  }
.Ltmp1:
0x46: {  	(pc) =	sbr.rel @p0 .LBB2_4-.Ltmp1, $2  }
0x47: {  	_ =	sdelay $0x2  }
0x48: {  	s11 =	sshra.s32 s11, $0x2  }
0x49: {  	[tilespmem:s11+$0x18C90] =	vst v1  }
.LBB2_6:
0x4a: {  	p0 =	sne.s32 s3, $0x63C0  }
.Ltmp2:
0x4b: {  	_ = 	snop;
	(pc) =	sbr.rel @p0 .LBB2_6-.Ltmp2, $3  }
0x4c: {  	_ =	sdelay $0x1  }
0x4d: {  	s6 =	sshra.s32 s3, $0x2  }
0x4e: {  	s3 =	sadd.s32 $0x140, s3;
	[tilespmem:s6+$0x1A590] =	vst v1  }
0x4f: {  	s3 =	simm.s32 $0x240;
	s6 =	simm.s32 $0x40  }
.LBB2_8:
0x50: {  	p0 =	sne.s32 s3, $0x63C0;
	[tilespmem:s6+$0x1BE90] =	vst v1;
	s6 =	smov.u32 s3;
	s3 =	sadd.s32 $0x140, s3  }
.Ltmp3:
0x51: {  	(pc) =	sbr.rel @p0 .LBB2_8-.Ltmp3, $2  }
0x52: {  	_ =	sdelay $0x2  }
0x53: {  	s6 =	sshra.s32 s6, $0x2  }
0x54: {  	[tilespmem:s6+$0x1BE90] =	vst v1  }
0x55: {  	[bflag:$0x0] =	sbarrier.arrive $0xFFFF  }
0x56: {  	s3 =	simm.s32 $0x0;
	s11 =	simm.s32 $0xC580;
	s25 =	rddreg [dreg:$0xa]  }
0x57: {  	[tilespmem:s11], [sflag:$0x7] =	stream.linear.gather [hbm4b:s25+s3], $0x2710, $0x38;
	[tilespmem:$0x1D790] =	vst v63  }
0x58: {  	_ =	swait.ge [sflag:s13], $0x2710  }
0x59: {  	[sflag:s13] =	ssyncset.done $0x0  }
0x5a: {  	s12 =	simm.s32 $0xEC90;
	s31 =	rddreg [dreg:$0xd];
	[sflag:s13] =	ssyncadd.s32 $0xFFFFD8F0  }
0x5b: {  	[tilespmem:s12], [sflag:$0x7] =	stream.linear.gather [hbm4b:s31+s3], $0x2710, $0x38;
	[tilespmem:$0x1D790] =	vst v63  }
0x5c: {  	_ =	swait.ge [sflag:s13], $0x2710  }
0x5d: {  	[sflag:s13] =	ssyncset.done $0x0  }
0x5e: {  	[sflag:s13] =	ssyncadd.s32 $0xFFFFD8F0  }
0x5f: {  	[tilespmem:s23], [sflag:$0x1] =	stream.indirect.gather [hbm4b:s4+s22], $0x40, s12, s22, $0xb8;
	[tilespmem:$0x1D790] =	vst v63  }
0x60: {  	_ = 	snop  }
0x61: {  	[tilespmem:s24], [sflag:$0x1] =	stream.indirect.gather [hbm4b:s5+s22], $0x40, s11, s22, $0xb8;
	[tilespmem:$0x1D790] =	vst v63  }
0x62: {  	s14 =	simm.s32 $0xECE0  }
0x63: {  	[tilespmem:s26], [sflag:$0x2] =	stream.indirect.gather [hbm4b:s4+s22], $0x40, s14, s22, $0xb8;
	[tilespmem:$0x1D790] =	vst v63  }
0x64: {  	s15 =	simm.s32 $0xC5D0  }
0x65: {  	[tilespmem:s29], [sflag:$0x2] =	stream.indirect.gather [hbm4b:s5+s22], $0x40, s15, s22, $0xb8;
	[tilespmem:$0x1D790] =	vst v63  }
0x66: {  	s16 =	simm.s32 $0xED30;
	s17 =	simm.s32 $0x13C90  }
0x67: {  	[tilespmem:s17], [sflag:$0x3] =	stream.indirect.gather [hbm4b:s4+s22], $0x40, s16, s22, $0xb8;
	[tilespmem:$0x1D790] =	vst v63  }
0x68: {  	s19 =	simm.s32 $0xC620;
	s25 =	simm.s32 $0x17890  }
0x69: {  	[tilespmem:s25], [sflag:$0x3] =	stream.indirect.gather [hbm4b:s5+s22], $0x40, s19, s22, $0xb8;
	[tilespmem:$0x1D790] =	vst v63  }
0x6a: {  	_ =	swait.ge [sflag:s28], $0x1400  }
0x6b: {  	[sflag:s28] =	ssyncset.done $0x0  }
0x6c: {  	[sflag:s28] =	ssyncadd.s32 $0xFFFFEC00  }
0x6d: {  	_ =	swait.ge [sflag:s28], $0x1400  }
0x6e: {  	[sflag:s28] =	ssyncset.done $0x0  }
0x6f: {  	[sflag:s28] =	ssyncadd.s32 $0xFFFFEC00  }
0x70: {  	v2 =	vld [tilespmem:$0xEC90]  }
0x71: {  	v3 =	vld [tilespmem:$0xECA0]  }
0x72: {  	v4 =	vld [tilespmem:$0xECB0]  }
0x73: {  	v5 =	vld [tilespmem:$0xECC0]  }
0x74: {  	v6 =	vld [tilespmem:$0xECD0]  }
0x75: {  	[tilespmem:$0x113A0] =	vst v2  }
0x76: {  	[tilespmem:$0x113B0] =	vst v3  }
0x77: {  	[tilespmem:$0x113C0] =	vst v4  }
0x78: {  	[tilespmem:$0x113D0] =	vst v5  }
0x79: {  	s17 =	simm.s32 $0x114D0;
	[tilespmem:$0x113E0] =	vst v6  }
0x7a: {  	s31 =	simm.s32 $0x150D0;
	v2 =	vld [tilespmem:s17+$0x0]  }
0x7b: {  	v3 =	vld [tilespmem:s31+$0x0];
	_ =	sdelay $0x2  }
0x7c: {  	v4 =	vld [tilespmem:s31+$0xFFFFFFC0]  }
0x7d: {  	v5 =	vld [tilespmem:s17+$0xFFFFFFC0]  }
0x7e: {  	v2 =	vadd.f32 v3, v2;
	_ =	sdelay $0x1  }
0x7f: {  	s13 =	simm.s32 $0x18CE0;
	v2 =	vmax.f32 v2, $0.0e+00  }
0x80: {  	[tilespmem:s13+$0x0] =	vst v2  }
0x81: {  	v2 =	vadd.f32 v4, v5;
	v3 =	vld [tilespmem:s17+$0x10]  }
0x82: {  	v4 =	vld [tilespmem:s31+$0x10]  }
0x83: {  	s15 =	simm.s32 $0x11550;
	v2 =	vmax.f32 v2, $0.0e+00  }
0x84: {  	v6 =	vld [tilespmem:s15+$0x0];
	[tilespmem:s13+$0xFFFFFFB0] =	vst v2  }
0x85: {  	v2 =	vld [tilespmem:s17+$0xFFFFFFD0]  }
0x86: {  	s16 =	simm.s32 $0x15150;
	v5 =	vld [tilespmem:s31+$0xFFFFFFD0]  }
0x87: {  	v3 =	vadd.f32 v4, v3;
	v4 =	vld [tilespmem:s16+$0x0]  }
0x88: {  	v7 =	vld [tilespmem:s16+$0xFFFFFFC0]  }
0x89: {  	v8 =	vld [tilespmem:s15+$0xFFFFFFC0];
	v3 =	vmax.f32 v3, $0.0e+00  }
0x8a: {  	[tilespmem:s13+$0x10] =	vst v3  }
0x8b: {  	v2 =	vadd.f32 v5, v2;
	v3 =	vld [tilespmem:s17+$0x20]  }
0x8c: {  	v5 =	vld [tilespmem:s31+$0x20];
	v4 =	vadd.f32 v4, v6  }
0x8d: {  	s12 =	simm.s32 $0x115D0;
	v2 =	vmax.f32 v2, $0.0e+00  }
0x8e: {  	s14 =	simm.s32 $0x18D80;
	v10 =	vld [tilespmem:s12+$0x0];
	v6 =	vadd.f32 v7, v8;
	[tilespmem:s13+$0xFFFFFFC0] =	vst v2;
	v4 =	vmax.f32 v4, $0.0e+00  }
0x8f: {  	v2 =	vld [tilespmem:s17+$0xFFFFFFE0];
	[tilespmem:s14+$0x0] =	vst v4  }
0x90: {  	v4 =	vmax.f32 v6, $0.0e+00;
	v6 =	vld [tilespmem:s15+$0x10]  }
0x91: {  	v3 =	vadd.f32 v5, v3;
	[tilespmem:s14+$0xFFFFFFB0] =	vst v4;
	v4 =	vld [tilespmem:s16+$0x10]  }
0x92: {  	v5 =	vld [tilespmem:s15+$0xFFFFFFD0]  }
0x93: {  	v8 =	vld [tilespmem:s16+$0xFFFFFFD0];
	v3 =	vmax.f32 v3, $0.0e+00  }
0x94: {  	v7 =	vld [tilespmem:s31+$0xFFFFFFE0];
	[tilespmem:s13+$0x20] =	vst v3  }
0x95: {  	v3 =	vld [tilespmem:s17+$0x30]  }
0x96: {  	s11 =	simm.s32 $0x151D0;
	v9 =	vld [tilespmem:s31+$0x30];
	v4 =	vadd.f32 v4, v6  }
0x97: {  	v6 =	vld [tilespmem:s11+$0x0]  }
0x98: {  	v5 =	vadd.f32 v8, v5;
	v8 =	vld [tilespmem:s11+$0xFFFFFFC0];
	v4 =	vmax.f32 v4, $0.0e+00  }
0x99: {  	[tilespmem:s14+$0x10] =	vst v4;
	v4 =	vld [tilespmem:s12+$0xFFFFFFC0]  }
0x9a: {  	v2 =	vadd.f32 v7, v2;
	v5 =	vmax.f32 v5, $0.0e+00;
	v7 =	vld [tilespmem:s15+$0x20]  }
0x9b: {  	[tilespmem:s14+$0xFFFFFFC0] =	vst v5;
	v5 =	vld [tilespmem:s16+$0x20]  }
0x9c: {  	v2 =	vmax.f32 v2, $0.0e+00;
	v6 =	vadd.f32 v6, v10;
	v10 =	vld [tilespmem:s15+$0xFFFFFFE0]  }
0x9d: {  	[tilespmem:s13+$0xFFFFFFD0] =	vst v2;
	v2 =	vld [tilespmem:s16+$0xFFFFFFE0]  }
0x9e: {  	s6 =	simm.s32 $0x18E20;
	v11 =	vld [tilespmem:s17+$0xFFFFFFF0];
	v6 =	vmax.f32 v6, $0.0e+00;
	v4 =	vadd.f32 v8, v4  }
0x9f: {  	[tilespmem:s6+$0x0] =	vst v6;
	v6 =	vld [tilespmem:s31+$0xFFFFFFF0]  }
0xa0: {  	v12 =	vadd.f32 v5, v7;
	v7 =	vld [tilespmem:s11+$0x10];
	v8 =	vmax.f32 v4, $0.0e+00  }
0xa1: {  	v3 =	vadd.f32 v9, v3;
	v4 =	vld [tilespmem:s12+$0x10];
	[tilespmem:s6+$0xFFFFFFB0] =	vst v8  }
0xa2: {  	v2 =	vadd.f32 v2, v10;
	v8 =	vmax.f32 v12, $0.0e+00;
	v5 =	vld [tilespmem:s12+$0xFFFFFFD0]  }
0xa3: {  	v3 =	vmax.f32 v3, $0.0e+00;
	[tilespmem:s14+$0x20] =	vst v8;
	v8 =	vld [tilespmem:s11+$0xFFFFFFD0]  }
0xa4: {  	[tilespmem:s13+$0x30] =	vst v3;
	v3 =	vmax.f32 v2, $0.0e+00;
	v2 =	vld [tilespmem:s15+$0x30];
	v6 =	vadd.f32 v6, v11  }
0xa5: {  	s19 =	simm.s32 $0x4;
	s25 =	simm.s32 $0x11650;
	s17 =	simm.s32 $0x151D0;
	[tilespmem:s14+$0xFFFFFFD0] =	vst v3;
	v3 =	vld [tilespmem:s16+$0x30]  }
.LBB2_10:
0xa6: {  	v9 =	vld [tilespmem:s25+$0x0];
	v4 =	vadd.f32 v7, v4;
	s11 =	sadd.s32 $0x80, s11;
	v6 =	vmax.f32 v6, $0.0e+00  }
0xa7: {  	v7 =	vld [tilespmem:s11+$0x0];
	[tilespmem:s13+$0xFFFFFFE0] =	vst v6;
	s13 =	smov.u32 s14;
	s14 =	smov.u32 s6  }
0xa8: {  	v6 =	vld [tilespmem:s11+$0xFFFFFFC0];
	v5 =	vadd.f32 v8, v5;
	v4 =	vmax.f32 v4, $0.0e+00  }
0xa9: {  	v8 =	vld [tilespmem:s25+$0xFFFFFFC0];
	[tilespmem:s6+$0x10] =	vst v4  }
0xaa: {  	s19 =	sadd.s32 $0x2, s19;
	v4 =	vmax.f32 v5, $0.0e+00;
	v5 =	vld [tilespmem:s12+$0x20];
	v2 =	vadd.f32 v3, v2  }
0xab: {  	p0 =	slt.u32 s19, $0x4E;
	[tilespmem:s6+$0xFFFFFFC0] =	vst v4;
	v3 =	vld [tilespmem:s17+$0x20]  }
0xac: {  	v4 =	vadd.f32 v7, v9;
	v9 =	vld [tilespmem:s12+$0xFFFFFFE0];
	v2 =	vmax.f32 v2, $0.0e+00  }
0xad: {  	v10 =	vld [tilespmem:s17+$0xFFFFFFE0];
	[tilespmem:s13+$0x30] =	vst v2  }
0xae: {  	s6 =	sadd.s32 $0xA0, s6;
	v2 =	vadd.f32 v6, v8;
	v4 =	vmax.f32 v4, $0.0e+00;
	v6 =	vld [tilespmem:s15+$0xFFFFFFF0];
	s15 =	smov.u32 s12;
	s12 =	smov.u32 s25  }
0xaf: {  	[tilespmem:s6+$0x0] =	vst v4;
	v11 =	vld [tilespmem:s16+$0xFFFFFFF0];
	s16 =	smov.u32 s17;
	s17 =	smov.u32 s11  }
0xb0: {  	v2 =	vmax.f32 v2, $0.0e+00;
	v4 =	vld [tilespmem:s25+$0x10];
	v3 =	vadd.f32 v3, v5  }
.Ltmp4:
0xb1: {  	[tilespmem:s6+$0xFFFFFFB0] =	vst v2;
	v7 =	vld [tilespmem:s11+$0x10];
	(pc) =	sbr.rel @p0 .LBB2_10-.Ltmp4, $4  }
0xb2: {  	v5 =	vld [tilespmem:s25+$0xFFFFFFD0];
	v2 =	vadd.f32 v10, v9;
	v3 =	vmax.f32 v3, $0.0e+00  }
0xb3: {  	v8 =	vld [tilespmem:s11+$0xFFFFFFD0];
	[tilespmem:s14+$0x20] =	vst v3  }
0xb4: {  	v3 =	vmax.f32 v2, $0.0e+00;
	v2 =	vld [tilespmem:s15+$0x30];
	v6 =	vadd.f32 v11, v6  }
0xb5: {  	s25 =	sadd.s32 $0x80, s25;
	[tilespmem:s14+$0xFFFFFFD0] =	vst v3;
	v3 =	vld [tilespmem:s16+$0x30]  }
0xb6: {  	v4 =	vadd.f32 v7, v4;
	_ =	sdelay $0x1  }
0xb7: {  	v5 =	vadd.f32 v8, v5;
	v4 =	vmax.f32 v4, $0.0e+00  }
0xb8: {  	[tilespmem:s6+$0x10] =	vst v4  }
0xb9: {  	v4 =	vmax.f32 v5, $0.0e+00;
	v5 =	vld [tilespmem:s12+$0x20]  }
0xba: {  	[tilespmem:s6+$0xFFFFFFC0] =	vst v4;
	v4 =	vld [tilespmem:s17+$0x20]  }
0xbb: {  	v7 =	vld [tilespmem:s12+$0xFFFFFFE0]  }
0xbc: {  	v8 =	vld [tilespmem:s17+$0xFFFFFFE0];
	_ =	sdelay $0x2  }
0xbd: {  	v4 =	vadd.f32 v4, v5;
	_ =	sdelay $0x1  }
0xbe: {  	v5 =	vld [tilespmem:s15+$0xFFFFFFF0];
	v7 =	vadd.f32 v8, v7;
	v4 =	vmax.f32 v4, $0.0e+00  }
0xbf: {  	v8 =	vld [tilespmem:s16+$0xFFFFFFF0];
	[tilespmem:s6+$0x20] =	vst v4  }
0xc0: {  	v4 =	vmax.f32 v7, $0.0e+00;
	v7 =	vld [tilespmem:s12+$0x30]  }
0xc1: {  	[tilespmem:s6+$0xFFFFFFD0] =	vst v4;
	v4 =	vld [tilespmem:s17+$0x30]  }
0xc2: {  	v9 =	vld [tilespmem:s12+$0xFFFFFFF0]  }
0xc3: {  	v10 =	vld [tilespmem:s17+$0xFFFFFFF0];
	_ =	sdelay $0x1  }
0xc4: {  	v2 =	vadd.f32 v3, v2  }
0xc5: {  	v3 =	vmax.f32 v6, $0.0e+00;
	v5 =	vadd.f32 v8, v5  }
0xc6: {  	[tilespmem:s13+$0xFFFFFFE0] =	vst v3;
	v2 =	vmax.f32 v2, $0.0e+00;
	v3 =	vadd.f32 v4, v7  }
0xc7: {  	[tilespmem:s14+$0x30] =	vst v2;
	v2 =	vmax.f32 v5, $0.0e+00;
	v4 =	vadd.f32 v10, v9  }
0xc8: {  	[tilespmem:s14+$0xFFFFFFE0] =	vst v2;
	v2 =	vmax.f32 v3, $0.0e+00  }
0xc9: {  	[tilespmem:s6+$0x30] =	vst v2;
	v2 =	vmax.f32 v4, $0.0e+00  }
0xca: {  	s3 =	simm.s32 $0xED80;
	[tilespmem:s6+$0xFFFFFFE0] =	vst v2  }
0xcb: {  	[tilespmem:s23], [sflag:$0x1] =	stream.indirect.gather [hbm4b:s4+s22], $0x40, s3, s22, $0xb8;
	[tilespmem:$0x1D790] =	vst v63  }
0xcc: {  	s19 =	simm.s32 $0xC670  }
0xcd: {  	[tilespmem:s24], [sflag:$0x1] =	stream.indirect.gather [hbm4b:s5+s22], $0x40, s19, s22, $0xb8;
	[tilespmem:$0x1D790] =	vst v63  }
0xce: {  	_ = 	snop  }
0xcf: {  	[spmem:s2] =	stream.indirect.scatter.add.f32 [tilespmem:s18], [sflag:$0x4], $0x50, s30, s22, $0xb8;
	[tilespmem:$0x1D790] =	vst v63  }
0xd0: {  	_ =	swait.ge [sflag:s1], $0x1400  }
0xd1: {  	[sflag:s1] =	ssyncset.done $0x0  }
0xd2: {  	[sflag:s1] =	ssyncadd.s32 $0xFFFFEC00  }
0xd3: {  	_ =	swait.ge [sflag:s1], $0x1400  }
0xd4: {  	[sflag:s1] =	ssyncset.done $0x0  }
0xd5: {  	[sflag:s1] =	ssyncadd.s32 $0xFFFFEC00  }
0xd6: {  	v2 =	vld [tilespmem:$0xECE0]  }
0xd7: {  	v3 =	vld [tilespmem:$0xECF0]  }
0xd8: {  	v4 =	vld [tilespmem:$0xED00]  }
0xd9: {  	v5 =	vld [tilespmem:$0xED10]  }
0xda: {  	v6 =	vld [tilespmem:$0xED20]  }
0xdb: {  	[tilespmem:$0x113F0] =	vst v2  }
0xdc: {  	[tilespmem:$0x11400] =	vst v3  }
0xdd: {  	[tilespmem:$0x11410] =	vst v4  }
0xde: {  	[tilespmem:$0x11420] =	vst v5  }
0xdf: {  	s25 =	simm.s32 $0x128D0;
	[tilespmem:$0x11430] =	vst v6  }
0xe0: {  	s31 =	simm.s32 $0x164D0;
	v2 =	vld [tilespmem:s25+$0x0]  }
0xe1: {  	v3 =	vld [tilespmem:s31+$0x0];
	_ =	sdelay $0x2  }
0xe2: {  	v4 =	vld [tilespmem:s31+$0xFFFFFFC0]  }
0xe3: {  	v5 =	vld [tilespmem:s25+$0xFFFFFFC0]  }
0xe4: {  	v2 =	vadd.f32 v3, v2;
	_ =	sdelay $0x1  }
0xe5: {  	s13 =	simm.s32 $0x1A5E0;
	v2 =	vmax.f32 v2, $0.0e+00  }
0xe6: {  	[tilespmem:s13+$0x0] =	vst v2  }
0xe7: {  	v2 =	vadd.f32 v4, v5;
	v3 =	vld [tilespmem:s25+$0x10]  }
0xe8: {  	v4 =	vld [tilespmem:s31+$0x10]  }
0xe9: {  	s15 =	simm.s32 $0x12950;
	v2 =	vmax.f32 v2, $0.0e+00  }
0xea: {  	v6 =	vld [tilespmem:s15+$0x0];
	[tilespmem:s13+$0xFFFFFFB0] =	vst v2  }
0xeb: {  	v2 =	vld [tilespmem:s25+$0xFFFFFFD0]  }
0xec: {  	s16 =	simm.s32 $0x16550;
	v5 =	vld [tilespmem:s31+$0xFFFFFFD0]  }
0xed: {  	v3 =	vadd.f32 v4, v3;
	v4 =	vld [tilespmem:s16+$0x0]  }
0xee: {  	v7 =	vld [tilespmem:s16+$0xFFFFFFC0]  }
0xef: {  	v8 =	vld [tilespmem:s15+$0xFFFFFFC0];
	v3 =	vmax.f32 v3, $0.0e+00  }
0xf0: {  	[tilespmem:s13+$0x10] =	vst v3  }
0xf1: {  	v2 =	vadd.f32 v5, v2;
	v3 =	vld [tilespmem:s25+$0x20]  }
0xf2: {  	v5 =	vld [tilespmem:s31+$0x20];
	v4 =	vadd.f32 v4, v6  }
0xf3: {  	s12 =	simm.s32 $0x129D0;
	v2 =	vmax.f32 v2, $0.0e+00  }
0xf4: {  	s14 =	simm.s32 $0x1A680;
	v10 =	vld [tilespmem:s12+$0x0];
	v6 =	vadd.f32 v7, v8;
	[tilespmem:s13+$0xFFFFFFC0] =	vst v2;
	v4 =	vmax.f32 v4, $0.0e+00  }
0xf5: {  	v2 =	vld [tilespmem:s25+$0xFFFFFFE0];
	[tilespmem:s14+$0x0] =	vst v4  }
0xf6: {  	v4 =	vmax.f32 v6, $0.0e+00;
	v6 =	vld [tilespmem:s15+$0x10]  }
0xf7: {  	v3 =	vadd.f32 v5, v3;
	[tilespmem:s14+$0xFFFFFFB0] =	vst v4;
	v4 =	vld [tilespmem:s16+$0x10]  }
0xf8: {  	v5 =	vld [tilespmem:s15+$0xFFFFFFD0]  }
0xf9: {  	v8 =	vld [tilespmem:s16+$0xFFFFFFD0];
	v3 =	vmax.f32 v3, $0.0e+00  }
0xfa: {  	v7 =	vld [tilespmem:s31+$0xFFFFFFE0];
	[tilespmem:s13+$0x20] =	vst v3  }
0xfb: {  	v3 =	vld [tilespmem:s25+$0x30]  }
0xfc: {  	s11 =	simm.s32 $0x165D0;
	v9 =	vld [tilespmem:s31+$0x30];
	v4 =	vadd.f32 v4, v6  }
0xfd: {  	v6 =	vld [tilespmem:s11+$0x0]  }
0xfe: {  	v5 =	vadd.f32 v8, v5;
	v8 =	vld [tilespmem:s11+$0xFFFFFFC0];
	v4 =	vmax.f32 v4, $0.0e+00  }
0xff: {  	[tilespmem:s14+$0x10] =	vst v4;
	v4 =	vld [tilespmem:s12+$0xFFFFFFC0]  }
0x100: {  	v2 =	vadd.f32 v7, v2;
	v5 =	vmax.f32 v5, $0.0e+00;
	v7 =	vld [tilespmem:s15+$0x20]  }
0x101: {  	[tilespmem:s14+$0xFFFFFFC0] =	vst v5;
	v5 =	vld [tilespmem:s16+$0x20]  }
0x102: {  	v2 =	vmax.f32 v2, $0.0e+00;
	v6 =	vadd.f32 v6, v10;
	v10 =	vld [tilespmem:s15+$0xFFFFFFE0]  }
0x103: {  	[tilespmem:s13+$0xFFFFFFD0] =	vst v2;
	v2 =	vld [tilespmem:s16+$0xFFFFFFE0]  }
0x104: {  	s6 =	simm.s32 $0x1A720;
	v11 =	vld [tilespmem:s25+$0xFFFFFFF0];
	v6 =	vmax.f32 v6, $0.0e+00;
	v4 =	vadd.f32 v8, v4  }
0x105: {  	[tilespmem:s6+$0x0] =	vst v6;
	v6 =	vld [tilespmem:s31+$0xFFFFFFF0]  }
0x106: {  	v12 =	vadd.f32 v5, v7;
	v7 =	vld [tilespmem:s11+$0x10];
	v8 =	vmax.f32 v4, $0.0e+00  }
0x107: {  	v3 =	vadd.f32 v9, v3;
	v4 =	vld [tilespmem:s12+$0x10];
	[tilespmem:s6+$0xFFFFFFB0] =	vst v8  }
0x108: {  	v2 =	vadd.f32 v2, v10;
	v8 =	vmax.f32 v12, $0.0e+00;
	v5 =	vld [tilespmem:s12+$0xFFFFFFD0]  }
0x109: {  	v3 =	vmax.f32 v3, $0.0e+00;
	[tilespmem:s14+$0x20] =	vst v8;
	v8 =	vld [tilespmem:s11+$0xFFFFFFD0]  }
0x10a: {  	[tilespmem:s13+$0x30] =	vst v3;
	v3 =	vmax.f32 v2, $0.0e+00;
	v2 =	vld [tilespmem:s15+$0x30];
	v6 =	vadd.f32 v6, v11  }
0x10b: {  	s17 =	simm.s32 $0x165D0;
	s19 =	simm.s32 $0x4;
	s25 =	simm.s32 $0x12A50;
	[tilespmem:s14+$0xFFFFFFD0] =	vst v3;
	v3 =	vld [tilespmem:s16+$0x30]  }
.LBB2_12:
0x10c: {  	v9 =	vld [tilespmem:s25+$0x0];
	v4 =	vadd.f32 v7, v4;
	s11 =	sadd.s32 $0x80, s11;
	v6 =	vmax.f32 v6, $0.0e+00  }
0x10d: {  	v7 =	vld [tilespmem:s11+$0x0];
	[tilespmem:s13+$0xFFFFFFE0] =	vst v6;
	s13 =	smov.u32 s14;
	s14 =	smov.u32 s6  }
0x10e: {  	v6 =	vld [tilespmem:s11+$0xFFFFFFC0];
	v5 =	vadd.f32 v8, v5;
	v4 =	vmax.f32 v4, $0.0e+00  }
0x10f: {  	v8 =	vld [tilespmem:s25+$0xFFFFFFC0];
	[tilespmem:s6+$0x10] =	vst v4  }
0x110: {  	s19 =	sadd.s32 $0x2, s19;
	v4 =	vmax.f32 v5, $0.0e+00;
	v5 =	vld [tilespmem:s12+$0x20];
	v2 =	vadd.f32 v3, v2  }
0x111: {  	p0 =	slt.u32 s19, $0x4E;
	[tilespmem:s6+$0xFFFFFFC0] =	vst v4;
	v3 =	vld [tilespmem:s17+$0x20]  }
0x112: {  	v4 =	vadd.f32 v7, v9;
	v9 =	vld [tilespmem:s12+$0xFFFFFFE0];
	v2 =	vmax.f32 v2, $0.0e+00  }
0x113: {  	v10 =	vld [tilespmem:s17+$0xFFFFFFE0];
	[tilespmem:s13+$0x30] =	vst v2  }
0x114: {  	s6 =	sadd.s32 $0xA0, s6;
	v2 =	vadd.f32 v6, v8;
	v4 =	vmax.f32 v4, $0.0e+00;
	v6 =	vld [tilespmem:s15+$0xFFFFFFF0];
	s15 =	smov.u32 s12;
	s12 =	smov.u32 s25  }
0x115: {  	[tilespmem:s6+$0x0] =	vst v4;
	v11 =	vld [tilespmem:s16+$0xFFFFFFF0];
	s16 =	smov.u32 s17;
	s17 =	smov.u32 s11  }
0x116: {  	v2 =	vmax.f32 v2, $0.0e+00;
	v4 =	vld [tilespmem:s25+$0x10];
	v3 =	vadd.f32 v3, v5  }
.Ltmp5:
0x117: {  	[tilespmem:s6+$0xFFFFFFB0] =	vst v2;
	v7 =	vld [tilespmem:s11+$0x10];
	(pc) =	sbr.rel @p0 .LBB2_12-.Ltmp5, $4  }
0x118: {  	v5 =	vld [tilespmem:s25+$0xFFFFFFD0];
	v2 =	vadd.f32 v10, v9;
	v3 =	vmax.f32 v3, $0.0e+00  }
0x119: {  	v8 =	vld [tilespmem:s11+$0xFFFFFFD0];
	[tilespmem:s14+$0x20] =	vst v3  }
0x11a: {  	v3 =	vmax.f32 v2, $0.0e+00;
	v2 =	vld [tilespmem:s15+$0x30];
	v6 =	vadd.f32 v11, v6  }
0x11b: {  	s25 =	sadd.s32 $0x80, s25;
	[tilespmem:s14+$0xFFFFFFD0] =	vst v3;
	v3 =	vld [tilespmem:s16+$0x30]  }
0x11c: {  	v4 =	vadd.f32 v7, v4;
	_ =	sdelay $0x1  }
0x11d: {  	v5 =	vadd.f32 v8, v5;
	v4 =	vmax.f32 v4, $0.0e+00  }
0x11e: {  	[tilespmem:s6+$0x10] =	vst v4  }
0x11f: {  	v4 =	vmax.f32 v5, $0.0e+00;
	v5 =	vld [tilespmem:s12+$0x20]  }
0x120: {  	[tilespmem:s6+$0xFFFFFFC0] =	vst v4;
	v4 =	vld [tilespmem:s17+$0x20]  }
0x121: {  	v7 =	vld [tilespmem:s12+$0xFFFFFFE0]  }
0x122: {  	v8 =	vld [tilespmem:s17+$0xFFFFFFE0];
	_ =	sdelay $0x2  }
0x123: {  	v4 =	vadd.f32 v4, v5;
	_ =	sdelay $0x1  }
0x124: {  	v5 =	vld [tilespmem:s15+$0xFFFFFFF0];
	v7 =	vadd.f32 v8, v7;
	v4 =	vmax.f32 v4, $0.0e+00  }
0x125: {  	v8 =	vld [tilespmem:s16+$0xFFFFFFF0];
	[tilespmem:s6+$0x20] =	vst v4  }
0x126: {  	v4 =	vmax.f32 v7, $0.0e+00;
	v7 =	vld [tilespmem:s12+$0x30]  }
0x127: {  	[tilespmem:s6+$0xFFFFFFD0] =	vst v4;
	v4 =	vld [tilespmem:s17+$0x30]  }
0x128: {  	v9 =	vld [tilespmem:s12+$0xFFFFFFF0]  }
0x129: {  	v10 =	vld [tilespmem:s17+$0xFFFFFFF0];
	_ =	sdelay $0x1  }
0x12a: {  	v2 =	vadd.f32 v3, v2  }
0x12b: {  	v3 =	vmax.f32 v6, $0.0e+00;
	v5 =	vadd.f32 v8, v5  }
0x12c: {  	[tilespmem:s13+$0xFFFFFFE0] =	vst v3;
	v2 =	vmax.f32 v2, $0.0e+00;
	v3 =	vadd.f32 v4, v7  }
0x12d: {  	[tilespmem:s14+$0x30] =	vst v2;
	v2 =	vmax.f32 v5, $0.0e+00;
	v4 =	vadd.f32 v10, v9  }
0x12e: {  	[tilespmem:s14+$0xFFFFFFE0] =	vst v2;
	v2 =	vmax.f32 v3, $0.0e+00  }
0x12f: {  	[tilespmem:s6+$0x30] =	vst v2;
	v2 =	vmax.f32 v4, $0.0e+00  }
0x130: {  	s3 =	simm.s32 $0xEDD0;
	[tilespmem:s6+$0xFFFFFFE0] =	vst v2  }
0x131: {  	[tilespmem:s26], [sflag:$0x2] =	stream.indirect.gather [hbm4b:s4+s22], $0x40, s3, s22, $0xb8;
	[tilespmem:$0x1D790] =	vst v63  }
0x132: {  	s19 =	simm.s32 $0xC6C0  }
0x133: {  	[tilespmem:s29], [sflag:$0x2] =	stream.indirect.gather [hbm4b:s5+s22], $0x40, s19, s22, $0xb8;
	[tilespmem:$0x1D790] =	vst v63  }
0x134: {  	_ = 	snop  }
0x135: {  	[spmem:s2] =	stream.indirect.scatter.add.f32 [tilespmem:s20], [sflag:$0x5], $0x50, s0, s22, $0xb8;
	[tilespmem:$0x1D790] =	vst v63  }
0x136: {  	_ =	swait.ge [sflag:s21], $0x1400  }
0x137: {  	[sflag:s21] =	ssyncset.done $0x0  }
0x138: {  	[sflag:s21] =	ssyncadd.s32 $0xFFFFEC00  }
0x139: {  	_ =	swait.ge [sflag:s21], $0x1400  }
0x13a: {  	[sflag:s21] =	ssyncset.done $0x0  }
0x13b: {  	[sflag:s21] =	ssyncadd.s32 $0xFFFFEC00  }
0x13c: {  	v2 =	vld [tilespmem:$0xED30]  }
0x13d: {  	v3 =	vld [tilespmem:$0xED40]  }
0x13e: {  	v4 =	vld [tilespmem:$0xED50]  }
0x13f: {  	v5 =	vld [tilespmem:$0xED60]  }
0x140: {  	v6 =	vld [tilespmem:$0xED70]  }
0x141: {  	[tilespmem:$0x11440] =	vst v2  }
0x142: {  	[tilespmem:$0x11450] =	vst v3  }
0x143: {  	[tilespmem:$0x11460] =	vst v4  }
0x144: {  	[tilespmem:$0x11470] =	vst v5  }
0x145: {  	s25 =	simm.s32 $0x13CD0;
	[tilespmem:$0x11480] =	vst v6  }
0x146: {  	s31 =	simm.s32 $0x178D0;
	v2 =	vld [tilespmem:s25+$0x0]  }
0x147: {  	v3 =	vld [tilespmem:s31+$0x0];
	_ =	sdelay $0x2  }
0x148: {  	v4 =	vld [tilespmem:s31+$0xFFFFFFC0]  }
0x149: {  	v5 =	vld [tilespmem:s25+$0xFFFFFFC0]  }
0x14a: {  	v2 =	vadd.f32 v3, v2;
	_ =	sdelay $0x1  }
0x14b: {  	s13 =	simm.s32 $0x1BEE0;
	v2 =	vmax.f32 v2, $0.0e+00  }
0x14c: {  	[tilespmem:s13+$0x0] =	vst v2  }
0x14d: {  	v2 =	vadd.f32 v4, v5;
	v3 =	vld [tilespmem:s25+$0x10]  }
0x14e: {  	v4 =	vld [tilespmem:s31+$0x10]  }
0x14f: {  	s15 =	simm.s32 $0x13D50;
	v2 =	vmax.f32 v2, $0.0e+00  }
0x150: {  	v6 =	vld [tilespmem:s15+$0x0];
	[tilespmem:s13+$0xFFFFFFB0] =	vst v2  }
0x151: {  	v2 =	vld [tilespmem:s25+$0xFFFFFFD0]  }
0x152: {  	s16 =	simm.s32 $0x17950;
	v5 =	vld [tilespmem:s31+$0xFFFFFFD0]  }
0x153: {  	v3 =	vadd.f32 v4, v3;
	v4 =	vld [tilespmem:s16+$0x0]  }
0x154: {  	v7 =	vld [tilespmem:s16+$0xFFFFFFC0]  }
0x155: {  	v8 =	vld [tilespmem:s15+$0xFFFFFFC0];
	v3 =	vmax.f32 v3, $0.0e+00  }
0x156: {  	[tilespmem:s13+$0x10] =	vst v3  }
0x157: {  	v2 =	vadd.f32 v5, v2;
	v3 =	vld [tilespmem:s25+$0x20]  }
0x158: {  	v5 =	vld [tilespmem:s31+$0x20];
	v4 =	vadd.f32 v4, v6  }
0x159: {  	s12 =	simm.s32 $0x13DD0;
	v2 =	vmax.f32 v2, $0.0e+00  }
0x15a: {  	s14 =	simm.s32 $0x1BF80;
	v10 =	vld [tilespmem:s12+$0x0];
	v6 =	vadd.f32 v7, v8;
	[tilespmem:s13+$0xFFFFFFC0] =	vst v2;
	v4 =	vmax.f32 v4, $0.0e+00  }
0x15b: {  	v2 =	vld [tilespmem:s25+$0xFFFFFFE0];
	[tilespmem:s14+$0x0] =	vst v4  }
0x15c: {  	v4 =	vmax.f32 v6, $0.0e+00;
	v6 =	vld [tilespmem:s15+$0x10]  }
0x15d: {  	v3 =	vadd.f32 v5, v3;
	[tilespmem:s14+$0xFFFFFFB0] =	vst v4;
	v4 =	vld [tilespmem:s16+$0x10]  }
0x15e: {  	v5 =	vld [tilespmem:s15+$0xFFFFFFD0]  }
0x15f: {  	v8 =	vld [tilespmem:s16+$0xFFFFFFD0];
	v3 =	vmax.f32 v3, $0.0e+00  }
0x160: {  	v7 =	vld [tilespmem:s31+$0xFFFFFFE0];
	[tilespmem:s13+$0x20] =	vst v3  }
0x161: {  	v3 =	vld [tilespmem:s25+$0x30]  }
0x162: {  	s11 =	simm.s32 $0x179D0;
	v9 =	vld [tilespmem:s31+$0x30];
	v4 =	vadd.f32 v4, v6  }
0x163: {  	v6 =	vld [tilespmem:s11+$0x0]  }
0x164: {  	v5 =	vadd.f32 v8, v5;
	v8 =	vld [tilespmem:s11+$0xFFFFFFC0];
	v4 =	vmax.f32 v4, $0.0e+00  }
0x165: {  	[tilespmem:s14+$0x10] =	vst v4;
	v4 =	vld [tilespmem:s12+$0xFFFFFFC0]  }
0x166: {  	v2 =	vadd.f32 v7, v2;
	v5 =	vmax.f32 v5, $0.0e+00;
	v7 =	vld [tilespmem:s15+$0x20]  }
0x167: {  	[tilespmem:s14+$0xFFFFFFC0] =	vst v5;
	v5 =	vld [tilespmem:s16+$0x20]  }
0x168: {  	v2 =	vmax.f32 v2, $0.0e+00;
	v6 =	vadd.f32 v6, v10;
	v10 =	vld [tilespmem:s15+$0xFFFFFFE0]  }
0x169: {  	[tilespmem:s13+$0xFFFFFFD0] =	vst v2;
	v2 =	vld [tilespmem:s16+$0xFFFFFFE0]  }
0x16a: {  	s6 =	simm.s32 $0x1C020;
	v11 =	vld [tilespmem:s25+$0xFFFFFFF0];
	v6 =	vmax.f32 v6, $0.0e+00;
	v4 =	vadd.f32 v8, v4  }
0x16b: {  	[tilespmem:s6+$0x0] =	vst v6;
	v6 =	vld [tilespmem:s31+$0xFFFFFFF0]  }
0x16c: {  	v12 =	vadd.f32 v5, v7;
	v7 =	vld [tilespmem:s11+$0x10];
	v8 =	vmax.f32 v4, $0.0e+00  }
0x16d: {  	v3 =	vadd.f32 v9, v3;
	v4 =	vld [tilespmem:s12+$0x10];
	[tilespmem:s6+$0xFFFFFFB0] =	vst v8  }
0x16e: {  	v2 =	vadd.f32 v2, v10;
	v8 =	vmax.f32 v12, $0.0e+00;
	v5 =	vld [tilespmem:s12+$0xFFFFFFD0]  }
0x16f: {  	v3 =	vmax.f32 v3, $0.0e+00;
	[tilespmem:s14+$0x20] =	vst v8;
	v8 =	vld [tilespmem:s11+$0xFFFFFFD0]  }
0x170: {  	[tilespmem:s13+$0x30] =	vst v3;
	v3 =	vmax.f32 v2, $0.0e+00;
	v2 =	vld [tilespmem:s15+$0x30];
	v6 =	vadd.f32 v6, v11  }
0x171: {  	s17 =	simm.s32 $0x179D0;
	s19 =	simm.s32 $0x4;
	s25 =	simm.s32 $0x13E50;
	[tilespmem:s14+$0xFFFFFFD0] =	vst v3;
	v3 =	vld [tilespmem:s16+$0x30]  }
.LBB2_14:
0x172: {  	v9 =	vld [tilespmem:s25+$0x0];
	v4 =	vadd.f32 v7, v4;
	s11 =	sadd.s32 $0x80, s11;
	v6 =	vmax.f32 v6, $0.0e+00  }
0x173: {  	v7 =	vld [tilespmem:s11+$0x0];
	[tilespmem:s13+$0xFFFFFFE0] =	vst v6;
	s13 =	smov.u32 s14;
	s14 =	smov.u32 s6  }
0x174: {  	v6 =	vld [tilespmem:s11+$0xFFFFFFC0];
	v5 =	vadd.f32 v8, v5;
	v4 =	vmax.f32 v4, $0.0e+00  }
0x175: {  	v8 =	vld [tilespmem:s25+$0xFFFFFFC0];
	[tilespmem:s6+$0x10] =	vst v4  }
0x176: {  	s19 =	sadd.s32 $0x2, s19;
	v4 =	vmax.f32 v5, $0.0e+00;
	v5 =	vld [tilespmem:s12+$0x20];
	v2 =	vadd.f32 v3, v2  }
0x177: {  	p0 =	slt.u32 s19, $0x4E;
	[tilespmem:s6+$0xFFFFFFC0] =	vst v4;
	v3 =	vld [tilespmem:s17+$0x20]  }
0x178: {  	v4 =	vadd.f32 v7, v9;
	v9 =	vld [tilespmem:s12+$0xFFFFFFE0];
	v2 =	vmax.f32 v2, $0.0e+00  }
0x179: {  	v10 =	vld [tilespmem:s17+$0xFFFFFFE0];
	[tilespmem:s13+$0x30] =	vst v2  }
0x17a: {  	s6 =	sadd.s32 $0xA0, s6;
	v2 =	vadd.f32 v6, v8;
	v4 =	vmax.f32 v4, $0.0e+00;
	v6 =	vld [tilespmem:s15+$0xFFFFFFF0];
	s15 =	smov.u32 s12;
	s12 =	smov.u32 s25  }
0x17b: {  	[tilespmem:s6+$0x0] =	vst v4;
	v11 =	vld [tilespmem:s16+$0xFFFFFFF0];
	s16 =	smov.u32 s17;
	s17 =	smov.u32 s11  }
0x17c: {  	v2 =	vmax.f32 v2, $0.0e+00;
	v4 =	vld [tilespmem:s25+$0x10];
	v3 =	vadd.f32 v3, v5  }
.Ltmp6:
0x17d: {  	[tilespmem:s6+$0xFFFFFFB0] =	vst v2;
	v7 =	vld [tilespmem:s11+$0x10];
	(pc) =	sbr.rel @p0 .LBB2_14-.Ltmp6, $4  }
0x17e: {  	v5 =	vld [tilespmem:s25+$0xFFFFFFD0];
	v2 =	vadd.f32 v10, v9;
	v3 =	vmax.f32 v3, $0.0e+00  }
0x17f: {  	v8 =	vld [tilespmem:s11+$0xFFFFFFD0];
	[tilespmem:s14+$0x20] =	vst v3  }
0x180: {  	v3 =	vmax.f32 v2, $0.0e+00;
	v2 =	vld [tilespmem:s15+$0x30];
	v6 =	vadd.f32 v11, v6  }
0x181: {  	s25 =	sadd.s32 $0x80, s25;
	[tilespmem:s14+$0xFFFFFFD0] =	vst v3;
	v3 =	vld [tilespmem:s16+$0x30]  }
0x182: {  	v4 =	vadd.f32 v7, v4;
	_ =	sdelay $0x1  }
0x183: {  	v5 =	vadd.f32 v8, v5;
	v4 =	vmax.f32 v4, $0.0e+00  }
0x184: {  	[tilespmem:s6+$0x10] =	vst v4  }
0x185: {  	v53 =	vmax.f32 v5, $0.0e+00;
	v54 =	vld [tilespmem:s12+$0x20]  }
0x186: {  	v55 =	vld [tilespmem:s17+$0x20];
	[tilespmem:s6+$0xFFFFFFC0] =	vst v53  }
0x187: {  	v56 =	vld [tilespmem:s12+$0xFFFFFFE0]  }
0x188: {  	v57 =	vld [tilespmem:s17+$0xFFFFFFE0];
	_ =	sdelay $0x2  }
0x189: {  	v4 =	vadd.f32 v55, v54;
	_ =	sdelay $0x1  }
0x18a: {  	v58 =	vld [tilespmem:s15+$0xFFFFFFF0];
	v7 =	vadd.f32 v57, v56;
	v4 =	vmax.f32 v4, $0.0e+00  }
0x18b: {  	v59 =	vld [tilespmem:s16+$0xFFFFFFF0];
	[tilespmem:s6+$0x20] =	vst v4  }
0x18c: {  	v60 =	vmax.f32 v7, $0.0e+00;
	v61 =	vld [tilespmem:s12+$0x30]  }
0x18d: {  	v62 =	vld [tilespmem:s17+$0x30];
	[tilespmem:s6+$0xFFFFFFD0] =	vst v60  }
0x18e: {  	v9 =	vld [tilespmem:s12+$0xFFFFFFF0]  }
0x18f: {  	v10 =	vld [tilespmem:s17+$0xFFFFFFF0];
	_ =	sdelay $0x1  }
0x190: {  	v2 =	vadd.f32 v3, v2  }
0x191: {  	v63 =	vmax.f32 v6, $0.0e+00;
	v3 =	vadd.f32 v59, v58  }
0x192: {  	[tilespmem:s13+$0xFFFFFFE0] =	vst v63;
	v2 =	vmax.f32 v2, $0.0e+00;
	v4 =	vadd.f32 v62, v61  }
0x193: {  	[tilespmem:s14+$0x30] =	vst v2;
	v2 =	vmax.f32 v3, $0.0e+00;
	v3 =	vadd.f32 v10, v9  }
0x194: {  	[tilespmem:s14+$0xFFFFFFE0] =	vst v2;
	v2 =	vmax.f32 v4, $0.0e+00  }
0x195: {  	[tilespmem:s6+$0x30] =	vst v2;
	v2 =	vmax.f32 v3, $0.0e+00  }
0x196: {  	s3 =	simm.s32 $0x13C90;
	s17 =	simm.s32 $0xEE20;
	[tilespmem:s6+$0xFFFFFFE0] =	vst v2  }
0x197: {  	[tilespmem:s3], [sflag:$0x3] =	stream.indirect.gather [hbm4b:s4+s22], $0x40, s17, s22, $0xb8;
	[tilespmem:$0x1D790] =	vst v63  }
0x198: {  	s19 =	simm.s32 $0x17890;
	s25 =	simm.s32 $0xC710  }
0x199: {  	[tilespmem:s19], [sflag:$0x3] =	stream.indirect.gather [hbm4b:s5+s22], $0x40, s25, s22, $0xb8;
	[tilespmem:$0x1D790] =	vst v63  }
0x19a: {  	s31 =	simm.s32 $0x11440;
	s13 =	simm.s32 $0x0  }
0x19b: {  	[spmem:s2] =	stream.indirect.scatter.add.f32 [tilespmem:s7], [sflag:$0x6], $0x50, s31, s22, $0xb8;
	[tilespmem:$0x1D790] =	vst v63  }
.LBB2_16:
0x19c: {  	_ =	swait.ge [sflag:s28], $0x1400  }
0x19d: {  	[sflag:s28] =	ssyncset.done $0x0  }
0x19e: {  	[sflag:s28] =	ssyncadd.s32 $0xFFFFEC00  }
0x19f: {  	_ =	swait.ge [sflag:s28], $0x1400  }
0x1a0: {  	[sflag:s28] =	ssyncset.done $0x0  }
0x1a1: {  	[sflag:s28] =	ssyncadd.s32 $0xFFFFEC00  }
0x1a2: {  	_ =	swait.ge [sflag:s8], $0x1900  }
0x1a3: {  	s14 =	smul.u32 $0xF0, s13;
	[sflag:s8] =	ssyncset.done $0x0  }
0x1a4: {  	[sflag:s8] =	ssyncadd.s32 $0xFFFFE700  }
0x1a5: {  	v2 =	vld [tilespmem:s14+$0xED80];
	_ =	sdelay $0x4  }
0x1a6: {  	[tilespmem:$0x113A0] =	vst v2  }
0x1a7: {  	v2 =	vld [tilespmem:s14+$0xED90];
	_ =	sdelay $0x4  }
0x1a8: {  	[tilespmem:$0x113B0] =	vst v2  }
0x1a9: {  	v2 =	vld [tilespmem:s14+$0xEDA0];
	_ =	sdelay $0x4  }
0x1aa: {  	[tilespmem:$0x113C0] =	vst v2  }
0x1ab: {  	v2 =	vld [tilespmem:s14+$0xEDB0];
	_ =	sdelay $0x4  }
0x1ac: {  	[tilespmem:$0x113D0] =	vst v2  }
0x1ad: {  	v2 =	vld [tilespmem:s14+$0xEDC0];
	_ =	sdelay $0x4  }
0x1ae: {  	s25 =	simm.s32 $0x114D0;
	[tilespmem:$0x113E0] =	vst v2  }
0x1af: {  	s3 =	simm.s32 $0x150D0;
	v2 =	vld [tilespmem:s25+$0x0]  }
0x1b0: {  	v3 =	vld [tilespmem:s3+$0x0];
	_ =	sdelay $0x2  }
0x1b1: {  	v4 =	vld [tilespmem:s3+$0xFFFFFFC0]  }
0x1b2: {  	v5 =	vld [tilespmem:s25+$0xFFFFFFC0]  }
0x1b3: {  	v2 =	vadd.f32 v3, v2;
	_ =	sdelay $0x1  }
0x1b4: {  	s15 =	simm.s32 $0x18CE0;
	v2 =	vmax.f32 v2, $0.0e+00  }
0x1b5: {  	[tilespmem:s15+$0x0] =	vst v2  }
0x1b6: {  	v2 =	vadd.f32 v4, v5;
	v3 =	vld [tilespmem:s25+$0x10]  }
0x1b7: {  	v4 =	vld [tilespmem:s3+$0x10]  }
0x1b8: {  	s17 =	simm.s32 $0x11550;
	v2 =	vmax.f32 v2, $0.0e+00  }
0x1b9: {  	v6 =	vld [tilespmem:s17+$0x0];
	[tilespmem:s15+$0xFFFFFFB0] =	vst v2  }
0x1ba: {  	v2 =	vld [tilespmem:s25+$0xFFFFFFD0]  }
0x1bb: {  	s12 =	simm.s32 $0x15150;
	v5 =	vld [tilespmem:s3+$0xFFFFFFD0]  }
0x1bc: {  	v3 =	vadd.f32 v4, v3;
	v4 =	vld [tilespmem:s12+$0x0]  }
0x1bd: {  	v7 =	vld [tilespmem:s12+$0xFFFFFFC0]  }
0x1be: {  	v8 =	vld [tilespmem:s17+$0xFFFFFFC0];
	v3 =	vmax.f32 v3, $0.0e+00  }
0x1bf: {  	[tilespmem:s15+$0x10] =	vst v3  }
0x1c0: {  	v2 =	vadd.f32 v5, v2;
	v3 =	vld [tilespmem:s25+$0x20]  }
0x1c1: {  	v5 =	vld [tilespmem:s3+$0x20];
	v4 =	vadd.f32 v4, v6  }
0x1c2: {  	s6 =	simm.s32 $0x115D0;
	v2 =	vmax.f32 v2, $0.0e+00  }
0x1c3: {  	s16 =	simm.s32 $0x18D80;
	v10 =	vld [tilespmem:s6+$0x0];
	v6 =	vadd.f32 v7, v8;
	[tilespmem:s15+$0xFFFFFFC0] =	vst v2;
	v4 =	vmax.f32 v4, $0.0e+00  }
0x1c4: {  	v2 =	vld [tilespmem:s25+$0xFFFFFFE0];
	[tilespmem:s16+$0x0] =	vst v4  }
0x1c5: {  	v4 =	vmax.f32 v6, $0.0e+00;
	v6 =	vld [tilespmem:s17+$0x10]  }
0x1c6: {  	v3 =	vadd.f32 v5, v3;
	[tilespmem:s16+$0xFFFFFFB0] =	vst v4;
	v4 =	vld [tilespmem:s12+$0x10]  }
0x1c7: {  	v5 =	vld [tilespmem:s17+$0xFFFFFFD0]  }
0x1c8: {  	v8 =	vld [tilespmem:s12+$0xFFFFFFD0];
	v3 =	vmax.f32 v3, $0.0e+00  }
0x1c9: {  	v7 =	vld [tilespmem:s3+$0xFFFFFFE0];
	[tilespmem:s15+$0x20] =	vst v3  }
0x1ca: {  	v3 =	vld [tilespmem:s25+$0x30]  }
0x1cb: {  	s19 =	simm.s32 $0x151D0;
	v9 =	vld [tilespmem:s3+$0x30];
	v4 =	vadd.f32 v4, v6  }
0x1cc: {  	v6 =	vld [tilespmem:s19+$0x0]  }
0x1cd: {  	v5 =	vadd.f32 v8, v5;
	v8 =	vld [tilespmem:s19+$0xFFFFFFC0];
	v4 =	vmax.f32 v4, $0.0e+00  }
0x1ce: {  	[tilespmem:s16+$0x10] =	vst v4;
	v4 =	vld [tilespmem:s6+$0xFFFFFFC0]  }
0x1cf: {  	v2 =	vadd.f32 v7, v2;
	v5 =	vmax.f32 v5, $0.0e+00;
	v7 =	vld [tilespmem:s17+$0x20]  }
0x1d0: {  	[tilespmem:s16+$0xFFFFFFC0] =	vst v5;
	v5 =	vld [tilespmem:s12+$0x20]  }
0x1d1: {  	v2 =	vmax.f32 v2, $0.0e+00;
	v6 =	vadd.f32 v6, v10;
	v10 =	vld [tilespmem:s17+$0xFFFFFFE0]  }
0x1d2: {  	[tilespmem:s15+$0xFFFFFFD0] =	vst v2;
	v2 =	vld [tilespmem:s12+$0xFFFFFFE0]  }
0x1d3: {  	s11 =	simm.s32 $0x18E20;
	v11 =	vld [tilespmem:s25+$0xFFFFFFF0];
	v6 =	vmax.f32 v6, $0.0e+00;
	v4 =	vadd.f32 v8, v4  }
0x1d4: {  	[tilespmem:s11+$0x0] =	vst v6;
	v6 =	vld [tilespmem:s3+$0xFFFFFFF0]  }
0x1d5: {  	v12 =	vadd.f32 v5, v7;
	v7 =	vld [tilespmem:s19+$0x10];
	v8 =	vmax.f32 v4, $0.0e+00  }
0x1d6: {  	v3 =	vadd.f32 v9, v3;
	v4 =	vld [tilespmem:s6+$0x10];
	[tilespmem:s11+$0xFFFFFFB0] =	vst v8  }
0x1d7: {  	v2 =	vadd.f32 v2, v10;
	v8 =	vmax.f32 v12, $0.0e+00;
	v5 =	vld [tilespmem:s6+$0xFFFFFFD0]  }
0x1d8: {  	v3 =	vmax.f32 v3, $0.0e+00;
	[tilespmem:s16+$0x20] =	vst v8;
	v8 =	vld [tilespmem:s19+$0xFFFFFFD0]  }
0x1d9: {  	[tilespmem:s15+$0x30] =	vst v3;
	v3 =	vmax.f32 v2, $0.0e+00;
	v2 =	vld [tilespmem:s17+$0x30];
	v6 =	vadd.f32 v6, v11  }
0x1da: {  	s31 =	simm.s32 $0x151D0;
	s25 =	simm.s32 $0x4;
	s3 =	simm.s32 $0x11650;
	[tilespmem:s16+$0xFFFFFFD0] =	vst v3;
	v3 =	vld [tilespmem:s12+$0x30]  }
.LBB2_17:
0x1db: {  	v9 =	vld [tilespmem:s3+$0x0];
	v4 =	vadd.f32 v7, v4;
	s19 =	sadd.s32 $0x80, s19;
	v6 =	vmax.f32 v6, $0.0e+00  }
0x1dc: {  	v7 =	vld [tilespmem:s19+$0x0];
	[tilespmem:s15+$0xFFFFFFE0] =	vst v6;
	s15 =	smov.u32 s16;
	s16 =	smov.u32 s11  }
0x1dd: {  	v6 =	vld [tilespmem:s19+$0xFFFFFFC0];
	v5 =	vadd.f32 v8, v5;
	v4 =	vmax.f32 v4, $0.0e+00  }
0x1de: {  	v8 =	vld [tilespmem:s3+$0xFFFFFFC0];
	[tilespmem:s11+$0x10] =	vst v4  }
0x1df: {  	s25 =	sadd.s32 $0x2, s25;
	v4 =	vmax.f32 v5, $0.0e+00;
	v5 =	vld [tilespmem:s6+$0x20];
	v2 =	vadd.f32 v3, v2  }
0x1e0: {  	p0 =	slt.u32 s25, $0x4E;
	[tilespmem:s11+$0xFFFFFFC0] =	vst v4;
	v3 =	vld [tilespmem:s31+$0x20]  }
0x1e1: {  	v4 =	vadd.f32 v7, v9;
	v9 =	vld [tilespmem:s6+$0xFFFFFFE0];
	v2 =	vmax.f32 v2, $0.0e+00  }
0x1e2: {  	v10 =	vld [tilespmem:s31+$0xFFFFFFE0];
	[tilespmem:s15+$0x30] =	vst v2  }
0x1e3: {  	s11 =	sadd.s32 $0xA0, s11;
	v2 =	vadd.f32 v6, v8;
	v4 =	vmax.f32 v4, $0.0e+00;
	v6 =	vld [tilespmem:s17+$0xFFFFFFF0];
	s17 =	smov.u32 s6;
	s6 =	smov.u32 s3  }
0x1e4: {  	[tilespmem:s11+$0x0] =	vst v4;
	v11 =	vld [tilespmem:s12+$0xFFFFFFF0];
	s12 =	smov.u32 s31;
	s31 =	smov.u32 s19  }
0x1e5: {  	v2 =	vmax.f32 v2, $0.0e+00;
	v4 =	vld [tilespmem:s3+$0x10];
	v3 =	vadd.f32 v3, v5  }
.Ltmp7:
0x1e6: {  	[tilespmem:s11+$0xFFFFFFB0] =	vst v2;
	v7 =	vld [tilespmem:s19+$0x10];
	(pc) =	sbr.rel @p0 .LBB2_17-.Ltmp7, $4  }
0x1e7: {  	v5 =	vld [tilespmem:s3+$0xFFFFFFD0];
	v2 =	vadd.f32 v10, v9;
	v3 =	vmax.f32 v3, $0.0e+00  }
0x1e8: {  	v8 =	vld [tilespmem:s19+$0xFFFFFFD0];
	[tilespmem:s16+$0x20] =	vst v3  }
0x1e9: {  	v3 =	vmax.f32 v2, $0.0e+00;
	v2 =	vld [tilespmem:s17+$0x30];
	v6 =	vadd.f32 v11, v6  }
0x1ea: {  	s3 =	sadd.s32 $0x80, s3;
	[tilespmem:s16+$0xFFFFFFD0] =	vst v3;
	v3 =	vld [tilespmem:s12+$0x30]  }
0x1eb: {  	v4 =	vadd.f32 v7, v4;
	_ =	sdelay $0x1  }
0x1ec: {  	v5 =	vadd.f32 v8, v5;
	v4 =	vmax.f32 v4, $0.0e+00  }
0x1ed: {  	[tilespmem:s11+$0x10] =	vst v4  }
0x1ee: {  	v4 =	vmax.f32 v5, $0.0e+00;
	v5 =	vld [tilespmem:s6+$0x20]  }
0x1ef: {  	[tilespmem:s11+$0xFFFFFFC0] =	vst v4;
	v4 =	vld [tilespmem:s31+$0x20]  }
0x1f0: {  	v7 =	vld [tilespmem:s6+$0xFFFFFFE0]  }
0x1f1: {  	v8 =	vld [tilespmem:s31+$0xFFFFFFE0];
	_ =	sdelay $0x2  }
0x1f2: {  	v4 =	vadd.f32 v4, v5;
	_ =	sdelay $0x1  }
0x1f3: {  	v5 =	vld [tilespmem:s17+$0xFFFFFFF0];
	v7 =	vadd.f32 v8, v7;
	v4 =	vmax.f32 v4, $0.0e+00  }
0x1f4: {  	v8 =	vld [tilespmem:s12+$0xFFFFFFF0];
	[tilespmem:s11+$0x20] =	vst v4  }
0x1f5: {  	v4 =	vmax.f32 v7, $0.0e+00;
	v7 =	vld [tilespmem:s6+$0x30]  }
0x1f6: {  	[tilespmem:s11+$0xFFFFFFD0] =	vst v4;
	v4 =	vld [tilespmem:s31+$0x30]  }
0x1f7: {  	v9 =	vld [tilespmem:s6+$0xFFFFFFF0]  }
0x1f8: {  	v10 =	vld [tilespmem:s31+$0xFFFFFFF0];
	_ =	sdelay $0x1  }
0x1f9: {  	v2 =	vadd.f32 v3, v2  }
0x1fa: {  	v3 =	vmax.f32 v6, $0.0e+00;
	v5 =	vadd.f32 v8, v5  }
0x1fb: {  	[tilespmem:s15+$0xFFFFFFE0] =	vst v3;
	v2 =	vmax.f32 v2, $0.0e+00;
	v3 =	vadd.f32 v4, v7  }
0x1fc: {  	[tilespmem:s16+$0x30] =	vst v2;
	v2 =	vmax.f32 v5, $0.0e+00;
	v4 =	vadd.f32 v10, v9  }
0x1fd: {  	[tilespmem:s16+$0xFFFFFFE0] =	vst v2;
	v2 =	vmax.f32 v3, $0.0e+00  }
0x1fe: {  	[tilespmem:s11+$0x30] =	vst v2;
	v2 =	vmax.f32 v4, $0.0e+00  }
0x1ff: {  	s3 =	sadd.s32 $0xEE70, s14;
	[tilespmem:s11+$0xFFFFFFE0] =	vst v2  }
0x200: {  	[tilespmem:s23], [sflag:$0x1] =	stream.indirect.gather [hbm4b:s4+s22], $0x40, s3, s22, $0xb8;
	[tilespmem:$0x1D790] =	vst v63  }
0x201: {  	s25 =	sadd.s32 $0xC760, s14  }
0x202: {  	[tilespmem:s24], [sflag:$0x1] =	stream.indirect.gather [hbm4b:s5+s22], $0x40, s25, s22, $0xb8;
	[tilespmem:$0x1D790] =	vst v63  }
0x203: {  	_ = 	snop  }
0x204: {  	[spmem:s2] =	stream.indirect.scatter.add.f32 [tilespmem:s18], [sflag:$0x4], $0x50, s30, s22, $0xb8;
	[tilespmem:$0x1D790] =	vst v63  }
0x205: {  	_ =	swait.ge [sflag:s1], $0x1400  }
0x206: {  	[sflag:s1] =	ssyncset.done $0x0  }
0x207: {  	[sflag:s1] =	ssyncadd.s32 $0xFFFFEC00  }
0x208: {  	_ =	swait.ge [sflag:s1], $0x1400  }
0x209: {  	[sflag:s1] =	ssyncset.done $0x0  }
0x20a: {  	[sflag:s1] =	ssyncadd.s32 $0xFFFFEC00  }
0x20b: {  	_ =	swait.ge [sflag:s9], $0x1900  }
0x20c: {  	[sflag:s9] =	ssyncset.done $0x0  }
0x20d: {  	[sflag:s9] =	ssyncadd.s32 $0xFFFFE700  }
0x20e: {  	v2 =	vld [tilespmem:s14+$0xEDD0];
	_ =	sdelay $0x4  }
0x20f: {  	[tilespmem:$0x113F0] =	vst v2  }
0x210: {  	v2 =	vld [tilespmem:s14+$0xEDE0];
	_ =	sdelay $0x4  }
0x211: {  	[tilespmem:$0x11400] =	vst v2  }
0x212: {  	v2 =	vld [tilespmem:s14+$0xEDF0];
	_ =	sdelay $0x4  }
0x213: {  	[tilespmem:$0x11410] =	vst v2  }
0x214: {  	v2 =	vld [tilespmem:s14+$0xEE00];
	_ =	sdelay $0x4  }
0x215: {  	[tilespmem:$0x11420] =	vst v2  }
0x216: {  	v2 =	vld [tilespmem:s14+$0xEE10];
	_ =	sdelay $0x4  }
0x217: {  	s25 =	simm.s32 $0x128D0;
	[tilespmem:$0x11430] =	vst v2  }
0x218: {  	s3 =	simm.s32 $0x164D0;
	v2 =	vld [tilespmem:s25+$0x0]  }
0x219: {  	v3 =	vld [tilespmem:s3+$0x0];
	_ =	sdelay $0x2  }
0x21a: {  	v4 =	vld [tilespmem:s3+$0xFFFFFFC0]  }
0x21b: {  	v5 =	vld [tilespmem:s25+$0xFFFFFFC0]  }
0x21c: {  	v2 =	vadd.f32 v3, v2;
	_ =	sdelay $0x1  }
0x21d: {  	s15 =	simm.s32 $0x1A5E0;
	v2 =	vmax.f32 v2, $0.0e+00  }
0x21e: {  	[tilespmem:s15+$0x0] =	vst v2  }
0x21f: {  	v2 =	vadd.f32 v4, v5;
	v3 =	vld [tilespmem:s25+$0x10]  }
0x220: {  	v4 =	vld [tilespmem:s3+$0x10]  }
0x221: {  	s12 =	simm.s32 $0x12950;
	v2 =	vmax.f32 v2, $0.0e+00  }
0x222: {  	v6 =	vld [tilespmem:s12+$0x0];
	[tilespmem:s15+$0xFFFFFFB0] =	vst v2  }
0x223: {  	v2 =	vld [tilespmem:s25+$0xFFFFFFD0]  }
0x224: {  	s17 =	simm.s32 $0x16550;
	v5 =	vld [tilespmem:s3+$0xFFFFFFD0]  }
0x225: {  	v3 =	vadd.f32 v4, v3;
	v4 =	vld [tilespmem:s17+$0x0]  }
0x226: {  	v7 =	vld [tilespmem:s17+$0xFFFFFFC0]  }
0x227: {  	v8 =	vld [tilespmem:s12+$0xFFFFFFC0];
	v3 =	vmax.f32 v3, $0.0e+00  }
0x228: {  	[tilespmem:s15+$0x10] =	vst v3  }
0x229: {  	v2 =	vadd.f32 v5, v2;
	v3 =	vld [tilespmem:s25+$0x20]  }
0x22a: {  	v5 =	vld [tilespmem:s3+$0x20];
	v4 =	vadd.f32 v4, v6  }
0x22b: {  	s6 =	simm.s32 $0x129D0;
	v2 =	vmax.f32 v2, $0.0e+00  }
0x22c: {  	s16 =	simm.s32 $0x1A680;
	v10 =	vld [tilespmem:s6+$0x0];
	v6 =	vadd.f32 v7, v8;
	[tilespmem:s15+$0xFFFFFFC0] =	vst v2;
	v4 =	vmax.f32 v4, $0.0e+00  }
0x22d: {  	v2 =	vld [tilespmem:s25+$0xFFFFFFE0];
	[tilespmem:s16+$0x0] =	vst v4  }
0x22e: {  	v4 =	vmax.f32 v6, $0.0e+00;
	v6 =	vld [tilespmem:s12+$0x10]  }
0x22f: {  	v3 =	vadd.f32 v5, v3;
	[tilespmem:s16+$0xFFFFFFB0] =	vst v4;
	v4 =	vld [tilespmem:s17+$0x10]  }
0x230: {  	v5 =	vld [tilespmem:s12+$0xFFFFFFD0]  }
0x231: {  	v8 =	vld [tilespmem:s17+$0xFFFFFFD0];
	v3 =	vmax.f32 v3, $0.0e+00  }
0x232: {  	v7 =	vld [tilespmem:s3+$0xFFFFFFE0];
	[tilespmem:s15+$0x20] =	vst v3  }
0x233: {  	v3 =	vld [tilespmem:s25+$0x30]  }
0x234: {  	s19 =	simm.s32 $0x165D0;
	v9 =	vld [tilespmem:s3+$0x30];
	v4 =	vadd.f32 v4, v6  }
0x235: {  	v6 =	vld [tilespmem:s19+$0x0]  }
0x236: {  	v5 =	vadd.f32 v8, v5;
	v8 =	vld [tilespmem:s19+$0xFFFFFFC0];
	v4 =	vmax.f32 v4, $0.0e+00  }
0x237: {  	[tilespmem:s16+$0x10] =	vst v4;
	v4 =	vld [tilespmem:s6+$0xFFFFFFC0]  }
0x238: {  	v2 =	vadd.f32 v7, v2;
	v5 =	vmax.f32 v5, $0.0e+00;
	v7 =	vld [tilespmem:s12+$0x20]  }
0x239: {  	[tilespmem:s16+$0xFFFFFFC0] =	vst v5;
	v5 =	vld [tilespmem:s17+$0x20]  }
0x23a: {  	v2 =	vmax.f32 v2, $0.0e+00;
	v6 =	vadd.f32 v6, v10;
	v10 =	vld [tilespmem:s12+$0xFFFFFFE0]  }
0x23b: {  	[tilespmem:s15+$0xFFFFFFD0] =	vst v2;
	v2 =	vld [tilespmem:s17+$0xFFFFFFE0]  }
0x23c: {  	s11 =	simm.s32 $0x1A720;
	v11 =	vld [tilespmem:s25+$0xFFFFFFF0];
	v6 =	vmax.f32 v6, $0.0e+00;
	v4 =	vadd.f32 v8, v4  }
0x23d: {  	[tilespmem:s11+$0x0] =	vst v6;
	v6 =	vld [tilespmem:s3+$0xFFFFFFF0]  }
0x23e: {  	v12 =	vadd.f32 v5, v7;
	v7 =	vld [tilespmem:s19+$0x10];
	v8 =	vmax.f32 v4, $0.0e+00  }
0x23f: {  	v3 =	vadd.f32 v9, v3;
	v4 =	vld [tilespmem:s6+$0x10];
	[tilespmem:s11+$0xFFFFFFB0] =	vst v8  }
0x240: {  	v2 =	vadd.f32 v2, v10;
	v8 =	vmax.f32 v12, $0.0e+00;
	v5 =	vld [tilespmem:s6+$0xFFFFFFD0]  }
0x241: {  	v3 =	vmax.f32 v3, $0.0e+00;
	[tilespmem:s16+$0x20] =	vst v8;
	v8 =	vld [tilespmem:s19+$0xFFFFFFD0]  }
0x242: {  	[tilespmem:s15+$0x30] =	vst v3;
	v3 =	vmax.f32 v2, $0.0e+00;
	v2 =	vld [tilespmem:s12+$0x30];
	v6 =	vadd.f32 v6, v11  }
0x243: {  	s31 =	simm.s32 $0x165D0;
	s25 =	simm.s32 $0x4;
	s3 =	simm.s32 $0x12A50;
	[tilespmem:s16+$0xFFFFFFD0] =	vst v3;
	v3 =	vld [tilespmem:s17+$0x30]  }
.LBB2_19:
0x244: {  	v9 =	vld [tilespmem:s3+$0x0];
	v4 =	vadd.f32 v7, v4;
	s19 =	sadd.s32 $0x80, s19;
	v6 =	vmax.f32 v6, $0.0e+00  }
0x245: {  	v7 =	vld [tilespmem:s19+$0x0];
	[tilespmem:s15+$0xFFFFFFE0] =	vst v6;
	s15 =	smov.u32 s16;
	s16 =	smov.u32 s11  }
0x246: {  	v6 =	vld [tilespmem:s19+$0xFFFFFFC0];
	v5 =	vadd.f32 v8, v5;
	v4 =	vmax.f32 v4, $0.0e+00  }
0x247: {  	v8 =	vld [tilespmem:s3+$0xFFFFFFC0];
	[tilespmem:s11+$0x10] =	vst v4  }
0x248: {  	s25 =	sadd.s32 $0x2, s25;
	v4 =	vmax.f32 v5, $0.0e+00;
	v5 =	vld [tilespmem:s6+$0x20];
	v2 =	vadd.f32 v3, v2  }
0x249: {  	p0 =	slt.u32 s25, $0x4E;
	[tilespmem:s11+$0xFFFFFFC0] =	vst v4;
	v3 =	vld [tilespmem:s31+$0x20]  }
0x24a: {  	v4 =	vadd.f32 v7, v9;
	v9 =	vld [tilespmem:s6+$0xFFFFFFE0];
	v2 =	vmax.f32 v2, $0.0e+00  }
0x24b: {  	v10 =	vld [tilespmem:s31+$0xFFFFFFE0];
	[tilespmem:s15+$0x30] =	vst v2  }
0x24c: {  	s11 =	sadd.s32 $0xA0, s11;
	v2 =	vadd.f32 v6, v8;
	v4 =	vmax.f32 v4, $0.0e+00;
	v6 =	vld [tilespmem:s12+$0xFFFFFFF0];
	s12 =	smov.u32 s6;
	s6 =	smov.u32 s3  }
0x24d: {  	[tilespmem:s11+$0x0] =	vst v4;
	v11 =	vld [tilespmem:s17+$0xFFFFFFF0];
	s17 =	smov.u32 s31;
	s31 =	smov.u32 s19  }
0x24e: {  	v2 =	vmax.f32 v2, $0.0e+00;
	v4 =	vld [tilespmem:s3+$0x10];
	v3 =	vadd.f32 v3, v5  }
.Ltmp8:
0x24f: {  	[tilespmem:s11+$0xFFFFFFB0] =	vst v2;
	v7 =	vld [tilespmem:s19+$0x10];
	(pc) =	sbr.rel @p0 .LBB2_19-.Ltmp8, $4  }
0x250: {  	v5 =	vld [tilespmem:s3+$0xFFFFFFD0];
	v2 =	vadd.f32 v10, v9;
	v3 =	vmax.f32 v3, $0.0e+00  }
0x251: {  	v8 =	vld [tilespmem:s19+$0xFFFFFFD0];
	[tilespmem:s16+$0x20] =	vst v3  }
0x252: {  	v3 =	vmax.f32 v2, $0.0e+00;
	v2 =	vld [tilespmem:s12+$0x30];
	v6 =	vadd.f32 v11, v6  }
0x253: {  	s3 =	sadd.s32 $0x80, s3;
	[tilespmem:s16+$0xFFFFFFD0] =	vst v3;
	v3 =	vld [tilespmem:s17+$0x30]  }
0x254: {  	v4 =	vadd.f32 v7, v4;
	_ =	sdelay $0x1  }
0x255: {  	v5 =	vadd.f32 v8, v5;
	v4 =	vmax.f32 v4, $0.0e+00  }
0x256: {  	[tilespmem:s11+$0x10] =	vst v4  }
0x257: {  	v4 =	vmax.f32 v5, $0.0e+00;
	v5 =	vld [tilespmem:s6+$0x20]  }
0x258: {  	[tilespmem:s11+$0xFFFFFFC0] =	vst v4;
	v4 =	vld [tilespmem:s31+$0x20]  }
0x259: {  	v7 =	vld [tilespmem:s6+$0xFFFFFFE0]  }
0x25a: {  	v8 =	vld [tilespmem:s31+$0xFFFFFFE0];
	_ =	sdelay $0x2  }
0x25b: {  	v4 =	vadd.f32 v4, v5;
	_ =	sdelay $0x1  }
0x25c: {  	v5 =	vld [tilespmem:s12+$0xFFFFFFF0];
	v7 =	vadd.f32 v8, v7;
	v4 =	vmax.f32 v4, $0.0e+00  }
0x25d: {  	v8 =	vld [tilespmem:s17+$0xFFFFFFF0];
	[tilespmem:s11+$0x20] =	vst v4  }
0x25e: {  	v4 =	vmax.f32 v7, $0.0e+00;
	v7 =	vld [tilespmem:s6+$0x30]  }
0x25f: {  	[tilespmem:s11+$0xFFFFFFD0] =	vst v4;
	v4 =	vld [tilespmem:s31+$0x30]  }
0x260: {  	v9 =	vld [tilespmem:s6+$0xFFFFFFF0]  }
0x261: {  	v10 =	vld [tilespmem:s31+$0xFFFFFFF0];
	_ =	sdelay $0x1  }
0x262: {  	v2 =	vadd.f32 v3, v2  }
0x263: {  	v3 =	vmax.f32 v6, $0.0e+00;
	v5 =	vadd.f32 v8, v5  }
0x264: {  	[tilespmem:s15+$0xFFFFFFE0] =	vst v3;
	v2 =	vmax.f32 v2, $0.0e+00;
	v3 =	vadd.f32 v4, v7  }
0x265: {  	[tilespmem:s16+$0x30] =	vst v2;
	v2 =	vmax.f32 v5, $0.0e+00;
	v4 =	vadd.f32 v10, v9  }
0x266: {  	[tilespmem:s16+$0xFFFFFFE0] =	vst v2;
	v2 =	vmax.f32 v3, $0.0e+00  }
0x267: {  	[tilespmem:s11+$0x30] =	vst v2;
	v2 =	vmax.f32 v4, $0.0e+00  }
0x268: {  	s3 =	sadd.s32 $0xEEC0, s14;
	[tilespmem:s11+$0xFFFFFFE0] =	vst v2  }
0x269: {  	[tilespmem:s26], [sflag:$0x2] =	stream.indirect.gather [hbm4b:s4+s22], $0x40, s3, s22, $0xb8;
	[tilespmem:$0x1D790] =	vst v63  }
0x26a: {  	s25 =	sadd.s32 $0xC7B0, s14  }
0x26b: {  	[tilespmem:s29], [sflag:$0x2] =	stream.indirect.gather [hbm4b:s5+s22], $0x40, s25, s22, $0xb8;
	[tilespmem:$0x1D790] =	vst v63  }
0x26c: {  	_ = 	snop  }
0x26d: {  	[spmem:s2] =	stream.indirect.scatter.add.f32 [tilespmem:s20], [sflag:$0x5], $0x50, s0, s22, $0xb8;
	[tilespmem:$0x1D790] =	vst v63  }
0x26e: {  	_ =	swait.ge [sflag:s21], $0x1400  }
0x26f: {  	[sflag:s21] =	ssyncset.done $0x0  }
0x270: {  	[sflag:s21] =	ssyncadd.s32 $0xFFFFEC00  }
0x271: {  	_ =	swait.ge [sflag:s21], $0x1400  }
0x272: {  	[sflag:s21] =	ssyncset.done $0x0  }
0x273: {  	[sflag:s21] =	ssyncadd.s32 $0xFFFFEC00  }
0x274: {  	_ =	swait.ge [sflag:s10], $0x1900  }
0x275: {  	[sflag:s10] =	ssyncset.done $0x0  }
0x276: {  	[sflag:s10] =	ssyncadd.s32 $0xFFFFE700  }
0x277: {  	v2 =	vld [tilespmem:s14+$0xEE20];
	_ =	sdelay $0x4  }
0x278: {  	[tilespmem:$0x11440] =	vst v2  }
0x279: {  	v2 =	vld [tilespmem:s14+$0xEE30];
	_ =	sdelay $0x4  }
0x27a: {  	[tilespmem:$0x11450] =	vst v2  }
0x27b: {  	v2 =	vld [tilespmem:s14+$0xEE40];
	_ =	sdelay $0x4  }
0x27c: {  	[tilespmem:$0x11460] =	vst v2  }
0x27d: {  	v2 =	vld [tilespmem:s14+$0xEE50];
	_ =	sdelay $0x4  }
0x27e: {  	[tilespmem:$0x11470] =	vst v2  }
0x27f: {  	v2 =	vld [tilespmem:s14+$0xEE60];
	_ =	sdelay $0x4  }
0x280: {  	s25 =	simm.s32 $0x13CD0;
	[tilespmem:$0x11480] =	vst v2  }
0x281: {  	s3 =	simm.s32 $0x178D0;
	v2 =	vld [tilespmem:s25+$0x0]  }
0x282: {  	v3 =	vld [tilespmem:s3+$0x0];
	_ =	sdelay $0x2  }
0x283: {  	v4 =	vld [tilespmem:s3+$0xFFFFFFC0]  }
0x284: {  	v5 =	vld [tilespmem:s25+$0xFFFFFFC0]  }
0x285: {  	v2 =	vadd.f32 v3, v2;
	_ =	sdelay $0x1  }
0x286: {  	s15 =	simm.s32 $0x1BEE0;
	v2 =	vmax.f32 v2, $0.0e+00  }
0x287: {  	[tilespmem:s15+$0x0] =	vst v2  }
0x288: {  	v2 =	vadd.f32 v4, v5;
	v3 =	vld [tilespmem:s25+$0x10]  }
0x289: {  	v4 =	vld [tilespmem:s3+$0x10]  }
0x28a: {  	s12 =	simm.s32 $0x13D50;
	v2 =	vmax.f32 v2, $0.0e+00  }
0x28b: {  	v6 =	vld [tilespmem:s12+$0x0];
	[tilespmem:s15+$0xFFFFFFB0] =	vst v2  }
0x28c: {  	v2 =	vld [tilespmem:s25+$0xFFFFFFD0]  }
0x28d: {  	s17 =	simm.s32 $0x17950;
	v5 =	vld [tilespmem:s3+$0xFFFFFFD0]  }
0x28e: {  	v3 =	vadd.f32 v4, v3;
	v4 =	vld [tilespmem:s17+$0x0]  }
0x28f: {  	v7 =	vld [tilespmem:s17+$0xFFFFFFC0]  }
0x290: {  	v8 =	vld [tilespmem:s12+$0xFFFFFFC0];
	v3 =	vmax.f32 v3, $0.0e+00  }
0x291: {  	[tilespmem:s15+$0x10] =	vst v3  }
0x292: {  	v2 =	vadd.f32 v5, v2;
	v3 =	vld [tilespmem:s25+$0x20]  }
0x293: {  	v5 =	vld [tilespmem:s3+$0x20];
	v4 =	vadd.f32 v4, v6  }
0x294: {  	s6 =	simm.s32 $0x13DD0;
	v2 =	vmax.f32 v2, $0.0e+00  }
0x295: {  	s16 =	simm.s32 $0x1BF80;
	v10 =	vld [tilespmem:s6+$0x0];
	v6 =	vadd.f32 v7, v8;
	[tilespmem:s15+$0xFFFFFFC0] =	vst v2;
	v4 =	vmax.f32 v4, $0.0e+00  }
0x296: {  	v2 =	vld [tilespmem:s25+$0xFFFFFFE0];
	[tilespmem:s16+$0x0] =	vst v4  }
0x297: {  	v4 =	vmax.f32 v6, $0.0e+00;
	v6 =	vld [tilespmem:s12+$0x10]  }
0x298: {  	v3 =	vadd.f32 v5, v3;
	[tilespmem:s16+$0xFFFFFFB0] =	vst v4;
	v4 =	vld [tilespmem:s17+$0x10]  }
0x299: {  	v5 =	vld [tilespmem:s12+$0xFFFFFFD0]  }
0x29a: {  	v8 =	vld [tilespmem:s17+$0xFFFFFFD0];
	v3 =	vmax.f32 v3, $0.0e+00  }
0x29b: {  	v7 =	vld [tilespmem:s3+$0xFFFFFFE0];
	[tilespmem:s15+$0x20] =	vst v3  }
0x29c: {  	v3 =	vld [tilespmem:s25+$0x30]  }
0x29d: {  	s19 =	simm.s32 $0x179D0;
	v9 =	vld [tilespmem:s3+$0x30];
	v4 =	vadd.f32 v4, v6  }
0x29e: {  	v6 =	vld [tilespmem:s19+$0x0]  }
0x29f: {  	v5 =	vadd.f32 v8, v5;
	v8 =	vld [tilespmem:s19+$0xFFFFFFC0];
	v4 =	vmax.f32 v4, $0.0e+00  }
0x2a0: {  	[tilespmem:s16+$0x10] =	vst v4;
	v4 =	vld [tilespmem:s6+$0xFFFFFFC0]  }
0x2a1: {  	v2 =	vadd.f32 v7, v2;
	v5 =	vmax.f32 v5, $0.0e+00;
	v7 =	vld [tilespmem:s12+$0x20]  }
0x2a2: {  	[tilespmem:s16+$0xFFFFFFC0] =	vst v5;
	v5 =	vld [tilespmem:s17+$0x20]  }
0x2a3: {  	v2 =	vmax.f32 v2, $0.0e+00;
	v6 =	vadd.f32 v6, v10;
	v10 =	vld [tilespmem:s12+$0xFFFFFFE0]  }
0x2a4: {  	[tilespmem:s15+$0xFFFFFFD0] =	vst v2;
	v2 =	vld [tilespmem:s17+$0xFFFFFFE0]  }
0x2a5: {  	s11 =	simm.s32 $0x1C020;
	v11 =	vld [tilespmem:s25+$0xFFFFFFF0];
	v6 =	vmax.f32 v6, $0.0e+00;
	v4 =	vadd.f32 v8, v4  }
0x2a6: {  	[tilespmem:s11+$0x0] =	vst v6;
	v6 =	vld [tilespmem:s3+$0xFFFFFFF0]  }
0x2a7: {  	v12 =	vadd.f32 v5, v7;
	v7 =	vld [tilespmem:s19+$0x10];
	v8 =	vmax.f32 v4, $0.0e+00  }
0x2a8: {  	v3 =	vadd.f32 v9, v3;
	v4 =	vld [tilespmem:s6+$0x10];
	[tilespmem:s11+$0xFFFFFFB0] =	vst v8  }
0x2a9: {  	v2 =	vadd.f32 v2, v10;
	v8 =	vmax.f32 v12, $0.0e+00;
	v5 =	vld [tilespmem:s6+$0xFFFFFFD0]  }
0x2aa: {  	v3 =	vmax.f32 v3, $0.0e+00;
	[tilespmem:s16+$0x20] =	vst v8;
	v8 =	vld [tilespmem:s19+$0xFFFFFFD0]  }
0x2ab: {  	[tilespmem:s15+$0x30] =	vst v3;
	v3 =	vmax.f32 v2, $0.0e+00;
	v2 =	vld [tilespmem:s12+$0x30];
	v6 =	vadd.f32 v6, v11  }
0x2ac: {  	s31 =	simm.s32 $0x179D0;
	s25 =	simm.s32 $0x4;
	s3 =	simm.s32 $0x13E50;
	[tilespmem:s16+$0xFFFFFFD0] =	vst v3;
	v3 =	vld [tilespmem:s17+$0x30]  }
.LBB2_21:
0x2ad: {  	v9 =	vld [tilespmem:s3+$0x0];
	v4 =	vadd.f32 v7, v4;
	s19 =	sadd.s32 $0x80, s19;
	v6 =	vmax.f32 v6, $0.0e+00  }
0x2ae: {  	v7 =	vld [tilespmem:s19+$0x0];
	[tilespmem:s15+$0xFFFFFFE0] =	vst v6;
	s15 =	smov.u32 s16;
	s16 =	smov.u32 s11  }
0x2af: {  	v6 =	vld [tilespmem:s19+$0xFFFFFFC0];
	v5 =	vadd.f32 v8, v5;
	v4 =	vmax.f32 v4, $0.0e+00  }
0x2b0: {  	v8 =	vld [tilespmem:s3+$0xFFFFFFC0];
	[tilespmem:s11+$0x10] =	vst v4  }
0x2b1: {  	s25 =	sadd.s32 $0x2, s25;
	v4 =	vmax.f32 v5, $0.0e+00;
	v5 =	vld [tilespmem:s6+$0x20];
	v2 =	vadd.f32 v3, v2  }
0x2b2: {  	p0 =	slt.u32 s25, $0x4E;
	[tilespmem:s11+$0xFFFFFFC0] =	vst v4;
	v3 =	vld [tilespmem:s31+$0x20]  }
0x2b3: {  	v4 =	vadd.f32 v7, v9;
	v9 =	vld [tilespmem:s6+$0xFFFFFFE0];
	v2 =	vmax.f32 v2, $0.0e+00  }
0x2b4: {  	v10 =	vld [tilespmem:s31+$0xFFFFFFE0];
	[tilespmem:s15+$0x30] =	vst v2  }
0x2b5: {  	s11 =	sadd.s32 $0xA0, s11;
	v2 =	vadd.f32 v6, v8;
	v4 =	vmax.f32 v4, $0.0e+00;
	v6 =	vld [tilespmem:s12+$0xFFFFFFF0];
	s12 =	smov.u32 s6;
	s6 =	smov.u32 s3  }
0x2b6: {  	[tilespmem:s11+$0x0] =	vst v4;
	v11 =	vld [tilespmem:s17+$0xFFFFFFF0];
	s17 =	smov.u32 s31;
	s31 =	smov.u32 s19  }
0x2b7: {  	v2 =	vmax.f32 v2, $0.0e+00;
	v4 =	vld [tilespmem:s3+$0x10];
	v3 =	vadd.f32 v3, v5  }
.Ltmp9:
0x2b8: {  	[tilespmem:s11+$0xFFFFFFB0] =	vst v2;
	v7 =	vld [tilespmem:s19+$0x10];
	(pc) =	sbr.rel @p0 .LBB2_21-.Ltmp9, $4  }
0x2b9: {  	v5 =	vld [tilespmem:s3+$0xFFFFFFD0];
	v2 =	vadd.f32 v10, v9;
	v3 =	vmax.f32 v3, $0.0e+00  }
0x2ba: {  	v8 =	vld [tilespmem:s19+$0xFFFFFFD0];
	[tilespmem:s16+$0x20] =	vst v3  }
0x2bb: {  	v3 =	vmax.f32 v2, $0.0e+00;
	v2 =	vld [tilespmem:s12+$0x30];
	v6 =	vadd.f32 v11, v6  }
0x2bc: {  	s3 =	sadd.s32 $0x80, s3;
	[tilespmem:s16+$0xFFFFFFD0] =	vst v3;
	v3 =	vld [tilespmem:s17+$0x30]  }
0x2bd: {  	v4 =	vadd.f32 v7, v4;
	_ =	sdelay $0x1  }
0x2be: {  	v5 =	vadd.f32 v8, v5;
	v4 =	vmax.f32 v4, $0.0e+00  }
0x2bf: {  	[tilespmem:s11+$0x10] =	vst v4  }
0x2c0: {  	v53 =	vmax.f32 v5, $0.0e+00;
	v54 =	vld [tilespmem:s6+$0x20]  }
0x2c1: {  	v55 =	vld [tilespmem:s31+$0x20];
	[tilespmem:s11+$0xFFFFFFC0] =	vst v53  }
0x2c2: {  	v56 =	vld [tilespmem:s6+$0xFFFFFFE0]  }
0x2c3: {  	v57 =	vld [tilespmem:s31+$0xFFFFFFE0];
	_ =	sdelay $0x2  }
0x2c4: {  	v4 =	vadd.f32 v55, v54;
	_ =	sdelay $0x1  }
0x2c5: {  	v58 =	vld [tilespmem:s12+$0xFFFFFFF0];
	v7 =	vadd.f32 v57, v56;
	v4 =	vmax.f32 v4, $0.0e+00  }
0x2c6: {  	v59 =	vld [tilespmem:s17+$0xFFFFFFF0];
	[tilespmem:s11+$0x20] =	vst v4  }
0x2c7: {  	v60 =	vmax.f32 v7, $0.0e+00;
	v61 =	vld [tilespmem:s6+$0x30]  }
0x2c8: {  	v62 =	vld [tilespmem:s31+$0x30];
	[tilespmem:s11+$0xFFFFFFD0] =	vst v60  }
0x2c9: {  	v9 =	vld [tilespmem:s6+$0xFFFFFFF0]  }
0x2ca: {  	v10 =	vld [tilespmem:s31+$0xFFFFFFF0];
	_ =	sdelay $0x1  }
0x2cb: {  	v2 =	vadd.f32 v3, v2  }
0x2cc: {  	v63 =	vmax.f32 v6, $0.0e+00;
	v3 =	vadd.f32 v59, v58  }
0x2cd: {  	[tilespmem:s15+$0xFFFFFFE0] =	vst v63;
	v2 =	vmax.f32 v2, $0.0e+00;
	v4 =	vadd.f32 v62, v61  }
0x2ce: {  	[tilespmem:s16+$0x30] =	vst v2;
	v2 =	vmax.f32 v3, $0.0e+00;
	v3 =	vadd.f32 v10, v9  }
0x2cf: {  	[tilespmem:s16+$0xFFFFFFE0] =	vst v2;
	v2 =	vmax.f32 v4, $0.0e+00  }
0x2d0: {  	s13 =	sadd.s32 $0x1, s13;
	[tilespmem:s11+$0x30] =	vst v2;
	v2 =	vmax.f32 v3, $0.0e+00  }
0x2d1: {  	s3 =	sadd.s32 $0xEF10, s14;
	s17 =	simm.s32 $0x13C90;
	p0 =	sne.s32 s13, $0x27;
	[tilespmem:s11+$0xFFFFFFE0] =	vst v2  }
0x2d2: {  	[tilespmem:s17], [sflag:$0x3] =	stream.indirect.gather [hbm4b:s4+s22], $0x40, s3, s22, $0xb8;
	[tilespmem:$0x1D790] =	vst v63  }
.Ltmp10:
0x2d3: {  	_ = 	snop;
	(pc) =	sbr.rel @p0 .LBB2_16-.Ltmp10, $4  }
0x2d4: {  	s19 =	sadd.s32 $0xC800, s14;
	s25 =	simm.s32 $0x17890  }
0x2d5: {  	[tilespmem:s25], [sflag:$0x3] =	stream.indirect.gather [hbm4b:s5+s22], $0x40, s19, s22, $0xb8;
	[tilespmem:$0x1D790] =	vst v63  }
0x2d6: {  	s31 =	simm.s32 $0x11440  }
0x2d7: {  	[spmem:s2] =	stream.indirect.scatter.add.f32 [tilespmem:s7], [sflag:$0x6], $0x50, s31, s22, $0xb8;
	[tilespmem:$0x1D790] =	vst v63  }
0x2d8: {  	_ =	swait.ge [sflag:s28], $0x1400  }
0x2d9: {  	[sflag:s28] =	ssyncset.done $0x0  }
0x2da: {  	[sflag:s28] =	ssyncadd.s32 $0xFFFFEC00  }
0x2db: {  	_ =	swait.ge [sflag:s28], $0x1400  }
0x2dc: {  	[sflag:s28] =	ssyncset.done $0x0  }
0x2dd: {  	[sflag:s28] =	ssyncadd.s32 $0xFFFFEC00  }
0x2de: {  	_ =	swait.ge [sflag:s8], $0x1900  }
0x2df: {  	[sflag:s8] =	ssyncset.done $0x0  }
0x2e0: {  	[sflag:s8] =	ssyncadd.s32 $0xFFFFE700  }
0x2e1: {  	v2 =	vld [tilespmem:$0x11210]  }
0x2e2: {  	v3 =	vld [tilespmem:$0x11220]  }
0x2e3: {  	v4 =	vld [tilespmem:$0x11230]  }
0x2e4: {  	v5 =	vld [tilespmem:$0x11240]  }
0x2e5: {  	v6 =	vld [tilespmem:$0x11250]  }
0x2e6: {  	[tilespmem:$0x113A0] =	vst v2  }
0x2e7: {  	[tilespmem:$0x113B0] =	vst v3  }
0x2e8: {  	[tilespmem:$0x113C0] =	vst v4  }
0x2e9: {  	[tilespmem:$0x113D0] =	vst v5  }
0x2ea: {  	s17 =	simm.s32 $0x114D0;
	[tilespmem:$0x113E0] =	vst v6  }
0x2eb: {  	s3 =	simm.s32 $0x150D0;
	v2 =	vld [tilespmem:s17+$0x0]  }
0x2ec: {  	v3 =	vld [tilespmem:s3+$0x0];
	_ =	sdelay $0x2  }
0x2ed: {  	v4 =	vld [tilespmem:s3+$0xFFFFFFC0]  }
0x2ee: {  	v5 =	vld [tilespmem:s17+$0xFFFFFFC0]  }
0x2ef: {  	v2 =	vadd.f32 v3, v2;
	_ =	sdelay $0x1  }
0x2f0: {  	s13 =	simm.s32 $0x18CE0;
	v2 =	vmax.f32 v2, $0.0e+00  }
0x2f1: {  	[tilespmem:s13+$0x0] =	vst v2  }
0x2f2: {  	v2 =	vadd.f32 v4, v5;
	v3 =	vld [tilespmem:s17+$0x10]  }
0x2f3: {  	v4 =	vld [tilespmem:s3+$0x10]  }
0x2f4: {  	s12 =	simm.s32 $0x11550;
	v2 =	vmax.f32 v2, $0.0e+00  }
0x2f5: {  	v6 =	vld [tilespmem:s12+$0x0];
	[tilespmem:s13+$0xFFFFFFB0] =	vst v2  }
0x2f6: {  	v2 =	vld [tilespmem:s17+$0xFFFFFFD0]  }
0x2f7: {  	s15 =	simm.s32 $0x15150;
	v5 =	vld [tilespmem:s3+$0xFFFFFFD0]  }
0x2f8: {  	v3 =	vadd.f32 v4, v3;
	v4 =	vld [tilespmem:s15+$0x0]  }
0x2f9: {  	v7 =	vld [tilespmem:s15+$0xFFFFFFC0]  }
0x2fa: {  	v8 =	vld [tilespmem:s12+$0xFFFFFFC0];
	v3 =	vmax.f32 v3, $0.0e+00  }
0x2fb: {  	[tilespmem:s13+$0x10] =	vst v3  }
0x2fc: {  	v2 =	vadd.f32 v5, v2;
	v3 =	vld [tilespmem:s17+$0x20]  }
0x2fd: {  	v5 =	vld [tilespmem:s3+$0x20];
	v4 =	vadd.f32 v4, v6  }
0x2fe: {  	s6 =	simm.s32 $0x115D0;
	v2 =	vmax.f32 v2, $0.0e+00  }
0x2ff: {  	s14 =	simm.s32 $0x18D80;
	v10 =	vld [tilespmem:s6+$0x0];
	v6 =	vadd.f32 v7, v8;
	[tilespmem:s13+$0xFFFFFFC0] =	vst v2;
	v4 =	vmax.f32 v4, $0.0e+00  }
0x300: {  	v2 =	vld [tilespmem:s17+$0xFFFFFFE0];
	[tilespmem:s14+$0x0] =	vst v4  }
0x301: {  	v4 =	vmax.f32 v6, $0.0e+00;
	v6 =	vld [tilespmem:s12+$0x10]  }
0x302: {  	v3 =	vadd.f32 v5, v3;
	[tilespmem:s14+$0xFFFFFFB0] =	vst v4;
	v4 =	vld [tilespmem:s15+$0x10]  }
0x303: {  	v5 =	vld [tilespmem:s12+$0xFFFFFFD0]  }
0x304: {  	v8 =	vld [tilespmem:s15+$0xFFFFFFD0];
	v3 =	vmax.f32 v3, $0.0e+00  }
0x305: {  	v7 =	vld [tilespmem:s3+$0xFFFFFFE0];
	[tilespmem:s13+$0x20] =	vst v3  }
0x306: {  	v3 =	vld [tilespmem:s17+$0x30]  }
0x307: {  	s16 =	simm.s32 $0x151D0;
	v9 =	vld [tilespmem:s3+$0x30];
	v4 =	vadd.f32 v4, v6  }
0x308: {  	v6 =	vld [tilespmem:s16+$0x0]  }
0x309: {  	v5 =	vadd.f32 v8, v5;
	v8 =	vld [tilespmem:s16+$0xFFFFFFC0];
	v4 =	vmax.f32 v4, $0.0e+00  }
0x30a: {  	[tilespmem:s14+$0x10] =	vst v4;
	v4 =	vld [tilespmem:s6+$0xFFFFFFC0]  }
0x30b: {  	v2 =	vadd.f32 v7, v2;
	v5 =	vmax.f32 v5, $0.0e+00;
	v7 =	vld [tilespmem:s12+$0x20]  }
0x30c: {  	[tilespmem:s14+$0xFFFFFFC0] =	vst v5;
	v5 =	vld [tilespmem:s15+$0x20]  }
0x30d: {  	v2 =	vmax.f32 v2, $0.0e+00;
	v6 =	vadd.f32 v6, v10;
	v10 =	vld [tilespmem:s12+$0xFFFFFFE0]  }
0x30e: {  	[tilespmem:s13+$0xFFFFFFD0] =	vst v2;
	v2 =	vld [tilespmem:s15+$0xFFFFFFE0]  }
0x30f: {  	s11 =	simm.s32 $0x18E20;
	v11 =	vld [tilespmem:s17+$0xFFFFFFF0];
	v6 =	vmax.f32 v6, $0.0e+00;
	v4 =	vadd.f32 v8, v4  }
0x310: {  	[tilespmem:s11+$0x0] =	vst v6;
	v6 =	vld [tilespmem:s3+$0xFFFFFFF0]  }
0x311: {  	v12 =	vadd.f32 v5, v7;
	v7 =	vld [tilespmem:s16+$0x10];
	v8 =	vmax.f32 v4, $0.0e+00  }
0x312: {  	v3 =	vadd.f32 v9, v3;
	v4 =	vld [tilespmem:s6+$0x10];
	[tilespmem:s11+$0xFFFFFFB0] =	vst v8  }
0x313: {  	v2 =	vadd.f32 v2, v10;
	v8 =	vmax.f32 v12, $0.0e+00;
	v5 =	vld [tilespmem:s6+$0xFFFFFFD0]  }
0x314: {  	v3 =	vmax.f32 v3, $0.0e+00;
	[tilespmem:s14+$0x20] =	vst v8;
	v8 =	vld [tilespmem:s16+$0xFFFFFFD0]  }
0x315: {  	[tilespmem:s13+$0x30] =	vst v3;
	v3 =	vmax.f32 v2, $0.0e+00;
	v2 =	vld [tilespmem:s12+$0x30];
	v6 =	vadd.f32 v6, v11  }
0x316: {  	s19 =	simm.s32 $0x4;
	s17 =	simm.s32 $0x151D0;
	s3 =	simm.s32 $0x11650;
	[tilespmem:s14+$0xFFFFFFD0] =	vst v3;
	v3 =	vld [tilespmem:s15+$0x30]  }
.LBB2_24:
0x317: {  	v9 =	vld [tilespmem:s3+$0x0];
	v4 =	vadd.f32 v7, v4;
	s16 =	sadd.s32 $0x80, s16;
	v6 =	vmax.f32 v6, $0.0e+00  }
0x318: {  	v7 =	vld [tilespmem:s16+$0x0];
	[tilespmem:s13+$0xFFFFFFE0] =	vst v6;
	s13 =	smov.u32 s14;
	s14 =	smov.u32 s11  }
0x319: {  	v6 =	vld [tilespmem:s16+$0xFFFFFFC0];
	v5 =	vadd.f32 v8, v5;
	v4 =	vmax.f32 v4, $0.0e+00  }
0x31a: {  	v8 =	vld [tilespmem:s3+$0xFFFFFFC0];
	[tilespmem:s11+$0x10] =	vst v4  }
0x31b: {  	s19 =	sadd.s32 $0x2, s19;
	v4 =	vmax.f32 v5, $0.0e+00;
	v5 =	vld [tilespmem:s6+$0x20];
	v2 =	vadd.f32 v3, v2  }
0x31c: {  	p0 =	slt.u32 s19, $0x4E;
	[tilespmem:s11+$0xFFFFFFC0] =	vst v4;
	v3 =	vld [tilespmem:s17+$0x20]  }
0x31d: {  	v4 =	vadd.f32 v7, v9;
	v9 =	vld [tilespmem:s6+$0xFFFFFFE0];
	v2 =	vmax.f32 v2, $0.0e+00  }
0x31e: {  	v10 =	vld [tilespmem:s17+$0xFFFFFFE0];
	[tilespmem:s13+$0x30] =	vst v2  }
0x31f: {  	s11 =	sadd.s32 $0xA0, s11;
	v2 =	vadd.f32 v6, v8;
	v4 =	vmax.f32 v4, $0.0e+00;
	v6 =	vld [tilespmem:s12+$0xFFFFFFF0];
	s12 =	smov.u32 s6;
	s6 =	smov.u32 s3  }
0x320: {  	[tilespmem:s11+$0x0] =	vst v4;
	v11 =	vld [tilespmem:s15+$0xFFFFFFF0];
	s15 =	smov.u32 s17;
	s17 =	smov.u32 s16  }
0x321: {  	v2 =	vmax.f32 v2, $0.0e+00;
	v4 =	vld [tilespmem:s3+$0x10];
	v3 =	vadd.f32 v3, v5  }
.Ltmp11:
0x322: {  	[tilespmem:s11+$0xFFFFFFB0] =	vst v2;
	v7 =	vld [tilespmem:s16+$0x10];
	(pc) =	sbr.rel @p0 .LBB2_24-.Ltmp11, $4  }
0x323: {  	v5 =	vld [tilespmem:s3+$0xFFFFFFD0];
	v2 =	vadd.f32 v10, v9;
	v3 =	vmax.f32 v3, $0.0e+00  }
0x324: {  	v8 =	vld [tilespmem:s16+$0xFFFFFFD0];
	[tilespmem:s14+$0x20] =	vst v3  }
0x325: {  	v3 =	vmax.f32 v2, $0.0e+00;
	v2 =	vld [tilespmem:s12+$0x30];
	v6 =	vadd.f32 v11, v6  }
0x326: {  	s3 =	sadd.s32 $0x80, s3;
	[tilespmem:s14+$0xFFFFFFD0] =	vst v3;
	v3 =	vld [tilespmem:s15+$0x30]  }
0x327: {  	v4 =	vadd.f32 v7, v4;
	_ =	sdelay $0x1  }
0x328: {  	v5 =	vadd.f32 v8, v5;
	v4 =	vmax.f32 v4, $0.0e+00  }
0x329: {  	[tilespmem:s11+$0x10] =	vst v4  }
0x32a: {  	v4 =	vmax.f32 v5, $0.0e+00;
	v5 =	vld [tilespmem:s6+$0x20]  }
0x32b: {  	[tilespmem:s11+$0xFFFFFFC0] =	vst v4;
	v4 =	vld [tilespmem:s17+$0x20]  }
0x32c: {  	v7 =	vld [tilespmem:s6+$0xFFFFFFE0]  }
0x32d: {  	v8 =	vld [tilespmem:s17+$0xFFFFFFE0];
	_ =	sdelay $0x2  }
0x32e: {  	v4 =	vadd.f32 v4, v5;
	_ =	sdelay $0x1  }
0x32f: {  	v5 =	vld [tilespmem:s12+$0xFFFFFFF0];
	v7 =	vadd.f32 v8, v7;
	v4 =	vmax.f32 v4, $0.0e+00  }
0x330: {  	v8 =	vld [tilespmem:s15+$0xFFFFFFF0];
	[tilespmem:s11+$0x20] =	vst v4  }
0x331: {  	v4 =	vmax.f32 v7, $0.0e+00;
	v7 =	vld [tilespmem:s6+$0x30]  }
0x332: {  	[tilespmem:s11+$0xFFFFFFD0] =	vst v4;
	v4 =	vld [tilespmem:s17+$0x30]  }
0x333: {  	v9 =	vld [tilespmem:s6+$0xFFFFFFF0]  }
0x334: {  	v10 =	vld [tilespmem:s17+$0xFFFFFFF0];
	_ =	sdelay $0x1  }
0x335: {  	v2 =	vadd.f32 v3, v2  }
0x336: {  	v3 =	vmax.f32 v6, $0.0e+00;
	v5 =	vadd.f32 v8, v5  }
0x337: {  	[tilespmem:s13+$0xFFFFFFE0] =	vst v3;
	v2 =	vmax.f32 v2, $0.0e+00;
	v3 =	vadd.f32 v4, v7  }
0x338: {  	[tilespmem:s14+$0x30] =	vst v2;
	v2 =	vmax.f32 v5, $0.0e+00;
	v4 =	vadd.f32 v10, v9  }
0x339: {  	[tilespmem:s14+$0xFFFFFFE0] =	vst v2;
	v2 =	vmax.f32 v3, $0.0e+00  }
0x33a: {  	[tilespmem:s11+$0x30] =	vst v2;
	v2 =	vmax.f32 v4, $0.0e+00  }
0x33b: {  	s3 =	simm.s32 $0x11300;
	[tilespmem:s11+$0xFFFFFFE0] =	vst v2  }
0x33c: {  	[tilespmem:s23], [sflag:$0x1] =	stream.indirect.gather [hbm4b:s4+s22], $0x40, s3, s22, $0xb8;
	[tilespmem:$0x1D790] =	vst v63  }
0x33d: {  	s19 =	simm.s32 $0xEBF0  }
0x33e: {  	[tilespmem:s24], [sflag:$0x1] =	stream.indirect.gather [hbm4b:s5+s22], $0x40, s19, s22, $0xb8;
	[tilespmem:$0x1D790] =	vst v63  }
0x33f: {  	_ = 	snop  }
0x340: {  	[spmem:s2] =	stream.indirect.scatter.add.f32 [tilespmem:s18], [sflag:$0x4], $0x50, s30, s22, $0xb8;
	[tilespmem:$0x1D790] =	vst v63  }
0x341: {  	_ =	swait.ge [sflag:s1], $0x1400  }
0x342: {  	[sflag:s1] =	ssyncset.done $0x0  }
0x343: {  	[sflag:s1] =	ssyncadd.s32 $0xFFFFEC00  }
0x344: {  	_ =	swait.ge [sflag:s1], $0x1400  }
0x345: {  	[sflag:s1] =	ssyncset.done $0x0  }
0x346: {  	[sflag:s1] =	ssyncadd.s32 $0xFFFFEC00  }
0x347: {  	_ =	swait.ge [sflag:s9], $0x1900  }
0x348: {  	[sflag:s9] =	ssyncset.done $0x0  }
0x349: {  	[sflag:s9] =	ssyncadd.s32 $0xFFFFE700  }
0x34a: {  	v2 =	vld [tilespmem:$0x11260]  }
0x34b: {  	v3 =	vld [tilespmem:$0x11270]  }
0x34c: {  	v4 =	vld [tilespmem:$0x11280]  }
0x34d: {  	v5 =	vld [tilespmem:$0x11290]  }
0x34e: {  	v6 =	vld [tilespmem:$0x112A0]  }
0x34f: {  	[tilespmem:$0x113F0] =	vst v2  }
0x350: {  	[tilespmem:$0x11400] =	vst v3  }
0x351: {  	[tilespmem:$0x11410] =	vst v4  }
0x352: {  	[tilespmem:$0x11420] =	vst v5  }
0x353: {  	s25 =	simm.s32 $0x128D0;
	[tilespmem:$0x11430] =	vst v6  }
0x354: {  	s31 =	simm.s32 $0x164D0;
	v2 =	vld [tilespmem:s25+$0x0]  }
0x355: {  	v3 =	vld [tilespmem:s31+$0x0];
	_ =	sdelay $0x2  }
0x356: {  	v4 =	vld [tilespmem:s31+$0xFFFFFFC0]  }
0x357: {  	v5 =	vld [tilespmem:s25+$0xFFFFFFC0]  }
0x358: {  	v2 =	vadd.f32 v3, v2;
	_ =	sdelay $0x1  }
0x359: {  	s13 =	simm.s32 $0x1A5E0;
	v2 =	vmax.f32 v2, $0.0e+00  }
0x35a: {  	[tilespmem:s13+$0x0] =	vst v2  }
0x35b: {  	v2 =	vadd.f32 v4, v5;
	v3 =	vld [tilespmem:s25+$0x10]  }
0x35c: {  	v4 =	vld [tilespmem:s31+$0x10]  }
0x35d: {  	s12 =	simm.s32 $0x12950;
	v2 =	vmax.f32 v2, $0.0e+00  }
0x35e: {  	v6 =	vld [tilespmem:s12+$0x0];
	[tilespmem:s13+$0xFFFFFFB0] =	vst v2  }
0x35f: {  	v2 =	vld [tilespmem:s25+$0xFFFFFFD0]  }
0x360: {  	s15 =	simm.s32 $0x16550;
	v5 =	vld [tilespmem:s31+$0xFFFFFFD0]  }
0x361: {  	v3 =	vadd.f32 v4, v3;
	v4 =	vld [tilespmem:s15+$0x0]  }
0x362: {  	v7 =	vld [tilespmem:s15+$0xFFFFFFC0]  }
0x363: {  	v8 =	vld [tilespmem:s12+$0xFFFFFFC0];
	v3 =	vmax.f32 v3, $0.0e+00  }
0x364: {  	[tilespmem:s13+$0x10] =	vst v3  }
0x365: {  	v2 =	vadd.f32 v5, v2;
	v3 =	vld [tilespmem:s25+$0x20]  }
0x366: {  	v5 =	vld [tilespmem:s31+$0x20];
	v4 =	vadd.f32 v4, v6  }
0x367: {  	s6 =	simm.s32 $0x129D0;
	v2 =	vmax.f32 v2, $0.0e+00  }
0x368: {  	s14 =	simm.s32 $0x1A680;
	v10 =	vld [tilespmem:s6+$0x0];
	v6 =	vadd.f32 v7, v8;
	[tilespmem:s13+$0xFFFFFFC0] =	vst v2;
	v4 =	vmax.f32 v4, $0.0e+00  }
0x369: {  	v2 =	vld [tilespmem:s25+$0xFFFFFFE0];
	[tilespmem:s14+$0x0] =	vst v4  }
0x36a: {  	v4 =	vmax.f32 v6, $0.0e+00;
	v6 =	vld [tilespmem:s12+$0x10]  }
0x36b: {  	v3 =	vadd.f32 v5, v3;
	[tilespmem:s14+$0xFFFFFFB0] =	vst v4;
	v4 =	vld [tilespmem:s15+$0x10]  }
0x36c: {  	v5 =	vld [tilespmem:s12+$0xFFFFFFD0]  }
0x36d: {  	v8 =	vld [tilespmem:s15+$0xFFFFFFD0];
	v3 =	vmax.f32 v3, $0.0e+00  }
0x36e: {  	v7 =	vld [tilespmem:s31+$0xFFFFFFE0];
	[tilespmem:s13+$0x20] =	vst v3  }
0x36f: {  	v3 =	vld [tilespmem:s25+$0x30]  }
0x370: {  	s16 =	simm.s32 $0x165D0;
	v9 =	vld [tilespmem:s31+$0x30];
	v4 =	vadd.f32 v4, v6  }
0x371: {  	v6 =	vld [tilespmem:s16+$0x0]  }
0x372: {  	v5 =	vadd.f32 v8, v5;
	v8 =	vld [tilespmem:s16+$0xFFFFFFC0];
	v4 =	vmax.f32 v4, $0.0e+00  }
0x373: {  	[tilespmem:s14+$0x10] =	vst v4;
	v4 =	vld [tilespmem:s6+$0xFFFFFFC0]  }
0x374: {  	v2 =	vadd.f32 v7, v2;
	v5 =	vmax.f32 v5, $0.0e+00;
	v7 =	vld [tilespmem:s12+$0x20]  }
0x375: {  	[tilespmem:s14+$0xFFFFFFC0] =	vst v5;
	v5 =	vld [tilespmem:s15+$0x20]  }
0x376: {  	v2 =	vmax.f32 v2, $0.0e+00;
	v6 =	vadd.f32 v6, v10;
	v10 =	vld [tilespmem:s12+$0xFFFFFFE0]  }
0x377: {  	[tilespmem:s13+$0xFFFFFFD0] =	vst v2;
	v2 =	vld [tilespmem:s15+$0xFFFFFFE0]  }
0x378: {  	s11 =	simm.s32 $0x1A720;
	v11 =	vld [tilespmem:s25+$0xFFFFFFF0];
	v6 =	vmax.f32 v6, $0.0e+00;
	v4 =	vadd.f32 v8, v4  }
0x379: {  	[tilespmem:s11+$0x0] =	vst v6;
	v6 =	vld [tilespmem:s31+$0xFFFFFFF0]  }
0x37a: {  	v12 =	vadd.f32 v5, v7;
	v7 =	vld [tilespmem:s16+$0x10];
	v8 =	vmax.f32 v4, $0.0e+00  }
0x37b: {  	v3 =	vadd.f32 v9, v3;
	v4 =	vld [tilespmem:s6+$0x10];
	[tilespmem:s11+$0xFFFFFFB0] =	vst v8  }
0x37c: {  	v2 =	vadd.f32 v2, v10;
	v8 =	vmax.f32 v12, $0.0e+00;
	v5 =	vld [tilespmem:s6+$0xFFFFFFD0]  }
0x37d: {  	v3 =	vmax.f32 v3, $0.0e+00;
	[tilespmem:s14+$0x20] =	vst v8;
	v8 =	vld [tilespmem:s16+$0xFFFFFFD0]  }
0x37e: {  	[tilespmem:s13+$0x30] =	vst v3;
	v3 =	vmax.f32 v2, $0.0e+00;
	v2 =	vld [tilespmem:s12+$0x30];
	v6 =	vadd.f32 v6, v11  }
0x37f: {  	s17 =	simm.s32 $0x165D0;
	s3 =	simm.s32 $0x12A50;
	s19 =	simm.s32 $0x4;
	[tilespmem:s14+$0xFFFFFFD0] =	vst v3;
	v3 =	vld [tilespmem:s15+$0x30]  }
.LBB2_26:
0x380: {  	v9 =	vld [tilespmem:s3+$0x0];
	v4 =	vadd.f32 v7, v4;
	s16 =	sadd.s32 $0x80, s16;
	v6 =	vmax.f32 v6, $0.0e+00  }
0x381: {  	v7 =	vld [tilespmem:s16+$0x0];
	[tilespmem:s13+$0xFFFFFFE0] =	vst v6;
	s13 =	smov.u32 s14;
	s14 =	smov.u32 s11  }
0x382: {  	v6 =	vld [tilespmem:s16+$0xFFFFFFC0];
	v5 =	vadd.f32 v8, v5;
	v4 =	vmax.f32 v4, $0.0e+00  }
0x383: {  	v8 =	vld [tilespmem:s3+$0xFFFFFFC0];
	[tilespmem:s11+$0x10] =	vst v4  }
0x384: {  	s19 =	sadd.s32 $0x2, s19;
	v4 =	vmax.f32 v5, $0.0e+00;
	v5 =	vld [tilespmem:s6+$0x20];
	v2 =	vadd.f32 v3, v2  }
0x385: {  	p0 =	slt.u32 s19, $0x4E;
	[tilespmem:s11+$0xFFFFFFC0] =	vst v4;
	v3 =	vld [tilespmem:s17+$0x20]  }
0x386: {  	v4 =	vadd.f32 v7, v9;
	v9 =	vld [tilespmem:s6+$0xFFFFFFE0];
	v2 =	vmax.f32 v2, $0.0e+00  }
0x387: {  	v10 =	vld [tilespmem:s17+$0xFFFFFFE0];
	[tilespmem:s13+$0x30] =	vst v2  }
0x388: {  	s11 =	sadd.s32 $0xA0, s11;
	v2 =	vadd.f32 v6, v8;
	v4 =	vmax.f32 v4, $0.0e+00;
	v6 =	vld [tilespmem:s12+$0xFFFFFFF0];
	s12 =	smov.u32 s6;
	s6 =	smov.u32 s3  }
0x389: {  	[tilespmem:s11+$0x0] =	vst v4;
	v11 =	vld [tilespmem:s15+$0xFFFFFFF0];
	s15 =	smov.u32 s17;
	s17 =	smov.u32 s16  }
0x38a: {  	v2 =	vmax.f32 v2, $0.0e+00;
	v4 =	vld [tilespmem:s3+$0x10];
	v3 =	vadd.f32 v3, v5  }
.Ltmp12:
0x38b: {  	[tilespmem:s11+$0xFFFFFFB0] =	vst v2;
	v7 =	vld [tilespmem:s16+$0x10];
	(pc) =	sbr.rel @p0 .LBB2_26-.Ltmp12, $4  }
0x38c: {  	v5 =	vld [tilespmem:s3+$0xFFFFFFD0];
	v2 =	vadd.f32 v10, v9;
	v3 =	vmax.f32 v3, $0.0e+00  }
0x38d: {  	v8 =	vld [tilespmem:s16+$0xFFFFFFD0];
	[tilespmem:s14+$0x20] =	vst v3  }
0x38e: {  	v3 =	vmax.f32 v2, $0.0e+00;
	v2 =	vld [tilespmem:s12+$0x30];
	v6 =	vadd.f32 v11, v6  }
0x38f: {  	s3 =	sadd.s32 $0x80, s3;
	[tilespmem:s14+$0xFFFFFFD0] =	vst v3;
	v3 =	vld [tilespmem:s15+$0x30]  }
0x390: {  	v4 =	vadd.f32 v7, v4;
	_ =	sdelay $0x1  }
0x391: {  	v5 =	vadd.f32 v8, v5;
	v4 =	vmax.f32 v4, $0.0e+00  }
0x392: {  	[tilespmem:s11+$0x10] =	vst v4  }
0x393: {  	v4 =	vmax.f32 v5, $0.0e+00;
	v5 =	vld [tilespmem:s6+$0x20]  }
0x394: {  	[tilespmem:s11+$0xFFFFFFC0] =	vst v4;
	v4 =	vld [tilespmem:s17+$0x20]  }
0x395: {  	v7 =	vld [tilespmem:s6+$0xFFFFFFE0]  }
0x396: {  	v8 =	vld [tilespmem:s17+$0xFFFFFFE0];
	_ =	sdelay $0x2  }
0x397: {  	v4 =	vadd.f32 v4, v5;
	_ =	sdelay $0x1  }
0x398: {  	v5 =	vld [tilespmem:s12+$0xFFFFFFF0];
	v7 =	vadd.f32 v8, v7;
	v4 =	vmax.f32 v4, $0.0e+00  }
0x399: {  	v8 =	vld [tilespmem:s15+$0xFFFFFFF0];
	[tilespmem:s11+$0x20] =	vst v4  }
0x39a: {  	v4 =	vmax.f32 v7, $0.0e+00;
	v7 =	vld [tilespmem:s6+$0x30]  }
0x39b: {  	[tilespmem:s11+$0xFFFFFFD0] =	vst v4;
	v4 =	vld [tilespmem:s17+$0x30]  }
0x39c: {  	v9 =	vld [tilespmem:s6+$0xFFFFFFF0]  }
0x39d: {  	v10 =	vld [tilespmem:s17+$0xFFFFFFF0];
	_ =	sdelay $0x1  }
0x39e: {  	v2 =	vadd.f32 v3, v2  }
0x39f: {  	v3 =	vmax.f32 v6, $0.0e+00;
	v5 =	vadd.f32 v8, v5  }
0x3a0: {  	[tilespmem:s13+$0xFFFFFFE0] =	vst v3;
	v2 =	vmax.f32 v2, $0.0e+00;
	v3 =	vadd.f32 v4, v7  }
0x3a1: {  	[tilespmem:s14+$0x30] =	vst v2;
	v2 =	vmax.f32 v5, $0.0e+00;
	v4 =	vadd.f32 v10, v9  }
0x3a2: {  	[tilespmem:s14+$0xFFFFFFE0] =	vst v2;
	v2 =	vmax.f32 v3, $0.0e+00  }
0x3a3: {  	[tilespmem:s11+$0x30] =	vst v2;
	v2 =	vmax.f32 v4, $0.0e+00  }
0x3a4: {  	s3 =	simm.s32 $0x11350;
	[tilespmem:s11+$0xFFFFFFE0] =	vst v2  }
0x3a5: {  	[tilespmem:s26], [sflag:$0x2] =	stream.indirect.gather [hbm4b:s4+s22], $0x40, s3, s22, $0xb8;
	[tilespmem:$0x1D790] =	vst v63  }
0x3a6: {  	s19 =	simm.s32 $0xEC40  }
0x3a7: {  	[tilespmem:s29], [sflag:$0x2] =	stream.indirect.gather [hbm4b:s5+s22], $0x40, s19, s22, $0xb8;
	[tilespmem:$0x1D790] =	vst v63  }
0x3a8: {  	_ = 	snop  }
0x3a9: {  	[spmem:s2] =	stream.indirect.scatter.add.f32 [tilespmem:s20], [sflag:$0x5], $0x50, s0, s22, $0xb8;
	[tilespmem:$0x1D790] =	vst v63  }
0x3aa: {  	_ =	swait.ge [sflag:s21], $0x1400  }
0x3ab: {  	[sflag:s21] =	ssyncset.done $0x0  }
0x3ac: {  	[sflag:s21] =	ssyncadd.s32 $0xFFFFEC00  }
0x3ad: {  	_ =	swait.ge [sflag:s21], $0x1400  }
0x3ae: {  	[sflag:s21] =	ssyncset.done $0x0  }
0x3af: {  	[sflag:s21] =	ssyncadd.s32 $0xFFFFEC00  }
0x3b0: {  	_ =	swait.ge [sflag:s10], $0x1900  }
0x3b1: {  	[sflag:s10] =	ssyncset.done $0x0  }
0x3b2: {  	[sflag:s10] =	ssyncadd.s32 $0xFFFFE700  }
0x3b3: {  	v2 =	vld [tilespmem:$0x112B0]  }
0x3b4: {  	v3 =	vld [tilespmem:$0x112C0]  }
0x3b5: {  	v4 =	vld [tilespmem:$0x112D0]  }
0x3b6: {  	v5 =	vld [tilespmem:$0x112E0]  }
0x3b7: {  	v6 =	vld [tilespmem:$0x112F0]  }
0x3b8: {  	[tilespmem:$0x11440] =	vst v2  }
0x3b9: {  	[tilespmem:$0x11450] =	vst v3  }
0x3ba: {  	[tilespmem:$0x11460] =	vst v4  }
0x3bb: {  	[tilespmem:$0x11470] =	vst v5  }
0x3bc: {  	s25 =	simm.s32 $0x13CD0;
	[tilespmem:$0x11480] =	vst v6  }
0x3bd: {  	s31 =	simm.s32 $0x178D0;
	v2 =	vld [tilespmem:s25+$0x0]  }
0x3be: {  	v3 =	vld [tilespmem:s31+$0x0];
	_ =	sdelay $0x2  }
0x3bf: {  	v4 =	vld [tilespmem:s31+$0xFFFFFFC0]  }
0x3c0: {  	v5 =	vld [tilespmem:s25+$0xFFFFFFC0]  }
0x3c1: {  	v2 =	vadd.f32 v3, v2;
	_ =	sdelay $0x1  }
0x3c2: {  	s13 =	simm.s32 $0x1BEE0;
	v2 =	vmax.f32 v2, $0.0e+00  }
0x3c3: {  	[tilespmem:s13+$0x0] =	vst v2  }
0x3c4: {  	v2 =	vadd.f32 v4, v5;
	v3 =	vld [tilespmem:s25+$0x10]  }
0x3c5: {  	v4 =	vld [tilespmem:s31+$0x10]  }
0x3c6: {  	s12 =	simm.s32 $0x13D50;
	v2 =	vmax.f32 v2, $0.0e+00  }
0x3c7: {  	v6 =	vld [tilespmem:s12+$0x0];
	[tilespmem:s13+$0xFFFFFFB0] =	vst v2  }
0x3c8: {  	v2 =	vld [tilespmem:s25+$0xFFFFFFD0]  }
0x3c9: {  	s15 =	simm.s32 $0x17950;
	v5 =	vld [tilespmem:s31+$0xFFFFFFD0]  }
0x3ca: {  	v3 =	vadd.f32 v4, v3;
	v4 =	vld [tilespmem:s15+$0x0]  }
0x3cb: {  	v7 =	vld [tilespmem:s15+$0xFFFFFFC0]  }
0x3cc: {  	v8 =	vld [tilespmem:s12+$0xFFFFFFC0];
	v3 =	vmax.f32 v3, $0.0e+00  }
0x3cd: {  	[tilespmem:s13+$0x10] =	vst v3  }
0x3ce: {  	v2 =	vadd.f32 v5, v2;
	v3 =	vld [tilespmem:s25+$0x20]  }
0x3cf: {  	v5 =	vld [tilespmem:s31+$0x20];
	v4 =	vadd.f32 v4, v6  }
0x3d0: {  	s6 =	simm.s32 $0x13DD0;
	v2 =	vmax.f32 v2, $0.0e+00  }
0x3d1: {  	s14 =	simm.s32 $0x1BF80;
	v10 =	vld [tilespmem:s6+$0x0];
	v6 =	vadd.f32 v7, v8;
	[tilespmem:s13+$0xFFFFFFC0] =	vst v2;
	v4 =	vmax.f32 v4, $0.0e+00  }
0x3d2: {  	v2 =	vld [tilespmem:s25+$0xFFFFFFE0];
	[tilespmem:s14+$0x0] =	vst v4  }
0x3d3: {  	v4 =	vmax.f32 v6, $0.0e+00;
	v6 =	vld [tilespmem:s12+$0x10]  }
0x3d4: {  	v3 =	vadd.f32 v5, v3;
	[tilespmem:s14+$0xFFFFFFB0] =	vst v4;
	v4 =	vld [tilespmem:s15+$0x10]  }
0x3d5: {  	v5 =	vld [tilespmem:s12+$0xFFFFFFD0]  }
0x3d6: {  	v8 =	vld [tilespmem:s15+$0xFFFFFFD0];
	v3 =	vmax.f32 v3, $0.0e+00  }
0x3d7: {  	v7 =	vld [tilespmem:s31+$0xFFFFFFE0];
	[tilespmem:s13+$0x20] =	vst v3  }
0x3d8: {  	v3 =	vld [tilespmem:s25+$0x30]  }
0x3d9: {  	s16 =	simm.s32 $0x179D0;
	v9 =	vld [tilespmem:s31+$0x30];
	v4 =	vadd.f32 v4, v6  }
0x3da: {  	v6 =	vld [tilespmem:s16+$0x0]  }
0x3db: {  	v5 =	vadd.f32 v8, v5;
	v8 =	vld [tilespmem:s16+$0xFFFFFFC0];
	v4 =	vmax.f32 v4, $0.0e+00  }
0x3dc: {  	[tilespmem:s14+$0x10] =	vst v4;
	v4 =	vld [tilespmem:s6+$0xFFFFFFC0]  }
0x3dd: {  	v2 =	vadd.f32 v7, v2;
	v5 =	vmax.f32 v5, $0.0e+00;
	v7 =	vld [tilespmem:s12+$0x20]  }
0x3de: {  	[tilespmem:s14+$0xFFFFFFC0] =	vst v5;
	v5 =	vld [tilespmem:s15+$0x20]  }
0x3df: {  	v2 =	vmax.f32 v2, $0.0e+00;
	v6 =	vadd.f32 v6, v10;
	v10 =	vld [tilespmem:s12+$0xFFFFFFE0]  }
0x3e0: {  	[tilespmem:s13+$0xFFFFFFD0] =	vst v2;
	v2 =	vld [tilespmem:s15+$0xFFFFFFE0]  }
0x3e1: {  	s11 =	simm.s32 $0x1C020;
	v11 =	vld [tilespmem:s25+$0xFFFFFFF0];
	v6 =	vmax.f32 v6, $0.0e+00;
	v4 =	vadd.f32 v8, v4  }
0x3e2: {  	[tilespmem:s11+$0x0] =	vst v6;
	v6 =	vld [tilespmem:s31+$0xFFFFFFF0]  }
0x3e3: {  	v12 =	vadd.f32 v5, v7;
	v7 =	vld [tilespmem:s16+$0x10];
	v8 =	vmax.f32 v4, $0.0e+00  }
0x3e4: {  	v3 =	vadd.f32 v9, v3;
	v4 =	vld [tilespmem:s6+$0x10];
	[tilespmem:s11+$0xFFFFFFB0] =	vst v8  }
0x3e5: {  	v2 =	vadd.f32 v2, v10;
	v8 =	vmax.f32 v12, $0.0e+00;
	v5 =	vld [tilespmem:s6+$0xFFFFFFD0]  }
0x3e6: {  	v3 =	vmax.f32 v3, $0.0e+00;
	[tilespmem:s14+$0x20] =	vst v8;
	v8 =	vld [tilespmem:s16+$0xFFFFFFD0]  }
0x3e7: {  	[tilespmem:s13+$0x30] =	vst v3;
	v3 =	vmax.f32 v2, $0.0e+00;
	v2 =	vld [tilespmem:s12+$0x30];
	v6 =	vadd.f32 v6, v11  }
0x3e8: {  	s17 =	simm.s32 $0x179D0;
	s3 =	simm.s32 $0x13E50;
	s19 =	simm.s32 $0x4;
	[tilespmem:s14+$0xFFFFFFD0] =	vst v3;
	v3 =	vld [tilespmem:s15+$0x30]  }
.LBB2_28:
0x3e9: {  	v9 =	vld [tilespmem:s3+$0x0];
	v4 =	vadd.f32 v7, v4;
	s16 =	sadd.s32 $0x80, s16;
	v6 =	vmax.f32 v6, $0.0e+00  }
0x3ea: {  	v7 =	vld [tilespmem:s16+$0x0];
	[tilespmem:s13+$0xFFFFFFE0] =	vst v6;
	s13 =	smov.u32 s14;
	s14 =	smov.u32 s11  }
0x3eb: {  	v6 =	vld [tilespmem:s16+$0xFFFFFFC0];
	v5 =	vadd.f32 v8, v5;
	v4 =	vmax.f32 v4, $0.0e+00  }
0x3ec: {  	v8 =	vld [tilespmem:s3+$0xFFFFFFC0];
	[tilespmem:s11+$0x10] =	vst v4  }
0x3ed: {  	s19 =	sadd.s32 $0x2, s19;
	v4 =	vmax.f32 v5, $0.0e+00;
	v5 =	vld [tilespmem:s6+$0x20];
	v2 =	vadd.f32 v3, v2  }
0x3ee: {  	p0 =	slt.u32 s19, $0x4E;
	[tilespmem:s11+$0xFFFFFFC0] =	vst v4;
	v3 =	vld [tilespmem:s17+$0x20]  }
0x3ef: {  	v4 =	vadd.f32 v7, v9;
	v9 =	vld [tilespmem:s6+$0xFFFFFFE0];
	v2 =	vmax.f32 v2, $0.0e+00  }
0x3f0: {  	v10 =	vld [tilespmem:s17+$0xFFFFFFE0];
	[tilespmem:s13+$0x30] =	vst v2  }
0x3f1: {  	s11 =	sadd.s32 $0xA0, s11;
	v2 =	vadd.f32 v6, v8;
	v4 =	vmax.f32 v4, $0.0e+00;
	v6 =	vld [tilespmem:s12+$0xFFFFFFF0];
	s12 =	smov.u32 s6;
	s6 =	smov.u32 s3  }
0x3f2: {  	[tilespmem:s11+$0x0] =	vst v4;
	v11 =	vld [tilespmem:s15+$0xFFFFFFF0];
	s15 =	smov.u32 s17;
	s17 =	smov.u32 s16  }
0x3f3: {  	v2 =	vmax.f32 v2, $0.0e+00;
	v4 =	vld [tilespmem:s3+$0x10];
	v3 =	vadd.f32 v3, v5  }
.Ltmp13:
0x3f4: {  	[tilespmem:s11+$0xFFFFFFB0] =	vst v2;
	v7 =	vld [tilespmem:s16+$0x10];
	(pc) =	sbr.rel @p0 .LBB2_28-.Ltmp13, $4  }
0x3f5: {  	v5 =	vld [tilespmem:s3+$0xFFFFFFD0];
	v2 =	vadd.f32 v10, v9;
	v3 =	vmax.f32 v3, $0.0e+00  }
0x3f6: {  	v8 =	vld [tilespmem:s16+$0xFFFFFFD0];
	[tilespmem:s14+$0x20] =	vst v3  }
0x3f7: {  	v3 =	vmax.f32 v2, $0.0e+00;
	v2 =	vld [tilespmem:s12+$0x30];
	v6 =	vadd.f32 v11, v6  }
0x3f8: {  	s3 =	sadd.s32 $0x80, s3;
	[tilespmem:s14+$0xFFFFFFD0] =	vst v3;
	v3 =	vld [tilespmem:s15+$0x30]  }
0x3f9: {  	v4 =	vadd.f32 v7, v4;
	_ =	sdelay $0x1  }
0x3fa: {  	v5 =	vadd.f32 v8, v5;
	v4 =	vmax.f32 v4, $0.0e+00  }
0x3fb: {  	[tilespmem:s11+$0x10] =	vst v4  }
0x3fc: {  	v4 =	vmax.f32 v5, $0.0e+00;
	v5 =	vld [tilespmem:s6+$0x20]  }
0x3fd: {  	[tilespmem:s11+$0xFFFFFFC0] =	vst v4;
	v4 =	vld [tilespmem:s17+$0x20]  }
0x3fe: {  	v7 =	vld [tilespmem:s6+$0xFFFFFFE0]  }
0x3ff: {  	v8 =	vld [tilespmem:s17+$0xFFFFFFE0];
	_ =	sdelay $0x2  }
0x400: {  	v4 =	vadd.f32 v4, v5;
	_ =	sdelay $0x1  }
0x401: {  	v5 =	vld [tilespmem:s12+$0xFFFFFFF0];
	v7 =	vadd.f32 v8, v7;
	v4 =	vmax.f32 v4, $0.0e+00  }
0x402: {  	v8 =	vld [tilespmem:s15+$0xFFFFFFF0];
	[tilespmem:s11+$0x20] =	vst v4  }
0x403: {  	v4 =	vmax.f32 v7, $0.0e+00;
	v7 =	vld [tilespmem:s6+$0x30]  }
0x404: {  	[tilespmem:s11+$0xFFFFFFD0] =	vst v4;
	v4 =	vld [tilespmem:s17+$0x30]  }
0x405: {  	v9 =	vld [tilespmem:s6+$0xFFFFFFF0]  }
0x406: {  	v10 =	vld [tilespmem:s17+$0xFFFFFFF0];
	_ =	sdelay $0x1  }
0x407: {  	v2 =	vadd.f32 v3, v2  }
0x408: {  	v3 =	vmax.f32 v6, $0.0e+00;
	v5 =	vadd.f32 v8, v5  }
0x409: {  	[tilespmem:s13+$0xFFFFFFE0] =	vst v3;
	v2 =	vmax.f32 v2, $0.0e+00;
	v3 =	vadd.f32 v4, v7  }
0x40a: {  	[tilespmem:s14+$0x30] =	vst v2;
	v2 =	vmax.f32 v5, $0.0e+00;
	v4 =	vadd.f32 v10, v9  }
0x40b: {  	[tilespmem:s14+$0xFFFFFFE0] =	vst v2;
	v2 =	vmax.f32 v3, $0.0e+00  }
0x40c: {  	[tilespmem:s11+$0x30] =	vst v2;
	v2 =	vmax.f32 v4, $0.0e+00  }
0x40d: {  	s3 =	simm.s32 $0x11440;
	[tilespmem:s11+$0xFFFFFFE0] =	vst v2  }
0x40e: {  	[spmem:s2] =	stream.indirect.scatter.add.f32 [tilespmem:s7], [sflag:$0x6], $0x50, s3, s22, $0xb8;
	[tilespmem:$0x1D790] =	vst v63  }
0x40f: {  	_ =	swait.ge [sflag:s28], $0x1400  }
0x410: {  	[sflag:s28] =	ssyncset.done $0x0  }
0x411: {  	[sflag:s28] =	ssyncadd.s32 $0xFFFFEC00  }
0x412: {  	_ =	swait.ge [sflag:s28], $0x1400  }
0x413: {  	[sflag:s28] =	ssyncset.done $0x0  }
0x414: {  	[sflag:s28] =	ssyncadd.s32 $0xFFFFEC00  }
0x415: {  	_ =	swait.ge [sflag:s8], $0x1900  }
0x416: {  	[sflag:s8] =	ssyncset.done $0x0  }
0x417: {  	[sflag:s8] =	ssyncadd.s32 $0xFFFFE700  }
0x418: {  	v2 =	vld [tilespmem:$0x11300]  }
0x419: {  	v3 =	vld [tilespmem:$0x11310]  }
0x41a: {  	v4 =	vld [tilespmem:$0x11320]  }
0x41b: {  	v5 =	vld [tilespmem:$0x11330]  }
0x41c: {  	v6 =	vld [tilespmem:$0x11340]  }
0x41d: {  	[tilespmem:$0x113A0] =	vst v2  }
0x41e: {  	[tilespmem:$0x113B0] =	vst v3  }
0x41f: {  	[tilespmem:$0x113C0] =	vst v4  }
0x420: {  	[tilespmem:$0x113D0] =	vst v5  }
0x421: {  	s25 =	simm.s32 $0x114D0;
	[tilespmem:$0x113E0] =	vst v6  }
0x422: {  	s31 =	simm.s32 $0x150D0;
	v2 =	vld [tilespmem:s25+$0x0]  }
0x423: {  	v3 =	vld [tilespmem:s31+$0x0];
	_ =	sdelay $0x2  }
0x424: {  	v4 =	vld [tilespmem:s31+$0xFFFFFFC0]  }
0x425: {  	v5 =	vld [tilespmem:s25+$0xFFFFFFC0]  }
0x426: {  	v2 =	vadd.f32 v3, v2;
	_ =	sdelay $0x1  }
0x427: {  	s13 =	simm.s32 $0x18CE0;
	v2 =	vmax.f32 v2, $0.0e+00  }
0x428: {  	[tilespmem:s13+$0x0] =	vst v2  }
0x429: {  	v2 =	vadd.f32 v4, v5;
	v3 =	vld [tilespmem:s25+$0x10]  }
0x42a: {  	v4 =	vld [tilespmem:s31+$0x10]  }
0x42b: {  	s12 =	simm.s32 $0x11550;
	v2 =	vmax.f32 v2, $0.0e+00  }
0x42c: {  	v6 =	vld [tilespmem:s12+$0x0];
	[tilespmem:s13+$0xFFFFFFB0] =	vst v2  }
0x42d: {  	v2 =	vld [tilespmem:s25+$0xFFFFFFD0]  }
0x42e: {  	s15 =	simm.s32 $0x15150;
	v5 =	vld [tilespmem:s31+$0xFFFFFFD0]  }
0x42f: {  	v3 =	vadd.f32 v4, v3;
	v4 =	vld [tilespmem:s15+$0x0]  }
0x430: {  	v7 =	vld [tilespmem:s15+$0xFFFFFFC0]  }
0x431: {  	v8 =	vld [tilespmem:s12+$0xFFFFFFC0];
	v3 =	vmax.f32 v3, $0.0e+00  }
0x432: {  	[tilespmem:s13+$0x10] =	vst v3  }
0x433: {  	v2 =	vadd.f32 v5, v2;
	v3 =	vld [tilespmem:s25+$0x20]  }
0x434: {  	v5 =	vld [tilespmem:s31+$0x20];
	v4 =	vadd.f32 v4, v6  }
0x435: {  	s6 =	simm.s32 $0x115D0;
	v2 =	vmax.f32 v2, $0.0e+00  }
0x436: {  	s14 =	simm.s32 $0x18D80;
	v10 =	vld [tilespmem:s6+$0x0];
	v6 =	vadd.f32 v7, v8;
	[tilespmem:s13+$0xFFFFFFC0] =	vst v2;
	v4 =	vmax.f32 v4, $0.0e+00  }
0x437: {  	v2 =	vld [tilespmem:s25+$0xFFFFFFE0];
	[tilespmem:s14+$0x0] =	vst v4  }
0x438: {  	v4 =	vmax.f32 v6, $0.0e+00;
	v6 =	vld [tilespmem:s12+$0x10]  }
0x439: {  	v3 =	vadd.f32 v5, v3;
	[tilespmem:s14+$0xFFFFFFB0] =	vst v4;
	v4 =	vld [tilespmem:s15+$0x10]  }
0x43a: {  	v5 =	vld [tilespmem:s12+$0xFFFFFFD0]  }
0x43b: {  	v8 =	vld [tilespmem:s15+$0xFFFFFFD0];
	v3 =	vmax.f32 v3, $0.0e+00  }
0x43c: {  	v7 =	vld [tilespmem:s31+$0xFFFFFFE0];
	[tilespmem:s13+$0x20] =	vst v3  }
0x43d: {  	v3 =	vld [tilespmem:s25+$0x30]  }
0x43e: {  	s16 =	simm.s32 $0x151D0;
	v9 =	vld [tilespmem:s31+$0x30];
	v4 =	vadd.f32 v4, v6  }
0x43f: {  	v6 =	vld [tilespmem:s16+$0x0]  }
0x440: {  	v5 =	vadd.f32 v8, v5;
	v8 =	vld [tilespmem:s16+$0xFFFFFFC0];
	v4 =	vmax.f32 v4, $0.0e+00  }
0x441: {  	[tilespmem:s14+$0x10] =	vst v4;
	v4 =	vld [tilespmem:s6+$0xFFFFFFC0]  }
0x442: {  	v2 =	vadd.f32 v7, v2;
	v5 =	vmax.f32 v5, $0.0e+00;
	v7 =	vld [tilespmem:s12+$0x20]  }
0x443: {  	[tilespmem:s14+$0xFFFFFFC0] =	vst v5;
	v5 =	vld [tilespmem:s15+$0x20]  }
0x444: {  	v2 =	vmax.f32 v2, $0.0e+00;
	v6 =	vadd.f32 v6, v10;
	v10 =	vld [tilespmem:s12+$0xFFFFFFE0]  }
0x445: {  	[tilespmem:s13+$0xFFFFFFD0] =	vst v2;
	v2 =	vld [tilespmem:s15+$0xFFFFFFE0]  }
0x446: {  	s11 =	simm.s32 $0x18E20;
	v11 =	vld [tilespmem:s25+$0xFFFFFFF0];
	v6 =	vmax.f32 v6, $0.0e+00;
	v4 =	vadd.f32 v8, v4  }
0x447: {  	[tilespmem:s11+$0x0] =	vst v6;
	v6 =	vld [tilespmem:s31+$0xFFFFFFF0]  }
0x448: {  	v12 =	vadd.f32 v5, v7;
	v7 =	vld [tilespmem:s16+$0x10];
	v8 =	vmax.f32 v4, $0.0e+00  }
0x449: {  	v3 =	vadd.f32 v9, v3;
	v4 =	vld [tilespmem:s6+$0x10];
	[tilespmem:s11+$0xFFFFFFB0] =	vst v8  }
0x44a: {  	v2 =	vadd.f32 v2, v10;
	v8 =	vmax.f32 v12, $0.0e+00;
	v5 =	vld [tilespmem:s6+$0xFFFFFFD0]  }
0x44b: {  	v3 =	vmax.f32 v3, $0.0e+00;
	[tilespmem:s14+$0x20] =	vst v8;
	v8 =	vld [tilespmem:s16+$0xFFFFFFD0]  }
0x44c: {  	[tilespmem:s13+$0x30] =	vst v3;
	v3 =	vmax.f32 v2, $0.0e+00;
	v2 =	vld [tilespmem:s12+$0x30];
	v6 =	vadd.f32 v6, v11  }
0x44d: {  	s19 =	simm.s32 $0x4;
	s17 =	simm.s32 $0x151D0;
	s3 =	simm.s32 $0x11650;
	[tilespmem:s14+$0xFFFFFFD0] =	vst v3;
	v3 =	vld [tilespmem:s15+$0x30]  }
.LBB2_30:
0x44e: {  	v9 =	vld [tilespmem:s3+$0x0];
	v4 =	vadd.f32 v7, v4;
	s16 =	sadd.s32 $0x80, s16;
	v6 =	vmax.f32 v6, $0.0e+00  }
0x44f: {  	v7 =	vld [tilespmem:s16+$0x0];
	[tilespmem:s13+$0xFFFFFFE0] =	vst v6;
	s13 =	smov.u32 s14;
	s14 =	smov.u32 s11  }
0x450: {  	v6 =	vld [tilespmem:s16+$0xFFFFFFC0];
	v5 =	vadd.f32 v8, v5;
	v4 =	vmax.f32 v4, $0.0e+00  }
0x451: {  	v8 =	vld [tilespmem:s3+$0xFFFFFFC0];
	[tilespmem:s11+$0x10] =	vst v4  }
0x452: {  	s19 =	sadd.s32 $0x2, s19;
	v4 =	vmax.f32 v5, $0.0e+00;
	v5 =	vld [tilespmem:s6+$0x20];
	v2 =	vadd.f32 v3, v2  }
0x453: {  	p0 =	slt.u32 s19, $0x4E;
	[tilespmem:s11+$0xFFFFFFC0] =	vst v4;
	v3 =	vld [tilespmem:s17+$0x20]  }
0x454: {  	v4 =	vadd.f32 v7, v9;
	v9 =	vld [tilespmem:s6+$0xFFFFFFE0];
	v2 =	vmax.f32 v2, $0.0e+00  }
0x455: {  	v10 =	vld [tilespmem:s17+$0xFFFFFFE0];
	[tilespmem:s13+$0x30] =	vst v2  }
0x456: {  	s11 =	sadd.s32 $0xA0, s11;
	v2 =	vadd.f32 v6, v8;
	v4 =	vmax.f32 v4, $0.0e+00;
	v6 =	vld [tilespmem:s12+$0xFFFFFFF0];
	s12 =	smov.u32 s6;
	s6 =	smov.u32 s3  }
0x457: {  	[tilespmem:s11+$0x0] =	vst v4;
	v11 =	vld [tilespmem:s15+$0xFFFFFFF0];
	s15 =	smov.u32 s17;
	s17 =	smov.u32 s16  }
0x458: {  	v2 =	vmax.f32 v2, $0.0e+00;
	v4 =	vld [tilespmem:s3+$0x10];
	v3 =	vadd.f32 v3, v5  }
.Ltmp14:
0x459: {  	[tilespmem:s11+$0xFFFFFFB0] =	vst v2;
	v7 =	vld [tilespmem:s16+$0x10];
	(pc) =	sbr.rel @p0 .LBB2_30-.Ltmp14, $4  }
0x45a: {  	v5 =	vld [tilespmem:s3+$0xFFFFFFD0];
	v2 =	vadd.f32 v10, v9;
	v3 =	vmax.f32 v3, $0.0e+00  }
0x45b: {  	v8 =	vld [tilespmem:s16+$0xFFFFFFD0];
	[tilespmem:s14+$0x20] =	vst v3  }
0x45c: {  	v3 =	vmax.f32 v2, $0.0e+00;
	v2 =	vld [tilespmem:s12+$0x30];
	v6 =	vadd.f32 v11, v6  }
0x45d: {  	s3 =	sadd.s32 $0x80, s3;
	[tilespmem:s14+$0xFFFFFFD0] =	vst v3;
	v3 =	vld [tilespmem:s15+$0x30]  }
0x45e: {  	v4 =	vadd.f32 v7, v4;
	_ =	sdelay $0x1  }
0x45f: {  	v5 =	vadd.f32 v8, v5;
	v4 =	vmax.f32 v4, $0.0e+00  }
0x460: {  	[tilespmem:s11+$0x10] =	vst v4  }
0x461: {  	v4 =	vmax.f32 v5, $0.0e+00;
	v5 =	vld [tilespmem:s6+$0x20]  }
0x462: {  	[tilespmem:s11+$0xFFFFFFC0] =	vst v4;
	v4 =	vld [tilespmem:s17+$0x20]  }
0x463: {  	v7 =	vld [tilespmem:s6+$0xFFFFFFE0]  }
0x464: {  	v8 =	vld [tilespmem:s17+$0xFFFFFFE0];
	_ =	sdelay $0x2  }
0x465: {  	v4 =	vadd.f32 v4, v5;
	_ =	sdelay $0x1  }
0x466: {  	v5 =	vld [tilespmem:s12+$0xFFFFFFF0];
	v7 =	vadd.f32 v8, v7;
	v4 =	vmax.f32 v4, $0.0e+00  }
0x467: {  	v8 =	vld [tilespmem:s15+$0xFFFFFFF0];
	[tilespmem:s11+$0x20] =	vst v4  }
0x468: {  	v4 =	vmax.f32 v7, $0.0e+00;
	v7 =	vld [tilespmem:s6+$0x30]  }
0x469: {  	[tilespmem:s11+$0xFFFFFFD0] =	vst v4;
	v4 =	vld [tilespmem:s17+$0x30]  }
0x46a: {  	v9 =	vld [tilespmem:s6+$0xFFFFFFF0]  }
0x46b: {  	v10 =	vld [tilespmem:s17+$0xFFFFFFF0];
	_ =	sdelay $0x1  }
0x46c: {  	v2 =	vadd.f32 v3, v2  }
0x46d: {  	v3 =	vmax.f32 v6, $0.0e+00;
	v5 =	vadd.f32 v8, v5  }
0x46e: {  	[tilespmem:s13+$0xFFFFFFE0] =	vst v3;
	v2 =	vmax.f32 v2, $0.0e+00;
	v3 =	vadd.f32 v4, v7  }
0x46f: {  	[tilespmem:s14+$0x30] =	vst v2;
	v2 =	vmax.f32 v5, $0.0e+00;
	v4 =	vadd.f32 v10, v9  }
0x470: {  	[tilespmem:s14+$0xFFFFFFE0] =	vst v2;
	v2 =	vmax.f32 v3, $0.0e+00  }
0x471: {  	[tilespmem:s11+$0x30] =	vst v2;
	v2 =	vmax.f32 v4, $0.0e+00  }
0x472: {  	[tilespmem:s11+$0xFFFFFFE0] =	vst v2  }
0x473: {  	[spmem:s2] =	stream.indirect.scatter.add.f32 [tilespmem:s18], [sflag:$0x4], $0x50, s30, s22, $0xb8;
	[tilespmem:$0x1D790] =	vst v63  }
0x474: {  	_ =	swait.ge [sflag:s1], $0x1400  }
0x475: {  	[sflag:s1] =	ssyncset.done $0x0  }
0x476: {  	[sflag:s1] =	ssyncadd.s32 $0xFFFFEC00  }
0x477: {  	_ =	swait.ge [sflag:s1], $0x1400  }
0x478: {  	[sflag:s1] =	ssyncset.done $0x0  }
0x479: {  	[sflag:s1] =	ssyncadd.s32 $0xFFFFEC00  }
0x47a: {  	_ =	swait.ge [sflag:s9], $0x1900  }
0x47b: {  	[sflag:s9] =	ssyncset.done $0x0  }
0x47c: {  	[sflag:s9] =	ssyncadd.s32 $0xFFFFE700  }
0x47d: {  	v2 =	vld [tilespmem:$0x11350]  }
0x47e: {  	v3 =	vld [tilespmem:$0x11360]  }
0x47f: {  	v4 =	vld [tilespmem:$0x11370]  }
0x480: {  	v5 =	vld [tilespmem:$0x11380]  }
0x481: {  	v6 =	vld [tilespmem:$0x11390]  }
0x482: {  	[tilespmem:$0x113F0] =	vst v2  }
0x483: {  	[tilespmem:$0x11400] =	vst v3  }
0x484: {  	[tilespmem:$0x11410] =	vst v4  }
0x485: {  	[tilespmem:$0x11420] =	vst v5  }
0x486: {  	s31 =	simm.s32 $0x128D0;
	[tilespmem:$0x11430] =	vst v6  }
0x487: {  	s3 =	simm.s32 $0x164D0;
	v2 =	vld [tilespmem:s31+$0x0]  }
0x488: {  	v3 =	vld [tilespmem:s3+$0x0];
	_ =	sdelay $0x2  }
0x489: {  	v4 =	vld [tilespmem:s3+$0xFFFFFFC0]  }
0x48a: {  	v5 =	vld [tilespmem:s31+$0xFFFFFFC0]  }
0x48b: {  	v2 =	vadd.f32 v3, v2;
	_ =	sdelay $0x1  }
0x48c: {  	s13 =	simm.s32 $0x1A5E0;
	v2 =	vmax.f32 v2, $0.0e+00  }
0x48d: {  	[tilespmem:s13+$0x0] =	vst v2  }
0x48e: {  	v2 =	vadd.f32 v4, v5;
	v3 =	vld [tilespmem:s31+$0x10]  }
0x48f: {  	v4 =	vld [tilespmem:s3+$0x10]  }
0x490: {  	s12 =	simm.s32 $0x12950;
	v2 =	vmax.f32 v2, $0.0e+00  }
0x491: {  	v6 =	vld [tilespmem:s12+$0x0];
	[tilespmem:s13+$0xFFFFFFB0] =	vst v2  }
0x492: {  	v2 =	vld [tilespmem:s31+$0xFFFFFFD0]  }
0x493: {  	s15 =	simm.s32 $0x16550;
	v5 =	vld [tilespmem:s3+$0xFFFFFFD0]  }
0x494: {  	v3 =	vadd.f32 v4, v3;
	v4 =	vld [tilespmem:s15+$0x0]  }
0x495: {  	v7 =	vld [tilespmem:s15+$0xFFFFFFC0]  }
0x496: {  	v8 =	vld [tilespmem:s12+$0xFFFFFFC0];
	v3 =	vmax.f32 v3, $0.0e+00  }
0x497: {  	[tilespmem:s13+$0x10] =	vst v3  }
0x498: {  	v2 =	vadd.f32 v5, v2;
	v3 =	vld [tilespmem:s31+$0x20]  }
0x499: {  	v5 =	vld [tilespmem:s3+$0x20];
	v4 =	vadd.f32 v4, v6  }
0x49a: {  	s6 =	simm.s32 $0x129D0;
	v2 =	vmax.f32 v2, $0.0e+00  }
0x49b: {  	s14 =	simm.s32 $0x1A680;
	v10 =	vld [tilespmem:s6+$0x0];
	v6 =	vadd.f32 v7, v8;
	[tilespmem:s13+$0xFFFFFFC0] =	vst v2;
	v4 =	vmax.f32 v4, $0.0e+00  }
0x49c: {  	v2 =	vld [tilespmem:s31+$0xFFFFFFE0];
	[tilespmem:s14+$0x0] =	vst v4  }
0x49d: {  	v4 =	vmax.f32 v6, $0.0e+00;
	v6 =	vld [tilespmem:s12+$0x10]  }
0x49e: {  	v3 =	vadd.f32 v5, v3;
	[tilespmem:s14+$0xFFFFFFB0] =	vst v4;
	v4 =	vld [tilespmem:s15+$0x10]  }
0x49f: {  	v5 =	vld [tilespmem:s12+$0xFFFFFFD0]  }
0x4a0: {  	v8 =	vld [tilespmem:s15+$0xFFFFFFD0];
	v3 =	vmax.f32 v3, $0.0e+00  }
0x4a1: {  	v7 =	vld [tilespmem:s3+$0xFFFFFFE0];
	[tilespmem:s13+$0x20] =	vst v3  }
0x4a2: {  	v3 =	vld [tilespmem:s31+$0x30]  }
0x4a3: {  	s16 =	simm.s32 $0x165D0;
	v9 =	vld [tilespmem:s3+$0x30];
	v4 =	vadd.f32 v4, v6  }
0x4a4: {  	v6 =	vld [tilespmem:s16+$0x0]  }
0x4a5: {  	v5 =	vadd.f32 v8, v5;
	v8 =	vld [tilespmem:s16+$0xFFFFFFC0];
	v4 =	vmax.f32 v4, $0.0e+00  }
0x4a6: {  	[tilespmem:s14+$0x10] =	vst v4;
	v4 =	vld [tilespmem:s6+$0xFFFFFFC0]  }
0x4a7: {  	v2 =	vadd.f32 v7, v2;
	v5 =	vmax.f32 v5, $0.0e+00;
	v7 =	vld [tilespmem:s12+$0x20]  }
0x4a8: {  	[tilespmem:s14+$0xFFFFFFC0] =	vst v5;
	v5 =	vld [tilespmem:s15+$0x20]  }
0x4a9: {  	v2 =	vmax.f32 v2, $0.0e+00;
	v6 =	vadd.f32 v6, v10;
	v10 =	vld [tilespmem:s12+$0xFFFFFFE0]  }
0x4aa: {  	[tilespmem:s13+$0xFFFFFFD0] =	vst v2;
	v2 =	vld [tilespmem:s15+$0xFFFFFFE0]  }
0x4ab: {  	s11 =	simm.s32 $0x1A720;
	v11 =	vld [tilespmem:s31+$0xFFFFFFF0];
	v6 =	vmax.f32 v6, $0.0e+00;
	v4 =	vadd.f32 v8, v4  }
0x4ac: {  	[tilespmem:s11+$0x0] =	vst v6;
	v6 =	vld [tilespmem:s3+$0xFFFFFFF0]  }
0x4ad: {  	v12 =	vadd.f32 v5, v7;
	v7 =	vld [tilespmem:s16+$0x10];
	v8 =	vmax.f32 v4, $0.0e+00  }
0x4ae: {  	v3 =	vadd.f32 v9, v3;
	v4 =	vld [tilespmem:s6+$0x10];
	[tilespmem:s11+$0xFFFFFFB0] =	vst v8  }
0x4af: {  	v2 =	vadd.f32 v2, v10;
	v8 =	vmax.f32 v12, $0.0e+00;
	v5 =	vld [tilespmem:s6+$0xFFFFFFD0]  }
0x4b0: {  	v3 =	vmax.f32 v3, $0.0e+00;
	[tilespmem:s14+$0x20] =	vst v8;
	v8 =	vld [tilespmem:s16+$0xFFFFFFD0]  }
0x4b1: {  	[tilespmem:s13+$0x30] =	vst v3;
	v3 =	vmax.f32 v2, $0.0e+00;
	v2 =	vld [tilespmem:s12+$0x30];
	v6 =	vadd.f32 v6, v11  }
0x4b2: {  	s19 =	simm.s32 $0x4;
	s17 =	simm.s32 $0x165D0;
	s3 =	simm.s32 $0x12A50;
	[tilespmem:s14+$0xFFFFFFD0] =	vst v3;
	v3 =	vld [tilespmem:s15+$0x30]  }
.LBB2_32:
0x4b3: {  	v9 =	vld [tilespmem:s3+$0x0];
	v4 =	vadd.f32 v7, v4;
	s16 =	sadd.s32 $0x80, s16;
	v6 =	vmax.f32 v6, $0.0e+00  }
0x4b4: {  	v7 =	vld [tilespmem:s16+$0x0];
	[tilespmem:s13+$0xFFFFFFE0] =	vst v6;
	s13 =	smov.u32 s14;
	s14 =	smov.u32 s11  }
0x4b5: {  	v6 =	vld [tilespmem:s16+$0xFFFFFFC0];
	v5 =	vadd.f32 v8, v5;
	v4 =	vmax.f32 v4, $0.0e+00  }
0x4b6: {  	v8 =	vld [tilespmem:s3+$0xFFFFFFC0];
	[tilespmem:s11+$0x10] =	vst v4  }
0x4b7: {  	s19 =	sadd.s32 $0x2, s19;
	v4 =	vmax.f32 v5, $0.0e+00;
	v5 =	vld [tilespmem:s6+$0x20];
	v2 =	vadd.f32 v3, v2  }
0x4b8: {  	p0 =	slt.u32 s19, $0x4E;
	[tilespmem:s11+$0xFFFFFFC0] =	vst v4;
	v3 =	vld [tilespmem:s17+$0x20]  }
0x4b9: {  	v4 =	vadd.f32 v7, v9;
	v9 =	vld [tilespmem:s6+$0xFFFFFFE0];
	v2 =	vmax.f32 v2, $0.0e+00  }
0x4ba: {  	v10 =	vld [tilespmem:s17+$0xFFFFFFE0];
	[tilespmem:s13+$0x30] =	vst v2  }
0x4bb: {  	s11 =	sadd.s32 $0xA0, s11;
	v2 =	vadd.f32 v6, v8;
	v4 =	vmax.f32 v4, $0.0e+00;
	v6 =	vld [tilespmem:s12+$0xFFFFFFF0];
	s12 =	smov.u32 s6;
	s6 =	smov.u32 s3  }
0x4bc: {  	[tilespmem:s11+$0x0] =	vst v4;
	v11 =	vld [tilespmem:s15+$0xFFFFFFF0];
	s15 =	smov.u32 s17;
	s17 =	smov.u32 s16  }
0x4bd: {  	v2 =	vmax.f32 v2, $0.0e+00;
	v4 =	vld [tilespmem:s3+$0x10];
	v3 =	vadd.f32 v3, v5  }
.Ltmp15:
0x4be: {  	[tilespmem:s11+$0xFFFFFFB0] =	vst v2;
	v7 =	vld [tilespmem:s16+$0x10];
	(pc) =	sbr.rel @p0 .LBB2_32-.Ltmp15, $4  }
0x4bf: {  	v5 =	vld [tilespmem:s3+$0xFFFFFFD0];
	v2 =	vadd.f32 v10, v9;
	v3 =	vmax.f32 v3, $0.0e+00  }
0x4c0: {  	v8 =	vld [tilespmem:s16+$0xFFFFFFD0];
	[tilespmem:s14+$0x20] =	vst v3  }
0x4c1: {  	v3 =	vmax.f32 v2, $0.0e+00;
	v2 =	vld [tilespmem:s12+$0x30];
	v6 =	vadd.f32 v11, v6  }
0x4c2: {  	s3 =	sadd.s32 $0x80, s3;
	[tilespmem:s14+$0xFFFFFFD0] =	vst v3;
	v3 =	vld [tilespmem:s15+$0x30]  }
0x4c3: {  	v4 =	vadd.f32 v7, v4;
	_ =	sdelay $0x1  }
0x4c4: {  	v5 =	vadd.f32 v8, v5;
	v4 =	vmax.f32 v4, $0.0e+00  }
0x4c5: {  	[tilespmem:s11+$0x10] =	vst v4  }
0x4c6: {  	v53 =	vmax.f32 v5, $0.0e+00;
	v54 =	vld [tilespmem:s6+$0x20]  }
0x4c7: {  	v55 =	vld [tilespmem:s17+$0x20];
	[tilespmem:s11+$0xFFFFFFC0] =	vst v53  }
0x4c8: {  	v56 =	vld [tilespmem:s6+$0xFFFFFFE0]  }
0x4c9: {  	v57 =	vld [tilespmem:s17+$0xFFFFFFE0];
	_ =	sdelay $0x2  }
0x4ca: {  	v4 =	vadd.f32 v55, v54;
	_ =	sdelay $0x1  }
0x4cb: {  	v58 =	vld [tilespmem:s12+$0xFFFFFFF0];
	v7 =	vadd.f32 v57, v56;
	v4 =	vmax.f32 v4, $0.0e+00  }
0x4cc: {  	v59 =	vld [tilespmem:s15+$0xFFFFFFF0];
	[tilespmem:s11+$0x20] =	vst v4  }
0x4cd: {  	v60 =	vmax.f32 v7, $0.0e+00;
	v61 =	vld [tilespmem:s6+$0x30]  }
0x4ce: {  	v62 =	vld [tilespmem:s17+$0x30];
	[tilespmem:s11+$0xFFFFFFD0] =	vst v60  }
0x4cf: {  	v9 =	vld [tilespmem:s6+$0xFFFFFFF0]  }
0x4d0: {  	v10 =	vld [tilespmem:s17+$0xFFFFFFF0];
	_ =	sdelay $0x1  }
0x4d1: {  	v2 =	vadd.f32 v3, v2  }
0x4d2: {  	v63 =	vmax.f32 v6, $0.0e+00;
	v3 =	vadd.f32 v59, v58  }
0x4d3: {  	[tilespmem:s13+$0xFFFFFFE0] =	vst v63;
	v2 =	vmax.f32 v2, $0.0e+00;
	v4 =	vadd.f32 v62, v61  }
0x4d4: {  	[tilespmem:s14+$0x30] =	vst v2;
	v2 =	vmax.f32 v3, $0.0e+00;
	v3 =	vadd.f32 v10, v9  }
0x4d5: {  	[tilespmem:s14+$0xFFFFFFE0] =	vst v2;
	v2 =	vmax.f32 v4, $0.0e+00  }
0x4d6: {  	[tilespmem:s11+$0x30] =	vst v2;
	v2 =	vmax.f32 v3, $0.0e+00  }
0x4d7: {  	[tilespmem:s11+$0xFFFFFFE0] =	vst v2  }
0x4d8: {  	[spmem:s2] =	stream.indirect.scatter.add.f32 [tilespmem:s20], [sflag:$0x5], $0x50, s0, s22, $0xb8;
	[tilespmem:$0x1D790] =	vst v63  }
0x4d9: {  	_ =	swait.ge [sflag:s10], $0x1900  }
0x4da: {  	[sflag:s10] =	ssyncset.done $0x0  }
0x4db: {  	[sflag:s10] =	ssyncadd.s32 $0xFFFFE700  }
0x4dc: {  	_ =	swait.ge [sflag:s8], $0x1900  }
0x4dd: {  	[sflag:s8] =	ssyncset.done $0x0  }
0x4de: {  	[sflag:s8] =	ssyncadd.s32 $0xFFFFE700  }
0x4df: {  	_ =	swait.ge [sflag:s9], $0x1900  }
0x4e0: {  	[sflag:s9] =	ssyncset.done $0x0  }
0x4e1: {  	[sflag:s9] =	ssyncadd.s32 $0xFFFFE700  }
0x4e2: {  	s3 =	stileid.u32;
	[bflag:$0x0] =	sbarrier.arrive $0xFFFF  }
0x4e3: {  	s3 =	sshll.u32 s3, $0x6;
	s13 =	simm.s32 $0x7;
	s12 =	rddreg [dreg:$0x4]  }
0x4e4: {  	s3 =	sor.u32 $0x1C07, s3;
	s19 =	rddreg [dreg:$0xe];
	s17 =	sshrl.u32 s12, $0x3  }
0x4e5: {  	[hbm:s19], [sflag:s3] =	dma.local [spmem:s17], $0x18B0  }
0x4e6: {  	_ =	swait.ge [sflag:s13], $0x18B0  }
0x4e7: {  	s25 =	rddreg [dreg:$0x10]  }
0x4e8: {  	s31 =	rddreg [dreg:$0xf];
	s6 =	sadd.s32 $0x1, s25  }
0x4e9: {  	p0 =	sne.s32 s6, s31  }
.Ltmp16:
0x4ea: {  	_ = 	snop;
	(pc) =	sbr.rel @p0 .LBB2_1-.Ltmp16, $3  }
0x4eb: {  	_ =	sdelay $0x1  }
0x4ec: {  	[sflag:s13] =	ssyncset.done $0x0  }
0x4ed: {  	[sflag:s13] =	ssyncadd.s32 $0xFFFFE750  }
0x4ee: {  	_ =	sfence.sel $0x180000  }
0x4ef: {  	[bflag:$0x0] =	sbarrier.arrive $0xFFFF  }
0x4f0: {  	_ =	strace $0x90000047  }
0x4f1: {  	s0 =	stileid.u32;
	[bflag:$0x2] =	sbarrier.arrive $0xFFFF  }
0x4f2: {  	p0 =	sne.s32 s0, $0x0;
	s0 =	rddreg [dreg:$0x3]  }
0x4f3: {  	s0 =	sadd.s32 @!p0 $0x100000, s0  }
0x4f4: {  	[sflag:s0] =	ssyncadd.tile.s32 @!p0 $0x1;
	_ =	shalt  }
.Lfunc_end2:
_tile_overlayer_lowered:
.L_overlay_start_2:
0x4f5: {  	(tag) =	ssettag $0x2  }
0x4f6: {  	s0 =	rddreg [dreg:$0x0];
	s2 =	stileid.u32  }
0x4f7: {  	s1 =	rddreg [dreg:$0x1];
	p0 =	sne.s32 s2, $0x0  }
0x4f8: {  	s3 =	rddreg [dreg:$0x2];
	[bflag:$0x3] =	sbarrier.arrive $0xFFFF;
	s2 =	simm.s32 @!p0 $0x1C07  }
0x4f9: {  	[timem:s3], [sflag:s2] =	dma.local @!p0 [hbm:s0], s1  }
0x4fa: {  	s0 =	simm.s32 @!p0 $0x7  }
0x4fb: {  	_ =	swait.ge @!p0 [sflag:s0], s1  }
0x4fc: {  	s1 =	ssub.s32 @!p0 $0x0, s1;
	[sflag:s0] =	ssyncset.done @!p0 $0x0  }
0x4fd: {  	[sflag:s0] =	ssyncadd.s32 @!p0 s1  }
0x4fe: {  	[bflag:$0x3] =	sbarrier.arrive $0xFFFF  }
0x4ff: {  	_ =	shalt  }

</sc_bundles>
